<compile_context>
chip_gen: v7x
topology: tpu7x:2x2x1
jax: 0.10.2.dev20260603
libtpu: 0.0.44.dev20260713+nightly
codegen_flags: <defaults>
</compile_context>

<pallas_src>
import functools

import jax
import jax.numpy as jnp
from jax import lax
from jax.experimental import pallas as pl
from jax.experimental.pallas import tpu as pltpu
from jax.experimental.pallas import tpu_sc as plsc

N_NODES = 10000
N_EDGES = 320000
IN_CH = 128
HID = 256
NUM_GRAPHS = 64

NC = 2
NS = 16
K = 125
EPT = N_EDGES // NS
RPT = EPT // K
EPT32 = N_EDGES // (NC * NS)
RPT32 = EPT32 // K
NP = 10240
STR = NP // NS
NBUF = 4

_MESH = plsc.VectorSubcoreMesh(core_axis_name="c", subcore_axis_name="s")
_SC_PARAMS = pltpu.CompilerParams(use_tc_tiling_on_sc=False)

ROWS_TC = 1000
GRID_TC = N_NODES // ROWS_TC


@functools.partial(
    pl.kernel,
    out_type=jax.ShapeDtypeStruct((NC, NP, 16), jnp.float32),
    mesh=_MESH,
    scratch_types=[
        pltpu.VMEM((RPT32, K), jnp.int32),
        pltpu.VMEM((K, 16), jnp.float32),
        pltpu.VMEM_SHARED((NP, 16), jnp.float32),
        pltpu.SemaphoreType.DMA,
    ],
    compiler_params=_SC_PARAMS,
)
def _deg_kernel(dst_hbm, ones_hbm, zeros_hbm, degp_hbm, idx_v, ones_v, acc,
                dsem):
  c = lax.axis_index("c")
  s = lax.axis_index("s")
  w = c * NS + s
  pltpu.sync_copy(zeros_hbm, acc.at[pl.ds(s * STR, STR), :])
  pltpu.sync_copy(ones_hbm, ones_v)
  pltpu.sync_copy(dst_hbm.at[pl.ds(w * RPT32, RPT32), :], idx_v)
  plsc.subcore_barrier()

  def body(j, carry):
    pltpu.async_copy(ones_v, acc.at[idx_v.at[j]], dsem, add=True)
    return carry

  lax.fori_loop(0, RPT32, body, 0)

  def drain(j, carry):
    pltpu.make_async_copy(ones_v, acc.at[idx_v.at[0]], dsem).wait()
    return carry

  lax.fori_loop(0, RPT32, drain, 0)
  plsc.subcore_barrier()
  pltpu.sync_copy(acc.at[pl.ds(s * STR, STR), :],
                  degp_hbm.at[c, pl.ds(s * STR, STR), :])


def _make_agg_kernel(dh):
  @functools.partial(
      pl.kernel,
      out_type=jax.ShapeDtypeStruct((NC, NP, dh), jnp.float32),
      mesh=_MESH,
      scratch_types=[
          pltpu.VMEM((RPT, K), jnp.int32),
          pltpu.VMEM((RPT, K), jnp.int32),
          pltpu.VMEM((NBUF, K, dh), jnp.float32),
          pltpu.VMEM_SHARED((NP, dh), jnp.float32),
      ] + [pltpu.SemaphoreType.DMA] * NBUF,
      compiler_params=_SC_PARAMS,
  )
  def agg_kernel(utab_hbm, src2_hbm, dst_hbm, zeros_hbm, agg_hbm,
                 src_v, dst_v, rows_v, acc, *sems):
    c = lax.axis_index("c")
    s = lax.axis_index("s")
    pltpu.sync_copy(zeros_hbm, acc.at[pl.ds(s * STR, STR), :])
    pltpu.sync_copy(src2_hbm.at[c, pl.ds(s * RPT, RPT), :], src_v)
    pltpu.sync_copy(dst_hbm.at[pl.ds(s * RPT, RPT), :], dst_v)
    plsc.subcore_barrier()

    def fire(j, b):
      pltpu.async_copy(utab_hbm.at[src_v.at[j]], rows_v.at[b], sems[b])

    def wait(j, b):
      pltpu.make_async_copy(utab_hbm.at[src_v.at[j]], rows_v.at[b],
                            sems[b]).wait()

    for b in range(NBUF):
      fire(b, b)

    def body(m, carry):
      for b in range(NBUF):
        j = m * NBUF + b
        wait(j, b)
        pltpu.sync_copy(rows_v.at[b], acc.at[dst_v.at[j]], add=True)
        fire(j + NBUF, b)
      return carry

    lax.fori_loop(0, RPT // NBUF - 1, body, 0)
    for b in range(NBUF):
      j = RPT - NBUF + b
      wait(j, b)
      pltpu.sync_copy(rows_v.at[b], acc.at[dst_v.at[j]], add=True)

    plsc.subcore_barrier()
    pltpu.sync_copy(acc.at[pl.ds(s * STR, STR), :],
                    agg_hbm.at[c, pl.ds(s * STR, STR), :])

  return agg_kernel


_agg = _make_agg_kernel(64)


def _prep_body(degp_ref, x_ref, dinv_ref, u0_ref):
  d = degp_ref[:]
  deg = d[0, :, 0:1] + d[1, :, 0:1] + 1.0
  dinv = lax.rsqrt(deg)
  dinv_ref[:] = dinv
  u = x_ref[:] * dinv
  u0_ref[0] = u[:, : IN_CH // 2]
  u0_ref[1] = u[:, IN_CH // 2:]


def _prep_call(degp, x):
  return pl.pallas_call(
      _prep_body,
      grid=(GRID_TC,),
      in_specs=[
          pl.BlockSpec((NC, ROWS_TC, 16), lambda i: (0, i, 0)),
          pl.BlockSpec((ROWS_TC, IN_CH), lambda i: (i, 0)),
      ],
      out_specs=[
          pl.BlockSpec((ROWS_TC, 1), lambda i: (i, 0)),
          pl.BlockSpec((NC, ROWS_TC, IN_CH // 2), lambda i: (0, i, 0)),
      ],
      out_shape=[
          jax.ShapeDtypeStruct((N_NODES, 1), jnp.float32),
          jax.ShapeDtypeStruct((NC, N_NODES, IN_CH // 2), jnp.float32),
      ],
  )(degp, x)


def _make_layer_body(nplanes):
  def body(*refs):
    agg_refs = refs[:nplanes // 2]
    u_ref, dinv_ref, w_ref, b_ref, out_ref = refs[nplanes // 2:]
    parts = []
    for p in range(nplanes):
      parts.append(agg_refs[p // 2][p % 2] + u_ref[p])
    a = jnp.concatenate(parts, axis=1)
    dinv = dinv_ref[:]
    am = a * dinv
    h = jnp.dot(am, w_ref[:], preferred_element_type=jnp.float32) + b_ref[:]
    un = jnp.maximum(h, 0.0) * dinv
    for q in range(4):
      out_ref[q] = un[:, 64 * q: 64 * (q + 1)]
  return body


def _layer_call(aggs, u, dinv, w, b):
  nplanes = u.shape[0]
  din = 64 * nplanes
  agg_specs = [pl.BlockSpec((NC, ROWS_TC, 64), lambda i: (0, i, 0))
               for _ in aggs]
  return pl.pallas_call(
      _make_layer_body(nplanes),
      grid=(GRID_TC,),
      in_specs=agg_specs + [
          pl.BlockSpec((nplanes, ROWS_TC, 64), lambda i: (0, i, 0)),
          pl.BlockSpec((ROWS_TC, 1), lambda i: (i, 0)),
          pl.BlockSpec((din, HID), lambda i: (0, 0)),
          pl.BlockSpec((1, HID), lambda i: (0, 0)),
      ],
      out_specs=pl.BlockSpec((4, ROWS_TC, 64), lambda i: (0, i, 0)),
      out_shape=jax.ShapeDtypeStruct((4, N_NODES, 64), jnp.float32),
  )(*aggs, u, dinv, w, b.reshape(1, HID))


def _final_body(agga_ref, aggb_ref, u_ref, dinv_ref, w_ref, b_ref, batch_ref,
                wl1_ref, bl1_ref, wl2_ref, bl2_ref, out_ref, g_ref):
  i = pl.program_id(0)

  @pl.when(i == 0)
  def _():
    g_ref[:] = jnp.zeros_like(g_ref)

  agg_refs = (agga_ref, aggb_ref)
  parts = [agg_refs[p // 2][p % 2] + u_ref[p] for p in range(4)]
  a = jnp.concatenate(parts, axis=1)
  dinv = dinv_ref[:]
  am = a * dinv
  h3 = jnp.dot(am, w_ref[:], preferred_element_type=jnp.float32) + b_ref[:]
  ids = lax.broadcasted_iota(jnp.int32, (NUM_GRAPHS, ROWS_TC), 0)
  onehot = (ids == batch_ref[0]).astype(jnp.float32)
  g_ref[:] += jnp.dot(onehot, h3, preferred_element_type=jnp.float32)

  @pl.when(i == GRID_TC - 1)
  def _():
    y = jnp.maximum(
        jnp.dot(g_ref[:], wl1_ref[:], preferred_element_type=jnp.float32)
        + bl1_ref[:], 0.0)
    out_ref[:] = (
        jnp.dot(y, wl2_ref[:], preferred_element_type=jnp.float32)
        + bl2_ref[:])


def _final_call(agga, aggb, u, dinv, w2, b2, batch2, wl1, bl1, wl2, bl2):
  return pl.pallas_call(
      _final_body,
      grid=(GRID_TC,),
      in_specs=[
          pl.BlockSpec((NC, ROWS_TC, 64), lambda i: (0, i, 0)),
          pl.BlockSpec((NC, ROWS_TC, 64), lambda i: (0, i, 0)),
          pl.BlockSpec((4, ROWS_TC, 64), lambda i: (0, i, 0)),
          pl.BlockSpec((ROWS_TC, 1), lambda i: (i, 0)),
          pl.BlockSpec((HID, HID), lambda i: (0, 0)),
          pl.BlockSpec((1, HID), lambda i: (0, 0)),
          pl.BlockSpec((1, 1, ROWS_TC), lambda i: (i, 0, 0)),
          pl.BlockSpec((HID, 64), lambda i: (0, 0)),
          pl.BlockSpec((1, 64), lambda i: (0, 0)),
          pl.BlockSpec((64, 1), lambda i: (0, 0)),
          pl.BlockSpec((1, 1), lambda i: (0, 0)),
      ],
      out_specs=pl.BlockSpec((NUM_GRAPHS, 1), lambda i: (0, 0)),
      out_shape=jax.ShapeDtypeStruct((NUM_GRAPHS, 1), jnp.float32),
      scratch_shapes=[pltpu.VMEM((NUM_GRAPHS, HID), jnp.float32)],
  )(agga, aggb, u, dinv, w2, b2.reshape(1, HID), batch2,
    wl1, bl1.reshape(1, 64), wl2, bl2.reshape(1, 1))


def kernel(x, edge_index, batch, W0, b0, W1, b1, W2, b2, Wl1, bl1, Wl2, bl2):
  src = edge_index[0].astype(jnp.int32)
  dst = edge_index[1].astype(jnp.int32)
  src2 = jnp.stack([src, src + N_NODES]).reshape(NC, N_EDGES // K, K)
  dst_r = dst.reshape(N_EDGES // K, K)
  batch2 = batch.astype(jnp.int32).reshape(GRID_TC, 1, ROWS_TC)

  ones16 = jnp.ones((K, 16), jnp.float32)
  zeros16 = jnp.zeros((STR, 16), jnp.float32)
  zeros64 = jnp.zeros((STR, 64), jnp.float32)

  degp = _deg_kernel(dst_r, ones16, zeros16)
  dinv, u0 = _prep_call(degp, x)

  agg0 = _agg(u0.reshape(NC * N_NODES, 64), src2, dst_r, zeros64)
  u1 = _layer_call([agg0], u0, dinv, W0, b0)

  agg1a = _agg(u1[:2].reshape(NC * N_NODES, 64), src2, dst_r, zeros64)
  agg1b = _agg(u1[2:].reshape(NC * N_NODES, 64), src2, dst_r, zeros64)
  u2 = _layer_call([agg1a, agg1b], u1, dinv, W1, b1)

  agg2a = _agg(u2[:2].reshape(NC * N_NODES, 64), src2, dst_r, zeros64)
  agg2b = _agg(u2[2:].reshape(NC * N_NODES, 64), src2, dst_r, zeros64)
  return _final_call(agg2a, agg2b, u2, dinv, W2, b2, batch2,
                     Wl1, bl1, Wl2, bl2)

# --- scband reference (transcript-rebuilt; emitter-appended) ---
"""Pipeline reference for scband-gcn-model-40913858461732 (READ-ONLY COPY).

The authoritative reference and input builder live on the scoring server;
editing this copy changes nothing except your own understanding.
"""

import jax, jax.numpy as jnp
import numpy as np

N_NODES = 10000
N_EDGES = 320000
IN_CH = 128
HID = 256
NUM_GRAPHS = 64


def gcn_conv(x, src, dst, W, b, n_nodes):
    # GCNConv: linear transform, add self-loops, symmetric normalization, aggregate, bias
    h = x @ W
    loop = jnp.arange(n_nodes, dtype=src.dtype)
    src_sl = jnp.concatenate([src, loop])
    dst_sl = jnp.concatenate([dst, loop])
    ones = jnp.ones(src_sl.shape[0], dtype=h.dtype)
    deg = jax.ops.segment_sum(ones, dst_sl, num_segments=n_nodes)
    dinv = jnp.where(deg > 0, 1.0 / jnp.sqrt(deg), 0.0)
    norm = dinv[src_sl] * dinv[dst_sl]
    msg = h[src_sl] * norm[:, None]
    out = jax.ops.segment_sum(msg, dst_sl, num_segments=n_nodes)
    return out + b


def setup_inputs(seed: int = 0) -> dict:
    key = jax.random.key(seed)
    ks = [jax.random.fold_in(key, i) for i in range(16)]
    x = jax.random.normal(ks[0], (N_NODES, IN_CH), dtype=jnp.float32)
    edge_index = jax.random.randint(ks[1], (2, N_EDGES), 0, N_NODES, dtype=jnp.int64)
    batch = jnp.sort(jax.random.randint(ks[2], (N_NODES,), 0, NUM_GRAPHS, dtype=jnp.int64))
    def glorot(k, shape):
        lim = float(np.sqrt(6.0 / (shape[0] + shape[1])))
        return jax.random.uniform(k, shape, dtype=jnp.float32, minval=-lim, maxval=lim)
    W0 = glorot(ks[3], (IN_CH, HID)); b0 = jnp.zeros((HID,), jnp.float32)
    W1 = glorot(ks[4], (HID, HID));   b1 = jnp.zeros((HID,), jnp.float32)
    W2 = glorot(ks[5], (HID, HID));   b2 = jnp.zeros((HID,), jnp.float32)
    Wl1 = glorot(ks[6], (HID, 64));   bl1 = jnp.zeros((64,), jnp.float32)
    Wl2 = glorot(ks[7], (64, 1));     bl2 = jnp.zeros((1,), jnp.float32)
    return {"x": x, "edge_index": edge_index, "batch": batch,
            "W0": W0, "b0": b0, "W1": W1, "b1": b1, "W2": W2, "b2": b2,
            "Wl1": Wl1, "bl1": bl1, "Wl2": Wl2, "bl2": bl2}


def reference(x, edge_index, batch, W0, b0, W1, b1, W2, b2, Wl1, bl1, Wl2, bl2):
    n = x.shape[0]
    src = edge_index[0]
    dst = edge_index[1]
    # Encoder: 3-layer GCN with ReLU between layers (none after last), dropout=0 (eval)
    h = gcn_conv(x, src, dst, W0, b0, n)
    h = jax.nn.relu(h)
    h = gcn_conv(h, src, dst, W1, b1, n)
    h = jax.nn.relu(h)
    h = gcn_conv(h, src, dst, W2, b2, n)
    # global_add_pool over graph assignment vector
    g = jax.ops.segment_sum(h, batch, num_segments=NUM_GRAPHS)
    # prediction head (ff_dropout is identity in eval)
    y = jax.nn.relu(g @ Wl1 + bl1)
    pred = y @ Wl2 + bl2
    return pred

if __name__ == "__main__":
    import jax
    _d = setup_inputs()
    print(jax.jit(kernel)(*tuple(_d.values())))

</pallas_src>

<mosaic_0001>
#map = affine_map<(d0, d1) -> (0, 0)>
#map1 = affine_map<(d0, d1) -> (0, 0, 0)>
module attributes {stable_mosaic.version = 14 : i64} {
  func.func @agg_kernel(%arg0: i32, %arg1: i32, %arg2: memref<20000x64xf32, #tpu.memory_space<hbm>>, %arg3: memref<2x2560x125xi32, #tpu.memory_space<hbm>>, %arg4: memref<2560x125xi32, #tpu.memory_space<hbm>>, %arg5: memref<640x64xf32, #tpu.memory_space<hbm>>, %arg6: memref<2x10240x64xf32, #tpu.memory_space<hbm>>, %arg7: memref<160x125xi32, #tpu.memory_space<vmem>>, %arg8: memref<160x125xi32, #tpu.memory_space<vmem>>, %arg9: memref<4x125x64xf32, #tpu.memory_space<vmem>>, %arg10: memref<10240x64xf32, #tpu.memory_space<vmem_shared>>, %arg11: memref<!tpu.dma_semaphore, #tpu.memory_space<semaphore_mem>>, %arg12: memref<!tpu.dma_semaphore, #tpu.memory_space<semaphore_mem>>, %arg13: memref<!tpu.dma_semaphore, #tpu.memory_space<semaphore_mem>>, %arg14: memref<!tpu.dma_semaphore, #tpu.memory_space<semaphore_mem>>) attributes {dimension_semantics = [#tpu.dimension_semantics<core_parallel>, #tpu.dimension_semantics<subcore_parallel>], iteration_bounds = array<i64: 2, 16>, scalar_prefetch = 0 : i64, scratch_operands = 8 : i64, tpu.core_type = #tpu.core_type<sc_vector_subcore>, window_params = [{transform_indices = #map}, {transform_indices = #map1}, {transform_indices = #map}, {transform_indices = #map}, {transform_indices = #map1}]} {
    %mul3A = arith.constant 640 : i32
    %mul3A_0 = arith.muli %arg1, %mul3A : i32
    "tpu.region"() ({
      %run_scoped3A_116 = tpu.sem_alloc : memref<!tpu.dma_semaphore, #tpu.memory_space<semaphore_mem>>
      %dma_start3A_117 = arith.constant 0 : i32
      %dma_start3A_118 = tpu.memref_slice %arg10[%mul3A_0, %dma_start3A_117] : memref<10240x64xf32, #tpu.memory_space<vmem_shared>> -> memref<640x64xf32, #tpu.memory_space<vmem_shared>>
      tpu.enqueue_dma source(%arg5 : memref<640x64xf32, #tpu.memory_space<hbm>>) target(%dma_start3A_118 : memref<640x64xf32, #tpu.memory_space<vmem_shared>>) target_semaphore(%run_scoped3A_116 : memref<!tpu.dma_semaphore, #tpu.memory_space<semaphore_mem>>)
      %dma_wait3A_119 = arith.constant 0 : i32
      %dma_wait3A_120 = tpu.memref_slice %arg10[%mul3A_0, %dma_wait3A_119] : memref<10240x64xf32, #tpu.memory_space<vmem_shared>> -> memref<640x64xf32, #tpu.memory_space<vmem_shared>>
      tpu.wait_dma2 semaphore(%run_scoped3A_116 : memref<!tpu.dma_semaphore, #tpu.memory_space<semaphore_mem>>) src(%arg5 : memref<640x64xf32, #tpu.memory_space<hbm>>) dst(%dma_wait3A_120 : memref<640x64xf32, #tpu.memory_space<vmem_shared>>)
      tpu.yield
    }) : () -> ()
    %mul3A_1 = arith.constant 160 : i32
    %mul3A_2 = arith.muli %arg1, %mul3A_1 : i32
    "tpu.region"() ({
      %run_scoped3A_116 = tpu.sem_alloc : memref<!tpu.dma_semaphore, #tpu.memory_space<semaphore_mem>>
      %dma_start3A_117 = arith.constant 0 : i32
      %dma_start3A_118 = tpu.memref_slice %arg3[%arg0, %mul3A_2, %dma_start3A_117] : memref<2x2560x125xi32, #tpu.memory_space<hbm>> -> memref<1x160x125xi32, #tpu.memory_space<hbm>>
      %dma_start3A_119 = tpu.memref_squeeze %dma_start3A_118 : memref<1x160x125xi32, #tpu.memory_space<hbm>> -> memref<160x125xi32, #tpu.memory_space<hbm>>
      %dma_start3A_120 = arith.constant 0 : i32
      %dma_start3A_121 = tpu.memref_slice %arg3[%arg0, %mul3A_2, %dma_start3A_120] : memref<2x2560x125xi32, #tpu.memory_space<hbm>> -> memref<1x160x125xi32, #tpu.memory_space<hbm>>
      %dma_start3A_122 = tpu.memref_squeeze %dma_start3A_121 : memref<1x160x125xi32, #tpu.memory_space<hbm>> -> memref<160x125xi32, #tpu.memory_space<hbm>>
      tpu.enqueue_dma source(%dma_start3A_122 : memref<160x125xi32, #tpu.memory_space<hbm>>) target(%arg7 : memref<160x125xi32, #tpu.memory_space<vmem>>) target_semaphore(%run_scoped3A_116 : memref<!tpu.dma_semaphore, #tpu.memory_space<semaphore_mem>>)
      %dma_wait3A_123 = arith.constant 0 : i32
      %dma_wait3A_124 = tpu.memref_slice %arg3[%arg0, %mul3A_2, %dma_wait3A_123] : memref<2x2560x125xi32, #tpu.memory_space<hbm>> -> memref<1x160x125xi32, #tpu.memory_space<hbm>>
      %dma_wait3A_125 = tpu.memref_squeeze %dma_wait3A_124 : memref<1x160x125xi32, #tpu.memory_space<hbm>> -> memref<160x125xi32, #tpu.memory_space<hbm>>
      %dma_wait3A_126 = arith.constant 0 : i32
      %dma_wait3A_127 = tpu.memref_slice %arg3[%arg0, %mul3A_2, %dma_wait3A_126] : memref<2x2560x125xi32, #tpu.memory_space<hbm>> -> memref<1x160x125xi32, #tpu.memory_space<hbm>>
      %dma_wait3A_128 = tpu.memref_squeeze %dma_wait3A_127 : memref<1x160x125xi32, #tpu.memory_space<hbm>> -> memref<160x125xi32, #tpu.memory_space<hbm>>
      tpu.wait_dma2 semaphore(%run_scoped3A_116 : memref<!tpu.dma_semaphore, #tpu.memory_space<semaphore_mem>>) src(%dma_wait3A_128 : memref<160x125xi32, #tpu.memory_space<hbm>>) dst(%arg7 : memref<160x125xi32, #tpu.memory_space<vmem>>)
      tpu.yield
    }) : () -> ()
    %mul3A_3 = arith.constant 160 : i32
    %mul3A_4 = arith.muli %arg1, %mul3A_3 : i32
    "tpu.region"() ({
      %run_scoped3A_116 = tpu.sem_alloc : memref<!tpu.dma_semaphore, #tpu.memory_space<semaphore_mem>>
      %dma_start3A_117 = arith.constant 0 : i32
      %dma_start3A_118 = tpu.memref_slice %arg4[%mul3A_4, %dma_start3A_117] : memref<2560x125xi32, #tpu.memory_space<hbm>> -> memref<160x125xi32, #tpu.memory_space<hbm>>
      %dma_start3A_119 = arith.constant 0 : i32
      %dma_start3A_120 = tpu.memref_slice %arg4[%mul3A_4, %dma_start3A_119] : memref<2560x125xi32, #tpu.memory_space<hbm>> -> memref<160x125xi32, #tpu.memory_space<hbm>>
      tpu.enqueue_dma source(%dma_start3A_120 : memref<160x125xi32, #tpu.memory_space<hbm>>) target(%arg8 : memref<160x125xi32, #tpu.memory_space<vmem>>) target_semaphore(%run_scoped3A_116 : memref<!tpu.dma_semaphore, #tpu.memory_space<semaphore_mem>>)
      %dma_wait3A_121 = arith.constant 0 : i32
      %dma_wait3A_122 = tpu.memref_slice %arg4[%mul3A_4, %dma_wait3A_121] : memref<2560x125xi32, #tpu.memory_space<hbm>> -> memref<160x125xi32, #tpu.memory_space<hbm>>
      %dma_wait3A_123 = arith.constant 0 : i32
      %dma_wait3A_124 = tpu.memref_slice %arg4[%mul3A_4, %dma_wait3A_123] : memref<2560x125xi32, #tpu.memory_space<hbm>> -> memref<160x125xi32, #tpu.memory_space<hbm>>
      tpu.wait_dma2 semaphore(%run_scoped3A_116 : memref<!tpu.dma_semaphore, #tpu.memory_space<semaphore_mem>>) src(%dma_wait3A_124 : memref<160x125xi32, #tpu.memory_space<hbm>>) dst(%arg8 : memref<160x125xi32, #tpu.memory_space<vmem>>)
      tpu.yield
    }) : () -> ()
    %barrier3A = arith.constant 0 : index
    tpu.barrier barrier_id(%barrier3A)
    %dma_start3A = arith.constant 0 : i32
    %dma_start3A_5 = arith.constant 0 : i32
    %dma_start3A_6 = arith.constant 0 : i32
    %dma_start3A_7 = arith.constant 0 : i32
    %dma_start3A_8 = tpu.memref_slice %arg9[%dma_start3A_5, %dma_start3A_6, %dma_start3A_7] : memref<4x125x64xf32, #tpu.memory_space<vmem>> -> memref<1x125x64xf32, #tpu.memory_space<vmem>>
    %dma_start3A_9 = tpu.memref_squeeze %dma_start3A_8 : memref<1x125x64xf32, #tpu.memory_space<vmem>> -> memref<125x64xf32, #tpu.memory_space<vmem>>
    %dma_start3A_10 = arith.constant 0 : i32
    %dma_start3A_11 = tpu.memref_slice %arg7[%dma_start3A, %dma_start3A_10] : memref<160x125xi32, #tpu.memory_space<vmem>> -> memref<1x125xi32, #tpu.memory_space<vmem>>
    %dma_start3A_12 = tpu.memref_squeeze %dma_start3A_11 : memref<1x125xi32, #tpu.memory_space<vmem>> -> memref<125xi32, #tpu.memory_space<vmem>>
    %dma_start3A_13 = arith.constant 0 : i32
    %dma_start3A_14 = arith.constant 0 : i32
    %dma_start3A_15 = tpu.memref_slice %arg2[%dma_start3A_13, %dma_start3A_14] : memref<20000x64xf32, #tpu.memory_space<hbm>> -> memref<20000x64xf32, #tpu.memory_space<hbm>>
    tpu.enqueue_indirect_dma source(%dma_start3A_15 : memref<20000x64xf32, #tpu.memory_space<hbm>>) target(%dma_start3A_9 : memref<125x64xf32, #tpu.memory_space<vmem>>) offsets(%dma_start3A_12 : memref<125xi32, #tpu.memory_space<vmem>>) semaphore(%arg11 : memref<!tpu.dma_semaphore, #tpu.memory_space<semaphore_mem>>)
    %dma_start3A_16 = arith.constant 1 : i32
    %dma_start3A_17 = arith.constant 1 : i32
    %dma_start3A_18 = arith.constant 0 : i32
    %dma_start3A_19 = arith.constant 0 : i32
    %dma_start3A_20 = tpu.memref_slice %arg9[%dma_start3A_17, %dma_start3A_18, %dma_start3A_19] : memref<4x125x64xf32, #tpu.memory_space<vmem>> -> memref<1x125x64xf32, #tpu.memory_space<vmem>>
    %dma_start3A_21 = tpu.memref_squeeze %dma_start3A_20 : memref<1x125x64xf32, #tpu.memory_space<vmem>> -> memref<125x64xf32, #tpu.memory_space<vmem>>
    %dma_start3A_22 = arith.constant 0 : i32
    %dma_start3A_23 = tpu.memref_slice %arg7[%dma_start3A_16, %dma_start3A_22] : memref<160x125xi32, #tpu.memory_space<vmem>> -> memref<1x125xi32, #tpu.memory_space<vmem>>
    %dma_start3A_24 = tpu.memref_squeeze %dma_start3A_23 : memref<1x125xi32, #tpu.memory_space<vmem>> -> memref<125xi32, #tpu.memory_space<vmem>>
    %dma_start3A_25 = arith.constant 0 : i32
    %dma_start3A_26 = arith.constant 0 : i32
    %dma_start3A_27 = tpu.memref_slice %arg2[%dma_start3A_25, %dma_start3A_26] : memref<20000x64xf32, #tpu.memory_space<hbm>> -> memref<20000x64xf32, #tpu.memory_space<hbm>>
    tpu.enqueue_indirect_dma source(%dma_start3A_27 : memref<20000x64xf32, #tpu.memory_space<hbm>>) target(%dma_start3A_21 : memref<125x64xf32, #tpu.memory_space<vmem>>) offsets(%dma_start3A_24 : memref<125xi32, #tpu.memory_space<vmem>>) semaphore(%arg12 : memref<!tpu.dma_semaphore, #tpu.memory_space<semaphore_mem>>)
    %dma_start3A_28 = arith.constant 2 : i32
    %dma_start3A_29 = arith.constant 2 : i32
    %dma_start3A_30 = arith.constant 0 : i32
    %dma_start3A_31 = arith.constant 0 : i32
    %dma_start3A_32 = tpu.memref_slice %arg9[%dma_start3A_29, %dma_start3A_30, %dma_start3A_31] : memref<4x125x64xf32, #tpu.memory_space<vmem>> -> memref<1x125x64xf32, #tpu.memory_space<vmem>>
    %dma_start3A_33 = tpu.memref_squeeze %dma_start3A_32 : memref<1x125x64xf32, #tpu.memory_space<vmem>> -> memref<125x64xf32, #tpu.memory_space<vmem>>
    %dma_start3A_34 = arith.constant 0 : i32
    %dma_start3A_35 = tpu.memref_slice %arg7[%dma_start3A_28, %dma_start3A_34] : memref<160x125xi32, #tpu.memory_space<vmem>> -> memref<1x125xi32, #tpu.memory_space<vmem>>
    %dma_start3A_36 = tpu.memref_squeeze %dma_start3A_35 : memref<1x125xi32, #tpu.memory_space<vmem>> -> memref<125xi32, #tpu.memory_space<vmem>>
    %dma_start3A_37 = arith.constant 0 : i32
    %dma_start3A_38 = arith.constant 0 : i32
    %dma_start3A_39 = tpu.memref_slice %arg2[%dma_start3A_37, %dma_start3A_38] : memref<20000x64xf32, #tpu.memory_space<hbm>> -> memref<20000x64xf32, #tpu.memory_space<hbm>>
    tpu.enqueue_indirect_dma source(%dma_start3A_39 : memref<20000x64xf32, #tpu.memory_space<hbm>>) target(%dma_start3A_33 : memref<125x64xf32, #tpu.memory_space<vmem>>) offsets(%dma_start3A_36 : memref<125xi32, #tpu.memory_space<vmem>>) semaphore(%arg13 : memref<!tpu.dma_semaphore, #tpu.memory_space<semaphore_mem>>)
    %dma_start3A_40 = arith.constant 3 : i32
    %dma_start3A_41 = arith.constant 3 : i32
    %dma_start3A_42 = arith.constant 0 : i32
    %dma_start3A_43 = arith.constant 0 : i32
    %dma_start3A_44 = tpu.memref_slice %arg9[%dma_start3A_41, %dma_start3A_42, %dma_start3A_43] : memref<4x125x64xf32, #tpu.memory_space<vmem>> -> memref<1x125x64xf32, #tpu.memory_space<vmem>>
    %dma_start3A_45 = tpu.memref_squeeze %dma_start3A_44 : memref<1x125x64xf32, #tpu.memory_space<vmem>> -> memref<125x64xf32, #tpu.memory_space<vmem>>
    %dma_start3A_46 = arith.constant 0 : i32
    %dma_start3A_47 = tpu.memref_slice %arg7[%dma_start3A_40, %dma_start3A_46] : memref<160x125xi32, #tpu.memory_space<vmem>> -> memref<1x125xi32, #tpu.memory_space<vmem>>
    %dma_start3A_48 = tpu.memref_squeeze %dma_start3A_47 : memref<1x125xi32, #tpu.memory_space<vmem>> -> memref<125xi32, #tpu.memory_space<vmem>>
    %dma_start3A_49 = arith.constant 0 : i32
    %dma_start3A_50 = arith.constant 0 : i32
    %dma_start3A_51 = tpu.memref_slice %arg2[%dma_start3A_49, %dma_start3A_50] : memref<20000x64xf32, #tpu.memory_space<hbm>> -> memref<20000x64xf32, #tpu.memory_space<hbm>>
    tpu.enqueue_indirect_dma source(%dma_start3A_51 : memref<20000x64xf32, #tpu.memory_space<hbm>>) target(%dma_start3A_45 : memref<125x64xf32, #tpu.memory_space<vmem>>) offsets(%dma_start3A_48 : memref<125xi32, #tpu.memory_space<vmem>>) semaphore(%arg14 : memref<!tpu.dma_semaphore, #tpu.memory_space<semaphore_mem>>)
    %scan3A = arith.constant 0 : i32
    %scan3A_52 = arith.constant 0 : i32
    %scan3A_53 = arith.constant 39 : i32
    %scan3A_54 = arith.addi %scan3A_52, %scan3A_53 : i32
    %scan3A_55 = arith.constant 1 : i32
    scf.for %scan3A_116 = %scan3A_52 to %scan3A_54 step %scan3A_55  : i32 {
      %mul3A_117 = arith.constant 4 : i32
      %mul3A_118 = arith.muli %scan3A_116, %mul3A_117 : i32
      %add3A = arith.constant 0 : i32
      %add3A_119 = arith.addi %mul3A_118, %add3A : i32
      %dma_wait3A_120 = arith.constant 0 : i32
      %dma_wait3A_121 = arith.constant 0 : i32
      %dma_wait3A_122 = arith.constant 0 : i32
      %dma_wait3A_123 = tpu.memref_slice %arg9[%dma_wait3A_120, %dma_wait3A_121, %dma_wait3A_122] : memref<4x125x64xf32, #tpu.memory_space<vmem>> -> memref<1x125x64xf32, #tpu.memory_space<vmem>>
      %dma_wait3A_124 = tpu.memref_squeeze %dma_wait3A_123 : memref<1x125x64xf32, #tpu.memory_space<vmem>> -> memref<125x64xf32, #tpu.memory_space<vmem>>
      %dma_wait3A_125 = arith.constant 0 : i32
      %dma_wait3A_126 = tpu.memref_slice %arg7[%add3A_119, %dma_wait3A_125] : memref<160x125xi32, #tpu.memory_space<vmem>> -> memref<1x125xi32, #tpu.memory_space<vmem>>
      %dma_wait3A_127 = tpu.memref_squeeze %dma_wait3A_126 : memref<1x125xi32, #tpu.memory_space<vmem>> -> memref<125xi32, #tpu.memory_space<vmem>>
      %dma_wait3A_128 = arith.constant 0 : i32
      %dma_wait3A_129 = arith.constant 0 : i32
      %dma_wait3A_130 = tpu.memref_slice %arg2[%dma_wait3A_128, %dma_wait3A_129] : memref<20000x64xf32, #tpu.memory_space<hbm>> -> memref<20000x64xf32, #tpu.memory_space<hbm>>
      tpu.wait_indirect_dma semaphore(%arg11 : memref<!tpu.dma_semaphore, #tpu.memory_space<semaphore_mem>>) src(%dma_wait3A_130 : memref<20000x64xf32, #tpu.memory_space<hbm>>) dst(%dma_wait3A_124 : memref<125x64xf32, #tpu.memory_space<vmem>>)
      %run_scoped3A_131 = arith.constant 0 : i32
      "tpu.region"() ({
        %run_scoped3A_232 = tpu.sem_alloc : memref<!tpu.dma_semaphore, #tpu.memory_space<semaphore_mem>>
        %dma_start3A_233 = arith.constant 0 : i32
        %dma_start3A_234 = arith.constant 0 : i32
        %dma_start3A_235 = tpu.memref_slice %arg9[%run_scoped3A_131, %dma_start3A_233, %dma_start3A_234] : memref<4x125x64xf32, #tpu.memory_space<vmem>> -> memref<1x125x64xf32, #tpu.memory_space<vmem>>
        %dma_start3A_236 = tpu.memref_squeeze %dma_start3A_235 : memref<1x125x64xf32, #tpu.memory_space<vmem>> -> memref<125x64xf32, #tpu.memory_space<vmem>>
        %dma_start3A_237 = arith.constant 0 : i32
        %dma_start3A_238 = tpu.memref_slice %arg8[%add3A_119, %dma_start3A_237] : memref<160x125xi32, #tpu.memory_space<vmem>> -> memref<1x125xi32, #tpu.memory_space<vmem>>
        %dma_start3A_239 = tpu.memref_squeeze %dma_start3A_238 : memref<1x125xi32, #tpu.memory_space<vmem>> -> memref<125xi32, #tpu.memory_space<vmem>>
        %dma_start3A_240 = arith.constant 0 : i32
        %dma_start3A_241 = arith.constant 0 : i32
        %dma_start3A_242 = tpu.memref_slice %arg10[%dma_start3A_240, %dma_start3A_241] : memref<10240x64xf32, #tpu.memory_space<vmem_shared>> -> memref<10240x64xf32, #tpu.memory_space<vmem_shared>>
        tpu.enqueue_indirect_dma source(%dma_start3A_236 : memref<125x64xf32, #tpu.memory_space<vmem>>) target(%dma_start3A_242 : memref<10240x64xf32, #tpu.memory_space<vmem_shared>>) offsets(%dma_start3A_239 : memref<125xi32, #tpu.memory_space<vmem>>) semaphore(%run_scoped3A_232 : memref<!tpu.dma_semaphore, #tpu.memory_space<semaphore_mem>>) {add = true}
        %dma_wait3A_243 = arith.constant 0 : i32
        %dma_wait3A_244 = arith.constant 0 : i32
        %dma_wait3A_245 = tpu.memref_slice %arg9[%run_scoped3A_131, %dma_wait3A_243, %dma_wait3A_244] : memref<4x125x64xf32, #tpu.memory_space<vmem>> -> memref<1x125x64xf32, #tpu.memory_space<vmem>>
        %dma_wait3A_246 = tpu.memref_squeeze %dma_wait3A_245 : memref<1x125x64xf32, #tpu.memory_space<vmem>> -> memref<125x64xf32, #tpu.memory_space<vmem>>
        %dma_wait3A_247 = arith.constant 0 : i32
        %dma_wait3A_248 = tpu.memref_slice %arg8[%add3A_119, %dma_wait3A_247] : memref<160x125xi32, #tpu.memory_space<vmem>> -> memref<1x125xi32, #tpu.memory_space<vmem>>
        %dma_wait3A_249 = tpu.memref_squeeze %dma_wait3A_248 : memref<1x125xi32, #tpu.memory_space<vmem>> -> memref<125xi32, #tpu.memory_space<vmem>>
        %dma_wait3A_250 = arith.constant 0 : i32
        %dma_wait3A_251 = arith.constant 0 : i32
        %dma_wait3A_252 = tpu.memref_slice %arg10[%dma_wait3A_250, %dma_wait3A_251] : memref<10240x64xf32, #tpu.memory_space<vmem_shared>> -> memref<10240x64xf32, #tpu.memory_space<vmem_shared>>
        tpu.wait_indirect_dma semaphore(%run_scoped3A_232 : memref<!tpu.dma_semaphore, #tpu.memory_space<semaphore_mem>>) src(%dma_wait3A_246 : memref<125x64xf32, #tpu.memory_space<vmem>>) dst(%dma_wait3A_252 : memref<10240x64xf32, #tpu.memory_space<vmem_shared>>)
        tpu.yield
      }) : () -> ()
      %add3A_132 = arith.constant 4 : i32
      %add3A_133 = arith.addi %add3A_119, %add3A_132 : i32
      %dma_start3A_134 = arith.constant 0 : i32
      %dma_start3A_135 = arith.constant 0 : i32
      %dma_start3A_136 = arith.constant 0 : i32
      %dma_start3A_137 = tpu.memref_slice %arg9[%dma_start3A_134, %dma_start3A_135, %dma_start3A_136] : memref<4x125x64xf32, #tpu.memory_space<vmem>> -> memref<1x125x64xf32, #tpu.memory_space<vmem>>
      %dma_start3A_138 = tpu.memref_squeeze %dma_start3A_137 : memref<1x125x64xf32, #tpu.memory_space<vmem>> -> memref<125x64xf32, #tpu.memory_space<vmem>>
      %dma_start3A_139 = arith.constant 0 : i32
      %dma_start3A_140 = tpu.memref_slice %arg7[%add3A_133, %dma_start3A_139] : memref<160x125xi32, #tpu.memory_space<vmem>> -> memref<1x125xi32, #tpu.memory_space<vmem>>
      %dma_start3A_141 = tpu.memref_squeeze %dma_start3A_140 : memref<1x125xi32, #tpu.memory_space<vmem>> -> memref<125xi32, #tpu.memory_space<vmem>>
      %dma_start3A_142 = arith.constant 0 : i32
      %dma_start3A_143 = arith.constant 0 : i32
      %dma_start3A_144 = tpu.memref_slice %arg2[%dma_start3A_142, %dma_start3A_143] : memref<20000x64xf32, #tpu.memory_space<hbm>> -> memref<20000x64xf32, #tpu.memory_space<hbm>>
      tpu.enqueue_indirect_dma source(%dma_start3A_144 : memref<20000x64xf32, #tpu.memory_space<hbm>>) target(%dma_start3A_138 : memref<125x64xf32, #tpu.memory_space<vmem>>) offsets(%dma_start3A_141 : memref<125xi32, #tpu.memory_space<vmem>>) semaphore(%arg11 : memref<!tpu.dma_semaphore, #tpu.memory_space<semaphore_mem>>)
      %mul3A_145 = arith.constant 4 : i32
      %mul3A_146 = arith.muli %scan3A_116, %mul3A_145 : i32
      %add3A_147 = arith.constant 1 : i32
      %add3A_148 = arith.addi %mul3A_146, %add3A_147 : i32
      %dma_wait3A_149 = arith.constant 1 : i32
      %dma_wait3A_150 = arith.constant 0 : i32
      %dma_wait3A_151 = arith.constant 0 : i32
      %dma_wait3A_152 = tpu.memref_slice %arg9[%dma_wait3A_149, %dma_wait3A_150, %dma_wait3A_151] : memref<4x125x64xf32, #tpu.memory_space<vmem>> -> memref<1x125x64xf32, #tpu.memory_space<vmem>>
      %dma_wait3A_153 = tpu.memref_squeeze %dma_wait3A_152 : memref<1x125x64xf32, #tpu.memory_space<vmem>> -> memref<125x64xf32, #tpu.memory_space<vmem>>
      %dma_wait3A_154 = arith.constant 0 : i32
      %dma_wait3A_155 = tpu.memref_slice %arg7[%add3A_148, %dma_wait3A_154] : memref<160x125xi32, #tpu.memory_space<vmem>> -> memref<1x125xi32, #tpu.memory_space<vmem>>
      %dma_wait3A_156 = tpu.memref_squeeze %dma_wait3A_155 : memref<1x125xi32, #tpu.memory_space<vmem>> -> memref<125xi32, #tpu.memory_space<vmem>>
      %dma_wait3A_157 = arith.constant 0 : i32
      %dma_wait3A_158 = arith.constant 0 : i32
      %dma_wait3A_159 = tpu.memref_slice %arg2[%dma_wait3A_157, %dma_wait3A_158] : memref<20000x64xf32, #tpu.memory_space<hbm>> -> memref<20000x64xf32, #tpu.memory_space<hbm>>
      tpu.wait_indirect_dma semaphore(%arg12 : memref<!tpu.dma_semaphore, #tpu.memory_space<semaphore_mem>>) src(%dma_wait3A_159 : memref<20000x64xf32, #tpu.memory_space<hbm>>) dst(%dma_wait3A_153 : memref<125x64xf32, #tpu.memory_space<vmem>>)
      %run_scoped3A_160 = arith.constant 1 : i32
      "tpu.region"() ({
        %run_scoped3A_232 = tpu.sem_alloc : memref<!tpu.dma_semaphore, #tpu.memory_space<semaphore_mem>>
        %dma_start3A_233 = arith.constant 0 : i32
        %dma_start3A_234 = arith.constant 0 : i32
        %dma_start3A_235 = tpu.memref_slice %arg9[%run_scoped3A_160, %dma_start3A_233, %dma_start3A_234] : memref<4x125x64xf32, #tpu.memory_space<vmem>> -> memref<1x125x64xf32, #tpu.memory_space<vmem>>
        %dma_start3A_236 = tpu.memref_squeeze %dma_start3A_235 : memref<1x125x64xf32, #tpu.memory_space<vmem>> -> memref<125x64xf32, #tpu.memory_space<vmem>>
        %dma_start3A_237 = arith.constant 0 : i32
        %dma_start3A_238 = tpu.memref_slice %arg8[%add3A_148, %dma_start3A_237] : memref<160x125xi32, #tpu.memory_space<vmem>> -> memref<1x125xi32, #tpu.memory_space<vmem>>
        %dma_start3A_239 = tpu.memref_squeeze %dma_start3A_238 : memref<1x125xi32, #tpu.memory_space<vmem>> -> memref<125xi32, #tpu.memory_space<vmem>>
        %dma_start3A_240 = arith.constant 0 : i32
        %dma_start3A_241 = arith.constant 0 : i32
        %dma_start3A_242 = tpu.memref_slice %arg10[%dma_start3A_240, %dma_start3A_241] : memref<10240x64xf32, #tpu.memory_space<vmem_shared>> -> memref<10240x64xf32, #tpu.memory_space<vmem_shared>>
        tpu.enqueue_indirect_dma source(%dma_start3A_236 : memref<125x64xf32, #tpu.memory_space<vmem>>) target(%dma_start3A_242 : memref<10240x64xf32, #tpu.memory_space<vmem_shared>>) offsets(%dma_start3A_239 : memref<125xi32, #tpu.memory_space<vmem>>) semaphore(%run_scoped3A_232 : memref<!tpu.dma_semaphore, #tpu.memory_space<semaphore_mem>>) {add = true}
        %dma_wait3A_243 = arith.constant 0 : i32
        %dma_wait3A_244 = arith.constant 0 : i32
        %dma_wait3A_245 = tpu.memref_slice %arg9[%run_scoped3A_160, %dma_wait3A_243, %dma_wait3A_244] : memref<4x125x64xf32, #tpu.memory_space<vmem>> -> memref<1x125x64xf32, #tpu.memory_space<vmem>>
        %dma_wait3A_246 = tpu.memref_squeeze %dma_wait3A_245 : memref<1x125x64xf32, #tpu.memory_space<vmem>> -> memref<125x64xf32, #tpu.memory_space<vmem>>
        %dma_wait3A_247 = arith.constant 0 : i32
        %dma_wait3A_248 = tpu.memref_slice %arg8[%add3A_148, %dma_wait3A_247] : memref<160x125xi32, #tpu.memory_space<vmem>> -> memref<1x125xi32, #tpu.memory_space<vmem>>
        %dma_wait3A_249 = tpu.memref_squeeze %dma_wait3A_248 : memref<1x125xi32, #tpu.memory_space<vmem>> -> memref<125xi32, #tpu.memory_space<vmem>>
        %dma_wait3A_250 = arith.constant 0 : i32
        %dma_wait3A_251 = arith.constant 0 : i32
        %dma_wait3A_252 = tpu.memref_slice %arg10[%dma_wait3A_250, %dma_wait3A_251] : memref<10240x64xf32, #tpu.memory_space<vmem_shared>> -> memref<10240x64xf32, #tpu.memory_space<vmem_shared>>
        tpu.wait_indirect_dma semaphore(%run_scoped3A_232 : memref<!tpu.dma_semaphore, #tpu.memory_space<semaphore_mem>>) src(%dma_wait3A_246 : memref<125x64xf32, #tpu.memory_space<vmem>>) dst(%dma_wait3A_252 : memref<10240x64xf32, #tpu.memory_space<vmem_shared>>)
        tpu.yield
      }) : () -> ()
      %add3A_161 = arith.constant 4 : i32
      %add3A_162 = arith.addi %add3A_148, %add3A_161 : i32
      %dma_start3A_163 = arith.constant 1 : i32
      %dma_start3A_164 = arith.constant 0 : i32
      %dma_start3A_165 = arith.constant 0 : i32
      %dma_start3A_166 = tpu.memref_slice %arg9[%dma_start3A_163, %dma_start3A_164, %dma_start3A_165] : memref<4x125x64xf32, #tpu.memory_space<vmem>> -> memref<1x125x64xf32, #tpu.memory_space<vmem>>
      %dma_start3A_167 = tpu.memref_squeeze %dma_start3A_166 : memref<1x125x64xf32, #tpu.memory_space<vmem>> -> memref<125x64xf32, #tpu.memory_space<vmem>>
      %dma_start3A_168 = arith.constant 0 : i32
      %dma_start3A_169 = tpu.memref_slice %arg7[%add3A_162, %dma_start3A_168] : memref<160x125xi32, #tpu.memory_space<vmem>> -> memref<1x125xi32, #tpu.memory_space<vmem>>
      %dma_start3A_170 = tpu.memref_squeeze %dma_start3A_169 : memref<1x125xi32, #tpu.memory_space<vmem>> -> memref<125xi32, #tpu.memory_space<vmem>>
      %dma_start3A_171 = arith.constant 0 : i32
      %dma_start3A_172 = arith.constant 0 : i32
      %dma_start3A_173 = tpu.memref_slice %arg2[%dma_start3A_171, %dma_start3A_172] : memref<20000x64xf32, #tpu.memory_space<hbm>> -> memref<20000x64xf32, #tpu.memory_space<hbm>>
      tpu.enqueue_indirect_dma source(%dma_start3A_173 : memref<20000x64xf32, #tpu.memory_space<hbm>>) target(%dma_start3A_167 : memref<125x64xf32, #tpu.memory_space<vmem>>) offsets(%dma_start3A_170 : memref<125xi32, #tpu.memory_space<vmem>>) semaphore(%arg12 : memref<!tpu.dma_semaphore, #tpu.memory_space<semaphore_mem>>)
      %mul3A_174 = arith.constant 4 : i32
      %mul3A_175 = arith.muli %scan3A_116, %mul3A_174 : i32
      %add3A_176 = arith.constant 2 : i32
      %add3A_177 = arith.addi %mul3A_175, %add3A_176 : i32
      %dma_wait3A_178 = arith.constant 2 : i32
      %dma_wait3A_179 = arith.constant 0 : i32
      %dma_wait3A_180 = arith.constant 0 : i32
      %dma_wait3A_181 = tpu.memref_slice %arg9[%dma_wait3A_178, %dma_wait3A_179, %dma_wait3A_180] : memref<4x125x64xf32, #tpu.memory_space<vmem>> -> memref<1x125x64xf32, #tpu.memory_space<vmem>>
      %dma_wait3A_182 = tpu.memref_squeeze %dma_wait3A_181 : memref<1x125x64xf32, #tpu.memory_space<vmem>> -> memref<125x64xf32, #tpu.memory_space<vmem>>
      %dma_wait3A_183 = arith.constant 0 : i32
      %dma_wait3A_184 = tpu.memref_slice %arg7[%add3A_177, %dma_wait3A_183] : memref<160x125xi32, #tpu.memory_space<vmem>> -> memref<1x125xi32, #tpu.memory_space<vmem>>
      %dma_wait3A_185 = tpu.memref_squeeze %dma_wait3A_184 : memref<1x125xi32, #tpu.memory_space<vmem>> -> memref<125xi32, #tpu.memory_space<vmem>>
      %dma_wait3A_186 = arith.constant 0 : i32
      %dma_wait3A_187 = arith.constant 0 : i32
      %dma_wait3A_188 = tpu.memref_slice %arg2[%dma_wait3A_186, %dma_wait3A_187] : memref<20000x64xf32, #tpu.memory_space<hbm>> -> memref<20000x64xf32, #tpu.memory_space<hbm>>
      tpu.wait_indirect_dma semaphore(%arg13 : memref<!tpu.dma_semaphore, #tpu.memory_space<semaphore_mem>>) src(%dma_wait3A_188 : memref<20000x64xf32, #tpu.memory_space<hbm>>) dst(%dma_wait3A_182 : memref<125x64xf32, #tpu.memory_space<vmem>>)
      %run_scoped3A_189 = arith.constant 2 : i32
      "tpu.region"() ({
        %run_scoped3A_232 = tpu.sem_alloc : memref<!tpu.dma_semaphore, #tpu.memory_space<semaphore_mem>>
        %dma_start3A_233 = arith.constant 0 : i32
        %dma_start3A_234 = arith.constant 0 : i32
        %dma_start3A_235 = tpu.memref_slice %arg9[%run_scoped3A_189, %dma_start3A_233, %dma_start3A_234] : memref<4x125x64xf32, #tpu.memory_space<vmem>> -> memref<1x125x64xf32, #tpu.memory_space<vmem>>
        %dma_start3A_236 = tpu.memref_squeeze %dma_start3A_235 : memref<1x125x64xf32, #tpu.memory_space<vmem>> -> memref<125x64xf32, #tpu.memory_space<vmem>>
        %dma_start3A_237 = arith.constant 0 : i32
        %dma_start3A_238 = tpu.memref_slice %arg8[%add3A_177, %dma_start3A_237] : memref<160x125xi32, #tpu.memory_space<vmem>> -> memref<1x125xi32, #tpu.memory_space<vmem>>
        %dma_start3A_239 = tpu.memref_squeeze %dma_start3A_238 : memref<1x125xi32, #tpu.memory_space<vmem>> -> memref<125xi32, #tpu.memory_space<vmem>>
        %dma_start3A_240 = arith.constant 0 : i32
        %dma_start3A_241 = arith.constant 0 : i32
        %dma_start3A_242 = tpu.memref_slice %arg10[%dma_start3A_240, %dma_start3A_241] : memref<10240x64xf32, #tpu.memory_space<vmem_shared>> -> memref<10240x64xf32, #tpu.memory_space<vmem_shared>>
        tpu.enqueue_indirect_dma source(%dma_start3A_236 : memref<125x64xf32, #tpu.memory_space<vmem>>) target(%dma_start3A_242 : memref<10240x64xf32, #tpu.memory_space<vmem_shared>>) offsets(%dma_start3A_239 : memref<125xi32, #tpu.memory_space<vmem>>) semaphore(%run_scoped3A_232 : memref<!tpu.dma_semaphore, #tpu.memory_space<semaphore_mem>>) {add = true}
        %dma_wait3A_243 = arith.constant 0 : i32
        %dma_wait3A_244 = arith.constant 0 : i32
        %dma_wait3A_245 = tpu.memref_slice %arg9[%run_scoped3A_189, %dma_wait3A_243, %dma_wait3A_244] : memref<4x125x64xf32, #tpu.memory_space<vmem>> -> memref<1x125x64xf32, #tpu.memory_space<vmem>>
        %dma_wait3A_246 = tpu.memref_squeeze %dma_wait3A_245 : memref<1x125x64xf32, #tpu.memory_space<vmem>> -> memref<125x64xf32, #tpu.memory_space<vmem>>
        %dma_wait3A_247 = arith.constant 0 : i32
        %dma_wait3A_248 = tpu.memref_slice %arg8[%add3A_177, %dma_wait3A_247] : memref<160x125xi32, #tpu.memory_space<vmem>> -> memref<1x125xi32, #tpu.memory_space<vmem>>
        %dma_wait3A_249 = tpu.memref_squeeze %dma_wait3A_248 : memref<1x125xi32, #tpu.memory_space<vmem>> -> memref<125xi32, #tpu.memory_space<vmem>>
        %dma_wait3A_250 = arith.constant 0 : i32
        %dma_wait3A_251 = arith.constant 0 : i32
        %dma_wait3A_252 = tpu.memref_slice %arg10[%dma_wait3A_250, %dma_wait3A_251] : memref<10240x64xf32, #tpu.memory_space<vmem_shared>> -> memref<10240x64xf32, #tpu.memory_space<vmem_shared>>
        tpu.wait_indirect_dma semaphore(%run_scoped3A_232 : memref<!tpu.dma_semaphore, #tpu.memory_space<semaphore_mem>>) src(%dma_wait3A_246 : memref<125x64xf32, #tpu.memory_space<vmem>>) dst(%dma_wait3A_252 : memref<10240x64xf32, #tpu.memory_space<vmem_shared>>)
        tpu.yield
      }) : () -> ()
      %add3A_190 = arith.constant 4 : i32
      %add3A_191 = arith.addi %add3A_177, %add3A_190 : i32
      %dma_start3A_192 = arith.constant 2 : i32
      %dma_start3A_193 = arith.constant 0 : i32
      %dma_start3A_194 = arith.constant 0 : i32
      %dma_start3A_195 = tpu.memref_slice %arg9[%dma_start3A_192, %dma_start3A_193, %dma_start3A_194] : memref<4x125x64xf32, #tpu.memory_space<vmem>> -> memref<1x125x64xf32, #tpu.memory_space<vmem>>
      %dma_start3A_196 = tpu.memref_squeeze %dma_start3A_195 : memref<1x125x64xf32, #tpu.memory_space<vmem>> -> memref<125x64xf32, #tpu.memory_space<vmem>>
      %dma_start3A_197 = arith.constant 0 : i32
      %dma_start3A_198 = tpu.memref_slice %arg7[%add3A_191, %dma_start3A_197] : memref<160x125xi32, #tpu.memory_space<vmem>> -> memref<1x125xi32, #tpu.memory_space<vmem>>
      %dma_start3A_199 = tpu.memref_squeeze %dma_start3A_198 : memref<1x125xi32, #tpu.memory_space<vmem>> -> memref<125xi32, #tpu.memory_space<vmem>>
      %dma_start3A_200 = arith.constant 0 : i32
      %dma_start3A_201 = arith.constant 0 : i32
      %dma_start3A_202 = tpu.memref_slice %arg2[%dma_start3A_200, %dma_start3A_201] : memref<20000x64xf32, #tpu.memory_space<hbm>> -> memref<20000x64xf32, #tpu.memory_space<hbm>>
      tpu.enqueue_indirect_dma source(%dma_start3A_202 : memref<20000x64xf32, #tpu.memory_space<hbm>>) target(%dma_start3A_196 : memref<125x64xf32, #tpu.memory_space<vmem>>) offsets(%dma_start3A_199 : memref<125xi32, #tpu.memory_space<vmem>>) semaphore(%arg13 : memref<!tpu.dma_semaphore, #tpu.memory_space<semaphore_mem>>)
      %mul3A_203 = arith.constant 4 : i32
      %mul3A_204 = arith.muli %scan3A_116, %mul3A_203 : i32
      %add3A_205 = arith.constant 3 : i32
      %add3A_206 = arith.addi %mul3A_204, %add3A_205 : i32
      %dma_wait3A_207 = arith.constant 3 : i32
      %dma_wait3A_208 = arith.constant 0 : i32
      %dma_wait3A_209 = arith.constant 0 : i32
      %dma_wait3A_210 = tpu.memref_slice %arg9[%dma_wait3A_207, %dma_wait3A_208, %dma_wait3A_209] : memref<4x125x64xf32, #tpu.memory_space<vmem>> -> memref<1x125x64xf32, #tpu.memory_space<vmem>>
      %dma_wait3A_211 = tpu.memref_squeeze %dma_wait3A_210 : memref<1x125x64xf32, #tpu.memory_space<vmem>> -> memref<125x64xf32, #tpu.memory_space<vmem>>
      %dma_wait3A_212 = arith.constant 0 : i32
      %dma_wait3A_213 = tpu.memref_slice %arg7[%add3A_206, %dma_wait3A_212] : memref<160x125xi32, #tpu.memory_space<vmem>> -> memref<1x125xi32, #tpu.memory_space<vmem>>
      %dma_wait3A_214 = tpu.memref_squeeze %dma_wait3A_213 : memref<1x125xi32, #tpu.memory_space<vmem>> -> memref<125xi32, #tpu.memory_space<vmem>>
      %dma_wait3A_215 = arith.constant 0 : i32
      %dma_wait3A_216 = arith.constant 0 : i32
      %dma_wait3A_217 = tpu.memref_slice %arg2[%dma_wait3A_215, %dma_wait3A_216] : memref<20000x64xf32, #tpu.memory_space<hbm>> -> memref<20000x64xf32, #tpu.memory_space<hbm>>
      tpu.wait_indirect_dma semaphore(%arg14 : memref<!tpu.dma_semaphore, #tpu.memory_space<semaphore_mem>>) src(%dma_wait3A_217 : memref<20000x64xf32, #tpu.memory_space<hbm>>) dst(%dma_wait3A_211 : memref<125x64xf32, #tpu.memory_space<vmem>>)
      %run_scoped3A_218 = arith.constant 3 : i32
      "tpu.region"() ({
        %run_scoped3A_232 = tpu.sem_alloc : memref<!tpu.dma_semaphore, #tpu.memory_space<semaphore_mem>>
        %dma_start3A_233 = arith.constant 0 : i32
        %dma_start3A_234 = arith.constant 0 : i32
        %dma_start3A_235 = tpu.memref_slice %arg9[%run_scoped3A_218, %dma_start3A_233, %dma_start3A_234] : memref<4x125x64xf32, #tpu.memory_space<vmem>> -> memref<1x125x64xf32, #tpu.memory_space<vmem>>
        %dma_start3A_236 = tpu.memref_squeeze %dma_start3A_235 : memref<1x125x64xf32, #tpu.memory_space<vmem>> -> memref<125x64xf32, #tpu.memory_space<vmem>>
        %dma_start3A_237 = arith.constant 0 : i32
        %dma_start3A_238 = tpu.memref_slice %arg8[%add3A_206, %dma_start3A_237] : memref<160x125xi32, #tpu.memory_space<vmem>> -> memref<1x125xi32, #tpu.memory_space<vmem>>
        %dma_start3A_239 = tpu.memref_squeeze %dma_start3A_238 : memref<1x125xi32, #tpu.memory_space<vmem>> -> memref<125xi32, #tpu.memory_space<vmem>>
        %dma_start3A_240 = arith.constant 0 : i32
        %dma_start3A_241 = arith.constant 0 : i32
        %dma_start3A_242 = tpu.memref_slice %arg10[%dma_start3A_240, %dma_start3A_241] : memref<10240x64xf32, #tpu.memory_space<vmem_shared>> -> memref<10240x64xf32, #tpu.memory_space<vmem_shared>>
        tpu.enqueue_indirect_dma source(%dma_start3A_236 : memref<125x64xf32, #tpu.memory_space<vmem>>) target(%dma_start3A_242 : memref<10240x64xf32, #tpu.memory_space<vmem_shared>>) offsets(%dma_start3A_239 : memref<125xi32, #tpu.memory_space<vmem>>) semaphore(%run_scoped3A_232 : memref<!tpu.dma_semaphore, #tpu.memory_space<semaphore_mem>>) {add = true}
        %dma_wait3A_243 = arith.constant 0 : i32
        %dma_wait3A_244 = arith.constant 0 : i32
        %dma_wait3A_245 = tpu.memref_slice %arg9[%run_scoped3A_218, %dma_wait3A_243, %dma_wait3A_244] : memref<4x125x64xf32, #tpu.memory_space<vmem>> -> memref<1x125x64xf32, #tpu.memory_space<vmem>>
        %dma_wait3A_246 = tpu.memref_squeeze %dma_wait3A_245 : memref<1x125x64xf32, #tpu.memory_space<vmem>> -> memref<125x64xf32, #tpu.memory_space<vmem>>
        %dma_wait3A_247 = arith.constant 0 : i32
        %dma_wait3A_248 = tpu.memref_slice %arg8[%add3A_206, %dma_wait3A_247] : memref<160x125xi32, #tpu.memory_space<vmem>> -> memref<1x125xi32, #tpu.memory_space<vmem>>
        %dma_wait3A_249 = tpu.memref_squeeze %dma_wait3A_248 : memref<1x125xi32, #tpu.memory_space<vmem>> -> memref<125xi32, #tpu.memory_space<vmem>>
        %dma_wait3A_250 = arith.constant 0 : i32
        %dma_wait3A_251 = arith.constant 0 : i32
        %dma_wait3A_252 = tpu.memref_slice %arg10[%dma_wait3A_250, %dma_wait3A_251] : memref<10240x64xf32, #tpu.memory_space<vmem_shared>> -> memref<10240x64xf32, #tpu.memory_space<vmem_shared>>
        tpu.wait_indirect_dma semaphore(%run_scoped3A_232 : memref<!tpu.dma_semaphore, #tpu.memory_space<semaphore_mem>>) src(%dma_wait3A_246 : memref<125x64xf32, #tpu.memory_space<vmem>>) dst(%dma_wait3A_252 : memref<10240x64xf32, #tpu.memory_space<vmem_shared>>)
        tpu.yield
      }) : () -> ()
      %add3A_219 = arith.constant 4 : i32
      %add3A_220 = arith.addi %add3A_206, %add3A_219 : i32
      %dma_start3A_221 = arith.constant 3 : i32
      %dma_start3A_222 = arith.constant 0 : i32
      %dma_start3A_223 = arith.constant 0 : i32
      %dma_start3A_224 = tpu.memref_slice %arg9[%dma_start3A_221, %dma_start3A_222, %dma_start3A_223] : memref<4x125x64xf32, #tpu.memory_space<vmem>> -> memref<1x125x64xf32, #tpu.memory_space<vmem>>
      %dma_start3A_225 = tpu.memref_squeeze %dma_start3A_224 : memref<1x125x64xf32, #tpu.memory_space<vmem>> -> memref<125x64xf32, #tpu.memory_space<vmem>>
      %dma_start3A_226 = arith.constant 0 : i32
      %dma_start3A_227 = tpu.memref_slice %arg7[%add3A_220, %dma_start3A_226] : memref<160x125xi32, #tpu.memory_space<vmem>> -> memref<1x125xi32, #tpu.memory_space<vmem>>
      %dma_start3A_228 = tpu.memref_squeeze %dma_start3A_227 : memref<1x125xi32, #tpu.memory_space<vmem>> -> memref<125xi32, #tpu.memory_space<vmem>>
      %dma_start3A_229 = arith.constant 0 : i32
      %dma_start3A_230 = arith.constant 0 : i32
      %dma_start3A_231 = tpu.memref_slice %arg2[%dma_start3A_229, %dma_start3A_230] : memref<20000x64xf32, #tpu.memory_space<hbm>> -> memref<20000x64xf32, #tpu.memory_space<hbm>>
      tpu.enqueue_indirect_dma source(%dma_start3A_231 : memref<20000x64xf32, #tpu.memory_space<hbm>>) target(%dma_start3A_225 : memref<125x64xf32, #tpu.memory_space<vmem>>) offsets(%dma_start3A_228 : memref<125xi32, #tpu.memory_space<vmem>>) semaphore(%arg14 : memref<!tpu.dma_semaphore, #tpu.memory_space<semaphore_mem>>)
    }
    %scan3A_56 = arith.constant 39 : i32
    %dma_wait3A = arith.constant 156 : i32
    %dma_wait3A_57 = arith.constant 0 : i32
    %dma_wait3A_58 = arith.constant 0 : i32
    %dma_wait3A_59 = arith.constant 0 : i32
    %dma_wait3A_60 = tpu.memref_slice %arg9[%dma_wait3A_57, %dma_wait3A_58, %dma_wait3A_59] : memref<4x125x64xf32, #tpu.memory_space<vmem>> -> memref<1x125x64xf32, #tpu.memory_space<vmem>>
    %dma_wait3A_61 = tpu.memref_squeeze %dma_wait3A_60 : memref<1x125x64xf32, #tpu.memory_space<vmem>> -> memref<125x64xf32, #tpu.memory_space<vmem>>
    %dma_wait3A_62 = arith.constant 0 : i32
    %dma_wait3A_63 = tpu.memref_slice %arg7[%dma_wait3A, %dma_wait3A_62] : memref<160x125xi32, #tpu.memory_space<vmem>> -> memref<1x125xi32, #tpu.memory_space<vmem>>
    %dma_wait3A_64 = tpu.memref_squeeze %dma_wait3A_63 : memref<1x125xi32, #tpu.memory_space<vmem>> -> memref<125xi32, #tpu.memory_space<vmem>>
    %dma_wait3A_65 = arith.constant 0 : i32
    %dma_wait3A_66 = arith.constant 0 : i32
    %dma_wait3A_67 = tpu.memref_slice %arg2[%dma_wait3A_65, %dma_wait3A_66] : memref<20000x64xf32, #tpu.memory_space<hbm>> -> memref<20000x64xf32, #tpu.memory_space<hbm>>
    tpu.wait_indirect_dma semaphore(%arg11 : memref<!tpu.dma_semaphore, #tpu.memory_space<semaphore_mem>>) src(%dma_wait3A_67 : memref<20000x64xf32, #tpu.memory_space<hbm>>) dst(%dma_wait3A_61 : memref<125x64xf32, #tpu.memory_space<vmem>>)
    %run_scoped3A = arith.constant 0 : i32
    %run_scoped3A_68 = arith.constant 156 : i32
    "tpu.region"() ({
      %run_scoped3A_116 = tpu.sem_alloc : memref<!tpu.dma_semaphore, #tpu.memory_space<semaphore_mem>>
      %dma_start3A_117 = arith.constant 0 : i32
      %dma_start3A_118 = arith.constant 0 : i32
      %dma_start3A_119 = tpu.memref_slice %arg9[%run_scoped3A, %dma_start3A_117, %dma_start3A_118] : memref<4x125x64xf32, #tpu.memory_space<vmem>> -> memref<1x125x64xf32, #tpu.memory_space<vmem>>
      %dma_start3A_120 = tpu.memref_squeeze %dma_start3A_119 : memref<1x125x64xf32, #tpu.memory_space<vmem>> -> memref<125x64xf32, #tpu.memory_space<vmem>>
      %dma_start3A_121 = arith.constant 0 : i32
      %dma_start3A_122 = tpu.memref_slice %arg8[%run_scoped3A_68, %dma_start3A_121] : memref<160x125xi32, #tpu.memory_space<vmem>> -> memref<1x125xi32, #tpu.memory_space<vmem>>
      %dma_start3A_123 = tpu.memref_squeeze %dma_start3A_122 : memref<1x125xi32, #tpu.memory_space<vmem>> -> memref<125xi32, #tpu.memory_space<vmem>>
      %dma_start3A_124 = arith.constant 0 : i32
      %dma_start3A_125 = arith.constant 0 : i32
      %dma_start3A_126 = tpu.memref_slice %arg10[%dma_start3A_124, %dma_start3A_125] : memref<10240x64xf32, #tpu.memory_space<vmem_shared>> -> memref<10240x64xf32, #tpu.memory_space<vmem_shared>>
      tpu.enqueue_indirect_dma source(%dma_start3A_120 : memref<125x64xf32, #tpu.memory_space<vmem>>) target(%dma_start3A_126 : memref<10240x64xf32, #tpu.memory_space<vmem_shared>>) offsets(%dma_start3A_123 : memref<125xi32, #tpu.memory_space<vmem>>) semaphore(%run_scoped3A_116 : memref<!tpu.dma_semaphore, #tpu.memory_space<semaphore_mem>>) {add = true}
      %dma_wait3A_127 = arith.constant 0 : i32
      %dma_wait3A_128 = arith.constant 0 : i32
      %dma_wait3A_129 = tpu.memref_slice %arg9[%run_scoped3A, %dma_wait3A_127, %dma_wait3A_128] : memref<4x125x64xf32, #tpu.memory_space<vmem>> -> memref<1x125x64xf32, #tpu.memory_space<vmem>>
      %dma_wait3A_130 = tpu.memref_squeeze %dma_wait3A_129 : memref<1x125x64xf32, #tpu.memory_space<vmem>> -> memref<125x64xf32, #tpu.memory_space<vmem>>
      %dma_wait3A_131 = arith.constant 0 : i32
      %dma_wait3A_132 = tpu.memref_slice %arg8[%run_scoped3A_68, %dma_wait3A_131] : memref<160x125xi32, #tpu.memory_space<vmem>> -> memref<1x125xi32, #tpu.memory_space<vmem>>
      %dma_wait3A_133 = tpu.memref_squeeze %dma_wait3A_132 : memref<1x125xi32, #tpu.memory_space<vmem>> -> memref<125xi32, #tpu.memory_space<vmem>>
      %dma_wait3A_134 = arith.constant 0 : i32
      %dma_wait3A_135 = arith.constant 0 : i32
      %dma_wait3A_136 = tpu.memref_slice %arg10[%dma_wait3A_134, %dma_wait3A_135] : memref<10240x64xf32, #tpu.memory_space<vmem_shared>> -> memref<10240x64xf32, #tpu.memory_space<vmem_shared>>
      tpu.wait_indirect_dma semaphore(%run_scoped3A_116 : memref<!tpu.dma_semaphore, #tpu.memory_space<semaphore_mem>>) src(%dma_wait3A_130 : memref<125x64xf32, #tpu.memory_space<vmem>>) dst(%dma_wait3A_136 : memref<10240x64xf32, #tpu.memory_space<vmem_shared>>)
      tpu.yield
    }) : () -> ()
    %dma_wait3A_69 = arith.constant 157 : i32
    %dma_wait3A_70 = arith.constant 1 : i32
    %dma_wait3A_71 = arith.constant 0 : i32
    %dma_wait3A_72 = arith.constant 0 : i32
    %dma_wait3A_73 = tpu.memref_slice %arg9[%dma_wait3A_70, %dma_wait3A_71, %dma_wait3A_72] : memref<4x125x64xf32, #tpu.memory_space<vmem>> -> memref<1x125x64xf32, #tpu.memory_space<vmem>>
    %dma_wait3A_74 = tpu.memref_squeeze %dma_wait3A_73 : memref<1x125x64xf32, #tpu.memory_space<vmem>> -> memref<125x64xf32, #tpu.memory_space<vmem>>
    %dma_wait3A_75 = arith.constant 0 : i32
    %dma_wait3A_76 = tpu.memref_slice %arg7[%dma_wait3A_69, %dma_wait3A_75] : memref<160x125xi32, #tpu.memory_space<vmem>> -> memref<1x125xi32, #tpu.memory_space<vmem>>
    %dma_wait3A_77 = tpu.memref_squeeze %dma_wait3A_76 : memref<1x125xi32, #tpu.memory_space<vmem>> -> memref<125xi32, #tpu.memory_space<vmem>>
    %dma_wait3A_78 = arith.constant 0 : i32
    %dma_wait3A_79 = arith.constant 0 : i32
    %dma_wait3A_80 = tpu.memref_slice %arg2[%dma_wait3A_78, %dma_wait3A_79] : memref<20000x64xf32, #tpu.memory_space<hbm>> -> memref<20000x64xf32, #tpu.memory_space<hbm>>
    tpu.wait_indirect_dma semaphore(%arg12 : memref<!tpu.dma_semaphore, #tpu.memory_space<semaphore_mem>>) src(%dma_wait3A_80 : memref<20000x64xf32, #tpu.memory_space<hbm>>) dst(%dma_wait3A_74 : memref<125x64xf32, #tpu.memory_space<vmem>>)
    %run_scoped3A_81 = arith.constant 1 : i32
    %run_scoped3A_82 = arith.constant 157 : i32
    "tpu.region"() ({
      %run_scoped3A_116 = tpu.sem_alloc : memref<!tpu.dma_semaphore, #tpu.memory_space<semaphore_mem>>
      %dma_start3A_117 = arith.constant 0 : i32
      %dma_start3A_118 = arith.constant 0 : i32
      %dma_start3A_119 = tpu.memref_slice %arg9[%run_scoped3A_81, %dma_start3A_117, %dma_start3A_118] : memref<4x125x64xf32, #tpu.memory_space<vmem>> -> memref<1x125x64xf32, #tpu.memory_space<vmem>>
      %dma_start3A_120 = tpu.memref_squeeze %dma_start3A_119 : memref<1x125x64xf32, #tpu.memory_space<vmem>> -> memref<125x64xf32, #tpu.memory_space<vmem>>
      %dma_start3A_121 = arith.constant 0 : i32
      %dma_start3A_122 = tpu.memref_slice %arg8[%run_scoped3A_82, %dma_start3A_121] : memref<160x125xi32, #tpu.memory_space<vmem>> -> memref<1x125xi32, #tpu.memory_space<vmem>>
      %dma_start3A_123 = tpu.memref_squeeze %dma_start3A_122 : memref<1x125xi32, #tpu.memory_space<vmem>> -> memref<125xi32, #tpu.memory_space<vmem>>
      %dma_start3A_124 = arith.constant 0 : i32
      %dma_start3A_125 = arith.constant 0 : i32
      %dma_start3A_126 = tpu.memref_slice %arg10[%dma_start3A_124, %dma_start3A_125] : memref<10240x64xf32, #tpu.memory_space<vmem_shared>> -> memref<10240x64xf32, #tpu.memory_space<vmem_shared>>
      tpu.enqueue_indirect_dma source(%dma_start3A_120 : memref<125x64xf32, #tpu.memory_space<vmem>>) target(%dma_start3A_126 : memref<10240x64xf32, #tpu.memory_space<vmem_shared>>) offsets(%dma_start3A_123 : memref<125xi32, #tpu.memory_space<vmem>>) semaphore(%run_scoped3A_116 : memref<!tpu.dma_semaphore, #tpu.memory_space<semaphore_mem>>) {add = true}
      %dma_wait3A_127 = arith.constant 0 : i32
      %dma_wait3A_128 = arith.constant 0 : i32
      %dma_wait3A_129 = tpu.memref_slice %arg9[%run_scoped3A_81, %dma_wait3A_127, %dma_wait3A_128] : memref<4x125x64xf32, #tpu.memory_space<vmem>> -> memref<1x125x64xf32, #tpu.memory_space<vmem>>
      %dma_wait3A_130 = tpu.memref_squeeze %dma_wait3A_129 : memref<1x125x64xf32, #tpu.memory_space<vmem>> -> memref<125x64xf32, #tpu.memory_space<vmem>>
      %dma_wait3A_131 = arith.constant 0 : i32
      %dma_wait3A_132 = tpu.memref_slice %arg8[%run_scoped3A_82, %dma_wait3A_131] : memref<160x125xi32, #tpu.memory_space<vmem>> -> memref<1x125xi32, #tpu.memory_space<vmem>>
      %dma_wait3A_133 = tpu.memref_squeeze %dma_wait3A_132 : memref<1x125xi32, #tpu.memory_space<vmem>> -> memref<125xi32, #tpu.memory_space<vmem>>
      %dma_wait3A_134 = arith.constant 0 : i32
      %dma_wait3A_135 = arith.constant 0 : i32
      %dma_wait3A_136 = tpu.memref_slice %arg10[%dma_wait3A_134, %dma_wait3A_135] : memref<10240x64xf32, #tpu.memory_space<vmem_shared>> -> memref<10240x64xf32, #tpu.memory_space<vmem_shared>>
      tpu.wait_indirect_dma semaphore(%run_scoped3A_116 : memref<!tpu.dma_semaphore, #tpu.memory_space<semaphore_mem>>) src(%dma_wait3A_130 : memref<125x64xf32, #tpu.memory_space<vmem>>) dst(%dma_wait3A_136 : memref<10240x64xf32, #tpu.memory_space<vmem_shared>>)
      tpu.yield
    }) : () -> ()
    %dma_wait3A_83 = arith.constant 158 : i32
    %dma_wait3A_84 = arith.constant 2 : i32
    %dma_wait3A_85 = arith.constant 0 : i32
    %dma_wait3A_86 = arith.constant 0 : i32
    %dma_wait3A_87 = tpu.memref_slice %arg9[%dma_wait3A_84, %dma_wait3A_85, %dma_wait3A_86] : memref<4x125x64xf32, #tpu.memory_space<vmem>> -> memref<1x125x64xf32, #tpu.memory_space<vmem>>
    %dma_wait3A_88 = tpu.memref_squeeze %dma_wait3A_87 : memref<1x125x64xf32, #tpu.memory_space<vmem>> -> memref<125x64xf32, #tpu.memory_space<vmem>>
    %dma_wait3A_89 = arith.constant 0 : i32
    %dma_wait3A_90 = tpu.memref_slice %arg7[%dma_wait3A_83, %dma_wait3A_89] : memref<160x125xi32, #tpu.memory_space<vmem>> -> memref<1x125xi32, #tpu.memory_space<vmem>>
    %dma_wait3A_91 = tpu.memref_squeeze %dma_wait3A_90 : memref<1x125xi32, #tpu.memory_space<vmem>> -> memref<125xi32, #tpu.memory_space<vmem>>
    %dma_wait3A_92 = arith.constant 0 : i32
    %dma_wait3A_93 = arith.constant 0 : i32
    %dma_wait3A_94 = tpu.memref_slice %arg2[%dma_wait3A_92, %dma_wait3A_93] : memref<20000x64xf32, #tpu.memory_space<hbm>> -> memref<20000x64xf32, #tpu.memory_space<hbm>>
    tpu.wait_indirect_dma semaphore(%arg13 : memref<!tpu.dma_semaphore, #tpu.memory_space<semaphore_mem>>) src(%dma_wait3A_94 : memref<20000x64xf32, #tpu.memory_space<hbm>>) dst(%dma_wait3A_88 : memref<125x64xf32, #tpu.memory_space<vmem>>)
    %run_scoped3A_95 = arith.constant 2 : i32
    %run_scoped3A_96 = arith.constant 158 : i32
    "tpu.region"() ({
      %run_scoped3A_116 = tpu.sem_alloc : memref<!tpu.dma_semaphore, #tpu.memory_space<semaphore_mem>>
      %dma_start3A_117 = arith.constant 0 : i32
      %dma_start3A_118 = arith.constant 0 : i32
      %dma_start3A_119 = tpu.memref_slice %arg9[%run_scoped3A_95, %dma_start3A_117, %dma_start3A_118] : memref<4x125x64xf32, #tpu.memory_space<vmem>> -> memref<1x125x64xf32, #tpu.memory_space<vmem>>
      %dma_start3A_120 = tpu.memref_squeeze %dma_start3A_119 : memref<1x125x64xf32, #tpu.memory_space<vmem>> -> memref<125x64xf32, #tpu.memory_space<vmem>>
      %dma_start3A_121 = arith.constant 0 : i32
      %dma_start3A_122 = tpu.memref_slice %arg8[%run_scoped3A_96, %dma_start3A_121] : memref<160x125xi32, #tpu.memory_space<vmem>> -> memref<1x125xi32, #tpu.memory_space<vmem>>
      %dma_start3A_123 = tpu.memref_squeeze %dma_start3A_122 : memref<1x125xi32, #tpu.memory_space<vmem>> -> memref<125xi32, #tpu.memory_space<vmem>>
      %dma_start3A_124 = arith.constant 0 : i32
      %dma_start3A_125 = arith.constant 0 : i32
      %dma_start3A_126 = tpu.memref_slice %arg10[%dma_start3A_124, %dma_start3A_125] : memref<10240x64xf32, #tpu.memory_space<vmem_shared>> -> memref<10240x64xf32, #tpu.memory_space<vmem_shared>>
      tpu.enqueue_indirect_dma source(%dma_start3A_120 : memref<125x64xf32, #tpu.memory_space<vmem>>) target(%dma_start3A_126 : memref<10240x64xf32, #tpu.memory_space<vmem_shared>>) offsets(%dma_start3A_123 : memref<125xi32, #tpu.memory_space<vmem>>) semaphore(%run_scoped3A_116 : memref<!tpu.dma_semaphore, #tpu.memory_space<semaphore_mem>>) {add = true}
      %dma_wait3A_127 = arith.constant 0 : i32
      %dma_wait3A_128 = arith.constant 0 : i32
      %dma_wait3A_129 = tpu.memref_slice %arg9[%run_scoped3A_95, %dma_wait3A_127, %dma_wait3A_128] : memref<4x125x64xf32, #tpu.memory_space<vmem>> -> memref<1x125x64xf32, #tpu.memory_space<vmem>>
      %dma_wait3A_130 = tpu.memref_squeeze %dma_wait3A_129 : memref<1x125x64xf32, #tpu.memory_space<vmem>> -> memref<125x64xf32, #tpu.memory_space<vmem>>
      %dma_wait3A_131 = arith.constant 0 : i32
      %dma_wait3A_132 = tpu.memref_slice %arg8[%run_scoped3A_96, %dma_wait3A_131] : memref<160x125xi32, #tpu.memory_space<vmem>> -> memref<1x125xi32, #tpu.memory_space<vmem>>
      %dma_wait3A_133 = tpu.memref_squeeze %dma_wait3A_132 : memref<1x125xi32, #tpu.memory_space<vmem>> -> memref<125xi32, #tpu.memory_space<vmem>>
      %dma_wait3A_134 = arith.constant 0 : i32
      %dma_wait3A_135 = arith.constant 0 : i32
      %dma_wait3A_136 = tpu.memref_slice %arg10[%dma_wait3A_134, %dma_wait3A_135] : memref<10240x64xf32, #tpu.memory_space<vmem_shared>> -> memref<10240x64xf32, #tpu.memory_space<vmem_shared>>
      tpu.wait_indirect_dma semaphore(%run_scoped3A_116 : memref<!tpu.dma_semaphore, #tpu.memory_space<semaphore_mem>>) src(%dma_wait3A_130 : memref<125x64xf32, #tpu.memory_space<vmem>>) dst(%dma_wait3A_136 : memref<10240x64xf32, #tpu.memory_space<vmem_shared>>)
      tpu.yield
    }) : () -> ()
    %dma_wait3A_97 = arith.constant 159 : i32
    %dma_wait3A_98 = arith.constant 3 : i32
    %dma_wait3A_99 = arith.constant 0 : i32
    %dma_wait3A_100 = arith.constant 0 : i32
    %dma_wait3A_101 = tpu.memref_slice %arg9[%dma_wait3A_98, %dma_wait3A_99, %dma_wait3A_100] : memref<4x125x64xf32, #tpu.memory_space<vmem>> -> memref<1x125x64xf32, #tpu.memory_space<vmem>>
    %dma_wait3A_102 = tpu.memref_squeeze %dma_wait3A_101 : memref<1x125x64xf32, #tpu.memory_space<vmem>> -> memref<125x64xf32, #tpu.memory_space<vmem>>
    %dma_wait3A_103 = arith.constant 0 : i32
    %dma_wait3A_104 = tpu.memref_slice %arg7[%dma_wait3A_97, %dma_wait3A_103] : memref<160x125xi32, #tpu.memory_space<vmem>> -> memref<1x125xi32, #tpu.memory_space<vmem>>
    %dma_wait3A_105 = tpu.memref_squeeze %dma_wait3A_104 : memref<1x125xi32, #tpu.memory_space<vmem>> -> memref<125xi32, #tpu.memory_space<vmem>>
    %dma_wait3A_106 = arith.constant 0 : i32
    %dma_wait3A_107 = arith.constant 0 : i32
    %dma_wait3A_108 = tpu.memref_slice %arg2[%dma_wait3A_106, %dma_wait3A_107] : memref<20000x64xf32, #tpu.memory_space<hbm>> -> memref<20000x64xf32, #tpu.memory_space<hbm>>
    tpu.wait_indirect_dma semaphore(%arg14 : memref<!tpu.dma_semaphore, #tpu.memory_space<semaphore_mem>>) src(%dma_wait3A_108 : memref<20000x64xf32, #tpu.memory_space<hbm>>) dst(%dma_wait3A_102 : memref<125x64xf32, #tpu.memory_space<vmem>>)
    %run_scoped3A_109 = arith.constant 3 : i32
    %run_scoped3A_110 = arith.constant 159 : i32
    "tpu.region"() ({
      %run_scoped3A_116 = tpu.sem_alloc : memref<!tpu.dma_semaphore, #tpu.memory_space<semaphore_mem>>
      %dma_start3A_117 = arith.constant 0 : i32
      %dma_start3A_118 = arith.constant 0 : i32
      %dma_start3A_119 = tpu.memref_slice %arg9[%run_scoped3A_109, %dma_start3A_117, %dma_start3A_118] : memref<4x125x64xf32, #tpu.memory_space<vmem>> -> memref<1x125x64xf32, #tpu.memory_space<vmem>>
      %dma_start3A_120 = tpu.memref_squeeze %dma_start3A_119 : memref<1x125x64xf32, #tpu.memory_space<vmem>> -> memref<125x64xf32, #tpu.memory_space<vmem>>
      %dma_start3A_121 = arith.constant 0 : i32
      %dma_start3A_122 = tpu.memref_slice %arg8[%run_scoped3A_110, %dma_start3A_121] : memref<160x125xi32, #tpu.memory_space<vmem>> -> memref<1x125xi32, #tpu.memory_space<vmem>>
      %dma_start3A_123 = tpu.memref_squeeze %dma_start3A_122 : memref<1x125xi32, #tpu.memory_space<vmem>> -> memref<125xi32, #tpu.memory_space<vmem>>
      %dma_start3A_124 = arith.constant 0 : i32
      %dma_start3A_125 = arith.constant 0 : i32
      %dma_start3A_126 = tpu.memref_slice %arg10[%dma_start3A_124, %dma_start3A_125] : memref<10240x64xf32, #tpu.memory_space<vmem_shared>> -> memref<10240x64xf32, #tpu.memory_space<vmem_shared>>
      tpu.enqueue_indirect_dma source(%dma_start3A_120 : memref<125x64xf32, #tpu.memory_space<vmem>>) target(%dma_start3A_126 : memref<10240x64xf32, #tpu.memory_space<vmem_shared>>) offsets(%dma_start3A_123 : memref<125xi32, #tpu.memory_space<vmem>>) semaphore(%run_scoped3A_116 : memref<!tpu.dma_semaphore, #tpu.memory_space<semaphore_mem>>) {add = true}
      %dma_wait3A_127 = arith.constant 0 : i32
      %dma_wait3A_128 = arith.constant 0 : i32
      %dma_wait3A_129 = tpu.memref_slice %arg9[%run_scoped3A_109, %dma_wait3A_127, %dma_wait3A_128] : memref<4x125x64xf32, #tpu.memory_space<vmem>> -> memref<1x125x64xf32, #tpu.memory_space<vmem>>
      %dma_wait3A_130 = tpu.memref_squeeze %dma_wait3A_129 : memref<1x125x64xf32, #tpu.memory_space<vmem>> -> memref<125x64xf32, #tpu.memory_space<vmem>>
      %dma_wait3A_131 = arith.constant 0 : i32
      %dma_wait3A_132 = tpu.memref_slice %arg8[%run_scoped3A_110, %dma_wait3A_131] : memref<160x125xi32, #tpu.memory_space<vmem>> -> memref<1x125xi32, #tpu.memory_space<vmem>>
      %dma_wait3A_133 = tpu.memref_squeeze %dma_wait3A_132 : memref<1x125xi32, #tpu.memory_space<vmem>> -> memref<125xi32, #tpu.memory_space<vmem>>
      %dma_wait3A_134 = arith.constant 0 : i32
      %dma_wait3A_135 = arith.constant 0 : i32
      %dma_wait3A_136 = tpu.memref_slice %arg10[%dma_wait3A_134, %dma_wait3A_135] : memref<10240x64xf32, #tpu.memory_space<vmem_shared>> -> memref<10240x64xf32, #tpu.memory_space<vmem_shared>>
      tpu.wait_indirect_dma semaphore(%run_scoped3A_116 : memref<!tpu.dma_semaphore, #tpu.memory_space<semaphore_mem>>) src(%dma_wait3A_130 : memref<125x64xf32, #tpu.memory_space<vmem>>) dst(%dma_wait3A_136 : memref<10240x64xf32, #tpu.memory_space<vmem_shared>>)
      tpu.yield
    }) : () -> ()
    %barrier3A_111 = arith.constant 0 : index
    tpu.barrier barrier_id(%barrier3A_111)
    %mul3A_112 = arith.constant 640 : i32
    %mul3A_113 = arith.muli %arg1, %mul3A_112 : i32
    %mul3A_114 = arith.constant 640 : i32
    %mul3A_115 = arith.muli %arg1, %mul3A_114 : i32
    "tpu.region"() ({
      %run_scoped3A_116 = tpu.sem_alloc : memref<!tpu.dma_semaphore, #tpu.memory_space<semaphore_mem>>
      %dma_start3A_117 = arith.constant 0 : i32
      %dma_start3A_118 = tpu.memref_slice %arg6[%arg0, %mul3A_115, %dma_start3A_117] : memref<2x10240x64xf32, #tpu.memory_space<hbm>> -> memref<1x640x64xf32, #tpu.memory_space<hbm>>
      %dma_start3A_119 = tpu.memref_squeeze %dma_start3A_118 : memref<1x640x64xf32, #tpu.memory_space<hbm>> -> memref<640x64xf32, #tpu.memory_space<hbm>>
      %dma_start3A_120 = arith.constant 0 : i32
      %dma_start3A_121 = tpu.memref_slice %arg10[%mul3A_113, %dma_start3A_120] : memref<10240x64xf32, #tpu.memory_space<vmem_shared>> -> memref<640x64xf32, #tpu.memory_space<vmem_shared>>
      tpu.enqueue_dma source(%dma_start3A_121 : memref<640x64xf32, #tpu.memory_space<vmem_shared>>) target(%dma_start3A_119 : memref<640x64xf32, #tpu.memory_space<hbm>>) target_semaphore(%run_scoped3A_116 : memref<!tpu.dma_semaphore, #tpu.memory_space<semaphore_mem>>)
      %dma_wait3A_122 = arith.constant 0 : i32
      %dma_wait3A_123 = tpu.memref_slice %arg6[%arg0, %mul3A_115, %dma_wait3A_122] : memref<2x10240x64xf32, #tpu.memory_space<hbm>> -> memref<1x640x64xf32, #tpu.memory_space<hbm>>
      %dma_wait3A_124 = tpu.memref_squeeze %dma_wait3A_123 : memref<1x640x64xf32, #tpu.memory_space<hbm>> -> memref<640x64xf32, #tpu.memory_space<hbm>>
      %dma_wait3A_125 = arith.constant 0 : i32
      %dma_wait3A_126 = tpu.memref_slice %arg10[%mul3A_113, %dma_wait3A_125] : memref<10240x64xf32, #tpu.memory_space<vmem_shared>> -> memref<640x64xf32, #tpu.memory_space<vmem_shared>>
      tpu.wait_dma2 semaphore(%run_scoped3A_116 : memref<!tpu.dma_semaphore, #tpu.memory_space<semaphore_mem>>) src(%dma_wait3A_126 : memref<640x64xf32, #tpu.memory_space<vmem_shared>>) dst(%dma_wait3A_124 : memref<640x64xf32, #tpu.memory_space<hbm>>)
      tpu.yield
    }) : () -> ()
    return
  }
}

#map = affine_map<(d0, d1) -> (0, 0)>
#map1 = affine_map<(d0, d1) -> (0, 0, 0)>
module attributes {stable_mosaic.version = 14 : i64} {
  func.func @agg_kernel(%arg0: i32, %arg1: i32, %arg2: memref<20000x64xf32, #tpu.memory_space<hbm>>, %arg3: memref<2x2560x125xi32, #tpu.memory_space<hbm>>, %arg4: memref<2560x125xi32, #tpu.memory_space<hbm>>, %arg5: memref<640x64xf32, #tpu.memory_space<hbm>>, %arg6: memref<2x10240x64xf32, #tpu.memory_space<hbm>>, %arg7: memref<160x125xi32, #tpu.memory_space<vmem>>, %arg8: memref<160x125xi32, #tpu.memory_space<vmem>>, %arg9: memref<4x125x64xf32, #tpu.memory_space<vmem>>, %arg10: memref<10240x64xf32, #tpu.memory_space<vmem_shared>>, %arg11: memref<!tpu.dma_semaphore, #tpu.memory_space<semaphore_mem>>, %arg12: memref<!tpu.dma_semaphore, #tpu.memory_space<semaphore_mem>>, %arg13: memref<!tpu.dma_semaphore, #tpu.memory_space<semaphore_mem>>, %arg14: memref<!tpu.dma_semaphore, #tpu.memory_space<semaphore_mem>>) attributes {dimension_semantics = [#tpu.dimension_semantics<core_parallel>, #tpu.dimension_semantics<subcore_parallel>], iteration_bounds = array<i64: 2, 16>, scalar_prefetch = 0 : i64, scratch_operands = 8 : i64, tpu.core_type = #tpu.core_type<sc_vector_subcore>, window_params = [{transform_indices = #map}, {transform_indices = #map1}, {transform_indices = #map}, {transform_indices = #map}, {transform_indices = #map1}]} {
    %mul3A = arith.constant 640 : i32
    %mul3A_0 = arith.muli %arg1, %mul3A : i32
    "tpu.region"() ({
      %run_scoped3A_116 = tpu.sem_alloc : memref<!tpu.dma_semaphore, #tpu.memory_space<semaphore_mem>>
      %dma_start3A_117 = arith.constant 0 : i32
      %dma_start3A_118 = tpu.memref_slice %arg10[%mul3A_0, %dma_start3A_117] : memref<10240x64xf32, #tpu.memory_space<vmem_shared>> -> memref<640x64xf32, #tpu.memory_space<vmem_shared>>
      tpu.enqueue_dma source(%arg5 : memref<640x64xf32, #tpu.memory_space<hbm>>) target(%dma_start3A_118 : memref<640x64xf32, #tpu.memory_space<vmem_shared>>) target_semaphore(%run_scoped3A_116 : memref<!tpu.dma_semaphore, #tpu.memory_space<semaphore_mem>>)
      %dma_wait3A_119 = arith.constant 0 : i32
      %dma_wait3A_120 = tpu.memref_slice %arg10[%mul3A_0, %dma_wait3A_119] : memref<10240x64xf32, #tpu.memory_space<vmem_shared>> -> memref<640x64xf32, #tpu.memory_space<vmem_shared>>
      tpu.wait_dma2 semaphore(%run_scoped3A_116 : memref<!tpu.dma_semaphore, #tpu.memory_space<semaphore_mem>>) src(%arg5 : memref<640x64xf32, #tpu.memory_space<hbm>>) dst(%dma_wait3A_120 : memref<640x64xf32, #tpu.memory_space<vmem_shared>>)
      tpu.yield
    }) : () -> ()
    %mul3A_1 = arith.constant 160 : i32
    %mul3A_2 = arith.muli %arg1, %mul3A_1 : i32
    "tpu.region"() ({
      %run_scoped3A_116 = tpu.sem_alloc : memref<!tpu.dma_semaphore, #tpu.memory_space<semaphore_mem>>
      %dma_start3A_117 = arith.constant 0 : i32
      %dma_start3A_118 = tpu.memref_slice %arg3[%arg0, %mul3A_2, %dma_start3A_117] : memref<2x2560x125xi32, #tpu.memory_space<hbm>> -> memref<1x160x125xi32, #tpu.memory_space<hbm>>
      %dma_start3A_119 = tpu.memref_squeeze %dma_start3A_118 : memref<1x160x125xi32, #tpu.memory_space<hbm>> -> memref<160x125xi32, #tpu.memory_space<hbm>>
      %dma_start3A_120 = arith.constant 0 : i32
      %dma_start3A_121 = tpu.memref_slice %arg3[%arg0, %mul3A_2, %dma_start3A_120] : memref<2x2560x125xi32, #tpu.memory_space<hbm>> -> memref<1x160x125xi32, #tpu.memory_space<hbm>>
      %dma_start3A_122 = tpu.memref_squeeze %dma_start3A_121 : memref<1x160x125xi32, #tpu.memory_space<hbm>> -> memref<160x125xi32, #tpu.memory_space<hbm>>
      tpu.enqueue_dma source(%dma_start3A_122 : memref<160x125xi32, #tpu.memory_space<hbm>>) target(%arg7 : memref<160x125xi32, #tpu.memory_space<vmem>>) target_semaphore(%run_scoped3A_116 : memref<!tpu.dma_semaphore, #tpu.memory_space<semaphore_mem>>)
      %dma_wait3A_123 = arith.constant 0 : i32
      %dma_wait3A_124 = tpu.memref_slice %arg3[%arg0, %mul3A_2, %dma_wait3A_123] : memref<2x2560x125xi32, #tpu.memory_space<hbm>> -> memref<1x160x125xi32, #tpu.memory_space<hbm>>
      %dma_wait3A_125 = tpu.memref_squeeze %dma_wait3A_124 : memref<1x160x125xi32, #tpu.memory_space<hbm>> -> memref<160x125xi32, #tpu.memory_space<hbm>>
      %dma_wait3A_126 = arith.constant 0 : i32
      %dma_wait3A_127 = tpu.memref_slice %arg3[%arg0, %mul3A_2, %dma_wait3A_126] : memref<2x2560x125xi32, #tpu.memory_space<hbm>> -> memref<1x160x125xi32, #tpu.memory_space<hbm>>
      %dma_wait3A_128 = tpu.memref_squeeze %dma_wait3A_127 : memref<1x160x125xi32, #tpu.memory_space<hbm>> -> memref<160x125xi32, #tpu.memory_space<hbm>>
      tpu.wait_dma2 semaphore(%run_scoped3A_116 : memref<!tpu.dma_semaphore, #tpu.memory_space<semaphore_mem>>) src(%dma_wait3A_128 : memref<160x125xi32, #tpu.memory_space<hbm>>) dst(%arg7 : memref<160x125xi32, #tpu.memory_space<vmem>>)
      tpu.yield
    }) : () -> ()
    %mul3A_3 = arith.constant 160 : i32
    %mul3A_4 = arith.muli %arg1, %mul3A_3 : i32
    "tpu.region"() ({
      %run_scoped3A_116 = tpu.sem_alloc : memref<!tpu.dma_semaphore, #tpu.memory_space<semaphore_mem>>
      %dma_start3A_117 = arith.constant 0 : i32
      %dma_start3A_118 = tpu.memref_slice %arg4[%mul3A_4, %dma_start3A_117] : memref<2560x125xi32, #tpu.memory_space<hbm>> -> memref<160x125xi32, #tpu.memory_space<hbm>>
      %dma_start3A_119 = arith.constant 0 : i32
      %dma_start3A_120 = tpu.memref_slice %arg4[%mul3A_4, %dma_start3A_119] : memref<2560x125xi32, #tpu.memory_space<hbm>> -> memref<160x125xi32, #tpu.memory_space<hbm>>
      tpu.enqueue_dma source(%dma_start3A_120 : memref<160x125xi32, #tpu.memory_space<hbm>>) target(%arg8 : memref<160x125xi32, #tpu.memory_space<vmem>>) target_semaphore(%run_scoped3A_116 : memref<!tpu.dma_semaphore, #tpu.memory_space<semaphore_mem>>)
      %dma_wait3A_121 = arith.constant 0 : i32
      %dma_wait3A_122 = tpu.memref_slice %arg4[%mul3A_4, %dma_wait3A_121] : memref<2560x125xi32, #tpu.memory_space<hbm>> -> memref<160x125xi32, #tpu.memory_space<hbm>>
      %dma_wait3A_123 = arith.constant 0 : i32
      %dma_wait3A_124 = tpu.memref_slice %arg4[%mul3A_4, %dma_wait3A_123] : memref<2560x125xi32, #tpu.memory_space<hbm>> -> memref<160x125xi32, #tpu.memory_space<hbm>>
      tpu.wait_dma2 semaphore(%run_scoped3A_116 : memref<!tpu.dma_semaphore, #tpu.memory_space<semaphore_mem>>) src(%dma_wait3A_124 : memref<160x125xi32, #tpu.memory_space<hbm>>) dst(%arg8 : memref<160x125xi32, #tpu.memory_space<vmem>>)
      tpu.yield
    }) : () -> ()
    %barrier3A = arith.constant 0 : index
    tpu.barrier barrier_id(%barrier3A)
    %dma_start3A = arith.constant 0 : i32
    %dma_start3A_5 = arith.constant 0 : i32
    %dma_start3A_6 = arith.constant 0 : i32
    %dma_start3A_7 = arith.constant 0 : i32
    %dma_start3A_8 = tpu.memref_slice %arg9[%dma_start3A_5, %dma_start3A_6, %dma_start3A_7] : memref<4x125x64xf32, #tpu.memory_space<vmem>> -> memref<1x125x64xf32, #tpu.memory_space<vmem>>
    %dma_start3A_9 = tpu.memref_squeeze %dma_start3A_8 : memref<1x125x64xf32, #tpu.memory_space<vmem>> -> memref<125x64xf32, #tpu.memory_space<vmem>>
    %dma_start3A_10 = arith.constant 0 : i32
    %dma_start3A_11 = tpu.memref_slice %arg7[%dma_start3A, %dma_start3A_10] : memref<160x125xi32, #tpu.memory_space<vmem>> -> memref<1x125xi32, #tpu.memory_space<vmem>>
    %dma_start3A_12 = tpu.memref_squeeze %dma_start3A_11 : memref<1x125xi32, #tpu.memory_space<vmem>> -> memref<125xi32, #tpu.memory_space<vmem>>
    %dma_start3A_13 = arith.constant 0 : i32
    %dma_start3A_14 = arith.constant 0 : i32
    %dma_start3A_15 = tpu.memref_slice %arg2[%dma_start3A_13, %dma_start3A_14] : memref<20000x64xf32, #tpu.memory_space<hbm>> -> memref<20000x64xf32, #tpu.memory_space<hbm>>
    tpu.enqueue_indirect_dma source(%dma_start3A_15 : memref<20000x64xf32, #tpu.memory_space<hbm>>) target(%dma_start3A_9 : memref<125x64xf32, #tpu.memory_space<vmem>>) offsets(%dma_start3A_12 : memref<125xi32, #tpu.memory_space<vmem>>) semaphore(%arg11 : memref<!tpu.dma_semaphore, #tpu.memory_space<semaphore_mem>>)
    %dma_start3A_16 = arith.constant 1 : i32
    %dma_start3A_17 = arith.constant 1 : i32
    %dma_start3A_18 = arith.constant 0 : i32
    %dma_start3A_19 = arith.constant 0 : i32
    %dma_start3A_20 = tpu.memref_slice %arg9[%dma_start3A_17, %dma_start3A_18, %dma_start3A_19] : memref<4x125x64xf32, #tpu.memory_space<vmem>> -> memref<1x125x64xf32, #tpu.memory_space<vmem>>
    %dma_start3A_21 = tpu.memref_squeeze %dma_start3A_20 : memref<1x125x64xf32, #tpu.memory_space<vmem>> -> memref<125x64xf32, #tpu.memory_space<vmem>>
    %dma_start3A_22 = arith.constant 0 : i32
    %dma_start3A_23 = tpu.memref_slice %arg7[%dma_start3A_16, %dma_start3A_22] : memref<160x125xi32, #tpu.memory_space<vmem>> -> memref<1x125xi32, #tpu.memory_space<vmem>>
    %dma_start3A_24 = tpu.memref_squeeze %dma_start3A_23 : memref<1x125xi32, #tpu.memory_space<vmem>> -> memref<125xi32, #tpu.memory_space<vmem>>
    %dma_start3A_25 = arith.constant 0 : i32
    %dma_start3A_26 = arith.constant 0 : i32
    %dma_start3A_27 = tpu.memref_slice %arg2[%dma_start3A_25, %dma_start3A_26] : memref<20000x64xf32, #tpu.memory_space<hbm>> -> memref<20000x64xf32, #tpu.memory_space<hbm>>
    tpu.enqueue_indirect_dma source(%dma_start3A_27 : memref<20000x64xf32, #tpu.memory_space<hbm>>) target(%dma_start3A_21 : memref<125x64xf32, #tpu.memory_space<vmem>>) offsets(%dma_start3A_24 : memref<125xi32, #tpu.memory_space<vmem>>) semaphore(%arg12 : memref<!tpu.dma_semaphore, #tpu.memory_space<semaphore_mem>>)
    %dma_start3A_28 = arith.constant 2 : i32
    %dma_start3A_29 = arith.constant 2 : i32
    %dma_start3A_30 = arith.constant 0 : i32
    %dma_start3A_31 = arith.constant 0 : i32
    %dma_start3A_32 = tpu.memref_slice %arg9[%dma_start3A_29, %dma_start3A_30, %dma_start3A_31] : memref<4x125x64xf32, #tpu.memory_space<vmem>> -> memref<1x125x64xf32, #tpu.memory_space<vmem>>
    %dma_start3A_33 = tpu.memref_squeeze %dma_start3A_32 : memref<1x125x64xf32, #tpu.memory_space<vmem>> -> memref<125x64xf32, #tpu.memory_space<vmem>>
    %dma_start3A_34 = arith.constant 0 : i32
    %dma_start3A_35 = tpu.memref_slice %arg7[%dma_start3A_28, %dma_start3A_34] : memref<160x125xi32, #tpu.memory_space<vmem>> -> memref<1x125xi32, #tpu.memory_space<vmem>>
    %dma_start3A_36 = tpu.memref_squeeze %dma_start3A_35 : memref<1x125xi32, #tpu.memory_space<vmem>> -> memref<125xi32, #tpu.memory_space<vmem>>
    %dma_start3A_37 = arith.constant 0 : i32
    %dma_start3A_38 = arith.constant 0 : i32
    %dma_start3A_39 = tpu.memref_slice %arg2[%dma_start3A_37, %dma_start3A_38] : memref<20000x64xf32, #tpu.memory_space<hbm>> -> memref<20000x64xf32, #tpu.memory_space<hbm>>
    tpu.enqueue_indirect_dma source(%dma_start3A_39 : memref<20000x64xf32, #tpu.memory_space<hbm>>) target(%dma_start3A_33 : memref<125x64xf32, #tpu.memory_space<vmem>>) offsets(%dma_start3A_36 : memref<125xi32, #tpu.memory_space<vmem>>) semaphore(%arg13 : memref<!tpu.dma_semaphore, #tpu.memory_space<semaphore_mem>>)
    %dma_start3A_40 = arith.constant 3 : i32
    %dma_start3A_41 = arith.constant 3 : i32
    %dma_start3A_42 = arith.constant 0 : i32
    %dma_start3A_43 = arith.constant 0 : i32
    %dma_start3A_44 = tpu.memref_slice %arg9[%dma_start3A_41, %dma_start3A_42, %dma_start3A_43] : memref<4x125x64xf32, #tpu.memory_space<vmem>> -> memref<1x125x64xf32, #tpu.memory_space<vmem>>
    %dma_start3A_45 = tpu.memref_squeeze %dma_start3A_44 : memref<1x125x64xf32, #tpu.memory_space<vmem>> -> memref<125x64xf32, #tpu.memory_space<vmem>>
    %dma_start3A_46 = arith.constant 0 : i32
    %dma_start3A_47 = tpu.memref_slice %arg7[%dma_start3A_40, %dma_start3A_46] : memref<160x125xi32, #tpu.memory_space<vmem>> -> memref<1x125xi32, #tpu.memory_space<vmem>>
    %dma_start3A_48 = tpu.memref_squeeze %dma_start3A_47 : memref<1x125xi32, #tpu.memory_space<vmem>> -> memref<125xi32, #tpu.memory_space<vmem>>
    %dma_start3A_49 = arith.constant 0 : i32
    %dma_start3A_50 = arith.constant 0 : i32
    %dma_start3A_51 = tpu.memref_slice %arg2[%dma_start3A_49, %dma_start3A_50] : memref<20000x64xf32, #tpu.memory_space<hbm>> -> memref<20000x64xf32, #tpu.memory_space<hbm>>
    tpu.enqueue_indirect_dma source(%dma_start3A_51 : memref<20000x64xf32, #tpu.memory_space<hbm>>) target(%dma_start3A_45 : memref<125x64xf32, #tpu.memory_space<vmem>>) offsets(%dma_start3A_48 : memref<125xi32, #tpu.memory_space<vmem>>) semaphore(%arg14 : memref<!tpu.dma_semaphore, #tpu.memory_space<semaphore_mem>>)
    %scan3A = arith.constant 0 : i32
    %scan3A_52 = arith.constant 0 : i32
    %scan3A_53 = arith.constant 39 : i32
    %scan3A_54 = arith.addi %scan3A_52, %scan3A_53 : i32
    %scan3A_55 = arith.constant 1 : i32
    scf.for %scan3A_116 = %scan3A_52 to %scan3A_54 step %scan3A_55  : i32 {
      %mul3A_117 = arith.constant 4 : i32
      %mul3A_118 = arith.muli %scan3A_116, %mul3A_117 : i32
      %add3A = arith.constant 0 : i32
      %add3A_119 = arith.addi %mul3A_118, %add3A : i32
      %dma_wait3A_120 = arith.constant 0 : i32
      %dma_wait3A_121 = arith.constant 0 : i32
      %dma_wait3A_122 = arith.constant 0 : i32
      %dma_wait3A_123 = tpu.memref_slice %arg9[%dma_wait3A_120, %dma_wait3A_121, %dma_wait3A_122] : memref<4x125x64xf32, #tpu.memory_space<vmem>> -> memref<1x125x64xf32, #tpu.memory_space<vmem>>
      %dma_wait3A_124 = tpu.memref_squeeze %dma_wait3A_123 : memref<1x125x64xf32, #tpu.memory_space<vmem>> -> memref<125x64xf32, #tpu.memory_space<vmem>>
      %dma_wait3A_125 = arith.constant 0 : i32
      %dma_wait3A_126 = tpu.memref_slice %arg7[%add3A_119, %dma_wait3A_125] : memref<160x125xi32, #tpu.memory_space<vmem>> -> memref<1x125xi32, #tpu.memory_space<vmem>>
      %dma_wait3A_127 = tpu.memref_squeeze %dma_wait3A_126 : memref<1x125xi32, #tpu.memory_space<vmem>> -> memref<125xi32, #tpu.memory_space<vmem>>
      %dma_wait3A_128 = arith.constant 0 : i32
      %dma_wait3A_129 = arith.constant 0 : i32
      %dma_wait3A_130 = tpu.memref_slice %arg2[%dma_wait3A_128, %dma_wait3A_129] : memref<20000x64xf32, #tpu.memory_space<hbm>> -> memref<20000x64xf32, #tpu.memory_space<hbm>>
      tpu.wait_indirect_dma semaphore(%arg11 : memref<!tpu.dma_semaphore, #tpu.memory_space<semaphore_mem>>) src(%dma_wait3A_130 : memref<20000x64xf32, #tpu.memory_space<hbm>>) dst(%dma_wait3A_124 : memref<125x64xf32, #tpu.memory_space<vmem>>)
      %run_scoped3A_131 = arith.constant 0 : i32
      "tpu.region"() ({
        %run_scoped3A_232 = tpu.sem_alloc : memref<!tpu.dma_semaphore, #tpu.memory_space<semaphore_mem>>
        %dma_start3A_233 = arith.constant 0 : i32
        %dma_start3A_234 = arith.constant 0 : i32
        %dma_start3A_235 = tpu.memref_slice %arg9[%run_scoped3A_131, %dma_start3A_233, %dma_start3A_234] : memref<4x125x64xf32, #tpu.memory_space<vmem>> -> memref<1x125x64xf32, #tpu.memory_space<vmem>>
        %dma_start3A_236 = tpu.memref_squeeze %dma_start3A_235 : memref<1x125x64xf32, #tpu.memory_space<vmem>> -> memref<125x64xf32, #tpu.memory_space<vmem>>
        %dma_start3A_237 = arith.constant 0 : i32
        %dma_start3A_238 = tpu.memref_slice %arg8[%add3A_119, %dma_start3A_237] : memref<160x125xi32, #tpu.memory_space<vmem>> -> memref<1x125xi32, #tpu.memory_space<vmem>>
        %dma_start3A_239 = tpu.memref_squeeze %dma_start3A_238 : memref<1x125xi32, #tpu.memory_space<vmem>> -> memref<125xi32, #tpu.memory_space<vmem>>
        %dma_start3A_240 = arith.constant 0 : i32
        %dma_start3A_241 = arith.constant 0 : i32
        %dma_start3A_242 = tpu.memref_slice %arg10[%dma_start3A_240, %dma_start3A_241] : memref<10240x64xf32, #tpu.memory_space<vmem_shared>> -> memref<10240x64xf32, #tpu.memory_space<vmem_shared>>
        tpu.enqueue_indirect_dma source(%dma_start3A_236 : memref<125x64xf32, #tpu.memory_space<vmem>>) target(%dma_start3A_242 : memref<10240x64xf32, #tpu.memory_space<vmem_shared>>) offsets(%dma_start3A_239 : memref<125xi32, #tpu.memory_space<vmem>>) semaphore(%run_scoped3A_232 : memref<!tpu.dma_semaphore, #tpu.memory_space<semaphore_mem>>) {add = true}
        %dma_wait3A_243 = arith.constant 0 : i32
        %dma_wait3A_244 = arith.constant 0 : i32
        %dma_wait3A_245 = tpu.memref_slice %arg9[%run_scoped3A_131, %dma_wait3A_243, %dma_wait3A_244] : memref<4x125x64xf32, #tpu.memory_space<vmem>> -> memref<1x125x64xf32, #tpu.memory_space<vmem>>
        %dma_wait3A_246 = tpu.memref_squeeze %dma_wait3A_245 : memref<1x125x64xf32, #tpu.memory_space<vmem>> -> memref<125x64xf32, #tpu.memory_space<vmem>>
        %dma_wait3A_247 = arith.constant 0 : i32
        %dma_wait3A_248 = tpu.memref_slice %arg8[%add3A_119, %dma_wait3A_247] : memref<160x125xi32, #tpu.memory_space<vmem>> -> memref<1x125xi32, #tpu.memory_space<vmem>>
        %dma_wait3A_249 = tpu.memref_squeeze %dma_wait3A_248 : memref<1x125xi32, #tpu.memory_space<vmem>> -> memref<125xi32, #tpu.memory_space<vmem>>
        %dma_wait3A_250 = arith.constant 0 : i32
        %dma_wait3A_251 = arith.constant 0 : i32
        %dma_wait3A_252 = tpu.memref_slice %arg10[%dma_wait3A_250, %dma_wait3A_251] : memref<10240x64xf32, #tpu.memory_space<vmem_shared>> -> memref<10240x64xf32, #tpu.memory_space<vmem_shared>>
        tpu.wait_indirect_dma semaphore(%run_scoped3A_232 : memref<!tpu.dma_semaphore, #tpu.memory_space<semaphore_mem>>) src(%dma_wait3A_246 : memref<125x64xf32, #tpu.memory_space<vmem>>) dst(%dma_wait3A_252 : memref<10240x64xf32, #tpu.memory_space<vmem_shared>>)
        tpu.yield
      }) : () -> ()
      %add3A_132 = arith.constant 4 : i32
      %add3A_133 = arith.addi %add3A_119, %add3A_132 : i32
      %dma_start3A_134 = arith.constant 0 : i32
      %dma_start3A_135 = arith.constant 0 : i32
      %dma_start3A_136 = arith.constant 0 : i32
      %dma_start3A_137 = tpu.memref_slice %arg9[%dma_start3A_134, %dma_start3A_135, %dma_start3A_136] : memref<4x125x64xf32, #tpu.memory_space<vmem>> -> memref<1x125x64xf32, #tpu.memory_space<vmem>>
      %dma_start3A_138 = tpu.memref_squeeze %dma_start3A_137 : memref<1x125x64xf32, #tpu.memory_space<vmem>> -> memref<125x64xf32, #tpu.memory_space<vmem>>
      %dma_start3A_139 = arith.constant 0 : i32
      %dma_start3A_140 = tpu.memref_slice %arg7[%add3A_133, %dma_start3A_139] : memref<160x125xi32, #tpu.memory_space<vmem>> -> memref<1x125xi32, #tpu.memory_space<vmem>>
      %dma_start3A_141 = tpu.memref_squeeze %dma_start3A_140 : memref<1x125xi32, #tpu.memory_space<vmem>> -> memref<125xi32, #tpu.memory_space<vmem>>
      %dma_start3A_142 = arith.constant 0 : i32
      %dma_start3A_143 = arith.constant 0 : i32
      %dma_start3A_144 = tpu.memref_slice %arg2[%dma_start3A_142, %dma_start3A_143] : memref<20000x64xf32, #tpu.memory_space<hbm>> -> memref<20000x64xf32, #tpu.memory_space<hbm>>
      tpu.enqueue_indirect_dma source(%dma_start3A_144 : memref<20000x64xf32, #tpu.memory_space<hbm>>) target(%dma_start3A_138 : memref<125x64xf32, #tpu.memory_space<vmem>>) offsets(%dma_start3A_141 : memref<125xi32, #tpu.memory_space<vmem>>) semaphore(%arg11 : memref<!tpu.dma_semaphore, #tpu.memory_space<semaphore_mem>>)
      %mul3A_145 = arith.constant 4 : i32
      %mul3A_146 = arith.muli %scan3A_116, %mul3A_145 : i32
      %add3A_147 = arith.constant 1 : i32
      %add3A_148 = arith.addi %mul3A_146, %add3A_147 : i32
      %dma_wait3A_149 = arith.constant 1 : i32
      %dma_wait3A_150 = arith.constant 0 : i32
      %dma_wait3A_151 = arith.constant 0 : i32
      %dma_wait3A_152 = tpu.memref_slice %arg9[%dma_wait3A_149, %dma_wait3A_150, %dma_wait3A_151] : memref<4x125x64xf32, #tpu.memory_space<vmem>> -> memref<1x125x64xf32, #tpu.memory_space<vmem>>
      %dma_wait3A_153 = tpu.memref_squeeze %dma_wait3A_152 : memref<1x125x64xf32, #tpu.memory_space<vmem>> -> memref<125x64xf32, #tpu.memory_space<vmem>>
      %dma_wait3A_154 = arith.constant 0 : i32
      %dma_wait3A_155 = tpu.memref_slice %arg7[%add3A_148, %dma_wait3A_154] : memref<160x125xi32, #tpu.memory_space<vmem>> -> memref<1x125xi32, #tpu.memory_space<vmem>>
      %dma_wait3A_156 = tpu.memref_squeeze %dma_wait3A_155 : memref<1x125xi32, #tpu.memory_space<vmem>> -> memref<125xi32, #tpu.memory_space<vmem>>
      %dma_wait3A_157 = arith.constant 0 : i32
      %dma_wait3A_158 = arith.constant 0 : i32
      %dma_wait3A_159 = tpu.memref_slice %arg2[%dma_wait3A_157, %dma_wait3A_158] : memref<20000x64xf32, #tpu.memory_space<hbm>> -> memref<20000x64xf32, #tpu.memory_space<hbm>>
      tpu.wait_indirect_dma semaphore(%arg12 : memref<!tpu.dma_semaphore, #tpu.memory_space<semaphore_mem>>) src(%dma_wait3A_159 : memref<20000x64xf32, #tpu.memory_space<hbm>>) dst(%dma_wait3A_153 : memref<125x64xf32, #tpu.memory_space<vmem>>)
      %run_scoped3A_160 = arith.constant 1 : i32
      "tpu.region"() ({
        %run_scoped3A_232 = tpu.sem_alloc : memref<!tpu.dma_semaphore, #tpu.memory_space<semaphore_mem>>
        %dma_start3A_233 = arith.constant 0 : i32
        %dma_start3A_234 = arith.constant 0 : i32
        %dma_start3A_235 = tpu.memref_slice %arg9[%run_scoped3A_160, %dma_start3A_233, %dma_start3A_234] : memref<4x125x64xf32, #tpu.memory_space<vmem>> -> memref<1x125x64xf32, #tpu.memory_space<vmem>>
        %dma_start3A_236 = tpu.memref_squeeze %dma_start3A_235 : memref<1x125x64xf32, #tpu.memory_space<vmem>> -> memref<125x64xf32, #tpu.memory_space<vmem>>
        %dma_start3A_237 = arith.constant 0 : i32
        %dma_start3A_238 = tpu.memref_slice %arg8[%add3A_148, %dma_start3A_237] : memref<160x125xi32, #tpu.memory_space<vmem>> -> memref<1x125xi32, #tpu.memory_space<vmem>>
        %dma_start3A_239 = tpu.memref_squeeze %dma_start3A_238 : memref<1x125xi32, #tpu.memory_space<vmem>> -> memref<125xi32, #tpu.memory_space<vmem>>
        %dma_start3A_240 = arith.constant 0 : i32
        %dma_start3A_241 = arith.constant 0 : i32
        %dma_start3A_242 = tpu.memref_slice %arg10[%dma_start3A_240, %dma_start3A_241] : memref<10240x64xf32, #tpu.memory_space<vmem_shared>> -> memref<10240x64xf32, #tpu.memory_space<vmem_shared>>
        tpu.enqueue_indirect_dma source(%dma_start3A_236 : memref<125x64xf32, #tpu.memory_space<vmem>>) target(%dma_start3A_242 : memref<10240x64xf32, #tpu.memory_space<vmem_shared>>) offsets(%dma_start3A_239 : memref<125xi32, #tpu.memory_space<vmem>>) semaphore(%run_scoped3A_232 : memref<!tpu.dma_semaphore, #tpu.memory_space<semaphore_mem>>) {add = true}
        %dma_wait3A_243 = arith.constant 0 : i32
        %dma_wait3A_244 = arith.constant 0 : i32
        %dma_wait3A_245 = tpu.memref_slice %arg9[%run_scoped3A_160, %dma_wait3A_243, %dma_wait3A_244] : memref<4x125x64xf32, #tpu.memory_space<vmem>> -> memref<1x125x64xf32, #tpu.memory_space<vmem>>
        %dma_wait3A_246 = tpu.memref_squeeze %dma_wait3A_245 : memref<1x125x64xf32, #tpu.memory_space<vmem>> -> memref<125x64xf32, #tpu.memory_space<vmem>>
        %dma_wait3A_247 = arith.constant 0 : i32
        %dma_wait3A_248 = tpu.memref_slice %arg8[%add3A_148, %dma_wait3A_247] : memref<160x125xi32, #tpu.memory_space<vmem>> -> memref<1x125xi32, #tpu.memory_space<vmem>>
        %dma_wait3A_249 = tpu.memref_squeeze %dma_wait3A_248 : memref<1x125xi32, #tpu.memory_space<vmem>> -> memref<125xi32, #tpu.memory_space<vmem>>
        %dma_wait3A_250 = arith.constant 0 : i32
        %dma_wait3A_251 = arith.constant 0 : i32
        %dma_wait3A_252 = tpu.memref_slice %arg10[%dma_wait3A_250, %dma_wait3A_251] : memref<10240x64xf32, #tpu.memory_space<vmem_shared>> -> memref<10240x64xf32, #tpu.memory_space<vmem_shared>>
        tpu.wait_indirect_dma semaphore(%run_scoped3A_232 : memref<!tpu.dma_semaphore, #tpu.memory_space<semaphore_mem>>) src(%dma_wait3A_246 : memref<125x64xf32, #tpu.memory_space<vmem>>) dst(%dma_wait3A_252 : memref<10240x64xf32, #tpu.memory_space<vmem_shared>>)
        tpu.yield
      }) : () -> ()
      %add3A_161 = arith.constant 4 : i32
      %add3A_162 = arith.addi %add3A_148, %add3A_161 : i32
      %dma_start3A_163 = arith.constant 1 : i32
      %dma_start3A_164 = arith.constant 0 : i32
      %dma_start3A_165 = arith.constant 0 : i32
      %dma_start3A_166 = tpu.memref_slice %arg9[%dma_start3A_163, %dma_start3A_164, %dma_start3A_165] : memref<4x125x64xf32, #tpu.memory_space<vmem>> -> memref<1x125x64xf32, #tpu.memory_space<vmem>>
      %dma_start3A_167 = tpu.memref_squeeze %dma_start3A_166 : memref<1x125x64xf32, #tpu.memory_space<vmem>> -> memref<125x64xf32, #tpu.memory_space<vmem>>
      %dma_start3A_168 = arith.constant 0 : i32
      %dma_start3A_169 = tpu.memref_slice %arg7[%add3A_162, %dma_start3A_168] : memref<160x125xi32, #tpu.memory_space<vmem>> -> memref<1x125xi32, #tpu.memory_space<vmem>>
      %dma_start3A_170 = tpu.memref_squeeze %dma_start3A_169 : memref<1x125xi32, #tpu.memory_space<vmem>> -> memref<125xi32, #tpu.memory_space<vmem>>
      %dma_start3A_171 = arith.constant 0 : i32
      %dma_start3A_172 = arith.constant 0 : i32
      %dma_start3A_173 = tpu.memref_slice %arg2[%dma_start3A_171, %dma_start3A_172] : memref<20000x64xf32, #tpu.memory_space<hbm>> -> memref<20000x64xf32, #tpu.memory_space<hbm>>
      tpu.enqueue_indirect_dma source(%dma_start3A_173 : memref<20000x64xf32, #tpu.memory_space<hbm>>) target(%dma_start3A_167 : memref<125x64xf32, #tpu.memory_space<vmem>>) offsets(%dma_start3A_170 : memref<125xi32, #tpu.memory_space<vmem>>) semaphore(%arg12 : memref<!tpu.dma_semaphore, #tpu.memory_space<semaphore_mem>>)
      %mul3A_174 = arith.constant 4 : i32
      %mul3A_175 = arith.muli %scan3A_116, %mul3A_174 : i32
      %add3A_176 = arith.constant 2 : i32
      %add3A_177 = arith.addi %mul3A_175, %add3A_176 : i32
      %dma_wait3A_178 = arith.constant 2 : i32
      %dma_wait3A_179 = arith.constant 0 : i32
      %dma_wait3A_180 = arith.constant 0 : i32
      %dma_wait3A_181 = tpu.memref_slice %arg9[%dma_wait3A_178, %dma_wait3A_179, %dma_wait3A_180] : memref<4x125x64xf32, #tpu.memory_space<vmem>> -> memref<1x125x64xf32, #tpu.memory_space<vmem>>
      %dma_wait3A_182 = tpu.memref_squeeze %dma_wait3A_181 : memref<1x125x64xf32, #tpu.memory_space<vmem>> -> memref<125x64xf32, #tpu.memory_space<vmem>>
      %dma_wait3A_183 = arith.constant 0 : i32
      %dma_wait3A_184 = tpu.memref_slice %arg7[%add3A_177, %dma_wait3A_183] : memref<160x125xi32, #tpu.memory_space<vmem>> -> memref<1x125xi32, #tpu.memory_space<vmem>>
      %dma_wait3A_185 = tpu.memref_squeeze %dma_wait3A_184 : memref<1x125xi32, #tpu.memory_space<vmem>> -> memref<125xi32, #tpu.memory_space<vmem>>
      %dma_wait3A_186 = arith.constant 0 : i32
      %dma_wait3A_187 = arith.constant 0 : i32
      %dma_wait3A_188 = tpu.memref_slice %arg2[%dma_wait3A_186, %dma_wait3A_187] : memref<20000x64xf32, #tpu.memory_space<hbm>> -> memref<20000x64xf32, #tpu.memory_space<hbm>>
      tpu.wait_indirect_dma semaphore(%arg13 : memref<!tpu.dma_semaphore, #tpu.memory_space<semaphore_mem>>) src(%dma_wait3A_188 : memref<20000x64xf32, #tpu.memory_space<hbm>>) dst(%dma_wait3A_182 : memref<125x64xf32, #tpu.memory_space<vmem>>)
      %run_scoped3A_189 = arith.constant 2 : i32
      "tpu.region"() ({
        %run_scoped3A_232 = tpu.sem_alloc : memref<!tpu.dma_semaphore, #tpu.memory_space<semaphore_mem>>
        %dma_start3A_233 = arith.constant 0 : i32
        %dma_start3A_234 = arith.constant 0 : i32
        %dma_start3A_235 = tpu.memref_slice %arg9[%run_scoped3A_189, %dma_start3A_233, %dma_start3A_234] : memref<4x125x64xf32, #tpu.memory_space<vmem>> -> memref<1x125x64xf32, #tpu.memory_space<vmem>>
        %dma_start3A_236 = tpu.memref_squeeze %dma_start3A_235 : memref<1x125x64xf32, #tpu.memory_space<vmem>> -> memref<125x64xf32, #tpu.memory_space<vmem>>
        %dma_start3A_237 = arith.constant 0 : i32
        %dma_start3A_238 = tpu.memref_slice %arg8[%add3A_177, %dma_start3A_237] : memref<160x125xi32, #tpu.memory_space<vmem>> -> memref<1x125xi32, #tpu.memory_space<vmem>>
        %dma_start3A_239 = tpu.memref_squeeze %dma_start3A_238 : memref<1x125xi32, #tpu.memory_space<vmem>> -> memref<125xi32, #tpu.memory_space<vmem>>
        %dma_start3A_240 = arith.constant 0 : i32
        %dma_start3A_241 = arith.constant 0 : i32
        %dma_start3A_242 = tpu.memref_slice %arg10[%dma_start3A_240, %dma_start3A_241] : memref<10240x64xf32, #tpu.memory_space<vmem_shared>> -> memref<10240x64xf32, #tpu.memory_space<vmem_shared>>
        tpu.enqueue_indirect_dma source(%dma_start3A_236 : memref<125x64xf32, #tpu.memory_space<vmem>>) target(%dma_start3A_242 : memref<10240x64xf32, #tpu.memory_space<vmem_shared>>) offsets(%dma_start3A_239 : memref<125xi32, #tpu.memory_space<vmem>>) semaphore(%run_scoped3A_232 : memref<!tpu.dma_semaphore, #tpu.memory_space<semaphore_mem>>) {add = true}
        %dma_wait3A_243 = arith.constant 0 : i32
        %dma_wait3A_244 = arith.constant 0 : i32
        %dma_wait3A_245 = tpu.memref_slice %arg9[%run_scoped3A_189, %dma_wait3A_243, %dma_wait3A_244] : memref<4x125x64xf32, #tpu.memory_space<vmem>> -> memref<1x125x64xf32, #tpu.memory_space<vmem>>
        %dma_wait3A_246 = tpu.memref_squeeze %dma_wait3A_245 : memref<1x125x64xf32, #tpu.memory_space<vmem>> -> memref<125x64xf32, #tpu.memory_space<vmem>>
        %dma_wait3A_247 = arith.constant 0 : i32
        %dma_wait3A_248 = tpu.memref_slice %arg8[%add3A_177, %dma_wait3A_247] : memref<160x125xi32, #tpu.memory_space<vmem>> -> memref<1x125xi32, #tpu.memory_space<vmem>>
        %dma_wait3A_249 = tpu.memref_squeeze %dma_wait3A_248 : memref<1x125xi32, #tpu.memory_space<vmem>> -> memref<125xi32, #tpu.memory_space<vmem>>
        %dma_wait3A_250 = arith.constant 0 : i32
        %dma_wait3A_251 = arith.constant 0 : i32
        %dma_wait3A_252 = tpu.memref_slice %arg10[%dma_wait3A_250, %dma_wait3A_251] : memref<10240x64xf32, #tpu.memory_space<vmem_shared>> -> memref<10240x64xf32, #tpu.memory_space<vmem_shared>>
        tpu.wait_indirect_dma semaphore(%run_scoped3A_232 : memref<!tpu.dma_semaphore, #tpu.memory_space<semaphore_mem>>) src(%dma_wait3A_246 : memref<125x64xf32, #tpu.memory_space<vmem>>) dst(%dma_wait3A_252 : memref<10240x64xf32, #tpu.memory_space<vmem_shared>>)
        tpu.yield
      }) : () -> ()
      %add3A_190 = arith.constant 4 : i32
      %add3A_191 = arith.addi %add3A_177, %add3A_190 : i32
      %dma_start3A_192 = arith.constant 2 : i32
      %dma_start3A_193 = arith.constant 0 : i32
      %dma_start3A_194 = arith.constant 0 : i32
      %dma_start3A_195 = tpu.memref_slice %arg9[%dma_start3A_192, %dma_start3A_193, %dma_start3A_194] : memref<4x125x64xf32, #tpu.memory_space<vmem>> -> memref<1x125x64xf32, #tpu.memory_space<vmem>>
      %dma_start3A_196 = tpu.memref_squeeze %dma_start3A_195 : memref<1x125x64xf32, #tpu.memory_space<vmem>> -> memref<125x64xf32, #tpu.memory_space<vmem>>
      %dma_start3A_197 = arith.constant 0 : i32
      %dma_start3A_198 = tpu.memref_slice %arg7[%add3A_191, %dma_start3A_197] : memref<160x125xi32, #tpu.memory_space<vmem>> -> memref<1x125xi32, #tpu.memory_space<vmem>>
      %dma_start3A_199 = tpu.memref_squeeze %dma_start3A_198 : memref<1x125xi32, #tpu.memory_space<vmem>> -> memref<125xi32, #tpu.memory_space<vmem>>
      %dma_start3A_200 = arith.constant 0 : i32
      %dma_start3A_201 = arith.constant 0 : i32
      %dma_start3A_202 = tpu.memref_slice %arg2[%dma_start3A_200, %dma_start3A_201] : memref<20000x64xf32, #tpu.memory_space<hbm>> -> memref<20000x64xf32, #tpu.memory_space<hbm>>
      tpu.enqueue_indirect_dma source(%dma_start3A_202 : memref<20000x64xf32, #tpu.memory_space<hbm>>) target(%dma_start3A_196 : memref<125x64xf32, #tpu.memory_space<vmem>>) offsets(%dma_start3A_199 : memref<125xi32, #tpu.memory_space<vmem>>) semaphore(%arg13 : memref<!tpu.dma_semaphore, #tpu.memory_space<semaphore_mem>>)
      %mul3A_203 = arith.constant 4 : i32
      %mul3A_204 = arith.muli %scan3A_116, %mul3A_203 : i32
      %add3A_205 = arith.constant 3 : i32
      %add3A_206 = arith.addi %mul3A_204, %add3A_205 : i32
      %dma_wait3A_207 = arith.constant 3 : i32
      %dma_wait3A_208 = arith.constant 0 : i32
      %dma_wait3A_209 = arith.constant 0 : i32
      %dma_wait3A_210 = tpu.memref_slice %arg9[%dma_wait3A_207, %dma_wait3A_208, %dma_wait3A_209] : memref<4x125x64xf32, #tpu.memory_space<vmem>> -> memref<1x125x64xf32, #tpu.memory_space<vmem>>
      %dma_wait3A_211 = tpu.memref_squeeze %dma_wait3A_210 : memref<1x125x64xf32, #tpu.memory_space<vmem>> -> memref<125x64xf32, #tpu.memory_space<vmem>>
      %dma_wait3A_212 = arith.constant 0 : i32
      %dma_wait3A_213 = tpu.memref_slice %arg7[%add3A_206, %dma_wait3A_212] : memref<160x125xi32, #tpu.memory_space<vmem>> -> memref<1x125xi32, #tpu.memory_space<vmem>>
      %dma_wait3A_214 = tpu.memref_squeeze %dma_wait3A_213 : memref<1x125xi32, #tpu.memory_space<vmem>> -> memref<125xi32, #tpu.memory_space<vmem>>
      %dma_wait3A_215 = arith.constant 0 : i32
      %dma_wait3A_216 = arith.constant 0 : i32
      %dma_wait3A_217 = tpu.memref_slice %arg2[%dma_wait3A_215, %dma_wait3A_216] : memref<20000x64xf32, #tpu.memory_space<hbm>> -> memref<20000x64xf32, #tpu.memory_space<hbm>>
      tpu.wait_indirect_dma semaphore(%arg14 : memref<!tpu.dma_semaphore, #tpu.memory_space<semaphore_mem>>) src(%dma_wait3A_217 : memref<20000x64xf32, #tpu.memory_space<hbm>>) dst(%dma_wait3A_211 : memref<125x64xf32, #tpu.memory_space<vmem>>)
      %run_scoped3A_218 = arith.constant 3 : i32
      "tpu.region"() ({
        %run_scoped3A_232 = tpu.sem_alloc : memref<!tpu.dma_semaphore, #tpu.memory_space<semaphore_mem>>
        %dma_start3A_233 = arith.constant 0 : i32
        %dma_start3A_234 = arith.constant 0 : i32
        %dma_start3A_235 = tpu.memref_slice %arg9[%run_scoped3A_218, %dma_start3A_233, %dma_start3A_234] : memref<4x125x64xf32, #tpu.memory_space<vmem>> -> memref<1x125x64xf32, #tpu.memory_space<vmem>>
        %dma_start3A_236 = tpu.memref_squeeze %dma_start3A_235 : memref<1x125x64xf32, #tpu.memory_space<vmem>> -> memref<125x64xf32, #tpu.memory_space<vmem>>
        %dma_start3A_237 = arith.constant 0 : i32
        %dma_start3A_238 = tpu.memref_slice %arg8[%add3A_206, %dma_start3A_237] : memref<160x125xi32, #tpu.memory_space<vmem>> -> memref<1x125xi32, #tpu.memory_space<vmem>>
        %dma_start3A_239 = tpu.memref_squeeze %dma_start3A_238 : memref<1x125xi32, #tpu.memory_space<vmem>> -> memref<125xi32, #tpu.memory_space<vmem>>
        %dma_start3A_240 = arith.constant 0 : i32
        %dma_start3A_241 = arith.constant 0 : i32
        %dma_start3A_242 = tpu.memref_slice %arg10[%dma_start3A_240, %dma_start3A_241] : memref<10240x64xf32, #tpu.memory_space<vmem_shared>> -> memref<10240x64xf32, #tpu.memory_space<vmem_shared>>
        tpu.enqueue_indirect_dma source(%dma_start3A_236 : memref<125x64xf32, #tpu.memory_space<vmem>>) target(%dma_start3A_242 : memref<10240x64xf32, #tpu.memory_space<vmem_shared>>) offsets(%dma_start3A_239 : memref<125xi32, #tpu.memory_space<vmem>>) semaphore(%run_scoped3A_232 : memref<!tpu.dma_semaphore, #tpu.memory_space<semaphore_mem>>) {add = true}
        %dma_wait3A_243 = arith.constant 0 : i32
        %dma_wait3A_244 = arith.constant 0 : i32
        %dma_wait3A_245 = tpu.memref_slice %arg9[%run_scoped3A_218, %dma_wait3A_243, %dma_wait3A_244] : memref<4x125x64xf32, #tpu.memory_space<vmem>> -> memref<1x125x64xf32, #tpu.memory_space<vmem>>
        %dma_wait3A_246 = tpu.memref_squeeze %dma_wait3A_245 : memref<1x125x64xf32, #tpu.memory_space<vmem>> -> memref<125x64xf32, #tpu.memory_space<vmem>>
        %dma_wait3A_247 = arith.constant 0 : i32
        %dma_wait3A_248 = tpu.memref_slice %arg8[%add3A_206, %dma_wait3A_247] : memref<160x125xi32, #tpu.memory_space<vmem>> -> memref<1x125xi32, #tpu.memory_space<vmem>>
        %dma_wait3A_249 = tpu.memref_squeeze %dma_wait3A_248 : memref<1x125xi32, #tpu.memory_space<vmem>> -> memref<125xi32, #tpu.memory_space<vmem>>
        %dma_wait3A_250 = arith.constant 0 : i32
        %dma_wait3A_251 = arith.constant 0 : i32
        %dma_wait3A_252 = tpu.memref_slice %arg10[%dma_wait3A_250, %dma_wait3A_251] : memref<10240x64xf32, #tpu.memory_space<vmem_shared>> -> memref<10240x64xf32, #tpu.memory_space<vmem_shared>>
        tpu.wait_indirect_dma semaphore(%run_scoped3A_232 : memref<!tpu.dma_semaphore, #tpu.memory_space<semaphore_mem>>) src(%dma_wait3A_246 : memref<125x64xf32, #tpu.memory_space<vmem>>) dst(%dma_wait3A_252 : memref<10240x64xf32, #tpu.memory_space<vmem_shared>>)
        tpu.yield
      }) : () -> ()
      %add3A_219 = arith.constant 4 : i32
      %add3A_220 = arith.addi %add3A_206, %add3A_219 : i32
      %dma_start3A_221 = arith.constant 3 : i32
      %dma_start3A_222 = arith.constant 0 : i32
      %dma_start3A_223 = arith.constant 0 : i32
      %dma_start3A_224 = tpu.memref_slice %arg9[%dma_start3A_221, %dma_start3A_222, %dma_start3A_223] : memref<4x125x64xf32, #tpu.memory_space<vmem>> -> memref<1x125x64xf32, #tpu.memory_space<vmem>>
      %dma_start3A_225 = tpu.memref_squeeze %dma_start3A_224 : memref<1x125x64xf32, #tpu.memory_space<vmem>> -> memref<125x64xf32, #tpu.memory_space<vmem>>
      %dma_start3A_226 = arith.constant 0 : i32
      %dma_start3A_227 = tpu.memref_slice %arg7[%add3A_220, %dma_start3A_226] : memref<160x125xi32, #tpu.memory_space<vmem>> -> memref<1x125xi32, #tpu.memory_space<vmem>>
      %dma_start3A_228 = tpu.memref_squeeze %dma_start3A_227 : memref<1x125xi32, #tpu.memory_space<vmem>> -> memref<125xi32, #tpu.memory_space<vmem>>
      %dma_start3A_229 = arith.constant 0 : i32
      %dma_start3A_230 = arith.constant 0 : i32
      %dma_start3A_231 = tpu.memref_slice %arg2[%dma_start3A_229, %dma_start3A_230] : memref<20000x64xf32, #tpu.memory_space<hbm>> -> memref<20000x64xf32, #tpu.memory_space<hbm>>
      tpu.enqueue_indirect_dma source(%dma_start3A_231 : memref<20000x64xf32, #tpu.memory_space<hbm>>) target(%dma_start3A_225 : memref<125x64xf32, #tpu.memory_space<vmem>>) offsets(%dma_start3A_228 : memref<125xi32, #tpu.memory_space<vmem>>) semaphore(%arg14 : memref<!tpu.dma_semaphore, #tpu.memory_space<semaphore_mem>>)
    }
    %scan3A_56 = arith.constant 39 : i32
    %dma_wait3A = arith.constant 156 : i32
    %dma_wait3A_57 = arith.constant 0 : i32
    %dma_wait3A_58 = arith.constant 0 : i32
    %dma_wait3A_59 = arith.constant 0 : i32
    %dma_wait3A_60 = tpu.memref_slice %arg9[%dma_wait3A_57, %dma_wait3A_58, %dma_wait3A_59] : memref<4x125x64xf32, #tpu.memory_space<vmem>> -> memref<1x125x64xf32, #tpu.memory_space<vmem>>
    %dma_wait3A_61 = tpu.memref_squeeze %dma_wait3A_60 : memref<1x125x64xf32, #tpu.memory_space<vmem>> -> memref<125x64xf32, #tpu.memory_space<vmem>>
    %dma_wait3A_62 = arith.constant 0 : i32
    %dma_wait3A_63 = tpu.memref_slice %arg7[%dma_wait3A, %dma_wait3A_62] : memref<160x125xi32, #tpu.memory_space<vmem>> -> memref<1x125xi32, #tpu.memory_space<vmem>>
    %dma_wait3A_64 = tpu.memref_squeeze %dma_wait3A_63 : memref<1x125xi32, #tpu.memory_space<vmem>> -> memref<125xi32, #tpu.memory_space<vmem>>
    %dma_wait3A_65 = arith.constant 0 : i32
    %dma_wait3A_66 = arith.constant 0 : i32
    %dma_wait3A_67 = tpu.memref_slice %arg2[%dma_wait3A_65, %dma_wait3A_66] : memref<20000x64xf32, #tpu.memory_space<hbm>> -> memref<20000x64xf32, #tpu.memory_space<hbm>>
    tpu.wait_indirect_dma semaphore(%arg11 : memref<!tpu.dma_semaphore, #tpu.memory_space<semaphore_mem>>) src(%dma_wait3A_67 : memref<20000x64xf32, #tpu.memory_space<hbm>>) dst(%dma_wait3A_61 : memref<125x64xf32, #tpu.memory_space<vmem>>)
    %run_scoped3A = arith.constant 0 : i32
    %run_scoped3A_68 = arith.constant 156 : i32
    "tpu.region"() ({
      %run_scoped3A_116 = tpu.sem_alloc : memref<!tpu.dma_semaphore, #tpu.memory_space<semaphore_mem>>
      %dma_start3A_117 = arith.constant 0 : i32
      %dma_start3A_118 = arith.constant 0 : i32
      %dma_start3A_119 = tpu.memref_slice %arg9[%run_scoped3A, %dma_start3A_117, %dma_start3A_118] : memref<4x125x64xf32, #tpu.memory_space<vmem>> -> memref<1x125x64xf32, #tpu.memory_space<vmem>>
      %dma_start3A_120 = tpu.memref_squeeze %dma_start3A_119 : memref<1x125x64xf32, #tpu.memory_space<vmem>> -> memref<125x64xf32, #tpu.memory_space<vmem>>
      %dma_start3A_121 = arith.constant 0 : i32
      %dma_start3A_122 = tpu.memref_slice %arg8[%run_scoped3A_68, %dma_start3A_121] : memref<160x125xi32, #tpu.memory_space<vmem>> -> memref<1x125xi32, #tpu.memory_space<vmem>>
      %dma_start3A_123 = tpu.memref_squeeze %dma_start3A_122 : memref<1x125xi32, #tpu.memory_space<vmem>> -> memref<125xi32, #tpu.memory_space<vmem>>
      %dma_start3A_124 = arith.constant 0 : i32
      %dma_start3A_125 = arith.constant 0 : i32
      %dma_start3A_126 = tpu.memref_slice %arg10[%dma_start3A_124, %dma_start3A_125] : memref<10240x64xf32, #tpu.memory_space<vmem_shared>> -> memref<10240x64xf32, #tpu.memory_space<vmem_shared>>
      tpu.enqueue_indirect_dma source(%dma_start3A_120 : memref<125x64xf32, #tpu.memory_space<vmem>>) target(%dma_start3A_126 : memref<10240x64xf32, #tpu.memory_space<vmem_shared>>) offsets(%dma_start3A_123 : memref<125xi32, #tpu.memory_space<vmem>>) semaphore(%run_scoped3A_116 : memref<!tpu.dma_semaphore, #tpu.memory_space<semaphore_mem>>) {add = true}
      %dma_wait3A_127 = arith.constant 0 : i32
      %dma_wait3A_128 = arith.constant 0 : i32
      %dma_wait3A_129 = tpu.memref_slice %arg9[%run_scoped3A, %dma_wait3A_127, %dma_wait3A_128] : memref<4x125x64xf32, #tpu.memory_space<vmem>> -> memref<1x125x64xf32, #tpu.memory_space<vmem>>
      %dma_wait3A_130 = tpu.memref_squeeze %dma_wait3A_129 : memref<1x125x64xf32, #tpu.memory_space<vmem>> -> memref<125x64xf32, #tpu.memory_space<vmem>>
      %dma_wait3A_131 = arith.constant 0 : i32
      %dma_wait3A_132 = tpu.memref_slice %arg8[%run_scoped3A_68, %dma_wait3A_131] : memref<160x125xi32, #tpu.memory_space<vmem>> -> memref<1x125xi32, #tpu.memory_space<vmem>>
      %dma_wait3A_133 = tpu.memref_squeeze %dma_wait3A_132 : memref<1x125xi32, #tpu.memory_space<vmem>> -> memref<125xi32, #tpu.memory_space<vmem>>
      %dma_wait3A_134 = arith.constant 0 : i32
      %dma_wait3A_135 = arith.constant 0 : i32
      %dma_wait3A_136 = tpu.memref_slice %arg10[%dma_wait3A_134, %dma_wait3A_135] : memref<10240x64xf32, #tpu.memory_space<vmem_shared>> -> memref<10240x64xf32, #tpu.memory_space<vmem_shared>>
      tpu.wait_indirect_dma semaphore(%run_scoped3A_116 : memref<!tpu.dma_semaphore, #tpu.memory_space<semaphore_mem>>) src(%dma_wait3A_130 : memref<125x64xf32, #tpu.memory_space<vmem>>) dst(%dma_wait3A_136 : memref<10240x64xf32, #tpu.memory_space<vmem_shared>>)
      tpu.yield
    }) : () -> ()
    %dma_wait3A_69 = arith.constant 157 : i32
    %dma_wait3A_70 = arith.constant 1 : i32
    %dma_wait3A_71 = arith.constant 0 : i32
    %dma_wait3A_72 = arith.constant 0 : i32
    %dma_wait3A_73 = tpu.memref_slice %arg9[%dma_wait3A_70, %dma_wait3A_71, %dma_wait3A_72] : memref<4x125x64xf32, #tpu.memory_space<vmem>> -> memref<1x125x64xf32, #tpu.memory_space<vmem>>
    %dma_wait3A_74 = tpu.memref_squeeze %dma_wait3A_73 : memref<1x125x64xf32, #tpu.memory_space<vmem>> -> memref<125x64xf32, #tpu.memory_space<vmem>>
    %dma_wait3A_75 = arith.constant 0 : i32
    %dma_wait3A_76 = tpu.memref_slice %arg7[%dma_wait3A_69, %dma_wait3A_75] : memref<160x125xi32, #tpu.memory_space<vmem>> -> memref<1x125xi32, #tpu.memory_space<vmem>>
    %dma_wait3A_77 = tpu.memref_squeeze %dma_wait3A_76 : memref<1x125xi32, #tpu.memory_space<vmem>> -> memref<125xi32, #tpu.memory_space<vmem>>
    %dma_wait3A_78 = arith.constant 0 : i32
    %dma_wait3A_79 = arith.constant 0 : i32
    %dma_wait3A_80 = tpu.memref_slice %arg2[%dma_wait3A_78, %dma_wait3A_79] : memref<20000x64xf32, #tpu.memory_space<hbm>> -> memref<20000x64xf32, #tpu.memory_space<hbm>>
    tpu.wait_indirect_dma semaphore(%arg12 : memref<!tpu.dma_semaphore, #tpu.memory_space<semaphore_mem>>) src(%dma_wait3A_80 : memref<20000x64xf32, #tpu.memory_space<hbm>>) dst(%dma_wait3A_74 : memref<125x64xf32, #tpu.memory_space<vmem>>)
    %run_scoped3A_81 = arith.constant 1 : i32
    %run_scoped3A_82 = arith.constant 157 : i32
    "tpu.region"() ({
      %run_scoped3A_116 = tpu.sem_alloc : memref<!tpu.dma_semaphore, #tpu.memory_space<semaphore_mem>>
      %dma_start3A_117 = arith.constant 0 : i32
      %dma_start3A_118 = arith.constant 0 : i32
      %dma_start3A_119 = tpu.memref_slice %arg9[%run_scoped3A_81, %dma_start3A_117, %dma_start3A_118] : memref<4x125x64xf32, #tpu.memory_space<vmem>> -> memref<1x125x64xf32, #tpu.memory_space<vmem>>
      %dma_start3A_120 = tpu.memref_squeeze %dma_start3A_119 : memref<1x125x64xf32, #tpu.memory_space<vmem>> -> memref<125x64xf32, #tpu.memory_space<vmem>>
      %dma_start3A_121 = arith.constant 0 : i32
      %dma_start3A_122 = tpu.memref_slice %arg8[%run_scoped3A_82, %dma_start3A_121] : memref<160x125xi32, #tpu.memory_space<vmem>> -> memref<1x125xi32, #tpu.memory_space<vmem>>
      %dma_start3A_123 = tpu.memref_squeeze %dma_start3A_122 : memref<1x125xi32, #tpu.memory_space<vmem>> -> memref<125xi32, #tpu.memory_space<vmem>>
      %dma_start3A_124 = arith.constant 0 : i32
      %dma_start3A_125 = arith.constant 0 : i32
      %dma_start3A_126 = tpu.memref_slice %arg10[%dma_start3A_124, %dma_start3A_125] : memref<10240x64xf32, #tpu.memory_space<vmem_shared>> -> memref<10240x64xf32, #tpu.memory_space<vmem_shared>>
      tpu.enqueue_indirect_dma source(%dma_start3A_120 : memref<125x64xf32, #tpu.memory_space<vmem>>) target(%dma_start3A_126 : memref<10240x64xf32, #tpu.memory_space<vmem_shared>>) offsets(%dma_start3A_123 : memref<125xi32, #tpu.memory_space<vmem>>) semaphore(%run_scoped3A_116 : memref<!tpu.dma_semaphore, #tpu.memory_space<semaphore_mem>>) {add = true}
      %dma_wait3A_127 = arith.constant 0 : i32
      %dma_wait3A_128 = arith.constant 0 : i32
      %dma_wait3A_129 = tpu.memref_slice %arg9[%run_scoped3A_81, %dma_wait3A_127, %dma_wait3A_128] : memref<4x125x64xf32, #tpu.memory_space<vmem>> -> memref<1x125x64xf32, #tpu.memory_space<vmem>>
      %dma_wait3A_130 = tpu.memref_squeeze %dma_wait3A_129 : memref<1x125x64xf32, #tpu.memory_space<vmem>> -> memref<125x64xf32, #tpu.memory_space<vmem>>
      %dma_wait3A_131 = arith.constant 0 : i32
      %dma_wait3A_132 = tpu.memref_slice %arg8[%run_scoped3A_82, %dma_wait3A_131] : memref<160x125xi32, #tpu.memory_space<vmem>> -> memref<1x125xi32, #tpu.memory_space<vmem>>
      %dma_wait3A_133 = tpu.memref_squeeze %dma_wait3A_132 : memref<1x125xi32, #tpu.memory_space<vmem>> -> memref<125xi32, #tpu.memory_space<vmem>>
      %dma_wait3A_134 = arith.constant 0 : i32
      %dma_wait3A_135 = arith.constant 0 : i32
      %dma_wait3A_136 = tpu.memref_slice %arg10[%dma_wait3A_134, %dma_wait3A_135] : memref<10240x64xf32, #tpu.memory_space<vmem_shared>> -> memref<10240x64xf32, #tpu.memory_space<vmem_shared>>
      tpu.wait_indirect_dma semaphore(%run_scoped3A_116 : memref<!tpu.dma_semaphore, #tpu.memory_space<semaphore_mem>>) src(%dma_wait3A_130 : memref<125x64xf32, #tpu.memory_space<vmem>>) dst(%dma_wait3A_136 : memref<10240x64xf32, #tpu.memory_space<vmem_shared>>)
      tpu.yield
    }) : () -> ()
    %dma_wait3A_83 = arith.constant 158 : i32
    %dma_wait3A_84 = arith.constant 2 : i32
    %dma_wait3A_85 = arith.constant 0 : i32
    %dma_wait3A_86 = arith.constant 0 : i32
    %dma_wait3A_87 = tpu.memref_slice %arg9[%dma_wait3A_84, %dma_wait3A_85, %dma_wait3A_86] : memref<4x125x64xf32, #tpu.memory_space<vmem>> -> memref<1x125x64xf32, #tpu.memory_space<vmem>>
    %dma_wait3A_88 = tpu.memref_squeeze %dma_wait3A_87 : memref<1x125x64xf32, #tpu.memory_space<vmem>> -> memref<125x64xf32, #tpu.memory_space<vmem>>
    %dma_wait3A_89 = arith.constant 0 : i32
    %dma_wait3A_90 = tpu.memref_slice %arg7[%dma_wait3A_83, %dma_wait3A_89] : memref<160x125xi32, #tpu.memory_space<vmem>> -> memref<1x125xi32, #tpu.memory_space<vmem>>
    %dma_wait3A_91 = tpu.memref_squeeze %dma_wait3A_90 : memref<1x125xi32, #tpu.memory_space<vmem>> -> memref<125xi32, #tpu.memory_space<vmem>>
    %dma_wait3A_92 = arith.constant 0 : i32
    %dma_wait3A_93 = arith.constant 0 : i32
    %dma_wait3A_94 = tpu.memref_slice %arg2[%dma_wait3A_92, %dma_wait3A_93] : memref<20000x64xf32, #tpu.memory_space<hbm>> -> memref<20000x64xf32, #tpu.memory_space<hbm>>
    tpu.wait_indirect_dma semaphore(%arg13 : memref<!tpu.dma_semaphore, #tpu.memory_space<semaphore_mem>>) src(%dma_wait3A_94 : memref<20000x64xf32, #tpu.memory_space<hbm>>) dst(%dma_wait3A_88 : memref<125x64xf32, #tpu.memory_space<vmem>>)
    %run_scoped3A_95 = arith.constant 2 : i32
    %run_scoped3A_96 = arith.constant 158 : i32
    "tpu.region"() ({
      %run_scoped3A_116 = tpu.sem_alloc : memref<!tpu.dma_semaphore, #tpu.memory_space<semaphore_mem>>
      %dma_start3A_117 = arith.constant 0 : i32
      %dma_start3A_118 = arith.constant 0 : i32
      %dma_start3A_119 = tpu.memref_slice %arg9[%run_scoped3A_95, %dma_start3A_117, %dma_start3A_118] : memref<4x125x64xf32, #tpu.memory_space<vmem>> -> memref<1x125x64xf32, #tpu.memory_space<vmem>>
      %dma_start3A_120 = tpu.memref_squeeze %dma_start3A_119 : memref<1x125x64xf32, #tpu.memory_space<vmem>> -> memref<125x64xf32, #tpu.memory_space<vmem>>
      %dma_start3A_121 = arith.constant 0 : i32
      %dma_start3A_122 = tpu.memref_slice %arg8[%run_scoped3A_96, %dma_start3A_121] : memref<160x125xi32, #tpu.memory_space<vmem>> -> memref<1x125xi32, #tpu.memory_space<vmem>>
      %dma_start3A_123 = tpu.memref_squeeze %dma_start3A_122 : memref<1x125xi32, #tpu.memory_space<vmem>> -> memref<125xi32, #tpu.memory_space<vmem>>
      %dma_start3A_124 = arith.constant 0 : i32
      %dma_start3A_125 = arith.constant 0 : i32
      %dma_start3A_126 = tpu.memref_slice %arg10[%dma_start3A_124, %dma_start3A_125] : memref<10240x64xf32, #tpu.memory_space<vmem_shared>> -> memref<10240x64xf32, #tpu.memory_space<vmem_shared>>
      tpu.enqueue_indirect_dma source(%dma_start3A_120 : memref<125x64xf32, #tpu.memory_space<vmem>>) target(%dma_start3A_126 : memref<10240x64xf32, #tpu.memory_space<vmem_shared>>) offsets(%dma_start3A_123 : memref<125xi32, #tpu.memory_space<vmem>>) semaphore(%run_scoped3A_116 : memref<!tpu.dma_semaphore, #tpu.memory_space<semaphore_mem>>) {add = true}
      %dma_wait3A_127 = arith.constant 0 : i32
      %dma_wait3A_128 = arith.constant 0 : i32
      %dma_wait3A_129 = tpu.memref_slice %arg9[%run_scoped3A_95, %dma_wait3A_127, %dma_wait3A_128] : memref<4x125x64xf32, #tpu.memory_space<vmem>> -> memref<1x125x64xf32, #tpu.memory_space<vmem>>
      %dma_wait3A_130 = tpu.memref_squeeze %dma_wait3A_129 : memref<1x125x64xf32, #tpu.memory_space<vmem>> -> memref<125x64xf32, #tpu.memory_space<vmem>>
      %dma_wait3A_131 = arith.constant 0 : i32
      %dma_wait3A_132 = tpu.memref_slice %arg8[%run_scoped3A_96, %dma_wait3A_131] : memref<160x125xi32, #tpu.memory_space<vmem>> -> memref<1x125xi32, #tpu.memory_space<vmem>>
      %dma_wait3A_133 = tpu.memref_squeeze %dma_wait3A_132 : memref<1x125xi32, #tpu.memory_space<vmem>> -> memref<125xi32, #tpu.memory_space<vmem>>
      %dma_wait3A_134 = arith.constant 0 : i32
      %dma_wait3A_135 = arith.constant 0 : i32
      %dma_wait3A_136 = tpu.memref_slice %arg10[%dma_wait3A_134, %dma_wait3A_135] : memref<10240x64xf32, #tpu.memory_space<vmem_shared>> -> memref<10240x64xf32, #tpu.memory_space<vmem_shared>>
      tpu.wait_indirect_dma semaphore(%run_scoped3A_116 : memref<!tpu.dma_semaphore, #tpu.memory_space<semaphore_mem>>) src(%dma_wait3A_130 : memref<125x64xf32, #tpu.memory_space<vmem>>) dst(%dma_wait3A_136 : memref<10240x64xf32, #tpu.memory_space<vmem_shared>>)
      tpu.yield
    }) : () -> ()
    %dma_wait3A_97 = arith.constant 159 : i32
    %dma_wait3A_98 = arith.constant 3 : i32
    %dma_wait3A_99 = arith.constant 0 : i32
    %dma_wait3A_100 = arith.constant 0 : i32
    %dma_wait3A_101 = tpu.memref_slice %arg9[%dma_wait3A_98, %dma_wait3A_99, %dma_wait3A_100] : memref<4x125x64xf32, #tpu.memory_space<vmem>> -> memref<1x125x64xf32, #tpu.memory_space<vmem>>
    %dma_wait3A_102 = tpu.memref_squeeze %dma_wait3A_101 : memref<1x125x64xf32, #tpu.memory_space<vmem>> -> memref<125x64xf32, #tpu.memory_space<vmem>>
    %dma_wait3A_103 = arith.constant 0 : i32
    %dma_wait3A_104 = tpu.memref_slice %arg7[%dma_wait3A_97, %dma_wait3A_103] : memref<160x125xi32, #tpu.memory_space<vmem>> -> memref<1x125xi32, #tpu.memory_space<vmem>>
    %dma_wait3A_105 = tpu.memref_squeeze %dma_wait3A_104 : memref<1x125xi32, #tpu.memory_space<vmem>> -> memref<125xi32, #tpu.memory_space<vmem>>
    %dma_wait3A_106 = arith.constant 0 : i32
    %dma_wait3A_107 = arith.constant 0 : i32
    %dma_wait3A_108 = tpu.memref_slice %arg2[%dma_wait3A_106, %dma_wait3A_107] : memref<20000x64xf32, #tpu.memory_space<hbm>> -> memref<20000x64xf32, #tpu.memory_space<hbm>>
    tpu.wait_indirect_dma semaphore(%arg14 : memref<!tpu.dma_semaphore, #tpu.memory_space<semaphore_mem>>) src(%dma_wait3A_108 : memref<20000x64xf32, #tpu.memory_space<hbm>>) dst(%dma_wait3A_102 : memref<125x64xf32, #tpu.memory_space<vmem>>)
    %run_scoped3A_109 = arith.constant 3 : i32
    %run_scoped3A_110 = arith.constant 159 : i32
    "tpu.region"() ({
      %run_scoped3A_116 = tpu.sem_alloc : memref<!tpu.dma_semaphore, #tpu.memory_space<semaphore_mem>>
      %dma_start3A_117 = arith.constant 0 : i32
      %dma_start3A_118 = arith.constant 0 : i32
      %dma_start3A_119 = tpu.memref_slice %arg9[%run_scoped3A_109, %dma_start3A_117, %dma_start3A_118] : memref<4x125x64xf32, #tpu.memory_space<vmem>> -> memref<1x125x64xf32, #tpu.memory_space<vmem>>
      %dma_start3A_120 = tpu.memref_squeeze %dma_start3A_119 : memref<1x125x64xf32, #tpu.memory_space<vmem>> -> memref<125x64xf32, #tpu.memory_space<vmem>>
      %dma_start3A_121 = arith.constant 0 : i32
      %dma_start3A_122 = tpu.memref_slice %arg8[%run_scoped3A_110, %dma_start3A_121] : memref<160x125xi32, #tpu.memory_space<vmem>> -> memref<1x125xi32, #tpu.memory_space<vmem>>
      %dma_start3A_123 = tpu.memref_squeeze %dma_start3A_122 : memref<1x125xi32, #tpu.memory_space<vmem>> -> memref<125xi32, #tpu.memory_space<vmem>>
      %dma_start3A_124 = arith.constant 0 : i32
      %dma_start3A_125 = arith.constant 0 : i32
      %dma_start3A_126 = tpu.memref_slice %arg10[%dma_start3A_124, %dma_start3A_125] : memref<10240x64xf32, #tpu.memory_space<vmem_shared>> -> memref<10240x64xf32, #tpu.memory_space<vmem_shared>>
      tpu.enqueue_indirect_dma source(%dma_start3A_120 : memref<125x64xf32, #tpu.memory_space<vmem>>) target(%dma_start3A_126 : memref<10240x64xf32, #tpu.memory_space<vmem_shared>>) offsets(%dma_start3A_123 : memref<125xi32, #tpu.memory_space<vmem>>) semaphore(%run_scoped3A_116 : memref<!tpu.dma_semaphore, #tpu.memory_space<semaphore_mem>>) {add = true}
      %dma_wait3A_127 = arith.constant 0 : i32
      %dma_wait3A_128 = arith.constant 0 : i32
      %dma_wait3A_129 = tpu.memref_slice %arg9[%run_scoped3A_109, %dma_wait3A_127, %dma_wait3A_128] : memref<4x125x64xf32, #tpu.memory_space<vmem>> -> memref<1x125x64xf32, #tpu.memory_space<vmem>>
      %dma_wait3A_130 = tpu.memref_squeeze %dma_wait3A_129 : memref<1x125x64xf32, #tpu.memory_space<vmem>> -> memref<125x64xf32, #tpu.memory_space<vmem>>
      %dma_wait3A_131 = arith.constant 0 : i32
      %dma_wait3A_132 = tpu.memref_slice %arg8[%run_scoped3A_110, %dma_wait3A_131] : memref<160x125xi32, #tpu.memory_space<vmem>> -> memref<1x125xi32, #tpu.memory_space<vmem>>
      %dma_wait3A_133 = tpu.memref_squeeze %dma_wait3A_132 : memref<1x125xi32, #tpu.memory_space<vmem>> -> memref<125xi32, #tpu.memory_space<vmem>>
      %dma_wait3A_134 = arith.constant 0 : i32
      %dma_wait3A_135 = arith.constant 0 : i32
      %dma_wait3A_136 = tpu.memref_slice %arg10[%dma_wait3A_134, %dma_wait3A_135] : memref<10240x64xf32, #tpu.memory_space<vmem_shared>> -> memref<10240x64xf32, #tpu.memory_space<vmem_shared>>
      tpu.wait_indirect_dma semaphore(%run_scoped3A_116 : memref<!tpu.dma_semaphore, #tpu.memory_space<semaphore_mem>>) src(%dma_wait3A_130 : memref<125x64xf32, #tpu.memory_space<vmem>>) dst(%dma_wait3A_136 : memref<10240x64xf32, #tpu.memory_space<vmem_shared>>)
      tpu.yield
    }) : () -> ()
    %barrier3A_111 = arith.constant 0 : index
    tpu.barrier barrier_id(%barrier3A_111)
    %mul3A_112 = arith.constant 640 : i32
    %mul3A_113 = arith.muli %arg1, %mul3A_112 : i32
    %mul3A_114 = arith.constant 640 : i32
    %mul3A_115 = arith.muli %arg1, %mul3A_114 : i32
    "tpu.region"() ({
      %run_scoped3A_116 = tpu.sem_alloc : memref<!tpu.dma_semaphore, #tpu.memory_space<semaphore_mem>>
      %dma_start3A_117 = arith.constant 0 : i32
      %dma_start3A_118 = tpu.memref_slice %arg6[%arg0, %mul3A_115, %dma_start3A_117] : memref<2x10240x64xf32, #tpu.memory_space<hbm>> -> memref<1x640x64xf32, #tpu.memory_space<hbm>>
      %dma_start3A_119 = tpu.memref_squeeze %dma_start3A_118 : memref<1x640x64xf32, #tpu.memory_space<hbm>> -> memref<640x64xf32, #tpu.memory_space<hbm>>
      %dma_start3A_120 = arith.constant 0 : i32
      %dma_start3A_121 = tpu.memref_slice %arg10[%mul3A_113, %dma_start3A_120] : memref<10240x64xf32, #tpu.memory_space<vmem_shared>> -> memref<640x64xf32, #tpu.memory_space<vmem_shared>>
      tpu.enqueue_dma source(%dma_start3A_121 : memref<640x64xf32, #tpu.memory_space<vmem_shared>>) target(%dma_start3A_119 : memref<640x64xf32, #tpu.memory_space<hbm>>) target_semaphore(%run_scoped3A_116 : memref<!tpu.dma_semaphore, #tpu.memory_space<semaphore_mem>>)
      %dma_wait3A_122 = arith.constant 0 : i32
      %dma_wait3A_123 = tpu.memref_slice %arg6[%arg0, %mul3A_115, %dma_wait3A_122] : memref<2x10240x64xf32, #tpu.memory_space<hbm>> -> memref<1x640x64xf32, #tpu.memory_space<hbm>>
      %dma_wait3A_124 = tpu.memref_squeeze %dma_wait3A_123 : memref<1x640x64xf32, #tpu.memory_space<hbm>> -> memref<640x64xf32, #tpu.memory_space<hbm>>
      %dma_wait3A_125 = arith.constant 0 : i32
      %dma_wait3A_126 = tpu.memref_slice %arg10[%mul3A_113, %dma_wait3A_125] : memref<10240x64xf32, #tpu.memory_space<vmem_shared>> -> memref<640x64xf32, #tpu.memory_space<vmem_shared>>
      tpu.wait_dma2 semaphore(%run_scoped3A_116 : memref<!tpu.dma_semaphore, #tpu.memory_space<semaphore_mem>>) src(%dma_wait3A_126 : memref<640x64xf32, #tpu.memory_space<vmem_shared>>) dst(%dma_wait3A_124 : memref<640x64xf32, #tpu.memory_space<hbm>>)
      tpu.yield
    }) : () -> ()
    return
  }
}

#map = affine_map<(d0, d1) -> (0, 0)>
#map1 = affine_map<(d0, d1) -> (0, 0, 0)>
module attributes {stable_mosaic.version = 14 : i64} {
  func.func @_deg_kernel(%arg0: i32, %arg1: i32, %arg2: memref<2560x125xi32, #tpu.memory_space<hbm>>, %arg3: memref<125x16xf32, #tpu.memory_space<hbm>>, %arg4: memref<640x16xf32, #tpu.memory_space<hbm>>, %arg5: memref<2x10240x16xf32, #tpu.memory_space<hbm>>, %arg6: memref<80x125xi32, #tpu.memory_space<vmem>>, %arg7: memref<125x16xf32, #tpu.memory_space<vmem>>, %arg8: memref<10240x16xf32, #tpu.memory_space<vmem_shared>>, %arg9: memref<!tpu.dma_semaphore, #tpu.memory_space<semaphore_mem>>) attributes {dimension_semantics = [#tpu.dimension_semantics<core_parallel>, #tpu.dimension_semantics<subcore_parallel>], iteration_bounds = array<i64: 2, 16>, scalar_prefetch = 0 : i64, scratch_operands = 4 : i64, tpu.core_type = #tpu.core_type<sc_vector_subcore>, window_params = [{transform_indices = #map}, {transform_indices = #map}, {transform_indices = #map}, {transform_indices = #map1}]} {
    %mul3A = arith.constant 16 : i32
    %mul3A_0 = arith.muli %arg0, %mul3A : i32
    %add3A = arith.addi %mul3A_0, %arg1 : i32
    %mul3A_1 = arith.constant 640 : i32
    %mul3A_2 = arith.muli %arg1, %mul3A_1 : i32
    "tpu.region"() ({
      %run_scoped3A = tpu.sem_alloc : memref<!tpu.dma_semaphore, #tpu.memory_space<semaphore_mem>>
      %dma_start3A = arith.constant 0 : i32
      %dma_start3A_21 = tpu.memref_slice %arg8[%mul3A_2, %dma_start3A] : memref<10240x16xf32, #tpu.memory_space<vmem_shared>> -> memref<640x16xf32, #tpu.memory_space<vmem_shared>>
      tpu.enqueue_dma source(%arg4 : memref<640x16xf32, #tpu.memory_space<hbm>>) target(%dma_start3A_21 : memref<640x16xf32, #tpu.memory_space<vmem_shared>>) target_semaphore(%run_scoped3A : memref<!tpu.dma_semaphore, #tpu.memory_space<semaphore_mem>>)
      %dma_wait3A = arith.constant 0 : i32
      %dma_wait3A_22 = tpu.memref_slice %arg8[%mul3A_2, %dma_wait3A] : memref<10240x16xf32, #tpu.memory_space<vmem_shared>> -> memref<640x16xf32, #tpu.memory_space<vmem_shared>>
      tpu.wait_dma2 semaphore(%run_scoped3A : memref<!tpu.dma_semaphore, #tpu.memory_space<semaphore_mem>>) src(%arg4 : memref<640x16xf32, #tpu.memory_space<hbm>>) dst(%dma_wait3A_22 : memref<640x16xf32, #tpu.memory_space<vmem_shared>>)
      tpu.yield
    }) : () -> ()
    "tpu.region"() ({
      %run_scoped3A = tpu.sem_alloc : memref<!tpu.dma_semaphore, #tpu.memory_space<semaphore_mem>>
      tpu.enqueue_dma source(%arg3 : memref<125x16xf32, #tpu.memory_space<hbm>>) target(%arg7 : memref<125x16xf32, #tpu.memory_space<vmem>>) target_semaphore(%run_scoped3A : memref<!tpu.dma_semaphore, #tpu.memory_space<semaphore_mem>>)
      tpu.wait_dma2 semaphore(%run_scoped3A : memref<!tpu.dma_semaphore, #tpu.memory_space<semaphore_mem>>) src(%arg3 : memref<125x16xf32, #tpu.memory_space<hbm>>) dst(%arg7 : memref<125x16xf32, #tpu.memory_space<vmem>>)
      tpu.yield
    }) : () -> ()
    %mul3A_3 = arith.constant 80 : i32
    %mul3A_4 = arith.muli %add3A, %mul3A_3 : i32
    "tpu.region"() ({
      %run_scoped3A = tpu.sem_alloc : memref<!tpu.dma_semaphore, #tpu.memory_space<semaphore_mem>>
      %dma_start3A = arith.constant 0 : i32
      %dma_start3A_21 = tpu.memref_slice %arg2[%mul3A_4, %dma_start3A] : memref<2560x125xi32, #tpu.memory_space<hbm>> -> memref<80x125xi32, #tpu.memory_space<hbm>>
      %dma_start3A_22 = arith.constant 0 : i32
      %dma_start3A_23 = tpu.memref_slice %arg2[%mul3A_4, %dma_start3A_22] : memref<2560x125xi32, #tpu.memory_space<hbm>> -> memref<80x125xi32, #tpu.memory_space<hbm>>
      tpu.enqueue_dma source(%dma_start3A_23 : memref<80x125xi32, #tpu.memory_space<hbm>>) target(%arg6 : memref<80x125xi32, #tpu.memory_space<vmem>>) target_semaphore(%run_scoped3A : memref<!tpu.dma_semaphore, #tpu.memory_space<semaphore_mem>>)
      %dma_wait3A = arith.constant 0 : i32
      %dma_wait3A_24 = tpu.memref_slice %arg2[%mul3A_4, %dma_wait3A] : memref<2560x125xi32, #tpu.memory_space<hbm>> -> memref<80x125xi32, #tpu.memory_space<hbm>>
      %dma_wait3A_25 = arith.constant 0 : i32
      %dma_wait3A_26 = tpu.memref_slice %arg2[%mul3A_4, %dma_wait3A_25] : memref<2560x125xi32, #tpu.memory_space<hbm>> -> memref<80x125xi32, #tpu.memory_space<hbm>>
      tpu.wait_dma2 semaphore(%run_scoped3A : memref<!tpu.dma_semaphore, #tpu.memory_space<semaphore_mem>>) src(%dma_wait3A_26 : memref<80x125xi32, #tpu.memory_space<hbm>>) dst(%arg6 : memref<80x125xi32, #tpu.memory_space<vmem>>)
      tpu.yield
    }) : () -> ()
    %barrier3A = arith.constant 0 : index
    tpu.barrier barrier_id(%barrier3A)
    %scan3A = arith.constant 0 : i32
    %scan3A_5 = arith.constant 0 : i32
    %scan3A_6 = arith.constant 80 : i32
    %scan3A_7 = arith.addi %scan3A_5, %scan3A_6 : i32
    %scan3A_8 = arith.constant 1 : i32
    scf.for %scan3A_21 = %scan3A_5 to %scan3A_7 step %scan3A_8  : i32 {
      %dma_start3A = arith.constant 0 : i32
      %dma_start3A_22 = tpu.memref_slice %arg6[%scan3A_21, %dma_start3A] : memref<80x125xi32, #tpu.memory_space<vmem>> -> memref<1x125xi32, #tpu.memory_space<vmem>>
      %dma_start3A_23 = tpu.memref_squeeze %dma_start3A_22 : memref<1x125xi32, #tpu.memory_space<vmem>> -> memref<125xi32, #tpu.memory_space<vmem>>
      %dma_start3A_24 = arith.constant 0 : i32
      %dma_start3A_25 = arith.constant 0 : i32
      %dma_start3A_26 = tpu.memref_slice %arg8[%dma_start3A_24, %dma_start3A_25] : memref<10240x16xf32, #tpu.memory_space<vmem_shared>> -> memref<10240x16xf32, #tpu.memory_space<vmem_shared>>
      tpu.enqueue_indirect_dma source(%arg7 : memref<125x16xf32, #tpu.memory_space<vmem>>) target(%dma_start3A_26 : memref<10240x16xf32, #tpu.memory_space<vmem_shared>>) offsets(%dma_start3A_23 : memref<125xi32, #tpu.memory_space<vmem>>) semaphore(%arg9 : memref<!tpu.dma_semaphore, #tpu.memory_space<semaphore_mem>>) {add = true}
    }
    %scan3A_9 = arith.constant 80 : i32
    %scan3A_10 = arith.constant 0 : i32
    %scan3A_11 = arith.constant 0 : i32
    %scan3A_12 = arith.constant 80 : i32
    %scan3A_13 = arith.addi %scan3A_11, %scan3A_12 : i32
    %scan3A_14 = arith.constant 1 : i32
    scf.for %scan3A_21 = %scan3A_11 to %scan3A_13 step %scan3A_14  : i32 {
      %dma_wait3A = arith.constant 0 : i32
      %dma_wait3A_22 = arith.constant 0 : i32
      %dma_wait3A_23 = tpu.memref_slice %arg6[%dma_wait3A, %dma_wait3A_22] : memref<80x125xi32, #tpu.memory_space<vmem>> -> memref<1x125xi32, #tpu.memory_space<vmem>>
      %dma_wait3A_24 = tpu.memref_squeeze %dma_wait3A_23 : memref<1x125xi32, #tpu.memory_space<vmem>> -> memref<125xi32, #tpu.memory_space<vmem>>
      %dma_wait3A_25 = arith.constant 0 : i32
      %dma_wait3A_26 = arith.constant 0 : i32
      %dma_wait3A_27 = tpu.memref_slice %arg8[%dma_wait3A_25, %dma_wait3A_26] : memref<10240x16xf32, #tpu.memory_space<vmem_shared>> -> memref<10240x16xf32, #tpu.memory_space<vmem_shared>>
      tpu.wait_indirect_dma semaphore(%arg9 : memref<!tpu.dma_semaphore, #tpu.memory_space<semaphore_mem>>) src(%arg7 : memref<125x16xf32, #tpu.memory_space<vmem>>) dst(%dma_wait3A_27 : memref<10240x16xf32, #tpu.memory_space<vmem_shared>>)
    }
    %scan3A_15 = arith.constant 80 : i32
    %barrier3A_16 = arith.constant 0 : index
    tpu.barrier barrier_id(%barrier3A_16)
    %mul3A_17 = arith.constant 640 : i32
    %mul3A_18 = arith.muli %arg1, %mul3A_17 : i32
    %mul3A_19 = arith.constant 640 : i32
    %mul3A_20 = arith.muli %arg1, %mul3A_19 : i32
    "tpu.region"() ({
      %run_scoped3A = tpu.sem_alloc : memref<!tpu.dma_semaphore, #tpu.memory_space<semaphore_mem>>
      %dma_start3A = arith.constant 0 : i32
      %dma_start3A_21 = tpu.memref_slice %arg5[%arg0, %mul3A_20, %dma_start3A] : memref<2x10240x16xf32, #tpu.memory_space<hbm>> -> memref<1x640x16xf32, #tpu.memory_space<hbm>>
      %dma_start3A_22 = tpu.memref_squeeze %dma_start3A_21 : memref<1x640x16xf32, #tpu.memory_space<hbm>> -> memref<640x16xf32, #tpu.memory_space<hbm>>
      %dma_start3A_23 = arith.constant 0 : i32
      %dma_start3A_24 = tpu.memref_slice %arg8[%mul3A_18, %dma_start3A_23] : memref<10240x16xf32, #tpu.memory_space<vmem_shared>> -> memref<640x16xf32, #tpu.memory_space<vmem_shared>>
      tpu.enqueue_dma source(%dma_start3A_24 : memref<640x16xf32, #tpu.memory_space<vmem_shared>>) target(%dma_start3A_22 : memref<640x16xf32, #tpu.memory_space<hbm>>) target_semaphore(%run_scoped3A : memref<!tpu.dma_semaphore, #tpu.memory_space<semaphore_mem>>)
      %dma_wait3A = arith.constant 0 : i32
      %dma_wait3A_25 = tpu.memref_slice %arg5[%arg0, %mul3A_20, %dma_wait3A] : memref<2x10240x16xf32, #tpu.memory_space<hbm>> -> memref<1x640x16xf32, #tpu.memory_space<hbm>>
      %dma_wait3A_26 = tpu.memref_squeeze %dma_wait3A_25 : memref<1x640x16xf32, #tpu.memory_space<hbm>> -> memref<640x16xf32, #tpu.memory_space<hbm>>
      %dma_wait3A_27 = arith.constant 0 : i32
      %dma_wait3A_28 = tpu.memref_slice %arg8[%mul3A_18, %dma_wait3A_27] : memref<10240x16xf32, #tpu.memory_space<vmem_shared>> -> memref<640x16xf32, #tpu.memory_space<vmem_shared>>
      tpu.wait_dma2 semaphore(%run_scoped3A : memref<!tpu.dma_semaphore, #tpu.memory_space<semaphore_mem>>) src(%dma_wait3A_28 : memref<640x16xf32, #tpu.memory_space<vmem_shared>>) dst(%dma_wait3A_26 : memref<640x16xf32, #tpu.memory_space<hbm>>)
      tpu.yield
    }) : () -> ()
    return
  }
}

#map = affine_map<(d0, d1) -> (0, 0)>
#map1 = affine_map<(d0, d1) -> (0, 0, 0)>
module attributes {stable_mosaic.version = 14 : i64} {
  func.func @agg_kernel(%arg0: i32, %arg1: i32, %arg2: memref<20000x64xf32, #tpu.memory_space<hbm>>, %arg3: memref<2x2560x125xi32, #tpu.memory_space<hbm>>, %arg4: memref<2560x125xi32, #tpu.memory_space<hbm>>, %arg5: memref<640x64xf32, #tpu.memory_space<hbm>>, %arg6: memref<2x10240x64xf32, #tpu.memory_space<hbm>>, %arg7: memref<160x125xi32, #tpu.memory_space<vmem>>, %arg8: memref<160x125xi32, #tpu.memory_space<vmem>>, %arg9: memref<4x125x64xf32, #tpu.memory_space<vmem>>, %arg10: memref<10240x64xf32, #tpu.memory_space<vmem_shared>>, %arg11: memref<!tpu.dma_semaphore, #tpu.memory_space<semaphore_mem>>, %arg12: memref<!tpu.dma_semaphore, #tpu.memory_space<semaphore_mem>>, %arg13: memref<!tpu.dma_semaphore, #tpu.memory_space<semaphore_mem>>, %arg14: memref<!tpu.dma_semaphore, #tpu.memory_space<semaphore_mem>>) attributes {dimension_semantics = [#tpu.dimension_semantics<core_parallel>, #tpu.dimension_semantics<subcore_parallel>], iteration_bounds = array<i64: 2, 16>, scalar_prefetch = 0 : i64, scratch_operands = 8 : i64, tpu.core_type = #tpu.core_type<sc_vector_subcore>, window_params = [{transform_indices = #map}, {transform_indices = #map1}, {transform_indices = #map}, {transform_indices = #map}, {transform_indices = #map1}]} {
    %mul3A = arith.constant 640 : i32
    %mul3A_0 = arith.muli %arg1, %mul3A : i32
    "tpu.region"() ({
      %run_scoped3A_116 = tpu.sem_alloc : memref<!tpu.dma_semaphore, #tpu.memory_space<semaphore_mem>>
      %dma_start3A_117 = arith.constant 0 : i32
      %dma_start3A_118 = tpu.memref_slice %arg10[%mul3A_0, %dma_start3A_117] : memref<10240x64xf32, #tpu.memory_space<vmem_shared>> -> memref<640x64xf32, #tpu.memory_space<vmem_shared>>
      tpu.enqueue_dma source(%arg5 : memref<640x64xf32, #tpu.memory_space<hbm>>) target(%dma_start3A_118 : memref<640x64xf32, #tpu.memory_space<vmem_shared>>) target_semaphore(%run_scoped3A_116 : memref<!tpu.dma_semaphore, #tpu.memory_space<semaphore_mem>>)
      %dma_wait3A_119 = arith.constant 0 : i32
      %dma_wait3A_120 = tpu.memref_slice %arg10[%mul3A_0, %dma_wait3A_119] : memref<10240x64xf32, #tpu.memory_space<vmem_shared>> -> memref<640x64xf32, #tpu.memory_space<vmem_shared>>
      tpu.wait_dma2 semaphore(%run_scoped3A_116 : memref<!tpu.dma_semaphore, #tpu.memory_space<semaphore_mem>>) src(%arg5 : memref<640x64xf32, #tpu.memory_space<hbm>>) dst(%dma_wait3A_120 : memref<640x64xf32, #tpu.memory_space<vmem_shared>>)
      tpu.yield
    }) : () -> ()
    %mul3A_1 = arith.constant 160 : i32
    %mul3A_2 = arith.muli %arg1, %mul3A_1 : i32
    "tpu.region"() ({
      %run_scoped3A_116 = tpu.sem_alloc : memref<!tpu.dma_semaphore, #tpu.memory_space<semaphore_mem>>
      %dma_start3A_117 = arith.constant 0 : i32
      %dma_start3A_118 = tpu.memref_slice %arg3[%arg0, %mul3A_2, %dma_start3A_117] : memref<2x2560x125xi32, #tpu.memory_space<hbm>> -> memref<1x160x125xi32, #tpu.memory_space<hbm>>
      %dma_start3A_119 = tpu.memref_squeeze %dma_start3A_118 : memref<1x160x125xi32, #tpu.memory_space<hbm>> -> memref<160x125xi32, #tpu.memory_space<hbm>>
      %dma_start3A_120 = arith.constant 0 : i32
      %dma_start3A_121 = tpu.memref_slice %arg3[%arg0, %mul3A_2, %dma_start3A_120] : memref<2x2560x125xi32, #tpu.memory_space<hbm>> -> memref<1x160x125xi32, #tpu.memory_space<hbm>>
      %dma_start3A_122 = tpu.memref_squeeze %dma_start3A_121 : memref<1x160x125xi32, #tpu.memory_space<hbm>> -> memref<160x125xi32, #tpu.memory_space<hbm>>
      tpu.enqueue_dma source(%dma_start3A_122 : memref<160x125xi32, #tpu.memory_space<hbm>>) target(%arg7 : memref<160x125xi32, #tpu.memory_space<vmem>>) target_semaphore(%run_scoped3A_116 : memref<!tpu.dma_semaphore, #tpu.memory_space<semaphore_mem>>)
      %dma_wait3A_123 = arith.constant 0 : i32
      %dma_wait3A_124 = tpu.memref_slice %arg3[%arg0, %mul3A_2, %dma_wait3A_123] : memref<2x2560x125xi32, #tpu.memory_space<hbm>> -> memref<1x160x125xi32, #tpu.memory_space<hbm>>
      %dma_wait3A_125 = tpu.memref_squeeze %dma_wait3A_124 : memref<1x160x125xi32, #tpu.memory_space<hbm>> -> memref<160x125xi32, #tpu.memory_space<hbm>>
      %dma_wait3A_126 = arith.constant 0 : i32
      %dma_wait3A_127 = tpu.memref_slice %arg3[%arg0, %mul3A_2, %dma_wait3A_126] : memref<2x2560x125xi32, #tpu.memory_space<hbm>> -> memref<1x160x125xi32, #tpu.memory_space<hbm>>
      %dma_wait3A_128 = tpu.memref_squeeze %dma_wait3A_127 : memref<1x160x125xi32, #tpu.memory_space<hbm>> -> memref<160x125xi32, #tpu.memory_space<hbm>>
      tpu.wait_dma2 semaphore(%run_scoped3A_116 : memref<!tpu.dma_semaphore, #tpu.memory_space<semaphore_mem>>) src(%dma_wait3A_128 : memref<160x125xi32, #tpu.memory_space<hbm>>) dst(%arg7 : memref<160x125xi32, #tpu.memory_space<vmem>>)
      tpu.yield
    }) : () -> ()
    %mul3A_3 = arith.constant 160 : i32
    %mul3A_4 = arith.muli %arg1, %mul3A_3 : i32
    "tpu.region"() ({
      %run_scoped3A_116 = tpu.sem_alloc : memref<!tpu.dma_semaphore, #tpu.memory_space<semaphore_mem>>
      %dma_start3A_117 = arith.constant 0 : i32
      %dma_start3A_118 = tpu.memref_slice %arg4[%mul3A_4, %dma_start3A_117] : memref<2560x125xi32, #tpu.memory_space<hbm>> -> memref<160x125xi32, #tpu.memory_space<hbm>>
      %dma_start3A_119 = arith.constant 0 : i32
      %dma_start3A_120 = tpu.memref_slice %arg4[%mul3A_4, %dma_start3A_119] : memref<2560x125xi32, #tpu.memory_space<hbm>> -> memref<160x125xi32, #tpu.memory_space<hbm>>
      tpu.enqueue_dma source(%dma_start3A_120 : memref<160x125xi32, #tpu.memory_space<hbm>>) target(%arg8 : memref<160x125xi32, #tpu.memory_space<vmem>>) target_semaphore(%run_scoped3A_116 : memref<!tpu.dma_semaphore, #tpu.memory_space<semaphore_mem>>)
      %dma_wait3A_121 = arith.constant 0 : i32
      %dma_wait3A_122 = tpu.memref_slice %arg4[%mul3A_4, %dma_wait3A_121] : memref<2560x125xi32, #tpu.memory_space<hbm>> -> memref<160x125xi32, #tpu.memory_space<hbm>>
      %dma_wait3A_123 = arith.constant 0 : i32
      %dma_wait3A_124 = tpu.memref_slice %arg4[%mul3A_4, %dma_wait3A_123] : memref<2560x125xi32, #tpu.memory_space<hbm>> -> memref<160x125xi32, #tpu.memory_space<hbm>>
      tpu.wait_dma2 semaphore(%run_scoped3A_116 : memref<!tpu.dma_semaphore, #tpu.memory_space<semaphore_mem>>) src(%dma_wait3A_124 : memref<160x125xi32, #tpu.memory_space<hbm>>) dst(%arg8 : memref<160x125xi32, #tpu.memory_space<vmem>>)
      tpu.yield
    }) : () -> ()
    %barrier3A = arith.constant 0 : index
    tpu.barrier barrier_id(%barrier3A)
    %dma_start3A = arith.constant 0 : i32
    %dma_start3A_5 = arith.constant 0 : i32
    %dma_start3A_6 = arith.constant 0 : i32
    %dma_start3A_7 = arith.constant 0 : i32
    %dma_start3A_8 = tpu.memref_slice %arg9[%dma_start3A_5, %dma_start3A_6, %dma_start3A_7] : memref<4x125x64xf32, #tpu.memory_space<vmem>> -> memref<1x125x64xf32, #tpu.memory_space<vmem>>
    %dma_start3A_9 = tpu.memref_squeeze %dma_start3A_8 : memref<1x125x64xf32, #tpu.memory_space<vmem>> -> memref<125x64xf32, #tpu.memory_space<vmem>>
    %dma_start3A_10 = arith.constant 0 : i32
    %dma_start3A_11 = tpu.memref_slice %arg7[%dma_start3A, %dma_start3A_10] : memref<160x125xi32, #tpu.memory_space<vmem>> -> memref<1x125xi32, #tpu.memory_space<vmem>>
    %dma_start3A_12 = tpu.memref_squeeze %dma_start3A_11 : memref<1x125xi32, #tpu.memory_space<vmem>> -> memref<125xi32, #tpu.memory_space<vmem>>
    %dma_start3A_13 = arith.constant 0 : i32
    %dma_start3A_14 = arith.constant 0 : i32
    %dma_start3A_15 = tpu.memref_slice %arg2[%dma_start3A_13, %dma_start3A_14] : memref<20000x64xf32, #tpu.memory_space<hbm>> -> memref<20000x64xf32, #tpu.memory_space<hbm>>
    tpu.enqueue_indirect_dma source(%dma_start3A_15 : memref<20000x64xf32, #tpu.memory_space<hbm>>) target(%dma_start3A_9 : memref<125x64xf32, #tpu.memory_space<vmem>>) offsets(%dma_start3A_12 : memref<125xi32, #tpu.memory_space<vmem>>) semaphore(%arg11 : memref<!tpu.dma_semaphore, #tpu.memory_space<semaphore_mem>>)
    %dma_start3A_16 = arith.constant 1 : i32
    %dma_start3A_17 = arith.constant 1 : i32
    %dma_start3A_18 = arith.constant 0 : i32
    %dma_start3A_19 = arith.constant 0 : i32
    %dma_start3A_20 = tpu.memref_slice %arg9[%dma_start3A_17, %dma_start3A_18, %dma_start3A_19] : memref<4x125x64xf32, #tpu.memory_space<vmem>> -> memref<1x125x64xf32, #tpu.memory_space<vmem>>
    %dma_start3A_21 = tpu.memref_squeeze %dma_start3A_20 : memref<1x125x64xf32, #tpu.memory_space<vmem>> -> memref<125x64xf32, #tpu.memory_space<vmem>>
    %dma_start3A_22 = arith.constant 0 : i32
    %dma_start3A_23 = tpu.memref_slice %arg7[%dma_start3A_16, %dma_start3A_22] : memref<160x125xi32, #tpu.memory_space<vmem>> -> memref<1x125xi32, #tpu.memory_space<vmem>>
    %dma_start3A_24 = tpu.memref_squeeze %dma_start3A_23 : memref<1x125xi32, #tpu.memory_space<vmem>> -> memref<125xi32, #tpu.memory_space<vmem>>
    %dma_start3A_25 = arith.constant 0 : i32
    %dma_start3A_26 = arith.constant 0 : i32
    %dma_start3A_27 = tpu.memref_slice %arg2[%dma_start3A_25, %dma_start3A_26] : memref<20000x64xf32, #tpu.memory_space<hbm>> -> memref<20000x64xf32, #tpu.memory_space<hbm>>
    tpu.enqueue_indirect_dma source(%dma_start3A_27 : memref<20000x64xf32, #tpu.memory_space<hbm>>) target(%dma_start3A_21 : memref<125x64xf32, #tpu.memory_space<vmem>>) offsets(%dma_start3A_24 : memref<125xi32, #tpu.memory_space<vmem>>) semaphore(%arg12 : memref<!tpu.dma_semaphore, #tpu.memory_space<semaphore_mem>>)
    %dma_start3A_28 = arith.constant 2 : i32
    %dma_start3A_29 = arith.constant 2 : i32
    %dma_start3A_30 = arith.constant 0 : i32
    %dma_start3A_31 = arith.constant 0 : i32
    %dma_start3A_32 = tpu.memref_slice %arg9[%dma_start3A_29, %dma_start3A_30, %dma_start3A_31] : memref<4x125x64xf32, #tpu.memory_space<vmem>> -> memref<1x125x64xf32, #tpu.memory_space<vmem>>
    %dma_start3A_33 = tpu.memref_squeeze %dma_start3A_32 : memref<1x125x64xf32, #tpu.memory_space<vmem>> -> memref<125x64xf32, #tpu.memory_space<vmem>>
    %dma_start3A_34 = arith.constant 0 : i32
    %dma_start3A_35 = tpu.memref_slice %arg7[%dma_start3A_28, %dma_start3A_34] : memref<160x125xi32, #tpu.memory_space<vmem>> -> memref<1x125xi32, #tpu.memory_space<vmem>>
    %dma_start3A_36 = tpu.memref_squeeze %dma_start3A_35 : memref<1x125xi32, #tpu.memory_space<vmem>> -> memref<125xi32, #tpu.memory_space<vmem>>
    %dma_start3A_37 = arith.constant 0 : i32
    %dma_start3A_38 = arith.constant 0 : i32
    %dma_start3A_39 = tpu.memref_slice %arg2[%dma_start3A_37, %dma_start3A_38] : memref<20000x64xf32, #tpu.memory_space<hbm>> -> memref<20000x64xf32, #tpu.memory_space<hbm>>
    tpu.enqueue_indirect_dma source(%dma_start3A_39 : memref<20000x64xf32, #tpu.memory_space<hbm>>) target(%dma_start3A_33 : memref<125x64xf32, #tpu.memory_space<vmem>>) offsets(%dma_start3A_36 : memref<125xi32, #tpu.memory_space<vmem>>) semaphore(%arg13 : memref<!tpu.dma_semaphore, #tpu.memory_space<semaphore_mem>>)
    %dma_start3A_40 = arith.constant 3 : i32
    %dma_start3A_41 = arith.constant 3 : i32
    %dma_start3A_42 = arith.constant 0 : i32
    %dma_start3A_43 = arith.constant 0 : i32
    %dma_start3A_44 = tpu.memref_slice %arg9[%dma_start3A_41, %dma_start3A_42, %dma_start3A_43] : memref<4x125x64xf32, #tpu.memory_space<vmem>> -> memref<1x125x64xf32, #tpu.memory_space<vmem>>
    %dma_start3A_45 = tpu.memref_squeeze %dma_start3A_44 : memref<1x125x64xf32, #tpu.memory_space<vmem>> -> memref<125x64xf32, #tpu.memory_space<vmem>>
    %dma_start3A_46 = arith.constant 0 : i32
    %dma_start3A_47 = tpu.memref_slice %arg7[%dma_start3A_40, %dma_start3A_46] : memref<160x125xi32, #tpu.memory_space<vmem>> -> memref<1x125xi32, #tpu.memory_space<vmem>>
    %dma_start3A_48 = tpu.memref_squeeze %dma_start3A_47 : memref<1x125xi32, #tpu.memory_space<vmem>> -> memref<125xi32, #tpu.memory_space<vmem>>
    %dma_start3A_49 = arith.constant 0 : i32
    %dma_start3A_50 = arith.constant 0 : i32
    %dma_start3A_51 = tpu.memref_slice %arg2[%dma_start3A_49, %dma_start3A_50] : memref<20000x64xf32, #tpu.memory_space<hbm>> -> memref<20000x64xf32, #tpu.memory_space<hbm>>
    tpu.enqueue_indirect_dma source(%dma_start3A_51 : memref<20000x64xf32, #tpu.memory_space<hbm>>) target(%dma_start3A_45 : memref<125x64xf32, #tpu.memory_space<vmem>>) offsets(%dma_start3A_48 : memref<125xi32, #tpu.memory_space<vmem>>) semaphore(%arg14 : memref<!tpu.dma_semaphore, #tpu.memory_space<semaphore_mem>>)
    %scan3A = arith.constant 0 : i32
    %scan3A_52 = arith.constant 0 : i32
    %scan3A_53 = arith.constant 39 : i32
    %scan3A_54 = arith.addi %scan3A_52, %scan3A_53 : i32
    %scan3A_55 = arith.constant 1 : i32
    scf.for %scan3A_116 = %scan3A_52 to %scan3A_54 step %scan3A_55  : i32 {
      %mul3A_117 = arith.constant 4 : i32
      %mul3A_118 = arith.muli %scan3A_116, %mul3A_117 : i32
      %add3A = arith.constant 0 : i32
      %add3A_119 = arith.addi %mul3A_118, %add3A : i32
      %dma_wait3A_120 = arith.constant 0 : i32
      %dma_wait3A_121 = arith.constant 0 : i32
      %dma_wait3A_122 = arith.constant 0 : i32
      %dma_wait3A_123 = tpu.memref_slice %arg9[%dma_wait3A_120, %dma_wait3A_121, %dma_wait3A_122] : memref<4x125x64xf32, #tpu.memory_space<vmem>> -> memref<1x125x64xf32, #tpu.memory_space<vmem>>
      %dma_wait3A_124 = tpu.memref_squeeze %dma_wait3A_123 : memref<1x125x64xf32, #tpu.memory_space<vmem>> -> memref<125x64xf32, #tpu.memory_space<vmem>>
      %dma_wait3A_125 = arith.constant 0 : i32
      %dma_wait3A_126 = tpu.memref_slice %arg7[%add3A_119, %dma_wait3A_125] : memref<160x125xi32, #tpu.memory_space<vmem>> -> memref<1x125xi32, #tpu.memory_space<vmem>>
      %dma_wait3A_127 = tpu.memref_squeeze %dma_wait3A_126 : memref<1x125xi32, #tpu.memory_space<vmem>> -> memref<125xi32, #tpu.memory_space<vmem>>
      %dma_wait3A_128 = arith.constant 0 : i32
      %dma_wait3A_129 = arith.constant 0 : i32
      %dma_wait3A_130 = tpu.memref_slice %arg2[%dma_wait3A_128, %dma_wait3A_129] : memref<20000x64xf32, #tpu.memory_space<hbm>> -> memref<20000x64xf32, #tpu.memory_space<hbm>>
      tpu.wait_indirect_dma semaphore(%arg11 : memref<!tpu.dma_semaphore, #tpu.memory_space<semaphore_mem>>) src(%dma_wait3A_130 : memref<20000x64xf32, #tpu.memory_space<hbm>>) dst(%dma_wait3A_124 : memref<125x64xf32, #tpu.memory_space<vmem>>)
      %run_scoped3A_131 = arith.constant 0 : i32
      "tpu.region"() ({
        %run_scoped3A_232 = tpu.sem_alloc : memref<!tpu.dma_semaphore, #tpu.memory_space<semaphore_mem>>
        %dma_start3A_233 = arith.constant 0 : i32
        %dma_start3A_234 = arith.constant 0 : i32
        %dma_start3A_235 = tpu.memref_slice %arg9[%run_scoped3A_131, %dma_start3A_233, %dma_start3A_234] : memref<4x125x64xf32, #tpu.memory_space<vmem>> -> memref<1x125x64xf32, #tpu.memory_space<vmem>>
        %dma_start3A_236 = tpu.memref_squeeze %dma_start3A_235 : memref<1x125x64xf32, #tpu.memory_space<vmem>> -> memref<125x64xf32, #tpu.memory_space<vmem>>
        %dma_start3A_237 = arith.constant 0 : i32
        %dma_start3A_238 = tpu.memref_slice %arg8[%add3A_119, %dma_start3A_237] : memref<160x125xi32, #tpu.memory_space<vmem>> -> memref<1x125xi32, #tpu.memory_space<vmem>>
        %dma_start3A_239 = tpu.memref_squeeze %dma_start3A_238 : memref<1x125xi32, #tpu.memory_space<vmem>> -> memref<125xi32, #tpu.memory_space<vmem>>
        %dma_start3A_240 = arith.constant 0 : i32
        %dma_start3A_241 = arith.constant 0 : i32
        %dma_start3A_242 = tpu.memref_slice %arg10[%dma_start3A_240, %dma_start3A_241] : memref<10240x64xf32, #tpu.memory_space<vmem_shared>> -> memref<10240x64xf32, #tpu.memory_space<vmem_shared>>
        tpu.enqueue_indirect_dma source(%dma_start3A_236 : memref<125x64xf32, #tpu.memory_space<vmem>>) target(%dma_start3A_242 : memref<10240x64xf32, #tpu.memory_space<vmem_shared>>) offsets(%dma_start3A_239 : memref<125xi32, #tpu.memory_space<vmem>>) semaphore(%run_scoped3A_232 : memref<!tpu.dma_semaphore, #tpu.memory_space<semaphore_mem>>) {add = true}
        %dma_wait3A_243 = arith.constant 0 : i32
        %dma_wait3A_244 = arith.constant 0 : i32
        %dma_wait3A_245 = tpu.memref_slice %arg9[%run_scoped3A_131, %dma_wait3A_243, %dma_wait3A_244] : memref<4x125x64xf32, #tpu.memory_space<vmem>> -> memref<1x125x64xf32, #tpu.memory_space<vmem>>
        %dma_wait3A_246 = tpu.memref_squeeze %dma_wait3A_245 : memref<1x125x64xf32, #tpu.memory_space<vmem>> -> memref<125x64xf32, #tpu.memory_space<vmem>>
        %dma_wait3A_247 = arith.constant 0 : i32
        %dma_wait3A_248 = tpu.memref_slice %arg8[%add3A_119, %dma_wait3A_247] : memref<160x125xi32, #tpu.memory_space<vmem>> -> memref<1x125xi32, #tpu.memory_space<vmem>>
        %dma_wait3A_249 = tpu.memref_squeeze %dma_wait3A_248 : memref<1x125xi32, #tpu.memory_space<vmem>> -> memref<125xi32, #tpu.memory_space<vmem>>
        %dma_wait3A_250 = arith.constant 0 : i32
        %dma_wait3A_251 = arith.constant 0 : i32
        %dma_wait3A_252 = tpu.memref_slice %arg10[%dma_wait3A_250, %dma_wait3A_251] : memref<10240x64xf32, #tpu.memory_space<vmem_shared>> -> memref<10240x64xf32, #tpu.memory_space<vmem_shared>>
        tpu.wait_indirect_dma semaphore(%run_scoped3A_232 : memref<!tpu.dma_semaphore, #tpu.memory_space<semaphore_mem>>) src(%dma_wait3A_246 : memref<125x64xf32, #tpu.memory_space<vmem>>) dst(%dma_wait3A_252 : memref<10240x64xf32, #tpu.memory_space<vmem_shared>>)
        tpu.yield
      }) : () -> ()
      %add3A_132 = arith.constant 4 : i32
      %add3A_133 = arith.addi %add3A_119, %add3A_132 : i32
      %dma_start3A_134 = arith.constant 0 : i32
      %dma_start3A_135 = arith.constant 0 : i32
      %dma_start3A_136 = arith.constant 0 : i32
      %dma_start3A_137 = tpu.memref_slice %arg9[%dma_start3A_134, %dma_start3A_135, %dma_start3A_136] : memref<4x125x64xf32, #tpu.memory_space<vmem>> -> memref<1x125x64xf32, #tpu.memory_space<vmem>>
      %dma_start3A_138 = tpu.memref_squeeze %dma_start3A_137 : memref<1x125x64xf32, #tpu.memory_space<vmem>> -> memref<125x64xf32, #tpu.memory_space<vmem>>
      %dma_start3A_139 = arith.constant 0 : i32
      %dma_start3A_140 = tpu.memref_slice %arg7[%add3A_133, %dma_start3A_139] : memref<160x125xi32, #tpu.memory_space<vmem>> -> memref<1x125xi32, #tpu.memory_space<vmem>>
      %dma_start3A_141 = tpu.memref_squeeze %dma_start3A_140 : memref<1x125xi32, #tpu.memory_space<vmem>> -> memref<125xi32, #tpu.memory_space<vmem>>
      %dma_start3A_142 = arith.constant 0 : i32
      %dma_start3A_143 = arith.constant 0 : i32
      %dma_start3A_144 = tpu.memref_slice %arg2[%dma_start3A_142, %dma_start3A_143] : memref<20000x64xf32, #tpu.memory_space<hbm>> -> memref<20000x64xf32, #tpu.memory_space<hbm>>
      tpu.enqueue_indirect_dma source(%dma_start3A_144 : memref<20000x64xf32, #tpu.memory_space<hbm>>) target(%dma_start3A_138 : memref<125x64xf32, #tpu.memory_space<vmem>>) offsets(%dma_start3A_141 : memref<125xi32, #tpu.memory_space<vmem>>) semaphore(%arg11 : memref<!tpu.dma_semaphore, #tpu.memory_space<semaphore_mem>>)
      %mul3A_145 = arith.constant 4 : i32
      %mul3A_146 = arith.muli %scan3A_116, %mul3A_145 : i32
      %add3A_147 = arith.constant 1 : i32
      %add3A_148 = arith.addi %mul3A_146, %add3A_147 : i32
      %dma_wait3A_149 = arith.constant 1 : i32
      %dma_wait3A_150 = arith.constant 0 : i32
      %dma_wait3A_151 = arith.constant 0 : i32
      %dma_wait3A_152 = tpu.memref_slice %arg9[%dma_wait3A_149, %dma_wait3A_150, %dma_wait3A_151] : memref<4x125x64xf32, #tpu.memory_space<vmem>> -> memref<1x125x64xf32, #tpu.memory_space<vmem>>
      %dma_wait3A_153 = tpu.memref_squeeze %dma_wait3A_152 : memref<1x125x64xf32, #tpu.memory_space<vmem>> -> memref<125x64xf32, #tpu.memory_space<vmem>>
      %dma_wait3A_154 = arith.constant 0 : i32
      %dma_wait3A_155 = tpu.memref_slice %arg7[%add3A_148, %dma_wait3A_154] : memref<160x125xi32, #tpu.memory_space<vmem>> -> memref<1x125xi32, #tpu.memory_space<vmem>>
      %dma_wait3A_156 = tpu.memref_squeeze %dma_wait3A_155 : memref<1x125xi32, #tpu.memory_space<vmem>> -> memref<125xi32, #tpu.memory_space<vmem>>
      %dma_wait3A_157 = arith.constant 0 : i32
      %dma_wait3A_158 = arith.constant 0 : i32
      %dma_wait3A_159 = tpu.memref_slice %arg2[%dma_wait3A_157, %dma_wait3A_158] : memref<20000x64xf32, #tpu.memory_space<hbm>> -> memref<20000x64xf32, #tpu.memory_space<hbm>>
      tpu.wait_indirect_dma semaphore(%arg12 : memref<!tpu.dma_semaphore, #tpu.memory_space<semaphore_mem>>) src(%dma_wait3A_159 : memref<20000x64xf32, #tpu.memory_space<hbm>>) dst(%dma_wait3A_153 : memref<125x64xf32, #tpu.memory_space<vmem>>)
      %run_scoped3A_160 = arith.constant 1 : i32
      "tpu.region"() ({
        %run_scoped3A_232 = tpu.sem_alloc : memref<!tpu.dma_semaphore, #tpu.memory_space<semaphore_mem>>
        %dma_start3A_233 = arith.constant 0 : i32
        %dma_start3A_234 = arith.constant 0 : i32
        %dma_start3A_235 = tpu.memref_slice %arg9[%run_scoped3A_160, %dma_start3A_233, %dma_start3A_234] : memref<4x125x64xf32, #tpu.memory_space<vmem>> -> memref<1x125x64xf32, #tpu.memory_space<vmem>>
        %dma_start3A_236 = tpu.memref_squeeze %dma_start3A_235 : memref<1x125x64xf32, #tpu.memory_space<vmem>> -> memref<125x64xf32, #tpu.memory_space<vmem>>
        %dma_start3A_237 = arith.constant 0 : i32
        %dma_start3A_238 = tpu.memref_slice %arg8[%add3A_148, %dma_start3A_237] : memref<160x125xi32, #tpu.memory_space<vmem>> -> memref<1x125xi32, #tpu.memory_space<vmem>>
        %dma_start3A_239 = tpu.memref_squeeze %dma_start3A_238 : memref<1x125xi32, #tpu.memory_space<vmem>> -> memref<125xi32, #tpu.memory_space<vmem>>
        %dma_start3A_240 = arith.constant 0 : i32
        %dma_start3A_241 = arith.constant 0 : i32
        %dma_start3A_242 = tpu.memref_slice %arg10[%dma_start3A_240, %dma_start3A_241] : memref<10240x64xf32, #tpu.memory_space<vmem_shared>> -> memref<10240x64xf32, #tpu.memory_space<vmem_shared>>
        tpu.enqueue_indirect_dma source(%dma_start3A_236 : memref<125x64xf32, #tpu.memory_space<vmem>>) target(%dma_start3A_242 : memref<10240x64xf32, #tpu.memory_space<vmem_shared>>) offsets(%dma_start3A_239 : memref<125xi32, #tpu.memory_space<vmem>>) semaphore(%run_scoped3A_232 : memref<!tpu.dma_semaphore, #tpu.memory_space<semaphore_mem>>) {add = true}
        %dma_wait3A_243 = arith.constant 0 : i32
        %dma_wait3A_244 = arith.constant 0 : i32
        %dma_wait3A_245 = tpu.memref_slice %arg9[%run_scoped3A_160, %dma_wait3A_243, %dma_wait3A_244] : memref<4x125x64xf32, #tpu.memory_space<vmem>> -> memref<1x125x64xf32, #tpu.memory_space<vmem>>
        %dma_wait3A_246 = tpu.memref_squeeze %dma_wait3A_245 : memref<1x125x64xf32, #tpu.memory_space<vmem>> -> memref<125x64xf32, #tpu.memory_space<vmem>>
        %dma_wait3A_247 = arith.constant 0 : i32
        %dma_wait3A_248 = tpu.memref_slice %arg8[%add3A_148, %dma_wait3A_247] : memref<160x125xi32, #tpu.memory_space<vmem>> -> memref<1x125xi32, #tpu.memory_space<vmem>>
        %dma_wait3A_249 = tpu.memref_squeeze %dma_wait3A_248 : memref<1x125xi32, #tpu.memory_space<vmem>> -> memref<125xi32, #tpu.memory_space<vmem>>
        %dma_wait3A_250 = arith.constant 0 : i32
        %dma_wait3A_251 = arith.constant 0 : i32
        %dma_wait3A_252 = tpu.memref_slice %arg10[%dma_wait3A_250, %dma_wait3A_251] : memref<10240x64xf32, #tpu.memory_space<vmem_shared>> -> memref<10240x64xf32, #tpu.memory_space<vmem_shared>>
        tpu.wait_indirect_dma semaphore(%run_scoped3A_232 : memref<!tpu.dma_semaphore, #tpu.memory_space<semaphore_mem>>) src(%dma_wait3A_246 : memref<125x64xf32, #tpu.memory_space<vmem>>) dst(%dma_wait3A_252 : memref<10240x64xf32, #tpu.memory_space<vmem_shared>>)
        tpu.yield
      }) : () -> ()
      %add3A_161 = arith.constant 4 : i32
      %add3A_162 = arith.addi %add3A_148, %add3A_161 : i32
      %dma_start3A_163 = arith.constant 1 : i32
      %dma_start3A_164 = arith.constant 0 : i32
      %dma_start3A_165 = arith.constant 0 : i32
      %dma_start3A_166 = tpu.memref_slice %arg9[%dma_start3A_163, %dma_start3A_164, %dma_start3A_165] : memref<4x125x64xf32, #tpu.memory_space<vmem>> -> memref<1x125x64xf32, #tpu.memory_space<vmem>>
      %dma_start3A_167 = tpu.memref_squeeze %dma_start3A_166 : memref<1x125x64xf32, #tpu.memory_space<vmem>> -> memref<125x64xf32, #tpu.memory_space<vmem>>
      %dma_start3A_168 = arith.constant 0 : i32
      %dma_start3A_169 = tpu.memref_slice %arg7[%add3A_162, %dma_start3A_168] : memref<160x125xi32, #tpu.memory_space<vmem>> -> memref<1x125xi32, #tpu.memory_space<vmem>>
      %dma_start3A_170 = tpu.memref_squeeze %dma_start3A_169 : memref<1x125xi32, #tpu.memory_space<vmem>> -> memref<125xi32, #tpu.memory_space<vmem>>
      %dma_start3A_171 = arith.constant 0 : i32
      %dma_start3A_172 = arith.constant 0 : i32
      %dma_start3A_173 = tpu.memref_slice %arg2[%dma_start3A_171, %dma_start3A_172] : memref<20000x64xf32, #tpu.memory_space<hbm>> -> memref<20000x64xf32, #tpu.memory_space<hbm>>
      tpu.enqueue_indirect_dma source(%dma_start3A_173 : memref<20000x64xf32, #tpu.memory_space<hbm>>) target(%dma_start3A_167 : memref<125x64xf32, #tpu.memory_space<vmem>>) offsets(%dma_start3A_170 : memref<125xi32, #tpu.memory_space<vmem>>) semaphore(%arg12 : memref<!tpu.dma_semaphore, #tpu.memory_space<semaphore_mem>>)
      %mul3A_174 = arith.constant 4 : i32
      %mul3A_175 = arith.muli %scan3A_116, %mul3A_174 : i32
      %add3A_176 = arith.constant 2 : i32
      %add3A_177 = arith.addi %mul3A_175, %add3A_176 : i32
      %dma_wait3A_178 = arith.constant 2 : i32
      %dma_wait3A_179 = arith.constant 0 : i32
      %dma_wait3A_180 = arith.constant 0 : i32
      %dma_wait3A_181 = tpu.memref_slice %arg9[%dma_wait3A_178, %dma_wait3A_179, %dma_wait3A_180] : memref<4x125x64xf32, #tpu.memory_space<vmem>> -> memref<1x125x64xf32, #tpu.memory_space<vmem>>
      %dma_wait3A_182 = tpu.memref_squeeze %dma_wait3A_181 : memref<1x125x64xf32, #tpu.memory_space<vmem>> -> memref<125x64xf32, #tpu.memory_space<vmem>>
      %dma_wait3A_183 = arith.constant 0 : i32
      %dma_wait3A_184 = tpu.memref_slice %arg7[%add3A_177, %dma_wait3A_183] : memref<160x125xi32, #tpu.memory_space<vmem>> -> memref<1x125xi32, #tpu.memory_space<vmem>>
      %dma_wait3A_185 = tpu.memref_squeeze %dma_wait3A_184 : memref<1x125xi32, #tpu.memory_space<vmem>> -> memref<125xi32, #tpu.memory_space<vmem>>
      %dma_wait3A_186 = arith.constant 0 : i32
      %dma_wait3A_187 = arith.constant 0 : i32
      %dma_wait3A_188 = tpu.memref_slice %arg2[%dma_wait3A_186, %dma_wait3A_187] : memref<20000x64xf32, #tpu.memory_space<hbm>> -> memref<20000x64xf32, #tpu.memory_space<hbm>>
      tpu.wait_indirect_dma semaphore(%arg13 : memref<!tpu.dma_semaphore, #tpu.memory_space<semaphore_mem>>) src(%dma_wait3A_188 : memref<20000x64xf32, #tpu.memory_space<hbm>>) dst(%dma_wait3A_182 : memref<125x64xf32, #tpu.memory_space<vmem>>)
      %run_scoped3A_189 = arith.constant 2 : i32
      "tpu.region"() ({
        %run_scoped3A_232 = tpu.sem_alloc : memref<!tpu.dma_semaphore, #tpu.memory_space<semaphore_mem>>
        %dma_start3A_233 = arith.constant 0 : i32
        %dma_start3A_234 = arith.constant 0 : i32
        %dma_start3A_235 = tpu.memref_slice %arg9[%run_scoped3A_189, %dma_start3A_233, %dma_start3A_234] : memref<4x125x64xf32, #tpu.memory_space<vmem>> -> memref<1x125x64xf32, #tpu.memory_space<vmem>>
        %dma_start3A_236 = tpu.memref_squeeze %dma_start3A_235 : memref<1x125x64xf32, #tpu.memory_space<vmem>> -> memref<125x64xf32, #tpu.memory_space<vmem>>
        %dma_start3A_237 = arith.constant 0 : i32
        %dma_start3A_238 = tpu.memref_slice %arg8[%add3A_177, %dma_start3A_237] : memref<160x125xi32, #tpu.memory_space<vmem>> -> memref<1x125xi32, #tpu.memory_space<vmem>>
        %dma_start3A_239 = tpu.memref_squeeze %dma_start3A_238 : memref<1x125xi32, #tpu.memory_space<vmem>> -> memref<125xi32, #tpu.memory_space<vmem>>
        %dma_start3A_240 = arith.constant 0 : i32
        %dma_start3A_241 = arith.constant 0 : i32
        %dma_start3A_242 = tpu.memref_slice %arg10[%dma_start3A_240, %dma_start3A_241] : memref<10240x64xf32, #tpu.memory_space<vmem_shared>> -> memref<10240x64xf32, #tpu.memory_space<vmem_shared>>
        tpu.enqueue_indirect_dma source(%dma_start3A_236 : memref<125x64xf32, #tpu.memory_space<vmem>>) target(%dma_start3A_242 : memref<10240x64xf32, #tpu.memory_space<vmem_shared>>) offsets(%dma_start3A_239 : memref<125xi32, #tpu.memory_space<vmem>>) semaphore(%run_scoped3A_232 : memref<!tpu.dma_semaphore, #tpu.memory_space<semaphore_mem>>) {add = true}
        %dma_wait3A_243 = arith.constant 0 : i32
        %dma_wait3A_244 = arith.constant 0 : i32
        %dma_wait3A_245 = tpu.memref_slice %arg9[%run_scoped3A_189, %dma_wait3A_243, %dma_wait3A_244] : memref<4x125x64xf32, #tpu.memory_space<vmem>> -> memref<1x125x64xf32, #tpu.memory_space<vmem>>
        %dma_wait3A_246 = tpu.memref_squeeze %dma_wait3A_245 : memref<1x125x64xf32, #tpu.memory_space<vmem>> -> memref<125x64xf32, #tpu.memory_space<vmem>>
        %dma_wait3A_247 = arith.constant 0 : i32
        %dma_wait3A_248 = tpu.memref_slice %arg8[%add3A_177, %dma_wait3A_247] : memref<160x125xi32, #tpu.memory_space<vmem>> -> memref<1x125xi32, #tpu.memory_space<vmem>>
        %dma_wait3A_249 = tpu.memref_squeeze %dma_wait3A_248 : memref<1x125xi32, #tpu.memory_space<vmem>> -> memref<125xi32, #tpu.memory_space<vmem>>
        %dma_wait3A_250 = arith.constant 0 : i32
        %dma_wait3A_251 = arith.constant 0 : i32
        %dma_wait3A_252 = tpu.memref_slice %arg10[%dma_wait3A_250, %dma_wait3A_251] : memref<10240x64xf32, #tpu.memory_space<vmem_shared>> -> memref<10240x64xf32, #tpu.memory_space<vmem_shared>>
        tpu.wait_indirect_dma semaphore(%run_scoped3A_232 : memref<!tpu.dma_semaphore, #tpu.memory_space<semaphore_mem>>) src(%dma_wait3A_246 : memref<125x64xf32, #tpu.memory_space<vmem>>) dst(%dma_wait3A_252 : memref<10240x64xf32, #tpu.memory_space<vmem_shared>>)
        tpu.yield
      }) : () -> ()
      %add3A_190 = arith.constant 4 : i32
      %add3A_191 = arith.addi %add3A_177, %add3A_190 : i32
      %dma_start3A_192 = arith.constant 2 : i32
      %dma_start3A_193 = arith.constant 0 : i32
      %dma_start3A_194 = arith.constant 0 : i32
      %dma_start3A_195 = tpu.memref_slice %arg9[%dma_start3A_192, %dma_start3A_193, %dma_start3A_194] : memref<4x125x64xf32, #tpu.memory_space<vmem>> -> memref<1x125x64xf32, #tpu.memory_space<vmem>>
      %dma_start3A_196 = tpu.memref_squeeze %dma_start3A_195 : memref<1x125x64xf32, #tpu.memory_space<vmem>> -> memref<125x64xf32, #tpu.memory_space<vmem>>
      %dma_start3A_197 = arith.constant 0 : i32
      %dma_start3A_198 = tpu.memref_slice %arg7[%add3A_191, %dma_start3A_197] : memref<160x125xi32, #tpu.memory_space<vmem>> -> memref<1x125xi32, #tpu.memory_space<vmem>>
      %dma_start3A_199 = tpu.memref_squeeze %dma_start3A_198 : memref<1x125xi32, #tpu.memory_space<vmem>> -> memref<125xi32, #tpu.memory_space<vmem>>
      %dma_start3A_200 = arith.constant 0 : i32
      %dma_start3A_201 = arith.constant 0 : i32
      %dma_start3A_202 = tpu.memref_slice %arg2[%dma_start3A_200, %dma_start3A_201] : memref<20000x64xf32, #tpu.memory_space<hbm>> -> memref<20000x64xf32, #tpu.memory_space<hbm>>
      tpu.enqueue_indirect_dma source(%dma_start3A_202 : memref<20000x64xf32, #tpu.memory_space<hbm>>) target(%dma_start3A_196 : memref<125x64xf32, #tpu.memory_space<vmem>>) offsets(%dma_start3A_199 : memref<125xi32, #tpu.memory_space<vmem>>) semaphore(%arg13 : memref<!tpu.dma_semaphore, #tpu.memory_space<semaphore_mem>>)
      %mul3A_203 = arith.constant 4 : i32
      %mul3A_204 = arith.muli %scan3A_116, %mul3A_203 : i32
      %add3A_205 = arith.constant 3 : i32
      %add3A_206 = arith.addi %mul3A_204, %add3A_205 : i32
      %dma_wait3A_207 = arith.constant 3 : i32
      %dma_wait3A_208 = arith.constant 0 : i32
      %dma_wait3A_209 = arith.constant 0 : i32
      %dma_wait3A_210 = tpu.memref_slice %arg9[%dma_wait3A_207, %dma_wait3A_208, %dma_wait3A_209] : memref<4x125x64xf32, #tpu.memory_space<vmem>> -> memref<1x125x64xf32, #tpu.memory_space<vmem>>
      %dma_wait3A_211 = tpu.memref_squeeze %dma_wait3A_210 : memref<1x125x64xf32, #tpu.memory_space<vmem>> -> memref<125x64xf32, #tpu.memory_space<vmem>>
      %dma_wait3A_212 = arith.constant 0 : i32
      %dma_wait3A_213 = tpu.memref_slice %arg7[%add3A_206, %dma_wait3A_212] : memref<160x125xi32, #tpu.memory_space<vmem>> -> memref<1x125xi32, #tpu.memory_space<vmem>>
      %dma_wait3A_214 = tpu.memref_squeeze %dma_wait3A_213 : memref<1x125xi32, #tpu.memory_space<vmem>> -> memref<125xi32, #tpu.memory_space<vmem>>
      %dma_wait3A_215 = arith.constant 0 : i32
      %dma_wait3A_216 = arith.constant 0 : i32
      %dma_wait3A_217 = tpu.memref_slice %arg2[%dma_wait3A_215, %dma_wait3A_216] : memref<20000x64xf32, #tpu.memory_space<hbm>> -> memref<20000x64xf32, #tpu.memory_space<hbm>>
      tpu.wait_indirect_dma semaphore(%arg14 : memref<!tpu.dma_semaphore, #tpu.memory_space<semaphore_mem>>) src(%dma_wait3A_217 : memref<20000x64xf32, #tpu.memory_space<hbm>>) dst(%dma_wait3A_211 : memref<125x64xf32, #tpu.memory_space<vmem>>)
      %run_scoped3A_218 = arith.constant 3 : i32
      "tpu.region"() ({
        %run_scoped3A_232 = tpu.sem_alloc : memref<!tpu.dma_semaphore, #tpu.memory_space<semaphore_mem>>
        %dma_start3A_233 = arith.constant 0 : i32
        %dma_start3A_234 = arith.constant 0 : i32
        %dma_start3A_235 = tpu.memref_slice %arg9[%run_scoped3A_218, %dma_start3A_233, %dma_start3A_234] : memref<4x125x64xf32, #tpu.memory_space<vmem>> -> memref<1x125x64xf32, #tpu.memory_space<vmem>>
        %dma_start3A_236 = tpu.memref_squeeze %dma_start3A_235 : memref<1x125x64xf32, #tpu.memory_space<vmem>> -> memref<125x64xf32, #tpu.memory_space<vmem>>
        %dma_start3A_237 = arith.constant 0 : i32
        %dma_start3A_238 = tpu.memref_slice %arg8[%add3A_206, %dma_start3A_237] : memref<160x125xi32, #tpu.memory_space<vmem>> -> memref<1x125xi32, #tpu.memory_space<vmem>>
        %dma_start3A_239 = tpu.memref_squeeze %dma_start3A_238 : memref<1x125xi32, #tpu.memory_space<vmem>> -> memref<125xi32, #tpu.memory_space<vmem>>
        %dma_start3A_240 = arith.constant 0 : i32
        %dma_start3A_241 = arith.constant 0 : i32
        %dma_start3A_242 = tpu.memref_slice %arg10[%dma_start3A_240, %dma_start3A_241] : memref<10240x64xf32, #tpu.memory_space<vmem_shared>> -> memref<10240x64xf32, #tpu.memory_space<vmem_shared>>
        tpu.enqueue_indirect_dma source(%dma_start3A_236 : memref<125x64xf32, #tpu.memory_space<vmem>>) target(%dma_start3A_242 : memref<10240x64xf32, #tpu.memory_space<vmem_shared>>) offsets(%dma_start3A_239 : memref<125xi32, #tpu.memory_space<vmem>>) semaphore(%run_scoped3A_232 : memref<!tpu.dma_semaphore, #tpu.memory_space<semaphore_mem>>) {add = true}
        %dma_wait3A_243 = arith.constant 0 : i32
        %dma_wait3A_244 = arith.constant 0 : i32
        %dma_wait3A_245 = tpu.memref_slice %arg9[%run_scoped3A_218, %dma_wait3A_243, %dma_wait3A_244] : memref<4x125x64xf32, #tpu.memory_space<vmem>> -> memref<1x125x64xf32, #tpu.memory_space<vmem>>
        %dma_wait3A_246 = tpu.memref_squeeze %dma_wait3A_245 : memref<1x125x64xf32, #tpu.memory_space<vmem>> -> memref<125x64xf32, #tpu.memory_space<vmem>>
        %dma_wait3A_247 = arith.constant 0 : i32
        %dma_wait3A_248 = tpu.memref_slice %arg8[%add3A_206, %dma_wait3A_247] : memref<160x125xi32, #tpu.memory_space<vmem>> -> memref<1x125xi32, #tpu.memory_space<vmem>>
        %dma_wait3A_249 = tpu.memref_squeeze %dma_wait3A_248 : memref<1x125xi32, #tpu.memory_space<vmem>> -> memref<125xi32, #tpu.memory_space<vmem>>
        %dma_wait3A_250 = arith.constant 0 : i32
        %dma_wait3A_251 = arith.constant 0 : i32
        %dma_wait3A_252 = tpu.memref_slice %arg10[%dma_wait3A_250, %dma_wait3A_251] : memref<10240x64xf32, #tpu.memory_space<vmem_shared>> -> memref<10240x64xf32, #tpu.memory_space<vmem_shared>>
        tpu.wait_indirect_dma semaphore(%run_scoped3A_232 : memref<!tpu.dma_semaphore, #tpu.memory_space<semaphore_mem>>) src(%dma_wait3A_246 : memref<125x64xf32, #tpu.memory_space<vmem>>) dst(%dma_wait3A_252 : memref<10240x64xf32, #tpu.memory_space<vmem_shared>>)
        tpu.yield
      }) : () -> ()
      %add3A_219 = arith.constant 4 : i32
      %add3A_220 = arith.addi %add3A_206, %add3A_219 : i32
      %dma_start3A_221 = arith.constant 3 : i32
      %dma_start3A_222 = arith.constant 0 : i32
      %dma_start3A_223 = arith.constant 0 : i32
      %dma_start3A_224 = tpu.memref_slice %arg9[%dma_start3A_221, %dma_start3A_222, %dma_start3A_223] : memref<4x125x64xf32, #tpu.memory_space<vmem>> -> memref<1x125x64xf32, #tpu.memory_space<vmem>>
      %dma_start3A_225 = tpu.memref_squeeze %dma_start3A_224 : memref<1x125x64xf32, #tpu.memory_space<vmem>> -> memref<125x64xf32, #tpu.memory_space<vmem>>
      %dma_start3A_226 = arith.constant 0 : i32
      %dma_start3A_227 = tpu.memref_slice %arg7[%add3A_220, %dma_start3A_226] : memref<160x125xi32, #tpu.memory_space<vmem>> -> memref<1x125xi32, #tpu.memory_space<vmem>>
      %dma_start3A_228 = tpu.memref_squeeze %dma_start3A_227 : memref<1x125xi32, #tpu.memory_space<vmem>> -> memref<125xi32, #tpu.memory_space<vmem>>
      %dma_start3A_229 = arith.constant 0 : i32
      %dma_start3A_230 = arith.constant 0 : i32
      %dma_start3A_231 = tpu.memref_slice %arg2[%dma_start3A_229, %dma_start3A_230] : memref<20000x64xf32, #tpu.memory_space<hbm>> -> memref<20000x64xf32, #tpu.memory_space<hbm>>
      tpu.enqueue_indirect_dma source(%dma_start3A_231 : memref<20000x64xf32, #tpu.memory_space<hbm>>) target(%dma_start3A_225 : memref<125x64xf32, #tpu.memory_space<vmem>>) offsets(%dma_start3A_228 : memref<125xi32, #tpu.memory_space<vmem>>) semaphore(%arg14 : memref<!tpu.dma_semaphore, #tpu.memory_space<semaphore_mem>>)
    }
    %scan3A_56 = arith.constant 39 : i32
    %dma_wait3A = arith.constant 156 : i32
    %dma_wait3A_57 = arith.constant 0 : i32
    %dma_wait3A_58 = arith.constant 0 : i32
    %dma_wait3A_59 = arith.constant 0 : i32
    %dma_wait3A_60 = tpu.memref_slice %arg9[%dma_wait3A_57, %dma_wait3A_58, %dma_wait3A_59] : memref<4x125x64xf32, #tpu.memory_space<vmem>> -> memref<1x125x64xf32, #tpu.memory_space<vmem>>
    %dma_wait3A_61 = tpu.memref_squeeze %dma_wait3A_60 : memref<1x125x64xf32, #tpu.memory_space<vmem>> -> memref<125x64xf32, #tpu.memory_space<vmem>>
    %dma_wait3A_62 = arith.constant 0 : i32
    %dma_wait3A_63 = tpu.memref_slice %arg7[%dma_wait3A, %dma_wait3A_62] : memref<160x125xi32, #tpu.memory_space<vmem>> -> memref<1x125xi32, #tpu.memory_space<vmem>>
    %dma_wait3A_64 = tpu.memref_squeeze %dma_wait3A_63 : memref<1x125xi32, #tpu.memory_space<vmem>> -> memref<125xi32, #tpu.memory_space<vmem>>
    %dma_wait3A_65 = arith.constant 0 : i32
    %dma_wait3A_66 = arith.constant 0 : i32
    %dma_wait3A_67 = tpu.memref_slice %arg2[%dma_wait3A_65, %dma_wait3A_66] : memref<20000x64xf32, #tpu.memory_space<hbm>> -> memref<20000x64xf32, #tpu.memory_space<hbm>>
    tpu.wait_indirect_dma semaphore(%arg11 : memref<!tpu.dma_semaphore, #tpu.memory_space<semaphore_mem>>) src(%dma_wait3A_67 : memref<20000x64xf32, #tpu.memory_space<hbm>>) dst(%dma_wait3A_61 : memref<125x64xf32, #tpu.memory_space<vmem>>)
    %run_scoped3A = arith.constant 0 : i32
    %run_scoped3A_68 = arith.constant 156 : i32
    "tpu.region"() ({
      %run_scoped3A_116 = tpu.sem_alloc : memref<!tpu.dma_semaphore, #tpu.memory_space<semaphore_mem>>
      %dma_start3A_117 = arith.constant 0 : i32
      %dma_start3A_118 = arith.constant 0 : i32
      %dma_start3A_119 = tpu.memref_slice %arg9[%run_scoped3A, %dma_start3A_117, %dma_start3A_118] : memref<4x125x64xf32, #tpu.memory_space<vmem>> -> memref<1x125x64xf32, #tpu.memory_space<vmem>>
      %dma_start3A_120 = tpu.memref_squeeze %dma_start3A_119 : memref<1x125x64xf32, #tpu.memory_space<vmem>> -> memref<125x64xf32, #tpu.memory_space<vmem>>
      %dma_start3A_121 = arith.constant 0 : i32
      %dma_start3A_122 = tpu.memref_slice %arg8[%run_scoped3A_68, %dma_start3A_121] : memref<160x125xi32, #tpu.memory_space<vmem>> -> memref<1x125xi32, #tpu.memory_space<vmem>>
      %dma_start3A_123 = tpu.memref_squeeze %dma_start3A_122 : memref<1x125xi32, #tpu.memory_space<vmem>> -> memref<125xi32, #tpu.memory_space<vmem>>
      %dma_start3A_124 = arith.constant 0 : i32
      %dma_start3A_125 = arith.constant 0 : i32
      %dma_start3A_126 = tpu.memref_slice %arg10[%dma_start3A_124, %dma_start3A_125] : memref<10240x64xf32, #tpu.memory_space<vmem_shared>> -> memref<10240x64xf32, #tpu.memory_space<vmem_shared>>
      tpu.enqueue_indirect_dma source(%dma_start3A_120 : memref<125x64xf32, #tpu.memory_space<vmem>>) target(%dma_start3A_126 : memref<10240x64xf32, #tpu.memory_space<vmem_shared>>) offsets(%dma_start3A_123 : memref<125xi32, #tpu.memory_space<vmem>>) semaphore(%run_scoped3A_116 : memref<!tpu.dma_semaphore, #tpu.memory_space<semaphore_mem>>) {add = true}
      %dma_wait3A_127 = arith.constant 0 : i32
      %dma_wait3A_128 = arith.constant 0 : i32
      %dma_wait3A_129 = tpu.memref_slice %arg9[%run_scoped3A, %dma_wait3A_127, %dma_wait3A_128] : memref<4x125x64xf32, #tpu.memory_space<vmem>> -> memref<1x125x64xf32, #tpu.memory_space<vmem>>
      %dma_wait3A_130 = tpu.memref_squeeze %dma_wait3A_129 : memref<1x125x64xf32, #tpu.memory_space<vmem>> -> memref<125x64xf32, #tpu.memory_space<vmem>>
      %dma_wait3A_131 = arith.constant 0 : i32
      %dma_wait3A_132 = tpu.memref_slice %arg8[%run_scoped3A_68, %dma_wait3A_131] : memref<160x125xi32, #tpu.memory_space<vmem>> -> memref<1x125xi32, #tpu.memory_space<vmem>>
      %dma_wait3A_133 = tpu.memref_squeeze %dma_wait3A_132 : memref<1x125xi32, #tpu.memory_space<vmem>> -> memref<125xi32, #tpu.memory_space<vmem>>
      %dma_wait3A_134 = arith.constant 0 : i32
      %dma_wait3A_135 = arith.constant 0 : i32
      %dma_wait3A_136 = tpu.memref_slice %arg10[%dma_wait3A_134, %dma_wait3A_135] : memref<10240x64xf32, #tpu.memory_space<vmem_shared>> -> memref<10240x64xf32, #tpu.memory_space<vmem_shared>>
      tpu.wait_indirect_dma semaphore(%run_scoped3A_116 : memref<!tpu.dma_semaphore, #tpu.memory_space<semaphore_mem>>) src(%dma_wait3A_130 : memref<125x64xf32, #tpu.memory_space<vmem>>) dst(%dma_wait3A_136 : memref<10240x64xf32, #tpu.memory_space<vmem_shared>>)
      tpu.yield
    }) : () -> ()
    %dma_wait3A_69 = arith.constant 157 : i32
    %dma_wait3A_70 = arith.constant 1 : i32
    %dma_wait3A_71 = arith.constant 0 : i32
    %dma_wait3A_72 = arith.constant 0 : i32
    %dma_wait3A_73 = tpu.memref_slice %arg9[%dma_wait3A_70, %dma_wait3A_71, %dma_wait3A_72] : memref<4x125x64xf32, #tpu.memory_space<vmem>> -> memref<1x125x64xf32, #tpu.memory_space<vmem>>
    %dma_wait3A_74 = tpu.memref_squeeze %dma_wait3A_73 : memref<1x125x64xf32, #tpu.memory_space<vmem>> -> memref<125x64xf32, #tpu.memory_space<vmem>>
    %dma_wait3A_75 = arith.constant 0 : i32
    %dma_wait3A_76 = tpu.memref_slice %arg7[%dma_wait3A_69, %dma_wait3A_75] : memref<160x125xi32, #tpu.memory_space<vmem>> -> memref<1x125xi32, #tpu.memory_space<vmem>>
    %dma_wait3A_77 = tpu.memref_squeeze %dma_wait3A_76 : memref<1x125xi32, #tpu.memory_space<vmem>> -> memref<125xi32, #tpu.memory_space<vmem>>
    %dma_wait3A_78 = arith.constant 0 : i32
    %dma_wait3A_79 = arith.constant 0 : i32
    %dma_wait3A_80 = tpu.memref_slice %arg2[%dma_wait3A_78, %dma_wait3A_79] : memref<20000x64xf32, #tpu.memory_space<hbm>> -> memref<20000x64xf32, #tpu.memory_space<hbm>>
    tpu.wait_indirect_dma semaphore(%arg12 : memref<!tpu.dma_semaphore, #tpu.memory_space<semaphore_mem>>) src(%dma_wait3A_80 : memref<20000x64xf32, #tpu.memory_space<hbm>>) dst(%dma_wait3A_74 : memref<125x64xf32, #tpu.memory_space<vmem>>)
    %run_scoped3A_81 = arith.constant 1 : i32
    %run_scoped3A_82 = arith.constant 157 : i32
    "tpu.region"() ({
      %run_scoped3A_116 = tpu.sem_alloc : memref<!tpu.dma_semaphore, #tpu.memory_space<semaphore_mem>>
      %dma_start3A_117 = arith.constant 0 : i32
      %dma_start3A_118 = arith.constant 0 : i32
      %dma_start3A_119 = tpu.memref_slice %arg9[%run_scoped3A_81, %dma_start3A_117, %dma_start3A_118] : memref<4x125x64xf32, #tpu.memory_space<vmem>> -> memref<1x125x64xf32, #tpu.memory_space<vmem>>
      %dma_start3A_120 = tpu.memref_squeeze %dma_start3A_119 : memref<1x125x64xf32, #tpu.memory_space<vmem>> -> memref<125x64xf32, #tpu.memory_space<vmem>>
      %dma_start3A_121 = arith.constant 0 : i32
      %dma_start3A_122 = tpu.memref_slice %arg8[%run_scoped3A_82, %dma_start3A_121] : memref<160x125xi32, #tpu.memory_space<vmem>> -> memref<1x125xi32, #tpu.memory_space<vmem>>
      %dma_start3A_123 = tpu.memref_squeeze %dma_start3A_122 : memref<1x125xi32, #tpu.memory_space<vmem>> -> memref<125xi32, #tpu.memory_space<vmem>>
      %dma_start3A_124 = arith.constant 0 : i32
      %dma_start3A_125 = arith.constant 0 : i32
      %dma_start3A_126 = tpu.memref_slice %arg10[%dma_start3A_124, %dma_start3A_125] : memref<10240x64xf32, #tpu.memory_space<vmem_shared>> -> memref<10240x64xf32, #tpu.memory_space<vmem_shared>>
      tpu.enqueue_indirect_dma source(%dma_start3A_120 : memref<125x64xf32, #tpu.memory_space<vmem>>) target(%dma_start3A_126 : memref<10240x64xf32, #tpu.memory_space<vmem_shared>>) offsets(%dma_start3A_123 : memref<125xi32, #tpu.memory_space<vmem>>) semaphore(%run_scoped3A_116 : memref<!tpu.dma_semaphore, #tpu.memory_space<semaphore_mem>>) {add = true}
      %dma_wait3A_127 = arith.constant 0 : i32
      %dma_wait3A_128 = arith.constant 0 : i32
      %dma_wait3A_129 = tpu.memref_slice %arg9[%run_scoped3A_81, %dma_wait3A_127, %dma_wait3A_128] : memref<4x125x64xf32, #tpu.memory_space<vmem>> -> memref<1x125x64xf32, #tpu.memory_space<vmem>>
      %dma_wait3A_130 = tpu.memref_squeeze %dma_wait3A_129 : memref<1x125x64xf32, #tpu.memory_space<vmem>> -> memref<125x64xf32, #tpu.memory_space<vmem>>
      %dma_wait3A_131 = arith.constant 0 : i32
      %dma_wait3A_132 = tpu.memref_slice %arg8[%run_scoped3A_82, %dma_wait3A_131] : memref<160x125xi32, #tpu.memory_space<vmem>> -> memref<1x125xi32, #tpu.memory_space<vmem>>
      %dma_wait3A_133 = tpu.memref_squeeze %dma_wait3A_132 : memref<1x125xi32, #tpu.memory_space<vmem>> -> memref<125xi32, #tpu.memory_space<vmem>>
      %dma_wait3A_134 = arith.constant 0 : i32
      %dma_wait3A_135 = arith.constant 0 : i32
      %dma_wait3A_136 = tpu.memref_slice %arg10[%dma_wait3A_134, %dma_wait3A_135] : memref<10240x64xf32, #tpu.memory_space<vmem_shared>> -> memref<10240x64xf32, #tpu.memory_space<vmem_shared>>
      tpu.wait_indirect_dma semaphore(%run_scoped3A_116 : memref<!tpu.dma_semaphore, #tpu.memory_space<semaphore_mem>>) src(%dma_wait3A_130 : memref<125x64xf32, #tpu.memory_space<vmem>>) dst(%dma_wait3A_136 : memref<10240x64xf32, #tpu.memory_space<vmem_shared>>)
      tpu.yield
    }) : () -> ()
    %dma_wait3A_83 = arith.constant 158 : i32
    %dma_wait3A_84 = arith.constant 2 : i32
    %dma_wait3A_85 = arith.constant 0 : i32
    %dma_wait3A_86 = arith.constant 0 : i32
    %dma_wait3A_87 = tpu.memref_slice %arg9[%dma_wait3A_84, %dma_wait3A_85, %dma_wait3A_86] : memref<4x125x64xf32, #tpu.memory_space<vmem>> -> memref<1x125x64xf32, #tpu.memory_space<vmem>>
    %dma_wait3A_88 = tpu.memref_squeeze %dma_wait3A_87 : memref<1x125x64xf32, #tpu.memory_space<vmem>> -> memref<125x64xf32, #tpu.memory_space<vmem>>
    %dma_wait3A_89 = arith.constant 0 : i32
    %dma_wait3A_90 = tpu.memref_slice %arg7[%dma_wait3A_83, %dma_wait3A_89] : memref<160x125xi32, #tpu.memory_space<vmem>> -> memref<1x125xi32, #tpu.memory_space<vmem>>
    %dma_wait3A_91 = tpu.memref_squeeze %dma_wait3A_90 : memref<1x125xi32, #tpu.memory_space<vmem>> -> memref<125xi32, #tpu.memory_space<vmem>>
    %dma_wait3A_92 = arith.constant 0 : i32
    %dma_wait3A_93 = arith.constant 0 : i32
    %dma_wait3A_94 = tpu.memref_slice %arg2[%dma_wait3A_92, %dma_wait3A_93] : memref<20000x64xf32, #tpu.memory_space<hbm>> -> memref<20000x64xf32, #tpu.memory_space<hbm>>
    tpu.wait_indirect_dma semaphore(%arg13 : memref<!tpu.dma_semaphore, #tpu.memory_space<semaphore_mem>>) src(%dma_wait3A_94 : memref<20000x64xf32, #tpu.memory_space<hbm>>) dst(%dma_wait3A_88 : memref<125x64xf32, #tpu.memory_space<vmem>>)
    %run_scoped3A_95 = arith.constant 2 : i32
    %run_scoped3A_96 = arith.constant 158 : i32
    "tpu.region"() ({
      %run_scoped3A_116 = tpu.sem_alloc : memref<!tpu.dma_semaphore, #tpu.memory_space<semaphore_mem>>
      %dma_start3A_117 = arith.constant 0 : i32
      %dma_start3A_118 = arith.constant 0 : i32
      %dma_start3A_119 = tpu.memref_slice %arg9[%run_scoped3A_95, %dma_start3A_117, %dma_start3A_118] : memref<4x125x64xf32, #tpu.memory_space<vmem>> -> memref<1x125x64xf32, #tpu.memory_space<vmem>>
      %dma_start3A_120 = tpu.memref_squeeze %dma_start3A_119 : memref<1x125x64xf32, #tpu.memory_space<vmem>> -> memref<125x64xf32, #tpu.memory_space<vmem>>
      %dma_start3A_121 = arith.constant 0 : i32
      %dma_start3A_122 = tpu.memref_slice %arg8[%run_scoped3A_96, %dma_start3A_121] : memref<160x125xi32, #tpu.memory_space<vmem>> -> memref<1x125xi32, #tpu.memory_space<vmem>>
      %dma_start3A_123 = tpu.memref_squeeze %dma_start3A_122 : memref<1x125xi32, #tpu.memory_space<vmem>> -> memref<125xi32, #tpu.memory_space<vmem>>
      %dma_start3A_124 = arith.constant 0 : i32
      %dma_start3A_125 = arith.constant 0 : i32
      %dma_start3A_126 = tpu.memref_slice %arg10[%dma_start3A_124, %dma_start3A_125] : memref<10240x64xf32, #tpu.memory_space<vmem_shared>> -> memref<10240x64xf32, #tpu.memory_space<vmem_shared>>
      tpu.enqueue_indirect_dma source(%dma_start3A_120 : memref<125x64xf32, #tpu.memory_space<vmem>>) target(%dma_start3A_126 : memref<10240x64xf32, #tpu.memory_space<vmem_shared>>) offsets(%dma_start3A_123 : memref<125xi32, #tpu.memory_space<vmem>>) semaphore(%run_scoped3A_116 : memref<!tpu.dma_semaphore, #tpu.memory_space<semaphore_mem>>) {add = true}
      %dma_wait3A_127 = arith.constant 0 : i32
      %dma_wait3A_128 = arith.constant 0 : i32
      %dma_wait3A_129 = tpu.memref_slice %arg9[%run_scoped3A_95, %dma_wait3A_127, %dma_wait3A_128] : memref<4x125x64xf32, #tpu.memory_space<vmem>> -> memref<1x125x64xf32, #tpu.memory_space<vmem>>
      %dma_wait3A_130 = tpu.memref_squeeze %dma_wait3A_129 : memref<1x125x64xf32, #tpu.memory_space<vmem>> -> memref<125x64xf32, #tpu.memory_space<vmem>>
      %dma_wait3A_131 = arith.constant 0 : i32
      %dma_wait3A_132 = tpu.memref_slice %arg8[%run_scoped3A_96, %dma_wait3A_131] : memref<160x125xi32, #tpu.memory_space<vmem>> -> memref<1x125xi32, #tpu.memory_space<vmem>>
      %dma_wait3A_133 = tpu.memref_squeeze %dma_wait3A_132 : memref<1x125xi32, #tpu.memory_space<vmem>> -> memref<125xi32, #tpu.memory_space<vmem>>
      %dma_wait3A_134 = arith.constant 0 : i32
      %dma_wait3A_135 = arith.constant 0 : i32
      %dma_wait3A_136 = tpu.memref_slice %arg10[%dma_wait3A_134, %dma_wait3A_135] : memref<10240x64xf32, #tpu.memory_space<vmem_shared>> -> memref<10240x64xf32, #tpu.memory_space<vmem_shared>>
      tpu.wait_indirect_dma semaphore(%run_scoped3A_116 : memref<!tpu.dma_semaphore, #tpu.memory_space<semaphore_mem>>) src(%dma_wait3A_130 : memref<125x64xf32, #tpu.memory_space<vmem>>) dst(%dma_wait3A_136 : memref<10240x64xf32, #tpu.memory_space<vmem_shared>>)
      tpu.yield
    }) : () -> ()
    %dma_wait3A_97 = arith.constant 159 : i32
    %dma_wait3A_98 = arith.constant 3 : i32
    %dma_wait3A_99 = arith.constant 0 : i32
    %dma_wait3A_100 = arith.constant 0 : i32
    %dma_wait3A_101 = tpu.memref_slice %arg9[%dma_wait3A_98, %dma_wait3A_99, %dma_wait3A_100] : memref<4x125x64xf32, #tpu.memory_space<vmem>> -> memref<1x125x64xf32, #tpu.memory_space<vmem>>
    %dma_wait3A_102 = tpu.memref_squeeze %dma_wait3A_101 : memref<1x125x64xf32, #tpu.memory_space<vmem>> -> memref<125x64xf32, #tpu.memory_space<vmem>>
    %dma_wait3A_103 = arith.constant 0 : i32
    %dma_wait3A_104 = tpu.memref_slice %arg7[%dma_wait3A_97, %dma_wait3A_103] : memref<160x125xi32, #tpu.memory_space<vmem>> -> memref<1x125xi32, #tpu.memory_space<vmem>>
    %dma_wait3A_105 = tpu.memref_squeeze %dma_wait3A_104 : memref<1x125xi32, #tpu.memory_space<vmem>> -> memref<125xi32, #tpu.memory_space<vmem>>
    %dma_wait3A_106 = arith.constant 0 : i32
    %dma_wait3A_107 = arith.constant 0 : i32
    %dma_wait3A_108 = tpu.memref_slice %arg2[%dma_wait3A_106, %dma_wait3A_107] : memref<20000x64xf32, #tpu.memory_space<hbm>> -> memref<20000x64xf32, #tpu.memory_space<hbm>>
    tpu.wait_indirect_dma semaphore(%arg14 : memref<!tpu.dma_semaphore, #tpu.memory_space<semaphore_mem>>) src(%dma_wait3A_108 : memref<20000x64xf32, #tpu.memory_space<hbm>>) dst(%dma_wait3A_102 : memref<125x64xf32, #tpu.memory_space<vmem>>)
    %run_scoped3A_109 = arith.constant 3 : i32
    %run_scoped3A_110 = arith.constant 159 : i32
    "tpu.region"() ({
      %run_scoped3A_116 = tpu.sem_alloc : memref<!tpu.dma_semaphore, #tpu.memory_space<semaphore_mem>>
      %dma_start3A_117 = arith.constant 0 : i32
      %dma_start3A_118 = arith.constant 0 : i32
      %dma_start3A_119 = tpu.memref_slice %arg9[%run_scoped3A_109, %dma_start3A_117, %dma_start3A_118] : memref<4x125x64xf32, #tpu.memory_space<vmem>> -> memref<1x125x64xf32, #tpu.memory_space<vmem>>
      %dma_start3A_120 = tpu.memref_squeeze %dma_start3A_119 : memref<1x125x64xf32, #tpu.memory_space<vmem>> -> memref<125x64xf32, #tpu.memory_space<vmem>>
      %dma_start3A_121 = arith.constant 0 : i32
      %dma_start3A_122 = tpu.memref_slice %arg8[%run_scoped3A_110, %dma_start3A_121] : memref<160x125xi32, #tpu.memory_space<vmem>> -> memref<1x125xi32, #tpu.memory_space<vmem>>
      %dma_start3A_123 = tpu.memref_squeeze %dma_start3A_122 : memref<1x125xi32, #tpu.memory_space<vmem>> -> memref<125xi32, #tpu.memory_space<vmem>>
      %dma_start3A_124 = arith.constant 0 : i32
      %dma_start3A_125 = arith.constant 0 : i32
      %dma_start3A_126 = tpu.memref_slice %arg10[%dma_start3A_124, %dma_start3A_125] : memref<10240x64xf32, #tpu.memory_space<vmem_shared>> -> memref<10240x64xf32, #tpu.memory_space<vmem_shared>>
      tpu.enqueue_indirect_dma source(%dma_start3A_120 : memref<125x64xf32, #tpu.memory_space<vmem>>) target(%dma_start3A_126 : memref<10240x64xf32, #tpu.memory_space<vmem_shared>>) offsets(%dma_start3A_123 : memref<125xi32, #tpu.memory_space<vmem>>) semaphore(%run_scoped3A_116 : memref<!tpu.dma_semaphore, #tpu.memory_space<semaphore_mem>>) {add = true}
      %dma_wait3A_127 = arith.constant 0 : i32
      %dma_wait3A_128 = arith.constant 0 : i32
      %dma_wait3A_129 = tpu.memref_slice %arg9[%run_scoped3A_109, %dma_wait3A_127, %dma_wait3A_128] : memref<4x125x64xf32, #tpu.memory_space<vmem>> -> memref<1x125x64xf32, #tpu.memory_space<vmem>>
      %dma_wait3A_130 = tpu.memref_squeeze %dma_wait3A_129 : memref<1x125x64xf32, #tpu.memory_space<vmem>> -> memref<125x64xf32, #tpu.memory_space<vmem>>
      %dma_wait3A_131 = arith.constant 0 : i32
      %dma_wait3A_132 = tpu.memref_slice %arg8[%run_scoped3A_110, %dma_wait3A_131] : memref<160x125xi32, #tpu.memory_space<vmem>> -> memref<1x125xi32, #tpu.memory_space<vmem>>
      %dma_wait3A_133 = tpu.memref_squeeze %dma_wait3A_132 : memref<1x125xi32, #tpu.memory_space<vmem>> -> memref<125xi32, #tpu.memory_space<vmem>>
      %dma_wait3A_134 = arith.constant 0 : i32
      %dma_wait3A_135 = arith.constant 0 : i32
      %dma_wait3A_136 = tpu.memref_slice %arg10[%dma_wait3A_134, %dma_wait3A_135] : memref<10240x64xf32, #tpu.memory_space<vmem_shared>> -> memref<10240x64xf32, #tpu.memory_space<vmem_shared>>
      tpu.wait_indirect_dma semaphore(%run_scoped3A_116 : memref<!tpu.dma_semaphore, #tpu.memory_space<semaphore_mem>>) src(%dma_wait3A_130 : memref<125x64xf32, #tpu.memory_space<vmem>>) dst(%dma_wait3A_136 : memref<10240x64xf32, #tpu.memory_space<vmem_shared>>)
      tpu.yield
    }) : () -> ()
    %barrier3A_111 = arith.constant 0 : index
    tpu.barrier barrier_id(%barrier3A_111)
    %mul3A_112 = arith.constant 640 : i32
    %mul3A_113 = arith.muli %arg1, %mul3A_112 : i32
    %mul3A_114 = arith.constant 640 : i32
    %mul3A_115 = arith.muli %arg1, %mul3A_114 : i32
    "tpu.region"() ({
      %run_scoped3A_116 = tpu.sem_alloc : memref<!tpu.dma_semaphore, #tpu.memory_space<semaphore_mem>>
      %dma_start3A_117 = arith.constant 0 : i32
      %dma_start3A_118 = tpu.memref_slice %arg6[%arg0, %mul3A_115, %dma_start3A_117] : memref<2x10240x64xf32, #tpu.memory_space<hbm>> -> memref<1x640x64xf32, #tpu.memory_space<hbm>>
      %dma_start3A_119 = tpu.memref_squeeze %dma_start3A_118 : memref<1x640x64xf32, #tpu.memory_space<hbm>> -> memref<640x64xf32, #tpu.memory_space<hbm>>
      %dma_start3A_120 = arith.constant 0 : i32
      %dma_start3A_121 = tpu.memref_slice %arg10[%mul3A_113, %dma_start3A_120] : memref<10240x64xf32, #tpu.memory_space<vmem_shared>> -> memref<640x64xf32, #tpu.memory_space<vmem_shared>>
      tpu.enqueue_dma source(%dma_start3A_121 : memref<640x64xf32, #tpu.memory_space<vmem_shared>>) target(%dma_start3A_119 : memref<640x64xf32, #tpu.memory_space<hbm>>) target_semaphore(%run_scoped3A_116 : memref<!tpu.dma_semaphore, #tpu.memory_space<semaphore_mem>>)
      %dma_wait3A_122 = arith.constant 0 : i32
      %dma_wait3A_123 = tpu.memref_slice %arg6[%arg0, %mul3A_115, %dma_wait3A_122] : memref<2x10240x64xf32, #tpu.memory_space<hbm>> -> memref<1x640x64xf32, #tpu.memory_space<hbm>>
      %dma_wait3A_124 = tpu.memref_squeeze %dma_wait3A_123 : memref<1x640x64xf32, #tpu.memory_space<hbm>> -> memref<640x64xf32, #tpu.memory_space<hbm>>
      %dma_wait3A_125 = arith.constant 0 : i32
      %dma_wait3A_126 = tpu.memref_slice %arg10[%mul3A_113, %dma_wait3A_125] : memref<10240x64xf32, #tpu.memory_space<vmem_shared>> -> memref<640x64xf32, #tpu.memory_space<vmem_shared>>
      tpu.wait_dma2 semaphore(%run_scoped3A_116 : memref<!tpu.dma_semaphore, #tpu.memory_space<semaphore_mem>>) src(%dma_wait3A_126 : memref<640x64xf32, #tpu.memory_space<vmem_shared>>) dst(%dma_wait3A_124 : memref<640x64xf32, #tpu.memory_space<hbm>>)
      tpu.yield
    }) : () -> ()
    return
  }
}

#map = affine_map<(d0, d1) -> (0, 0)>
#map1 = affine_map<(d0, d1) -> (0, 0, 0)>
module attributes {stable_mosaic.version = 14 : i64} {
  func.func @agg_kernel(%arg0: i32, %arg1: i32, %arg2: memref<20000x64xf32, #tpu.memory_space<hbm>>, %arg3: memref<2x2560x125xi32, #tpu.memory_space<hbm>>, %arg4: memref<2560x125xi32, #tpu.memory_space<hbm>>, %arg5: memref<640x64xf32, #tpu.memory_space<hbm>>, %arg6: memref<2x10240x64xf32, #tpu.memory_space<hbm>>, %arg7: memref<160x125xi32, #tpu.memory_space<vmem>>, %arg8: memref<160x125xi32, #tpu.memory_space<vmem>>, %arg9: memref<4x125x64xf32, #tpu.memory_space<vmem>>, %arg10: memref<10240x64xf32, #tpu.memory_space<vmem_shared>>, %arg11: memref<!tpu.dma_semaphore, #tpu.memory_space<semaphore_mem>>, %arg12: memref<!tpu.dma_semaphore, #tpu.memory_space<semaphore_mem>>, %arg13: memref<!tpu.dma_semaphore, #tpu.memory_space<semaphore_mem>>, %arg14: memref<!tpu.dma_semaphore, #tpu.memory_space<semaphore_mem>>) attributes {dimension_semantics = [#tpu.dimension_semantics<core_parallel>, #tpu.dimension_semantics<subcore_parallel>], iteration_bounds = array<i64: 2, 16>, scalar_prefetch = 0 : i64, scratch_operands = 8 : i64, tpu.core_type = #tpu.core_type<sc_vector_subcore>, window_params = [{transform_indices = #map}, {transform_indices = #map1}, {transform_indices = #map}, {transform_indices = #map}, {transform_indices = #map1}]} {
    %mul3A = arith.constant 640 : i32
    %mul3A_0 = arith.muli %arg1, %mul3A : i32
    "tpu.region"() ({
      %run_scoped3A_116 = tpu.sem_alloc : memref<!tpu.dma_semaphore, #tpu.memory_space<semaphore_mem>>
      %dma_start3A_117 = arith.constant 0 : i32
      %dma_start3A_118 = tpu.memref_slice %arg10[%mul3A_0, %dma_start3A_117] : memref<10240x64xf32, #tpu.memory_space<vmem_shared>> -> memref<640x64xf32, #tpu.memory_space<vmem_shared>>
      tpu.enqueue_dma source(%arg5 : memref<640x64xf32, #tpu.memory_space<hbm>>) target(%dma_start3A_118 : memref<640x64xf32, #tpu.memory_space<vmem_shared>>) target_semaphore(%run_scoped3A_116 : memref<!tpu.dma_semaphore, #tpu.memory_space<semaphore_mem>>)
      %dma_wait3A_119 = arith.constant 0 : i32
      %dma_wait3A_120 = tpu.memref_slice %arg10[%mul3A_0, %dma_wait3A_119] : memref<10240x64xf32, #tpu.memory_space<vmem_shared>> -> memref<640x64xf32, #tpu.memory_space<vmem_shared>>
      tpu.wait_dma2 semaphore(%run_scoped3A_116 : memref<!tpu.dma_semaphore, #tpu.memory_space<semaphore_mem>>) src(%arg5 : memref<640x64xf32, #tpu.memory_space<hbm>>) dst(%dma_wait3A_120 : memref<640x64xf32, #tpu.memory_space<vmem_shared>>)
      tpu.yield
    }) : () -> ()
    %mul3A_1 = arith.constant 160 : i32
    %mul3A_2 = arith.muli %arg1, %mul3A_1 : i32
    "tpu.region"() ({
      %run_scoped3A_116 = tpu.sem_alloc : memref<!tpu.dma_semaphore, #tpu.memory_space<semaphore_mem>>
      %dma_start3A_117 = arith.constant 0 : i32
      %dma_start3A_118 = tpu.memref_slice %arg3[%arg0, %mul3A_2, %dma_start3A_117] : memref<2x2560x125xi32, #tpu.memory_space<hbm>> -> memref<1x160x125xi32, #tpu.memory_space<hbm>>
      %dma_start3A_119 = tpu.memref_squeeze %dma_start3A_118 : memref<1x160x125xi32, #tpu.memory_space<hbm>> -> memref<160x125xi32, #tpu.memory_space<hbm>>
      %dma_start3A_120 = arith.constant 0 : i32
      %dma_start3A_121 = tpu.memref_slice %arg3[%arg0, %mul3A_2, %dma_start3A_120] : memref<2x2560x125xi32, #tpu.memory_space<hbm>> -> memref<1x160x125xi32, #tpu.memory_space<hbm>>
      %dma_start3A_122 = tpu.memref_squeeze %dma_start3A_121 : memref<1x160x125xi32, #tpu.memory_space<hbm>> -> memref<160x125xi32, #tpu.memory_space<hbm>>
      tpu.enqueue_dma source(%dma_start3A_122 : memref<160x125xi32, #tpu.memory_space<hbm>>) target(%arg7 : memref<160x125xi32, #tpu.memory_space<vmem>>) target_semaphore(%run_scoped3A_116 : memref<!tpu.dma_semaphore, #tpu.memory_space<semaphore_mem>>)
      %dma_wait3A_123 = arith.constant 0 : i32
      %dma_wait3A_124 = tpu.memref_slice %arg3[%arg0, %mul3A_2, %dma_wait3A_123] : memref<2x2560x125xi32, #tpu.memory_space<hbm>> -> memref<1x160x125xi32, #tpu.memory_space<hbm>>
      %dma_wait3A_125 = tpu.memref_squeeze %dma_wait3A_124 : memref<1x160x125xi32, #tpu.memory_space<hbm>> -> memref<160x125xi32, #tpu.memory_space<hbm>>
      %dma_wait3A_126 = arith.constant 0 : i32
      %dma_wait3A_127 = tpu.memref_slice %arg3[%arg0, %mul3A_2, %dma_wait3A_126] : memref<2x2560x125xi32, #tpu.memory_space<hbm>> -> memref<1x160x125xi32, #tpu.memory_space<hbm>>
      %dma_wait3A_128 = tpu.memref_squeeze %dma_wait3A_127 : memref<1x160x125xi32, #tpu.memory_space<hbm>> -> memref<160x125xi32, #tpu.memory_space<hbm>>
      tpu.wait_dma2 semaphore(%run_scoped3A_116 : memref<!tpu.dma_semaphore, #tpu.memory_space<semaphore_mem>>) src(%dma_wait3A_128 : memref<160x125xi32, #tpu.memory_space<hbm>>) dst(%arg7 : memref<160x125xi32, #tpu.memory_space<vmem>>)
      tpu.yield
    }) : () -> ()
    %mul3A_3 = arith.constant 160 : i32
    %mul3A_4 = arith.muli %arg1, %mul3A_3 : i32
    "tpu.region"() ({
      %run_scoped3A_116 = tpu.sem_alloc : memref<!tpu.dma_semaphore, #tpu.memory_space<semaphore_mem>>
      %dma_start3A_117 = arith.constant 0 : i32
      %dma_start3A_118 = tpu.memref_slice %arg4[%mul3A_4, %dma_start3A_117] : memref<2560x125xi32, #tpu.memory_space<hbm>> -> memref<160x125xi32, #tpu.memory_space<hbm>>
      %dma_start3A_119 = arith.constant 0 : i32
      %dma_start3A_120 = tpu.memref_slice %arg4[%mul3A_4, %dma_start3A_119] : memref<2560x125xi32, #tpu.memory_space<hbm>> -> memref<160x125xi32, #tpu.memory_space<hbm>>
      tpu.enqueue_dma source(%dma_start3A_120 : memref<160x125xi32, #tpu.memory_space<hbm>>) target(%arg8 : memref<160x125xi32, #tpu.memory_space<vmem>>) target_semaphore(%run_scoped3A_116 : memref<!tpu.dma_semaphore, #tpu.memory_space<semaphore_mem>>)
      %dma_wait3A_121 = arith.constant 0 : i32
      %dma_wait3A_122 = tpu.memref_slice %arg4[%mul3A_4, %dma_wait3A_121] : memref<2560x125xi32, #tpu.memory_space<hbm>> -> memref<160x125xi32, #tpu.memory_space<hbm>>
      %dma_wait3A_123 = arith.constant 0 : i32
      %dma_wait3A_124 = tpu.memref_slice %arg4[%mul3A_4, %dma_wait3A_123] : memref<2560x125xi32, #tpu.memory_space<hbm>> -> memref<160x125xi32, #tpu.memory_space<hbm>>
      tpu.wait_dma2 semaphore(%run_scoped3A_116 : memref<!tpu.dma_semaphore, #tpu.memory_space<semaphore_mem>>) src(%dma_wait3A_124 : memref<160x125xi32, #tpu.memory_space<hbm>>) dst(%arg8 : memref<160x125xi32, #tpu.memory_space<vmem>>)
      tpu.yield
    }) : () -> ()
    %barrier3A = arith.constant 0 : index
    tpu.barrier barrier_id(%barrier3A)
    %dma_start3A = arith.constant 0 : i32
    %dma_start3A_5 = arith.constant 0 : i32
    %dma_start3A_6 = arith.constant 0 : i32
    %dma_start3A_7 = arith.constant 0 : i32
    %dma_start3A_8 = tpu.memref_slice %arg9[%dma_start3A_5, %dma_start3A_6, %dma_start3A_7] : memref<4x125x64xf32, #tpu.memory_space<vmem>> -> memref<1x125x64xf32, #tpu.memory_space<vmem>>
    %dma_start3A_9 = tpu.memref_squeeze %dma_start3A_8 : memref<1x125x64xf32, #tpu.memory_space<vmem>> -> memref<125x64xf32, #tpu.memory_space<vmem>>
    %dma_start3A_10 = arith.constant 0 : i32
    %dma_start3A_11 = tpu.memref_slice %arg7[%dma_start3A, %dma_start3A_10] : memref<160x125xi32, #tpu.memory_space<vmem>> -> memref<1x125xi32, #tpu.memory_space<vmem>>
    %dma_start3A_12 = tpu.memref_squeeze %dma_start3A_11 : memref<1x125xi32, #tpu.memory_space<vmem>> -> memref<125xi32, #tpu.memory_space<vmem>>
    %dma_start3A_13 = arith.constant 0 : i32
    %dma_start3A_14 = arith.constant 0 : i32
    %dma_start3A_15 = tpu.memref_slice %arg2[%dma_start3A_13, %dma_start3A_14] : memref<20000x64xf32, #tpu.memory_space<hbm>> -> memref<20000x64xf32, #tpu.memory_space<hbm>>
    tpu.enqueue_indirect_dma source(%dma_start3A_15 : memref<20000x64xf32, #tpu.memory_space<hbm>>) target(%dma_start3A_9 : memref<125x64xf32, #tpu.memory_space<vmem>>) offsets(%dma_start3A_12 : memref<125xi32, #tpu.memory_space<vmem>>) semaphore(%arg11 : memref<!tpu.dma_semaphore, #tpu.memory_space<semaphore_mem>>)
    %dma_start3A_16 = arith.constant 1 : i32
    %dma_start3A_17 = arith.constant 1 : i32
    %dma_start3A_18 = arith.constant 0 : i32
    %dma_start3A_19 = arith.constant 0 : i32
    %dma_start3A_20 = tpu.memref_slice %arg9[%dma_start3A_17, %dma_start3A_18, %dma_start3A_19] : memref<4x125x64xf32, #tpu.memory_space<vmem>> -> memref<1x125x64xf32, #tpu.memory_space<vmem>>
    %dma_start3A_21 = tpu.memref_squeeze %dma_start3A_20 : memref<1x125x64xf32, #tpu.memory_space<vmem>> -> memref<125x64xf32, #tpu.memory_space<vmem>>
    %dma_start3A_22 = arith.constant 0 : i32
    %dma_start3A_23 = tpu.memref_slice %arg7[%dma_start3A_16, %dma_start3A_22] : memref<160x125xi32, #tpu.memory_space<vmem>> -> memref<1x125xi32, #tpu.memory_space<vmem>>
    %dma_start3A_24 = tpu.memref_squeeze %dma_start3A_23 : memref<1x125xi32, #tpu.memory_space<vmem>> -> memref<125xi32, #tpu.memory_space<vmem>>
    %dma_start3A_25 = arith.constant 0 : i32
    %dma_start3A_26 = arith.constant 0 : i32
    %dma_start3A_27 = tpu.memref_slice %arg2[%dma_start3A_25, %dma_start3A_26] : memref<20000x64xf32, #tpu.memory_space<hbm>> -> memref<20000x64xf32, #tpu.memory_space<hbm>>
    tpu.enqueue_indirect_dma source(%dma_start3A_27 : memref<20000x64xf32, #tpu.memory_space<hbm>>) target(%dma_start3A_21 : memref<125x64xf32, #tpu.memory_space<vmem>>) offsets(%dma_start3A_24 : memref<125xi32, #tpu.memory_space<vmem>>) semaphore(%arg12 : memref<!tpu.dma_semaphore, #tpu.memory_space<semaphore_mem>>)
    %dma_start3A_28 = arith.constant 2 : i32
    %dma_start3A_29 = arith.constant 2 : i32
    %dma_start3A_30 = arith.constant 0 : i32
    %dma_start3A_31 = arith.constant 0 : i32
    %dma_start3A_32 = tpu.memref_slice %arg9[%dma_start3A_29, %dma_start3A_30, %dma_start3A_31] : memref<4x125x64xf32, #tpu.memory_space<vmem>> -> memref<1x125x64xf32, #tpu.memory_space<vmem>>
    %dma_start3A_33 = tpu.memref_squeeze %dma_start3A_32 : memref<1x125x64xf32, #tpu.memory_space<vmem>> -> memref<125x64xf32, #tpu.memory_space<vmem>>
    %dma_start3A_34 = arith.constant 0 : i32
    %dma_start3A_35 = tpu.memref_slice %arg7[%dma_start3A_28, %dma_start3A_34] : memref<160x125xi32, #tpu.memory_space<vmem>> -> memref<1x125xi32, #tpu.memory_space<vmem>>
    %dma_start3A_36 = tpu.memref_squeeze %dma_start3A_35 : memref<1x125xi32, #tpu.memory_space<vmem>> -> memref<125xi32, #tpu.memory_space<vmem>>
    %dma_start3A_37 = arith.constant 0 : i32
    %dma_start3A_38 = arith.constant 0 : i32
    %dma_start3A_39 = tpu.memref_slice %arg2[%dma_start3A_37, %dma_start3A_38] : memref<20000x64xf32, #tpu.memory_space<hbm>> -> memref<20000x64xf32, #tpu.memory_space<hbm>>
    tpu.enqueue_indirect_dma source(%dma_start3A_39 : memref<20000x64xf32, #tpu.memory_space<hbm>>) target(%dma_start3A_33 : memref<125x64xf32, #tpu.memory_space<vmem>>) offsets(%dma_start3A_36 : memref<125xi32, #tpu.memory_space<vmem>>) semaphore(%arg13 : memref<!tpu.dma_semaphore, #tpu.memory_space<semaphore_mem>>)
    %dma_start3A_40 = arith.constant 3 : i32
    %dma_start3A_41 = arith.constant 3 : i32
    %dma_start3A_42 = arith.constant 0 : i32
    %dma_start3A_43 = arith.constant 0 : i32
    %dma_start3A_44 = tpu.memref_slice %arg9[%dma_start3A_41, %dma_start3A_42, %dma_start3A_43] : memref<4x125x64xf32, #tpu.memory_space<vmem>> -> memref<1x125x64xf32, #tpu.memory_space<vmem>>
    %dma_start3A_45 = tpu.memref_squeeze %dma_start3A_44 : memref<1x125x64xf32, #tpu.memory_space<vmem>> -> memref<125x64xf32, #tpu.memory_space<vmem>>
    %dma_start3A_46 = arith.constant 0 : i32
    %dma_start3A_47 = tpu.memref_slice %arg7[%dma_start3A_40, %dma_start3A_46] : memref<160x125xi32, #tpu.memory_space<vmem>> -> memref<1x125xi32, #tpu.memory_space<vmem>>
    %dma_start3A_48 = tpu.memref_squeeze %dma_start3A_47 : memref<1x125xi32, #tpu.memory_space<vmem>> -> memref<125xi32, #tpu.memory_space<vmem>>
    %dma_start3A_49 = arith.constant 0 : i32
    %dma_start3A_50 = arith.constant 0 : i32
    %dma_start3A_51 = tpu.memref_slice %arg2[%dma_start3A_49, %dma_start3A_50] : memref<20000x64xf32, #tpu.memory_space<hbm>> -> memref<20000x64xf32, #tpu.memory_space<hbm>>
    tpu.enqueue_indirect_dma source(%dma_start3A_51 : memref<20000x64xf32, #tpu.memory_space<hbm>>) target(%dma_start3A_45 : memref<125x64xf32, #tpu.memory_space<vmem>>) offsets(%dma_start3A_48 : memref<125xi32, #tpu.memory_space<vmem>>) semaphore(%arg14 : memref<!tpu.dma_semaphore, #tpu.memory_space<semaphore_mem>>)
    %scan3A = arith.constant 0 : i32
    %scan3A_52 = arith.constant 0 : i32
    %scan3A_53 = arith.constant 39 : i32
    %scan3A_54 = arith.addi %scan3A_52, %scan3A_53 : i32
    %scan3A_55 = arith.constant 1 : i32
    scf.for %scan3A_116 = %scan3A_52 to %scan3A_54 step %scan3A_55  : i32 {
      %mul3A_117 = arith.constant 4 : i32
      %mul3A_118 = arith.muli %scan3A_116, %mul3A_117 : i32
      %add3A = arith.constant 0 : i32
      %add3A_119 = arith.addi %mul3A_118, %add3A : i32
      %dma_wait3A_120 = arith.constant 0 : i32
      %dma_wait3A_121 = arith.constant 0 : i32
      %dma_wait3A_122 = arith.constant 0 : i32
      %dma_wait3A_123 = tpu.memref_slice %arg9[%dma_wait3A_120, %dma_wait3A_121, %dma_wait3A_122] : memref<4x125x64xf32, #tpu.memory_space<vmem>> -> memref<1x125x64xf32, #tpu.memory_space<vmem>>
      %dma_wait3A_124 = tpu.memref_squeeze %dma_wait3A_123 : memref<1x125x64xf32, #tpu.memory_space<vmem>> -> memref<125x64xf32, #tpu.memory_space<vmem>>
      %dma_wait3A_125 = arith.constant 0 : i32
      %dma_wait3A_126 = tpu.memref_slice %arg7[%add3A_119, %dma_wait3A_125] : memref<160x125xi32, #tpu.memory_space<vmem>> -> memref<1x125xi32, #tpu.memory_space<vmem>>
      %dma_wait3A_127 = tpu.memref_squeeze %dma_wait3A_126 : memref<1x125xi32, #tpu.memory_space<vmem>> -> memref<125xi32, #tpu.memory_space<vmem>>
      %dma_wait3A_128 = arith.constant 0 : i32
      %dma_wait3A_129 = arith.constant 0 : i32
      %dma_wait3A_130 = tpu.memref_slice %arg2[%dma_wait3A_128, %dma_wait3A_129] : memref<20000x64xf32, #tpu.memory_space<hbm>> -> memref<20000x64xf32, #tpu.memory_space<hbm>>
      tpu.wait_indirect_dma semaphore(%arg11 : memref<!tpu.dma_semaphore, #tpu.memory_space<semaphore_mem>>) src(%dma_wait3A_130 : memref<20000x64xf32, #tpu.memory_space<hbm>>) dst(%dma_wait3A_124 : memref<125x64xf32, #tpu.memory_space<vmem>>)
      %run_scoped3A_131 = arith.constant 0 : i32
      "tpu.region"() ({
        %run_scoped3A_232 = tpu.sem_alloc : memref<!tpu.dma_semaphore, #tpu.memory_space<semaphore_mem>>
        %dma_start3A_233 = arith.constant 0 : i32
        %dma_start3A_234 = arith.constant 0 : i32
        %dma_start3A_235 = tpu.memref_slice %arg9[%run_scoped3A_131, %dma_start3A_233, %dma_start3A_234] : memref<4x125x64xf32, #tpu.memory_space<vmem>> -> memref<1x125x64xf32, #tpu.memory_space<vmem>>
        %dma_start3A_236 = tpu.memref_squeeze %dma_start3A_235 : memref<1x125x64xf32, #tpu.memory_space<vmem>> -> memref<125x64xf32, #tpu.memory_space<vmem>>
        %dma_start3A_237 = arith.constant 0 : i32
        %dma_start3A_238 = tpu.memref_slice %arg8[%add3A_119, %dma_start3A_237] : memref<160x125xi32, #tpu.memory_space<vmem>> -> memref<1x125xi32, #tpu.memory_space<vmem>>
        %dma_start3A_239 = tpu.memref_squeeze %dma_start3A_238 : memref<1x125xi32, #tpu.memory_space<vmem>> -> memref<125xi32, #tpu.memory_space<vmem>>
        %dma_start3A_240 = arith.constant 0 : i32
        %dma_start3A_241 = arith.constant 0 : i32
        %dma_start3A_242 = tpu.memref_slice %arg10[%dma_start3A_240, %dma_start3A_241] : memref<10240x64xf32, #tpu.memory_space<vmem_shared>> -> memref<10240x64xf32, #tpu.memory_space<vmem_shared>>
        tpu.enqueue_indirect_dma source(%dma_start3A_236 : memref<125x64xf32, #tpu.memory_space<vmem>>) target(%dma_start3A_242 : memref<10240x64xf32, #tpu.memory_space<vmem_shared>>) offsets(%dma_start3A_239 : memref<125xi32, #tpu.memory_space<vmem>>) semaphore(%run_scoped3A_232 : memref<!tpu.dma_semaphore, #tpu.memory_space<semaphore_mem>>) {add = true}
        %dma_wait3A_243 = arith.constant 0 : i32
        %dma_wait3A_244 = arith.constant 0 : i32
        %dma_wait3A_245 = tpu.memref_slice %arg9[%run_scoped3A_131, %dma_wait3A_243, %dma_wait3A_244] : memref<4x125x64xf32, #tpu.memory_space<vmem>> -> memref<1x125x64xf32, #tpu.memory_space<vmem>>
        %dma_wait3A_246 = tpu.memref_squeeze %dma_wait3A_245 : memref<1x125x64xf32, #tpu.memory_space<vmem>> -> memref<125x64xf32, #tpu.memory_space<vmem>>
        %dma_wait3A_247 = arith.constant 0 : i32
        %dma_wait3A_248 = tpu.memref_slice %arg8[%add3A_119, %dma_wait3A_247] : memref<160x125xi32, #tpu.memory_space<vmem>> -> memref<1x125xi32, #tpu.memory_space<vmem>>
        %dma_wait3A_249 = tpu.memref_squeeze %dma_wait3A_248 : memref<1x125xi32, #tpu.memory_space<vmem>> -> memref<125xi32, #tpu.memory_space<vmem>>
        %dma_wait3A_250 = arith.constant 0 : i32
        %dma_wait3A_251 = arith.constant 0 : i32
        %dma_wait3A_252 = tpu.memref_slice %arg10[%dma_wait3A_250, %dma_wait3A_251] : memref<10240x64xf32, #tpu.memory_space<vmem_shared>> -> memref<10240x64xf32, #tpu.memory_space<vmem_shared>>
        tpu.wait_indirect_dma semaphore(%run_scoped3A_232 : memref<!tpu.dma_semaphore, #tpu.memory_space<semaphore_mem>>) src(%dma_wait3A_246 : memref<125x64xf32, #tpu.memory_space<vmem>>) dst(%dma_wait3A_252 : memref<10240x64xf32, #tpu.memory_space<vmem_shared>>)
        tpu.yield
      }) : () -> ()
      %add3A_132 = arith.constant 4 : i32
      %add3A_133 = arith.addi %add3A_119, %add3A_132 : i32
      %dma_start3A_134 = arith.constant 0 : i32
      %dma_start3A_135 = arith.constant 0 : i32
      %dma_start3A_136 = arith.constant 0 : i32
      %dma_start3A_137 = tpu.memref_slice %arg9[%dma_start3A_134, %dma_start3A_135, %dma_start3A_136] : memref<4x125x64xf32, #tpu.memory_space<vmem>> -> memref<1x125x64xf32, #tpu.memory_space<vmem>>
      %dma_start3A_138 = tpu.memref_squeeze %dma_start3A_137 : memref<1x125x64xf32, #tpu.memory_space<vmem>> -> memref<125x64xf32, #tpu.memory_space<vmem>>
      %dma_start3A_139 = arith.constant 0 : i32
      %dma_start3A_140 = tpu.memref_slice %arg7[%add3A_133, %dma_start3A_139] : memref<160x125xi32, #tpu.memory_space<vmem>> -> memref<1x125xi32, #tpu.memory_space<vmem>>
      %dma_start3A_141 = tpu.memref_squeeze %dma_start3A_140 : memref<1x125xi32, #tpu.memory_space<vmem>> -> memref<125xi32, #tpu.memory_space<vmem>>
      %dma_start3A_142 = arith.constant 0 : i32
      %dma_start3A_143 = arith.constant 0 : i32
      %dma_start3A_144 = tpu.memref_slice %arg2[%dma_start3A_142, %dma_start3A_143] : memref<20000x64xf32, #tpu.memory_space<hbm>> -> memref<20000x64xf32, #tpu.memory_space<hbm>>
      tpu.enqueue_indirect_dma source(%dma_start3A_144 : memref<20000x64xf32, #tpu.memory_space<hbm>>) target(%dma_start3A_138 : memref<125x64xf32, #tpu.memory_space<vmem>>) offsets(%dma_start3A_141 : memref<125xi32, #tpu.memory_space<vmem>>) semaphore(%arg11 : memref<!tpu.dma_semaphore, #tpu.memory_space<semaphore_mem>>)
      %mul3A_145 = arith.constant 4 : i32
      %mul3A_146 = arith.muli %scan3A_116, %mul3A_145 : i32
      %add3A_147 = arith.constant 1 : i32
      %add3A_148 = arith.addi %mul3A_146, %add3A_147 : i32
      %dma_wait3A_149 = arith.constant 1 : i32
      %dma_wait3A_150 = arith.constant 0 : i32
      %dma_wait3A_151 = arith.constant 0 : i32
      %dma_wait3A_152 = tpu.memref_slice %arg9[%dma_wait3A_149, %dma_wait3A_150, %dma_wait3A_151] : memref<4x125x64xf32, #tpu.memory_space<vmem>> -> memref<1x125x64xf32, #tpu.memory_space<vmem>>
      %dma_wait3A_153 = tpu.memref_squeeze %dma_wait3A_152 : memref<1x125x64xf32, #tpu.memory_space<vmem>> -> memref<125x64xf32, #tpu.memory_space<vmem>>
      %dma_wait3A_154 = arith.constant 0 : i32
      %dma_wait3A_155 = tpu.memref_slice %arg7[%add3A_148, %dma_wait3A_154] : memref<160x125xi32, #tpu.memory_space<vmem>> -> memref<1x125xi32, #tpu.memory_space<vmem>>
      %dma_wait3A_156 = tpu.memref_squeeze %dma_wait3A_155 : memref<1x125xi32, #tpu.memory_space<vmem>> -> memref<125xi32, #tpu.memory_space<vmem>>
      %dma_wait3A_157 = arith.constant 0 : i32
      %dma_wait3A_158 = arith.constant 0 : i32
      %dma_wait3A_159 = tpu.memref_slice %arg2[%dma_wait3A_157, %dma_wait3A_158] : memref<20000x64xf32, #tpu.memory_space<hbm>> -> memref<20000x64xf32, #tpu.memory_space<hbm>>
      tpu.wait_indirect_dma semaphore(%arg12 : memref<!tpu.dma_semaphore, #tpu.memory_space<semaphore_mem>>) src(%dma_wait3A_159 : memref<20000x64xf32, #tpu.memory_space<hbm>>) dst(%dma_wait3A_153 : memref<125x64xf32, #tpu.memory_space<vmem>>)
      %run_scoped3A_160 = arith.constant 1 : i32
      "tpu.region"() ({
        %run_scoped3A_232 = tpu.sem_alloc : memref<!tpu.dma_semaphore, #tpu.memory_space<semaphore_mem>>
        %dma_start3A_233 = arith.constant 0 : i32
        %dma_start3A_234 = arith.constant 0 : i32
        %dma_start3A_235 = tpu.memref_slice %arg9[%run_scoped3A_160, %dma_start3A_233, %dma_start3A_234] : memref<4x125x64xf32, #tpu.memory_space<vmem>> -> memref<1x125x64xf32, #tpu.memory_space<vmem>>
        %dma_start3A_236 = tpu.memref_squeeze %dma_start3A_235 : memref<1x125x64xf32, #tpu.memory_space<vmem>> -> memref<125x64xf32, #tpu.memory_space<vmem>>
        %dma_start3A_237 = arith.constant 0 : i32
        %dma_start3A_238 = tpu.memref_slice %arg8[%add3A_148, %dma_start3A_237] : memref<160x125xi32, #tpu.memory_space<vmem>> -> memref<1x125xi32, #tpu.memory_space<vmem>>
        %dma_start3A_239 = tpu.memref_squeeze %dma_start3A_238 : memref<1x125xi32, #tpu.memory_space<vmem>> -> memref<125xi32, #tpu.memory_space<vmem>>
        %dma_start3A_240 = arith.constant 0 : i32
        %dma_start3A_241 = arith.constant 0 : i32
        %dma_start3A_242 = tpu.memref_slice %arg10[%dma_start3A_240, %dma_start3A_241] : memref<10240x64xf32, #tpu.memory_space<vmem_shared>> -> memref<10240x64xf32, #tpu.memory_space<vmem_shared>>
        tpu.enqueue_indirect_dma source(%dma_start3A_236 : memref<125x64xf32, #tpu.memory_space<vmem>>) target(%dma_start3A_242 : memref<10240x64xf32, #tpu.memory_space<vmem_shared>>) offsets(%dma_start3A_239 : memref<125xi32, #tpu.memory_space<vmem>>) semaphore(%run_scoped3A_232 : memref<!tpu.dma_semaphore, #tpu.memory_space<semaphore_mem>>) {add = true}
        %dma_wait3A_243 = arith.constant 0 : i32
        %dma_wait3A_244 = arith.constant 0 : i32
        %dma_wait3A_245 = tpu.memref_slice %arg9[%run_scoped3A_160, %dma_wait3A_243, %dma_wait3A_244] : memref<4x125x64xf32, #tpu.memory_space<vmem>> -> memref<1x125x64xf32, #tpu.memory_space<vmem>>
        %dma_wait3A_246 = tpu.memref_squeeze %dma_wait3A_245 : memref<1x125x64xf32, #tpu.memory_space<vmem>> -> memref<125x64xf32, #tpu.memory_space<vmem>>
        %dma_wait3A_247 = arith.constant 0 : i32
        %dma_wait3A_248 = tpu.memref_slice %arg8[%add3A_148, %dma_wait3A_247] : memref<160x125xi32, #tpu.memory_space<vmem>> -> memref<1x125xi32, #tpu.memory_space<vmem>>
        %dma_wait3A_249 = tpu.memref_squeeze %dma_wait3A_248 : memref<1x125xi32, #tpu.memory_space<vmem>> -> memref<125xi32, #tpu.memory_space<vmem>>
        %dma_wait3A_250 = arith.constant 0 : i32
        %dma_wait3A_251 = arith.constant 0 : i32
        %dma_wait3A_252 = tpu.memref_slice %arg10[%dma_wait3A_250, %dma_wait3A_251] : memref<10240x64xf32, #tpu.memory_space<vmem_shared>> -> memref<10240x64xf32, #tpu.memory_space<vmem_shared>>
        tpu.wait_indirect_dma semaphore(%run_scoped3A_232 : memref<!tpu.dma_semaphore, #tpu.memory_space<semaphore_mem>>) src(%dma_wait3A_246 : memref<125x64xf32, #tpu.memory_space<vmem>>) dst(%dma_wait3A_252 : memref<10240x64xf32, #tpu.memory_space<vmem_shared>>)
        tpu.yield
      }) : () -> ()
      %add3A_161 = arith.constant 4 : i32
      %add3A_162 = arith.addi %add3A_148, %add3A_161 : i32
      %dma_start3A_163 = arith.constant 1 : i32
      %dma_start3A_164 = arith.constant 0 : i32
      %dma_start3A_165 = arith.constant 0 : i32
      %dma_start3A_166 = tpu.memref_slice %arg9[%dma_start3A_163, %dma_start3A_164, %dma_start3A_165] : memref<4x125x64xf32, #tpu.memory_space<vmem>> -> memref<1x125x64xf32, #tpu.memory_space<vmem>>
      %dma_start3A_167 = tpu.memref_squeeze %dma_start3A_166 : memref<1x125x64xf32, #tpu.memory_space<vmem>> -> memref<125x64xf32, #tpu.memory_space<vmem>>
      %dma_start3A_168 = arith.constant 0 : i32
      %dma_start3A_169 = tpu.memref_slice %arg7[%add3A_162, %dma_start3A_168] : memref<160x125xi32, #tpu.memory_space<vmem>> -> memref<1x125xi32, #tpu.memory_space<vmem>>
      %dma_start3A_170 = tpu.memref_squeeze %dma_start3A_169 : memref<1x125xi32, #tpu.memory_space<vmem>> -> memref<125xi32, #tpu.memory_space<vmem>>
      %dma_start3A_171 = arith.constant 0 : i32
      %dma_start3A_172 = arith.constant 0 : i32
      %dma_start3A_173 = tpu.memref_slice %arg2[%dma_start3A_171, %dma_start3A_172] : memref<20000x64xf32, #tpu.memory_space<hbm>> -> memref<20000x64xf32, #tpu.memory_space<hbm>>
      tpu.enqueue_indirect_dma source(%dma_start3A_173 : memref<20000x64xf32, #tpu.memory_space<hbm>>) target(%dma_start3A_167 : memref<125x64xf32, #tpu.memory_space<vmem>>) offsets(%dma_start3A_170 : memref<125xi32, #tpu.memory_space<vmem>>) semaphore(%arg12 : memref<!tpu.dma_semaphore, #tpu.memory_space<semaphore_mem>>)
      %mul3A_174 = arith.constant 4 : i32
      %mul3A_175 = arith.muli %scan3A_116, %mul3A_174 : i32
      %add3A_176 = arith.constant 2 : i32
      %add3A_177 = arith.addi %mul3A_175, %add3A_176 : i32
      %dma_wait3A_178 = arith.constant 2 : i32
      %dma_wait3A_179 = arith.constant 0 : i32
      %dma_wait3A_180 = arith.constant 0 : i32
      %dma_wait3A_181 = tpu.memref_slice %arg9[%dma_wait3A_178, %dma_wait3A_179, %dma_wait3A_180] : memref<4x125x64xf32, #tpu.memory_space<vmem>> -> memref<1x125x64xf32, #tpu.memory_space<vmem>>
      %dma_wait3A_182 = tpu.memref_squeeze %dma_wait3A_181 : memref<1x125x64xf32, #tpu.memory_space<vmem>> -> memref<125x64xf32, #tpu.memory_space<vmem>>
      %dma_wait3A_183 = arith.constant 0 : i32
      %dma_wait3A_184 = tpu.memref_slice %arg7[%add3A_177, %dma_wait3A_183] : memref<160x125xi32, #tpu.memory_space<vmem>> -> memref<1x125xi32, #tpu.memory_space<vmem>>
      %dma_wait3A_185 = tpu.memref_squeeze %dma_wait3A_184 : memref<1x125xi32, #tpu.memory_space<vmem>> -> memref<125xi32, #tpu.memory_space<vmem>>
      %dma_wait3A_186 = arith.constant 0 : i32
      %dma_wait3A_187 = arith.constant 0 : i32
      %dma_wait3A_188 = tpu.memref_slice %arg2[%dma_wait3A_186, %dma_wait3A_187] : memref<20000x64xf32, #tpu.memory_space<hbm>> -> memref<20000x64xf32, #tpu.memory_space<hbm>>
      tpu.wait_indirect_dma semaphore(%arg13 : memref<!tpu.dma_semaphore, #tpu.memory_space<semaphore_mem>>) src(%dma_wait3A_188 : memref<20000x64xf32, #tpu.memory_space<hbm>>) dst(%dma_wait3A_182 : memref<125x64xf32, #tpu.memory_space<vmem>>)
      %run_scoped3A_189 = arith.constant 2 : i32
      "tpu.region"() ({
        %run_scoped3A_232 = tpu.sem_alloc : memref<!tpu.dma_semaphore, #tpu.memory_space<semaphore_mem>>
        %dma_start3A_233 = arith.constant 0 : i32
        %dma_start3A_234 = arith.constant 0 : i32
        %dma_start3A_235 = tpu.memref_slice %arg9[%run_scoped3A_189, %dma_start3A_233, %dma_start3A_234] : memref<4x125x64xf32, #tpu.memory_space<vmem>> -> memref<1x125x64xf32, #tpu.memory_space<vmem>>
        %dma_start3A_236 = tpu.memref_squeeze %dma_start3A_235 : memref<1x125x64xf32, #tpu.memory_space<vmem>> -> memref<125x64xf32, #tpu.memory_space<vmem>>
        %dma_start3A_237 = arith.constant 0 : i32
        %dma_start3A_238 = tpu.memref_slice %arg8[%add3A_177, %dma_start3A_237] : memref<160x125xi32, #tpu.memory_space<vmem>> -> memref<1x125xi32, #tpu.memory_space<vmem>>
        %dma_start3A_239 = tpu.memref_squeeze %dma_start3A_238 : memref<1x125xi32, #tpu.memory_space<vmem>> -> memref<125xi32, #tpu.memory_space<vmem>>
        %dma_start3A_240 = arith.constant 0 : i32
        %dma_start3A_241 = arith.constant 0 : i32
        %dma_start3A_242 = tpu.memref_slice %arg10[%dma_start3A_240, %dma_start3A_241] : memref<10240x64xf32, #tpu.memory_space<vmem_shared>> -> memref<10240x64xf32, #tpu.memory_space<vmem_shared>>
        tpu.enqueue_indirect_dma source(%dma_start3A_236 : memref<125x64xf32, #tpu.memory_space<vmem>>) target(%dma_start3A_242 : memref<10240x64xf32, #tpu.memory_space<vmem_shared>>) offsets(%dma_start3A_239 : memref<125xi32, #tpu.memory_space<vmem>>) semaphore(%run_scoped3A_232 : memref<!tpu.dma_semaphore, #tpu.memory_space<semaphore_mem>>) {add = true}
        %dma_wait3A_243 = arith.constant 0 : i32
        %dma_wait3A_244 = arith.constant 0 : i32
        %dma_wait3A_245 = tpu.memref_slice %arg9[%run_scoped3A_189, %dma_wait3A_243, %dma_wait3A_244] : memref<4x125x64xf32, #tpu.memory_space<vmem>> -> memref<1x125x64xf32, #tpu.memory_space<vmem>>
        %dma_wait3A_246 = tpu.memref_squeeze %dma_wait3A_245 : memref<1x125x64xf32, #tpu.memory_space<vmem>> -> memref<125x64xf32, #tpu.memory_space<vmem>>
        %dma_wait3A_247 = arith.constant 0 : i32
        %dma_wait3A_248 = tpu.memref_slice %arg8[%add3A_177, %dma_wait3A_247] : memref<160x125xi32, #tpu.memory_space<vmem>> -> memref<1x125xi32, #tpu.memory_space<vmem>>
        %dma_wait3A_249 = tpu.memref_squeeze %dma_wait3A_248 : memref<1x125xi32, #tpu.memory_space<vmem>> -> memref<125xi32, #tpu.memory_space<vmem>>
        %dma_wait3A_250 = arith.constant 0 : i32
        %dma_wait3A_251 = arith.constant 0 : i32
        %dma_wait3A_252 = tpu.memref_slice %arg10[%dma_wait3A_250, %dma_wait3A_251] : memref<10240x64xf32, #tpu.memory_space<vmem_shared>> -> memref<10240x64xf32, #tpu.memory_space<vmem_shared>>
        tpu.wait_indirect_dma semaphore(%run_scoped3A_232 : memref<!tpu.dma_semaphore, #tpu.memory_space<semaphore_mem>>) src(%dma_wait3A_246 : memref<125x64xf32, #tpu.memory_space<vmem>>) dst(%dma_wait3A_252 : memref<10240x64xf32, #tpu.memory_space<vmem_shared>>)
        tpu.yield
      }) : () -> ()
      %add3A_190 = arith.constant 4 : i32
      %add3A_191 = arith.addi %add3A_177, %add3A_190 : i32
      %dma_start3A_192 = arith.constant 2 : i32
      %dma_start3A_193 = arith.constant 0 : i32
      %dma_start3A_194 = arith.constant 0 : i32
      %dma_start3A_195 = tpu.memref_slice %arg9[%dma_start3A_192, %dma_start3A_193, %dma_start3A_194] : memref<4x125x64xf32, #tpu.memory_space<vmem>> -> memref<1x125x64xf32, #tpu.memory_space<vmem>>
      %dma_start3A_196 = tpu.memref_squeeze %dma_start3A_195 : memref<1x125x64xf32, #tpu.memory_space<vmem>> -> memref<125x64xf32, #tpu.memory_space<vmem>>
      %dma_start3A_197 = arith.constant 0 : i32
      %dma_start3A_198 = tpu.memref_slice %arg7[%add3A_191, %dma_start3A_197] : memref<160x125xi32, #tpu.memory_space<vmem>> -> memref<1x125xi32, #tpu.memory_space<vmem>>
      %dma_start3A_199 = tpu.memref_squeeze %dma_start3A_198 : memref<1x125xi32, #tpu.memory_space<vmem>> -> memref<125xi32, #tpu.memory_space<vmem>>
      %dma_start3A_200 = arith.constant 0 : i32
      %dma_start3A_201 = arith.constant 0 : i32
      %dma_start3A_202 = tpu.memref_slice %arg2[%dma_start3A_200, %dma_start3A_201] : memref<20000x64xf32, #tpu.memory_space<hbm>> -> memref<20000x64xf32, #tpu.memory_space<hbm>>
      tpu.enqueue_indirect_dma source(%dma_start3A_202 : memref<20000x64xf32, #tpu.memory_space<hbm>>) target(%dma_start3A_196 : memref<125x64xf32, #tpu.memory_space<vmem>>) offsets(%dma_start3A_199 : memref<125xi32, #tpu.memory_space<vmem>>) semaphore(%arg13 : memref<!tpu.dma_semaphore, #tpu.memory_space<semaphore_mem>>)
      %mul3A_203 = arith.constant 4 : i32
      %mul3A_204 = arith.muli %scan3A_116, %mul3A_203 : i32
      %add3A_205 = arith.constant 3 : i32
      %add3A_206 = arith.addi %mul3A_204, %add3A_205 : i32
      %dma_wait3A_207 = arith.constant 3 : i32
      %dma_wait3A_208 = arith.constant 0 : i32
      %dma_wait3A_209 = arith.constant 0 : i32
      %dma_wait3A_210 = tpu.memref_slice %arg9[%dma_wait3A_207, %dma_wait3A_208, %dma_wait3A_209] : memref<4x125x64xf32, #tpu.memory_space<vmem>> -> memref<1x125x64xf32, #tpu.memory_space<vmem>>
      %dma_wait3A_211 = tpu.memref_squeeze %dma_wait3A_210 : memref<1x125x64xf32, #tpu.memory_space<vmem>> -> memref<125x64xf32, #tpu.memory_space<vmem>>
      %dma_wait3A_212 = arith.constant 0 : i32
      %dma_wait3A_213 = tpu.memref_slice %arg7[%add3A_206, %dma_wait3A_212] : memref<160x125xi32, #tpu.memory_space<vmem>> -> memref<1x125xi32, #tpu.memory_space<vmem>>
      %dma_wait3A_214 = tpu.memref_squeeze %dma_wait3A_213 : memref<1x125xi32, #tpu.memory_space<vmem>> -> memref<125xi32, #tpu.memory_space<vmem>>
      %dma_wait3A_215 = arith.constant 0 : i32
      %dma_wait3A_216 = arith.constant 0 : i32
      %dma_wait3A_217 = tpu.memref_slice %arg2[%dma_wait3A_215, %dma_wait3A_216] : memref<20000x64xf32, #tpu.memory_space<hbm>> -> memref<20000x64xf32, #tpu.memory_space<hbm>>
      tpu.wait_indirect_dma semaphore(%arg14 : memref<!tpu.dma_semaphore, #tpu.memory_space<semaphore_mem>>) src(%dma_wait3A_217 : memref<20000x64xf32, #tpu.memory_space<hbm>>) dst(%dma_wait3A_211 : memref<125x64xf32, #tpu.memory_space<vmem>>)
      %run_scoped3A_218 = arith.constant 3 : i32
      "tpu.region"() ({
        %run_scoped3A_232 = tpu.sem_alloc : memref<!tpu.dma_semaphore, #tpu.memory_space<semaphore_mem>>
        %dma_start3A_233 = arith.constant 0 : i32
        %dma_start3A_234 = arith.constant 0 : i32
        %dma_start3A_235 = tpu.memref_slice %arg9[%run_scoped3A_218, %dma_start3A_233, %dma_start3A_234] : memref<4x125x64xf32, #tpu.memory_space<vmem>> -> memref<1x125x64xf32, #tpu.memory_space<vmem>>
        %dma_start3A_236 = tpu.memref_squeeze %dma_start3A_235 : memref<1x125x64xf32, #tpu.memory_space<vmem>> -> memref<125x64xf32, #tpu.memory_space<vmem>>
        %dma_start3A_237 = arith.constant 0 : i32
        %dma_start3A_238 = tpu.memref_slice %arg8[%add3A_206, %dma_start3A_237] : memref<160x125xi32, #tpu.memory_space<vmem>> -> memref<1x125xi32, #tpu.memory_space<vmem>>
        %dma_start3A_239 = tpu.memref_squeeze %dma_start3A_238 : memref<1x125xi32, #tpu.memory_space<vmem>> -> memref<125xi32, #tpu.memory_space<vmem>>
        %dma_start3A_240 = arith.constant 0 : i32
        %dma_start3A_241 = arith.constant 0 : i32
        %dma_start3A_242 = tpu.memref_slice %arg10[%dma_start3A_240, %dma_start3A_241] : memref<10240x64xf32, #tpu.memory_space<vmem_shared>> -> memref<10240x64xf32, #tpu.memory_space<vmem_shared>>
        tpu.enqueue_indirect_dma source(%dma_start3A_236 : memref<125x64xf32, #tpu.memory_space<vmem>>) target(%dma_start3A_242 : memref<10240x64xf32, #tpu.memory_space<vmem_shared>>) offsets(%dma_start3A_239 : memref<125xi32, #tpu.memory_space<vmem>>) semaphore(%run_scoped3A_232 : memref<!tpu.dma_semaphore, #tpu.memory_space<semaphore_mem>>) {add = true}
        %dma_wait3A_243 = arith.constant 0 : i32
        %dma_wait3A_244 = arith.constant 0 : i32
        %dma_wait3A_245 = tpu.memref_slice %arg9[%run_scoped3A_218, %dma_wait3A_243, %dma_wait3A_244] : memref<4x125x64xf32, #tpu.memory_space<vmem>> -> memref<1x125x64xf32, #tpu.memory_space<vmem>>
        %dma_wait3A_246 = tpu.memref_squeeze %dma_wait3A_245 : memref<1x125x64xf32, #tpu.memory_space<vmem>> -> memref<125x64xf32, #tpu.memory_space<vmem>>
        %dma_wait3A_247 = arith.constant 0 : i32
        %dma_wait3A_248 = tpu.memref_slice %arg8[%add3A_206, %dma_wait3A_247] : memref<160x125xi32, #tpu.memory_space<vmem>> -> memref<1x125xi32, #tpu.memory_space<vmem>>
        %dma_wait3A_249 = tpu.memref_squeeze %dma_wait3A_248 : memref<1x125xi32, #tpu.memory_space<vmem>> -> memref<125xi32, #tpu.memory_space<vmem>>
        %dma_wait3A_250 = arith.constant 0 : i32
        %dma_wait3A_251 = arith.constant 0 : i32
        %dma_wait3A_252 = tpu.memref_slice %arg10[%dma_wait3A_250, %dma_wait3A_251] : memref<10240x64xf32, #tpu.memory_space<vmem_shared>> -> memref<10240x64xf32, #tpu.memory_space<vmem_shared>>
        tpu.wait_indirect_dma semaphore(%run_scoped3A_232 : memref<!tpu.dma_semaphore, #tpu.memory_space<semaphore_mem>>) src(%dma_wait3A_246 : memref<125x64xf32, #tpu.memory_space<vmem>>) dst(%dma_wait3A_252 : memref<10240x64xf32, #tpu.memory_space<vmem_shared>>)
        tpu.yield
      }) : () -> ()
      %add3A_219 = arith.constant 4 : i32
      %add3A_220 = arith.addi %add3A_206, %add3A_219 : i32
      %dma_start3A_221 = arith.constant 3 : i32
      %dma_start3A_222 = arith.constant 0 : i32
      %dma_start3A_223 = arith.constant 0 : i32
      %dma_start3A_224 = tpu.memref_slice %arg9[%dma_start3A_221, %dma_start3A_222, %dma_start3A_223] : memref<4x125x64xf32, #tpu.memory_space<vmem>> -> memref<1x125x64xf32, #tpu.memory_space<vmem>>
      %dma_start3A_225 = tpu.memref_squeeze %dma_start3A_224 : memref<1x125x64xf32, #tpu.memory_space<vmem>> -> memref<125x64xf32, #tpu.memory_space<vmem>>
      %dma_start3A_226 = arith.constant 0 : i32
      %dma_start3A_227 = tpu.memref_slice %arg7[%add3A_220, %dma_start3A_226] : memref<160x125xi32, #tpu.memory_space<vmem>> -> memref<1x125xi32, #tpu.memory_space<vmem>>
      %dma_start3A_228 = tpu.memref_squeeze %dma_start3A_227 : memref<1x125xi32, #tpu.memory_space<vmem>> -> memref<125xi32, #tpu.memory_space<vmem>>
      %dma_start3A_229 = arith.constant 0 : i32
      %dma_start3A_230 = arith.constant 0 : i32
      %dma_start3A_231 = tpu.memref_slice %arg2[%dma_start3A_229, %dma_start3A_230] : memref<20000x64xf32, #tpu.memory_space<hbm>> -> memref<20000x64xf32, #tpu.memory_space<hbm>>
      tpu.enqueue_indirect_dma source(%dma_start3A_231 : memref<20000x64xf32, #tpu.memory_space<hbm>>) target(%dma_start3A_225 : memref<125x64xf32, #tpu.memory_space<vmem>>) offsets(%dma_start3A_228 : memref<125xi32, #tpu.memory_space<vmem>>) semaphore(%arg14 : memref<!tpu.dma_semaphore, #tpu.memory_space<semaphore_mem>>)
    }
    %scan3A_56 = arith.constant 39 : i32
    %dma_wait3A = arith.constant 156 : i32
    %dma_wait3A_57 = arith.constant 0 : i32
    %dma_wait3A_58 = arith.constant 0 : i32
    %dma_wait3A_59 = arith.constant 0 : i32
    %dma_wait3A_60 = tpu.memref_slice %arg9[%dma_wait3A_57, %dma_wait3A_58, %dma_wait3A_59] : memref<4x125x64xf32, #tpu.memory_space<vmem>> -> memref<1x125x64xf32, #tpu.memory_space<vmem>>
    %dma_wait3A_61 = tpu.memref_squeeze %dma_wait3A_60 : memref<1x125x64xf32, #tpu.memory_space<vmem>> -> memref<125x64xf32, #tpu.memory_space<vmem>>
    %dma_wait3A_62 = arith.constant 0 : i32
    %dma_wait3A_63 = tpu.memref_slice %arg7[%dma_wait3A, %dma_wait3A_62] : memref<160x125xi32, #tpu.memory_space<vmem>> -> memref<1x125xi32, #tpu.memory_space<vmem>>
    %dma_wait3A_64 = tpu.memref_squeeze %dma_wait3A_63 : memref<1x125xi32, #tpu.memory_space<vmem>> -> memref<125xi32, #tpu.memory_space<vmem>>
    %dma_wait3A_65 = arith.constant 0 : i32
    %dma_wait3A_66 = arith.constant 0 : i32
    %dma_wait3A_67 = tpu.memref_slice %arg2[%dma_wait3A_65, %dma_wait3A_66] : memref<20000x64xf32, #tpu.memory_space<hbm>> -> memref<20000x64xf32, #tpu.memory_space<hbm>>
    tpu.wait_indirect_dma semaphore(%arg11 : memref<!tpu.dma_semaphore, #tpu.memory_space<semaphore_mem>>) src(%dma_wait3A_67 : memref<20000x64xf32, #tpu.memory_space<hbm>>) dst(%dma_wait3A_61 : memref<125x64xf32, #tpu.memory_space<vmem>>)
    %run_scoped3A = arith.constant 0 : i32
    %run_scoped3A_68 = arith.constant 156 : i32
    "tpu.region"() ({
      %run_scoped3A_116 = tpu.sem_alloc : memref<!tpu.dma_semaphore, #tpu.memory_space<semaphore_mem>>
      %dma_start3A_117 = arith.constant 0 : i32
      %dma_start3A_118 = arith.constant 0 : i32
      %dma_start3A_119 = tpu.memref_slice %arg9[%run_scoped3A, %dma_start3A_117, %dma_start3A_118] : memref<4x125x64xf32, #tpu.memory_space<vmem>> -> memref<1x125x64xf32, #tpu.memory_space<vmem>>
      %dma_start3A_120 = tpu.memref_squeeze %dma_start3A_119 : memref<1x125x64xf32, #tpu.memory_space<vmem>> -> memref<125x64xf32, #tpu.memory_space<vmem>>
      %dma_start3A_121 = arith.constant 0 : i32
      %dma_start3A_122 = tpu.memref_slice %arg8[%run_scoped3A_68, %dma_start3A_121] : memref<160x125xi32, #tpu.memory_space<vmem>> -> memref<1x125xi32, #tpu.memory_space<vmem>>
      %dma_start3A_123 = tpu.memref_squeeze %dma_start3A_122 : memref<1x125xi32, #tpu.memory_space<vmem>> -> memref<125xi32, #tpu.memory_space<vmem>>
      %dma_start3A_124 = arith.constant 0 : i32
      %dma_start3A_125 = arith.constant 0 : i32
      %dma_start3A_126 = tpu.memref_slice %arg10[%dma_start3A_124, %dma_start3A_125] : memref<10240x64xf32, #tpu.memory_space<vmem_shared>> -> memref<10240x64xf32, #tpu.memory_space<vmem_shared>>
      tpu.enqueue_indirect_dma source(%dma_start3A_120 : memref<125x64xf32, #tpu.memory_space<vmem>>) target(%dma_start3A_126 : memref<10240x64xf32, #tpu.memory_space<vmem_shared>>) offsets(%dma_start3A_123 : memref<125xi32, #tpu.memory_space<vmem>>) semaphore(%run_scoped3A_116 : memref<!tpu.dma_semaphore, #tpu.memory_space<semaphore_mem>>) {add = true}
      %dma_wait3A_127 = arith.constant 0 : i32
      %dma_wait3A_128 = arith.constant 0 : i32
      %dma_wait3A_129 = tpu.memref_slice %arg9[%run_scoped3A, %dma_wait3A_127, %dma_wait3A_128] : memref<4x125x64xf32, #tpu.memory_space<vmem>> -> memref<1x125x64xf32, #tpu.memory_space<vmem>>
      %dma_wait3A_130 = tpu.memref_squeeze %dma_wait3A_129 : memref<1x125x64xf32, #tpu.memory_space<vmem>> -> memref<125x64xf32, #tpu.memory_space<vmem>>
      %dma_wait3A_131 = arith.constant 0 : i32
      %dma_wait3A_132 = tpu.memref_slice %arg8[%run_scoped3A_68, %dma_wait3A_131] : memref<160x125xi32, #tpu.memory_space<vmem>> -> memref<1x125xi32, #tpu.memory_space<vmem>>
      %dma_wait3A_133 = tpu.memref_squeeze %dma_wait3A_132 : memref<1x125xi32, #tpu.memory_space<vmem>> -> memref<125xi32, #tpu.memory_space<vmem>>
      %dma_wait3A_134 = arith.constant 0 : i32
      %dma_wait3A_135 = arith.constant 0 : i32
      %dma_wait3A_136 = tpu.memref_slice %arg10[%dma_wait3A_134, %dma_wait3A_135] : memref<10240x64xf32, #tpu.memory_space<vmem_shared>> -> memref<10240x64xf32, #tpu.memory_space<vmem_shared>>
      tpu.wait_indirect_dma semaphore(%run_scoped3A_116 : memref<!tpu.dma_semaphore, #tpu.memory_space<semaphore_mem>>) src(%dma_wait3A_130 : memref<125x64xf32, #tpu.memory_space<vmem>>) dst(%dma_wait3A_136 : memref<10240x64xf32, #tpu.memory_space<vmem_shared>>)
      tpu.yield
    }) : () -> ()
    %dma_wait3A_69 = arith.constant 157 : i32
    %dma_wait3A_70 = arith.constant 1 : i32
    %dma_wait3A_71 = arith.constant 0 : i32
    %dma_wait3A_72 = arith.constant 0 : i32
    %dma_wait3A_73 = tpu.memref_slice %arg9[%dma_wait3A_70, %dma_wait3A_71, %dma_wait3A_72] : memref<4x125x64xf32, #tpu.memory_space<vmem>> -> memref<1x125x64xf32, #tpu.memory_space<vmem>>
    %dma_wait3A_74 = tpu.memref_squeeze %dma_wait3A_73 : memref<1x125x64xf32, #tpu.memory_space<vmem>> -> memref<125x64xf32, #tpu.memory_space<vmem>>
    %dma_wait3A_75 = arith.constant 0 : i32
    %dma_wait3A_76 = tpu.memref_slice %arg7[%dma_wait3A_69, %dma_wait3A_75] : memref<160x125xi32, #tpu.memory_space<vmem>> -> memref<1x125xi32, #tpu.memory_space<vmem>>
    %dma_wait3A_77 = tpu.memref_squeeze %dma_wait3A_76 : memref<1x125xi32, #tpu.memory_space<vmem>> -> memref<125xi32, #tpu.memory_space<vmem>>
    %dma_wait3A_78 = arith.constant 0 : i32
    %dma_wait3A_79 = arith.constant 0 : i32
    %dma_wait3A_80 = tpu.memref_slice %arg2[%dma_wait3A_78, %dma_wait3A_79] : memref<20000x64xf32, #tpu.memory_space<hbm>> -> memref<20000x64xf32, #tpu.memory_space<hbm>>
    tpu.wait_indirect_dma semaphore(%arg12 : memref<!tpu.dma_semaphore, #tpu.memory_space<semaphore_mem>>) src(%dma_wait3A_80 : memref<20000x64xf32, #tpu.memory_space<hbm>>) dst(%dma_wait3A_74 : memref<125x64xf32, #tpu.memory_space<vmem>>)
    %run_scoped3A_81 = arith.constant 1 : i32
    %run_scoped3A_82 = arith.constant 157 : i32
    "tpu.region"() ({
      %run_scoped3A_116 = tpu.sem_alloc : memref<!tpu.dma_semaphore, #tpu.memory_space<semaphore_mem>>
      %dma_start3A_117 = arith.constant 0 : i32
      %dma_start3A_118 = arith.constant 0 : i32
      %dma_start3A_119 = tpu.memref_slice %arg9[%run_scoped3A_81, %dma_start3A_117, %dma_start3A_118] : memref<4x125x64xf32, #tpu.memory_space<vmem>> -> memref<1x125x64xf32, #tpu.memory_space<vmem>>
      %dma_start3A_120 = tpu.memref_squeeze %dma_start3A_119 : memref<1x125x64xf32, #tpu.memory_space<vmem>> -> memref<125x64xf32, #tpu.memory_space<vmem>>
      %dma_start3A_121 = arith.constant 0 : i32
      %dma_start3A_122 = tpu.memref_slice %arg8[%run_scoped3A_82, %dma_start3A_121] : memref<160x125xi32, #tpu.memory_space<vmem>> -> memref<1x125xi32, #tpu.memory_space<vmem>>
      %dma_start3A_123 = tpu.memref_squeeze %dma_start3A_122 : memref<1x125xi32, #tpu.memory_space<vmem>> -> memref<125xi32, #tpu.memory_space<vmem>>
      %dma_start3A_124 = arith.constant 0 : i32
      %dma_start3A_125 = arith.constant 0 : i32
      %dma_start3A_126 = tpu.memref_slice %arg10[%dma_start3A_124, %dma_start3A_125] : memref<10240x64xf32, #tpu.memory_space<vmem_shared>> -> memref<10240x64xf32, #tpu.memory_space<vmem_shared>>
      tpu.enqueue_indirect_dma source(%dma_start3A_120 : memref<125x64xf32, #tpu.memory_space<vmem>>) target(%dma_start3A_126 : memref<10240x64xf32, #tpu.memory_space<vmem_shared>>) offsets(%dma_start3A_123 : memref<125xi32, #tpu.memory_space<vmem>>) semaphore(%run_scoped3A_116 : memref<!tpu.dma_semaphore, #tpu.memory_space<semaphore_mem>>) {add = true}
      %dma_wait3A_127 = arith.constant 0 : i32
      %dma_wait3A_128 = arith.constant 0 : i32
      %dma_wait3A_129 = tpu.memref_slice %arg9[%run_scoped3A_81, %dma_wait3A_127, %dma_wait3A_128] : memref<4x125x64xf32, #tpu.memory_space<vmem>> -> memref<1x125x64xf32, #tpu.memory_space<vmem>>
      %dma_wait3A_130 = tpu.memref_squeeze %dma_wait3A_129 : memref<1x125x64xf32, #tpu.memory_space<vmem>> -> memref<125x64xf32, #tpu.memory_space<vmem>>
      %dma_wait3A_131 = arith.constant 0 : i32
      %dma_wait3A_132 = tpu.memref_slice %arg8[%run_scoped3A_82, %dma_wait3A_131] : memref<160x125xi32, #tpu.memory_space<vmem>> -> memref<1x125xi32, #tpu.memory_space<vmem>>
      %dma_wait3A_133 = tpu.memref_squeeze %dma_wait3A_132 : memref<1x125xi32, #tpu.memory_space<vmem>> -> memref<125xi32, #tpu.memory_space<vmem>>
      %dma_wait3A_134 = arith.constant 0 : i32
      %dma_wait3A_135 = arith.constant 0 : i32
      %dma_wait3A_136 = tpu.memref_slice %arg10[%dma_wait3A_134, %dma_wait3A_135] : memref<10240x64xf32, #tpu.memory_space<vmem_shared>> -> memref<10240x64xf32, #tpu.memory_space<vmem_shared>>
      tpu.wait_indirect_dma semaphore(%run_scoped3A_116 : memref<!tpu.dma_semaphore, #tpu.memory_space<semaphore_mem>>) src(%dma_wait3A_130 : memref<125x64xf32, #tpu.memory_space<vmem>>) dst(%dma_wait3A_136 : memref<10240x64xf32, #tpu.memory_space<vmem_shared>>)
      tpu.yield
    }) : () -> ()
    %dma_wait3A_83 = arith.constant 158 : i32
    %dma_wait3A_84 = arith.constant 2 : i32
    %dma_wait3A_85 = arith.constant 0 : i32
    %dma_wait3A_86 = arith.constant 0 : i32
    %dma_wait3A_87 = tpu.memref_slice %arg9[%dma_wait3A_84, %dma_wait3A_85, %dma_wait3A_86] : memref<4x125x64xf32, #tpu.memory_space<vmem>> -> memref<1x125x64xf32, #tpu.memory_space<vmem>>
    %dma_wait3A_88 = tpu.memref_squeeze %dma_wait3A_87 : memref<1x125x64xf32, #tpu.memory_space<vmem>> -> memref<125x64xf32, #tpu.memory_space<vmem>>
    %dma_wait3A_89 = arith.constant 0 : i32
    %dma_wait3A_90 = tpu.memref_slice %arg7[%dma_wait3A_83, %dma_wait3A_89] : memref<160x125xi32, #tpu.memory_space<vmem>> -> memref<1x125xi32, #tpu.memory_space<vmem>>
    %dma_wait3A_91 = tpu.memref_squeeze %dma_wait3A_90 : memref<1x125xi32, #tpu.memory_space<vmem>> -> memref<125xi32, #tpu.memory_space<vmem>>
    %dma_wait3A_92 = arith.constant 0 : i32
    %dma_wait3A_93 = arith.constant 0 : i32
    %dma_wait3A_94 = tpu.memref_slice %arg2[%dma_wait3A_92, %dma_wait3A_93] : memref<20000x64xf32, #tpu.memory_space<hbm>> -> memref<20000x64xf32, #tpu.memory_space<hbm>>
    tpu.wait_indirect_dma semaphore(%arg13 : memref<!tpu.dma_semaphore, #tpu.memory_space<semaphore_mem>>) src(%dma_wait3A_94 : memref<20000x64xf32, #tpu.memory_space<hbm>>) dst(%dma_wait3A_88 : memref<125x64xf32, #tpu.memory_space<vmem>>)
    %run_scoped3A_95 = arith.constant 2 : i32
    %run_scoped3A_96 = arith.constant 158 : i32
    "tpu.region"() ({
      %run_scoped3A_116 = tpu.sem_alloc : memref<!tpu.dma_semaphore, #tpu.memory_space<semaphore_mem>>
      %dma_start3A_117 = arith.constant 0 : i32
      %dma_start3A_118 = arith.constant 0 : i32
      %dma_start3A_119 = tpu.memref_slice %arg9[%run_scoped3A_95, %dma_start3A_117, %dma_start3A_118] : memref<4x125x64xf32, #tpu.memory_space<vmem>> -> memref<1x125x64xf32, #tpu.memory_space<vmem>>
      %dma_start3A_120 = tpu.memref_squeeze %dma_start3A_119 : memref<1x125x64xf32, #tpu.memory_space<vmem>> -> memref<125x64xf32, #tpu.memory_space<vmem>>
      %dma_start3A_121 = arith.constant 0 : i32
      %dma_start3A_122 = tpu.memref_slice %arg8[%run_scoped3A_96, %dma_start3A_121] : memref<160x125xi32, #tpu.memory_space<vmem>> -> memref<1x125xi32, #tpu.memory_space<vmem>>
      %dma_start3A_123 = tpu.memref_squeeze %dma_start3A_122 : memref<1x125xi32, #tpu.memory_space<vmem>> -> memref<125xi32, #tpu.memory_space<vmem>>
      %dma_start3A_124 = arith.constant 0 : i32
      %dma_start3A_125 = arith.constant 0 : i32
      %dma_start3A_126 = tpu.memref_slice %arg10[%dma_start3A_124, %dma_start3A_125] : memref<10240x64xf32, #tpu.memory_space<vmem_shared>> -> memref<10240x64xf32, #tpu.memory_space<vmem_shared>>
      tpu.enqueue_indirect_dma source(%dma_start3A_120 : memref<125x64xf32, #tpu.memory_space<vmem>>) target(%dma_start3A_126 : memref<10240x64xf32, #tpu.memory_space<vmem_shared>>) offsets(%dma_start3A_123 : memref<125xi32, #tpu.memory_space<vmem>>) semaphore(%run_scoped3A_116 : memref<!tpu.dma_semaphore, #tpu.memory_space<semaphore_mem>>) {add = true}
      %dma_wait3A_127 = arith.constant 0 : i32
      %dma_wait3A_128 = arith.constant 0 : i32
      %dma_wait3A_129 = tpu.memref_slice %arg9[%run_scoped3A_95, %dma_wait3A_127, %dma_wait3A_128] : memref<4x125x64xf32, #tpu.memory_space<vmem>> -> memref<1x125x64xf32, #tpu.memory_space<vmem>>
      %dma_wait3A_130 = tpu.memref_squeeze %dma_wait3A_129 : memref<1x125x64xf32, #tpu.memory_space<vmem>> -> memref<125x64xf32, #tpu.memory_space<vmem>>
      %dma_wait3A_131 = arith.constant 0 : i32
      %dma_wait3A_132 = tpu.memref_slice %arg8[%run_scoped3A_96, %dma_wait3A_131] : memref<160x125xi32, #tpu.memory_space<vmem>> -> memref<1x125xi32, #tpu.memory_space<vmem>>
      %dma_wait3A_133 = tpu.memref_squeeze %dma_wait3A_132 : memref<1x125xi32, #tpu.memory_space<vmem>> -> memref<125xi32, #tpu.memory_space<vmem>>
      %dma_wait3A_134 = arith.constant 0 : i32
      %dma_wait3A_135 = arith.constant 0 : i32
      %dma_wait3A_136 = tpu.memref_slice %arg10[%dma_wait3A_134, %dma_wait3A_135] : memref<10240x64xf32, #tpu.memory_space<vmem_shared>> -> memref<10240x64xf32, #tpu.memory_space<vmem_shared>>
      tpu.wait_indirect_dma semaphore(%run_scoped3A_116 : memref<!tpu.dma_semaphore, #tpu.memory_space<semaphore_mem>>) src(%dma_wait3A_130 : memref<125x64xf32, #tpu.memory_space<vmem>>) dst(%dma_wait3A_136 : memref<10240x64xf32, #tpu.memory_space<vmem_shared>>)
      tpu.yield
    }) : () -> ()
    %dma_wait3A_97 = arith.constant 159 : i32
    %dma_wait3A_98 = arith.constant 3 : i32
    %dma_wait3A_99 = arith.constant 0 : i32
    %dma_wait3A_100 = arith.constant 0 : i32
    %dma_wait3A_101 = tpu.memref_slice %arg9[%dma_wait3A_98, %dma_wait3A_99, %dma_wait3A_100] : memref<4x125x64xf32, #tpu.memory_space<vmem>> -> memref<1x125x64xf32, #tpu.memory_space<vmem>>
    %dma_wait3A_102 = tpu.memref_squeeze %dma_wait3A_101 : memref<1x125x64xf32, #tpu.memory_space<vmem>> -> memref<125x64xf32, #tpu.memory_space<vmem>>
    %dma_wait3A_103 = arith.constant 0 : i32
    %dma_wait3A_104 = tpu.memref_slice %arg7[%dma_wait3A_97, %dma_wait3A_103] : memref<160x125xi32, #tpu.memory_space<vmem>> -> memref<1x125xi32, #tpu.memory_space<vmem>>
    %dma_wait3A_105 = tpu.memref_squeeze %dma_wait3A_104 : memref<1x125xi32, #tpu.memory_space<vmem>> -> memref<125xi32, #tpu.memory_space<vmem>>
    %dma_wait3A_106 = arith.constant 0 : i32
    %dma_wait3A_107 = arith.constant 0 : i32
    %dma_wait3A_108 = tpu.memref_slice %arg2[%dma_wait3A_106, %dma_wait3A_107] : memref<20000x64xf32, #tpu.memory_space<hbm>> -> memref<20000x64xf32, #tpu.memory_space<hbm>>
    tpu.wait_indirect_dma semaphore(%arg14 : memref<!tpu.dma_semaphore, #tpu.memory_space<semaphore_mem>>) src(%dma_wait3A_108 : memref<20000x64xf32, #tpu.memory_space<hbm>>) dst(%dma_wait3A_102 : memref<125x64xf32, #tpu.memory_space<vmem>>)
    %run_scoped3A_109 = arith.constant 3 : i32
    %run_scoped3A_110 = arith.constant 159 : i32
    "tpu.region"() ({
      %run_scoped3A_116 = tpu.sem_alloc : memref<!tpu.dma_semaphore, #tpu.memory_space<semaphore_mem>>
      %dma_start3A_117 = arith.constant 0 : i32
      %dma_start3A_118 = arith.constant 0 : i32
      %dma_start3A_119 = tpu.memref_slice %arg9[%run_scoped3A_109, %dma_start3A_117, %dma_start3A_118] : memref<4x125x64xf32, #tpu.memory_space<vmem>> -> memref<1x125x64xf32, #tpu.memory_space<vmem>>
      %dma_start3A_120 = tpu.memref_squeeze %dma_start3A_119 : memref<1x125x64xf32, #tpu.memory_space<vmem>> -> memref<125x64xf32, #tpu.memory_space<vmem>>
      %dma_start3A_121 = arith.constant 0 : i32
      %dma_start3A_122 = tpu.memref_slice %arg8[%run_scoped3A_110, %dma_start3A_121] : memref<160x125xi32, #tpu.memory_space<vmem>> -> memref<1x125xi32, #tpu.memory_space<vmem>>
      %dma_start3A_123 = tpu.memref_squeeze %dma_start3A_122 : memref<1x125xi32, #tpu.memory_space<vmem>> -> memref<125xi32, #tpu.memory_space<vmem>>
      %dma_start3A_124 = arith.constant 0 : i32
      %dma_start3A_125 = arith.constant 0 : i32
      %dma_start3A_126 = tpu.memref_slice %arg10[%dma_start3A_124, %dma_start3A_125] : memref<10240x64xf32, #tpu.memory_space<vmem_shared>> -> memref<10240x64xf32, #tpu.memory_space<vmem_shared>>
      tpu.enqueue_indirect_dma source(%dma_start3A_120 : memref<125x64xf32, #tpu.memory_space<vmem>>) target(%dma_start3A_126 : memref<10240x64xf32, #tpu.memory_space<vmem_shared>>) offsets(%dma_start3A_123 : memref<125xi32, #tpu.memory_space<vmem>>) semaphore(%run_scoped3A_116 : memref<!tpu.dma_semaphore, #tpu.memory_space<semaphore_mem>>) {add = true}
      %dma_wait3A_127 = arith.constant 0 : i32
      %dma_wait3A_128 = arith.constant 0 : i32
      %dma_wait3A_129 = tpu.memref_slice %arg9[%run_scoped3A_109, %dma_wait3A_127, %dma_wait3A_128] : memref<4x125x64xf32, #tpu.memory_space<vmem>> -> memref<1x125x64xf32, #tpu.memory_space<vmem>>
      %dma_wait3A_130 = tpu.memref_squeeze %dma_wait3A_129 : memref<1x125x64xf32, #tpu.memory_space<vmem>> -> memref<125x64xf32, #tpu.memory_space<vmem>>
      %dma_wait3A_131 = arith.constant 0 : i32
      %dma_wait3A_132 = tpu.memref_slice %arg8[%run_scoped3A_110, %dma_wait3A_131] : memref<160x125xi32, #tpu.memory_space<vmem>> -> memref<1x125xi32, #tpu.memory_space<vmem>>
      %dma_wait3A_133 = tpu.memref_squeeze %dma_wait3A_132 : memref<1x125xi32, #tpu.memory_space<vmem>> -> memref<125xi32, #tpu.memory_space<vmem>>
      %dma_wait3A_134 = arith.constant 0 : i32
      %dma_wait3A_135 = arith.constant 0 : i32
      %dma_wait3A_136 = tpu.memref_slice %arg10[%dma_wait3A_134, %dma_wait3A_135] : memref<10240x64xf32, #tpu.memory_space<vmem_shared>> -> memref<10240x64xf32, #tpu.memory_space<vmem_shared>>
      tpu.wait_indirect_dma semaphore(%run_scoped3A_116 : memref<!tpu.dma_semaphore, #tpu.memory_space<semaphore_mem>>) src(%dma_wait3A_130 : memref<125x64xf32, #tpu.memory_space<vmem>>) dst(%dma_wait3A_136 : memref<10240x64xf32, #tpu.memory_space<vmem_shared>>)
      tpu.yield
    }) : () -> ()
    %barrier3A_111 = arith.constant 0 : index
    tpu.barrier barrier_id(%barrier3A_111)
    %mul3A_112 = arith.constant 640 : i32
    %mul3A_113 = arith.muli %arg1, %mul3A_112 : i32
    %mul3A_114 = arith.constant 640 : i32
    %mul3A_115 = arith.muli %arg1, %mul3A_114 : i32
    "tpu.region"() ({
      %run_scoped3A_116 = tpu.sem_alloc : memref<!tpu.dma_semaphore, #tpu.memory_space<semaphore_mem>>
      %dma_start3A_117 = arith.constant 0 : i32
      %dma_start3A_118 = tpu.memref_slice %arg6[%arg0, %mul3A_115, %dma_start3A_117] : memref<2x10240x64xf32, #tpu.memory_space<hbm>> -> memref<1x640x64xf32, #tpu.memory_space<hbm>>
      %dma_start3A_119 = tpu.memref_squeeze %dma_start3A_118 : memref<1x640x64xf32, #tpu.memory_space<hbm>> -> memref<640x64xf32, #tpu.memory_space<hbm>>
      %dma_start3A_120 = arith.constant 0 : i32
      %dma_start3A_121 = tpu.memref_slice %arg10[%mul3A_113, %dma_start3A_120] : memref<10240x64xf32, #tpu.memory_space<vmem_shared>> -> memref<640x64xf32, #tpu.memory_space<vmem_shared>>
      tpu.enqueue_dma source(%dma_start3A_121 : memref<640x64xf32, #tpu.memory_space<vmem_shared>>) target(%dma_start3A_119 : memref<640x64xf32, #tpu.memory_space<hbm>>) target_semaphore(%run_scoped3A_116 : memref<!tpu.dma_semaphore, #tpu.memory_space<semaphore_mem>>)
      %dma_wait3A_122 = arith.constant 0 : i32
      %dma_wait3A_123 = tpu.memref_slice %arg6[%arg0, %mul3A_115, %dma_wait3A_122] : memref<2x10240x64xf32, #tpu.memory_space<hbm>> -> memref<1x640x64xf32, #tpu.memory_space<hbm>>
      %dma_wait3A_124 = tpu.memref_squeeze %dma_wait3A_123 : memref<1x640x64xf32, #tpu.memory_space<hbm>> -> memref<640x64xf32, #tpu.memory_space<hbm>>
      %dma_wait3A_125 = arith.constant 0 : i32
      %dma_wait3A_126 = tpu.memref_slice %arg10[%mul3A_113, %dma_wait3A_125] : memref<10240x64xf32, #tpu.memory_space<vmem_shared>> -> memref<640x64xf32, #tpu.memory_space<vmem_shared>>
      tpu.wait_dma2 semaphore(%run_scoped3A_116 : memref<!tpu.dma_semaphore, #tpu.memory_space<semaphore_mem>>) src(%dma_wait3A_126 : memref<640x64xf32, #tpu.memory_space<vmem_shared>>) dst(%dma_wait3A_124 : memref<640x64xf32, #tpu.memory_space<hbm>>)
      tpu.yield
    }) : () -> ()
    return
  }
}

#map = affine_map<(d0, d1) -> (0, 0)>
#map1 = affine_map<(d0, d1) -> (0, 0, 0)>
module attributes {stable_mosaic.version = 14 : i64} {
  func.func @agg_kernel(%arg0: i32, %arg1: i32, %arg2: memref<20000x64xf32, #tpu.memory_space<hbm>>, %arg3: memref<2x2560x125xi32, #tpu.memory_space<hbm>>, %arg4: memref<2560x125xi32, #tpu.memory_space<hbm>>, %arg5: memref<640x64xf32, #tpu.memory_space<hbm>>, %arg6: memref<2x10240x64xf32, #tpu.memory_space<hbm>>, %arg7: memref<160x125xi32, #tpu.memory_space<vmem>>, %arg8: memref<160x125xi32, #tpu.memory_space<vmem>>, %arg9: memref<4x125x64xf32, #tpu.memory_space<vmem>>, %arg10: memref<10240x64xf32, #tpu.memory_space<vmem_shared>>, %arg11: memref<!tpu.dma_semaphore, #tpu.memory_space<semaphore_mem>>, %arg12: memref<!tpu.dma_semaphore, #tpu.memory_space<semaphore_mem>>, %arg13: memref<!tpu.dma_semaphore, #tpu.memory_space<semaphore_mem>>, %arg14: memref<!tpu.dma_semaphore, #tpu.memory_space<semaphore_mem>>) attributes {dimension_semantics = [#tpu.dimension_semantics<core_parallel>, #tpu.dimension_semantics<subcore_parallel>], iteration_bounds = array<i64: 2, 16>, scalar_prefetch = 0 : i64, scratch_operands = 8 : i64, tpu.core_type = #tpu.core_type<sc_vector_subcore>, window_params = [{transform_indices = #map}, {transform_indices = #map1}, {transform_indices = #map}, {transform_indices = #map}, {transform_indices = #map1}]} {
    %mul3A = arith.constant 640 : i32
    %mul3A_0 = arith.muli %arg1, %mul3A : i32
    "tpu.region"() ({
      %run_scoped3A_116 = tpu.sem_alloc : memref<!tpu.dma_semaphore, #tpu.memory_space<semaphore_mem>>
      %dma_start3A_117 = arith.constant 0 : i32
      %dma_start3A_118 = tpu.memref_slice %arg10[%mul3A_0, %dma_start3A_117] : memref<10240x64xf32, #tpu.memory_space<vmem_shared>> -> memref<640x64xf32, #tpu.memory_space<vmem_shared>>
      tpu.enqueue_dma source(%arg5 : memref<640x64xf32, #tpu.memory_space<hbm>>) target(%dma_start3A_118 : memref<640x64xf32, #tpu.memory_space<vmem_shared>>) target_semaphore(%run_scoped3A_116 : memref<!tpu.dma_semaphore, #tpu.memory_space<semaphore_mem>>)
      %dma_wait3A_119 = arith.constant 0 : i32
      %dma_wait3A_120 = tpu.memref_slice %arg10[%mul3A_0, %dma_wait3A_119] : memref<10240x64xf32, #tpu.memory_space<vmem_shared>> -> memref<640x64xf32, #tpu.memory_space<vmem_shared>>
      tpu.wait_dma2 semaphore(%run_scoped3A_116 : memref<!tpu.dma_semaphore, #tpu.memory_space<semaphore_mem>>) src(%arg5 : memref<640x64xf32, #tpu.memory_space<hbm>>) dst(%dma_wait3A_120 : memref<640x64xf32, #tpu.memory_space<vmem_shared>>)
      tpu.yield
    }) : () -> ()
    %mul3A_1 = arith.constant 160 : i32
    %mul3A_2 = arith.muli %arg1, %mul3A_1 : i32
    "tpu.region"() ({
      %run_scoped3A_116 = tpu.sem_alloc : memref<!tpu.dma_semaphore, #tpu.memory_space<semaphore_mem>>
      %dma_start3A_117 = arith.constant 0 : i32
      %dma_start3A_118 = tpu.memref_slice %arg3[%arg0, %mul3A_2, %dma_start3A_117] : memref<2x2560x125xi32, #tpu.memory_space<hbm>> -> memref<1x160x125xi32, #tpu.memory_space<hbm>>
      %dma_start3A_119 = tpu.memref_squeeze %dma_start3A_118 : memref<1x160x125xi32, #tpu.memory_space<hbm>> -> memref<160x125xi32, #tpu.memory_space<hbm>>
      %dma_start3A_120 = arith.constant 0 : i32
      %dma_start3A_121 = tpu.memref_slice %arg3[%arg0, %mul3A_2, %dma_start3A_120] : memref<2x2560x125xi32, #tpu.memory_space<hbm>> -> memref<1x160x125xi32, #tpu.memory_space<hbm>>
      %dma_start3A_122 = tpu.memref_squeeze %dma_start3A_121 : memref<1x160x125xi32, #tpu.memory_space<hbm>> -> memref<160x125xi32, #tpu.memory_space<hbm>>
      tpu.enqueue_dma source(%dma_start3A_122 : memref<160x125xi32, #tpu.memory_space<hbm>>) target(%arg7 : memref<160x125xi32, #tpu.memory_space<vmem>>) target_semaphore(%run_scoped3A_116 : memref<!tpu.dma_semaphore, #tpu.memory_space<semaphore_mem>>)
      %dma_wait3A_123 = arith.constant 0 : i32
      %dma_wait3A_124 = tpu.memref_slice %arg3[%arg0, %mul3A_2, %dma_wait3A_123] : memref<2x2560x125xi32, #tpu.memory_space<hbm>> -> memref<1x160x125xi32, #tpu.memory_space<hbm>>
      %dma_wait3A_125 = tpu.memref_squeeze %dma_wait3A_124 : memref<1x160x125xi32, #tpu.memory_space<hbm>> -> memref<160x125xi32, #tpu.memory_space<hbm>>
      %dma_wait3A_126 = arith.constant 0 : i32
      %dma_wait3A_127 = tpu.memref_slice %arg3[%arg0, %mul3A_2, %dma_wait3A_126] : memref<2x2560x125xi32, #tpu.memory_space<hbm>> -> memref<1x160x125xi32, #tpu.memory_space<hbm>>
      %dma_wait3A_128 = tpu.memref_squeeze %dma_wait3A_127 : memref<1x160x125xi32, #tpu.memory_space<hbm>> -> memref<160x125xi32, #tpu.memory_space<hbm>>
      tpu.wait_dma2 semaphore(%run_scoped3A_116 : memref<!tpu.dma_semaphore, #tpu.memory_space<semaphore_mem>>) src(%dma_wait3A_128 : memref<160x125xi32, #tpu.memory_space<hbm>>) dst(%arg7 : memref<160x125xi32, #tpu.memory_space<vmem>>)
      tpu.yield
    }) : () -> ()
    %mul3A_3 = arith.constant 160 : i32
    %mul3A_4 = arith.muli %arg1, %mul3A_3 : i32
    "tpu.region"() ({
      %run_scoped3A_116 = tpu.sem_alloc : memref<!tpu.dma_semaphore, #tpu.memory_space<semaphore_mem>>
      %dma_start3A_117 = arith.constant 0 : i32
      %dma_start3A_118 = tpu.memref_slice %arg4[%mul3A_4, %dma_start3A_117] : memref<2560x125xi32, #tpu.memory_space<hbm>> -> memref<160x125xi32, #tpu.memory_space<hbm>>
      %dma_start3A_119 = arith.constant 0 : i32
      %dma_start3A_120 = tpu.memref_slice %arg4[%mul3A_4, %dma_start3A_119] : memref<2560x125xi32, #tpu.memory_space<hbm>> -> memref<160x125xi32, #tpu.memory_space<hbm>>
      tpu.enqueue_dma source(%dma_start3A_120 : memref<160x125xi32, #tpu.memory_space<hbm>>) target(%arg8 : memref<160x125xi32, #tpu.memory_space<vmem>>) target_semaphore(%run_scoped3A_116 : memref<!tpu.dma_semaphore, #tpu.memory_space<semaphore_mem>>)
      %dma_wait3A_121 = arith.constant 0 : i32
      %dma_wait3A_122 = tpu.memref_slice %arg4[%mul3A_4, %dma_wait3A_121] : memref<2560x125xi32, #tpu.memory_space<hbm>> -> memref<160x125xi32, #tpu.memory_space<hbm>>
      %dma_wait3A_123 = arith.constant 0 : i32
      %dma_wait3A_124 = tpu.memref_slice %arg4[%mul3A_4, %dma_wait3A_123] : memref<2560x125xi32, #tpu.memory_space<hbm>> -> memref<160x125xi32, #tpu.memory_space<hbm>>
      tpu.wait_dma2 semaphore(%run_scoped3A_116 : memref<!tpu.dma_semaphore, #tpu.memory_space<semaphore_mem>>) src(%dma_wait3A_124 : memref<160x125xi32, #tpu.memory_space<hbm>>) dst(%arg8 : memref<160x125xi32, #tpu.memory_space<vmem>>)
      tpu.yield
    }) : () -> ()
    %barrier3A = arith.constant 0 : index
    tpu.barrier barrier_id(%barrier3A)
    %dma_start3A = arith.constant 0 : i32
    %dma_start3A_5 = arith.constant 0 : i32
    %dma_start3A_6 = arith.constant 0 : i32
    %dma_start3A_7 = arith.constant 0 : i32
    %dma_start3A_8 = tpu.memref_slice %arg9[%dma_start3A_5, %dma_start3A_6, %dma_start3A_7] : memref<4x125x64xf32, #tpu.memory_space<vmem>> -> memref<1x125x64xf32, #tpu.memory_space<vmem>>
    %dma_start3A_9 = tpu.memref_squeeze %dma_start3A_8 : memref<1x125x64xf32, #tpu.memory_space<vmem>> -> memref<125x64xf32, #tpu.memory_space<vmem>>
    %dma_start3A_10 = arith.constant 0 : i32
    %dma_start3A_11 = tpu.memref_slice %arg7[%dma_start3A, %dma_start3A_10] : memref<160x125xi32, #tpu.memory_space<vmem>> -> memref<1x125xi32, #tpu.memory_space<vmem>>
    %dma_start3A_12 = tpu.memref_squeeze %dma_start3A_11 : memref<1x125xi32, #tpu.memory_space<vmem>> -> memref<125xi32, #tpu.memory_space<vmem>>
    %dma_start3A_13 = arith.constant 0 : i32
    %dma_start3A_14 = arith.constant 0 : i32
    %dma_start3A_15 = tpu.memref_slice %arg2[%dma_start3A_13, %dma_start3A_14] : memref<20000x64xf32, #tpu.memory_space<hbm>> -> memref<20000x64xf32, #tpu.memory_space<hbm>>
    tpu.enqueue_indirect_dma source(%dma_start3A_15 : memref<20000x64xf32, #tpu.memory_space<hbm>>) target(%dma_start3A_9 : memref<125x64xf32, #tpu.memory_space<vmem>>) offsets(%dma_start3A_12 : memref<125xi32, #tpu.memory_space<vmem>>) semaphore(%arg11 : memref<!tpu.dma_semaphore, #tpu.memory_space<semaphore_mem>>)
    %dma_start3A_16 = arith.constant 1 : i32
    %dma_start3A_17 = arith.constant 1 : i32
    %dma_start3A_18 = arith.constant 0 : i32
    %dma_start3A_19 = arith.constant 0 : i32
    %dma_start3A_20 = tpu.memref_slice %arg9[%dma_start3A_17, %dma_start3A_18, %dma_start3A_19] : memref<4x125x64xf32, #tpu.memory_space<vmem>> -> memref<1x125x64xf32, #tpu.memory_space<vmem>>
    %dma_start3A_21 = tpu.memref_squeeze %dma_start3A_20 : memref<1x125x64xf32, #tpu.memory_space<vmem>> -> memref<125x64xf32, #tpu.memory_space<vmem>>
    %dma_start3A_22 = arith.constant 0 : i32
    %dma_start3A_23 = tpu.memref_slice %arg7[%dma_start3A_16, %dma_start3A_22] : memref<160x125xi32, #tpu.memory_space<vmem>> -> memref<1x125xi32, #tpu.memory_space<vmem>>
    %dma_start3A_24 = tpu.memref_squeeze %dma_start3A_23 : memref<1x125xi32, #tpu.memory_space<vmem>> -> memref<125xi32, #tpu.memory_space<vmem>>
    %dma_start3A_25 = arith.constant 0 : i32
    %dma_start3A_26 = arith.constant 0 : i32
    %dma_start3A_27 = tpu.memref_slice %arg2[%dma_start3A_25, %dma_start3A_26] : memref<20000x64xf32, #tpu.memory_space<hbm>> -> memref<20000x64xf32, #tpu.memory_space<hbm>>
    tpu.enqueue_indirect_dma source(%dma_start3A_27 : memref<20000x64xf32, #tpu.memory_space<hbm>>) target(%dma_start3A_21 : memref<125x64xf32, #tpu.memory_space<vmem>>) offsets(%dma_start3A_24 : memref<125xi32, #tpu.memory_space<vmem>>) semaphore(%arg12 : memref<!tpu.dma_semaphore, #tpu.memory_space<semaphore_mem>>)
    %dma_start3A_28 = arith.constant 2 : i32
    %dma_start3A_29 = arith.constant 2 : i32
    %dma_start3A_30 = arith.constant 0 : i32
    %dma_start3A_31 = arith.constant 0 : i32
    %dma_start3A_32 = tpu.memref_slice %arg9[%dma_start3A_29, %dma_start3A_30, %dma_start3A_31] : memref<4x125x64xf32, #tpu.memory_space<vmem>> -> memref<1x125x64xf32, #tpu.memory_space<vmem>>
    %dma_start3A_33 = tpu.memref_squeeze %dma_start3A_32 : memref<1x125x64xf32, #tpu.memory_space<vmem>> -> memref<125x64xf32, #tpu.memory_space<vmem>>
    %dma_start3A_34 = arith.constant 0 : i32
    %dma_start3A_35 = tpu.memref_slice %arg7[%dma_start3A_28, %dma_start3A_34] : memref<160x125xi32, #tpu.memory_space<vmem>> -> memref<1x125xi32, #tpu.memory_space<vmem>>
    %dma_start3A_36 = tpu.memref_squeeze %dma_start3A_35 : memref<1x125xi32, #tpu.memory_space<vmem>> -> memref<125xi32, #tpu.memory_space<vmem>>
    %dma_start3A_37 = arith.constant 0 : i32
    %dma_start3A_38 = arith.constant 0 : i32
    %dma_start3A_39 = tpu.memref_slice %arg2[%dma_start3A_37, %dma_start3A_38] : memref<20000x64xf32, #tpu.memory_space<hbm>> -> memref<20000x64xf32, #tpu.memory_space<hbm>>
    tpu.enqueue_indirect_dma source(%dma_start3A_39 : memref<20000x64xf32, #tpu.memory_space<hbm>>) target(%dma_start3A_33 : memref<125x64xf32, #tpu.memory_space<vmem>>) offsets(%dma_start3A_36 : memref<125xi32, #tpu.memory_space<vmem>>) semaphore(%arg13 : memref<!tpu.dma_semaphore, #tpu.memory_space<semaphore_mem>>)
    %dma_start3A_40 = arith.constant 3 : i32
    %dma_start3A_41 = arith.constant 3 : i32
    %dma_start3A_42 = arith.constant 0 : i32
    %dma_start3A_43 = arith.constant 0 : i32
    %dma_start3A_44 = tpu.memref_slice %arg9[%dma_start3A_41, %dma_start3A_42, %dma_start3A_43] : memref<4x125x64xf32, #tpu.memory_space<vmem>> -> memref<1x125x64xf32, #tpu.memory_space<vmem>>
    %dma_start3A_45 = tpu.memref_squeeze %dma_start3A_44 : memref<1x125x64xf32, #tpu.memory_space<vmem>> -> memref<125x64xf32, #tpu.memory_space<vmem>>
    %dma_start3A_46 = arith.constant 0 : i32
    %dma_start3A_47 = tpu.memref_slice %arg7[%dma_start3A_40, %dma_start3A_46] : memref<160x125xi32, #tpu.memory_space<vmem>> -> memref<1x125xi32, #tpu.memory_space<vmem>>
    %dma_start3A_48 = tpu.memref_squeeze %dma_start3A_47 : memref<1x125xi32, #tpu.memory_space<vmem>> -> memref<125xi32, #tpu.memory_space<vmem>>
    %dma_start3A_49 = arith.constant 0 : i32
    %dma_start3A_50 = arith.constant 0 : i32
    %dma_start3A_51 = tpu.memref_slice %arg2[%dma_start3A_49, %dma_start3A_50] : memref<20000x64xf32, #tpu.memory_space<hbm>> -> memref<20000x64xf32, #tpu.memory_space<hbm>>
    tpu.enqueue_indirect_dma source(%dma_start3A_51 : memref<20000x64xf32, #tpu.memory_space<hbm>>) target(%dma_start3A_45 : memref<125x64xf32, #tpu.memory_space<vmem>>) offsets(%dma_start3A_48 : memref<125xi32, #tpu.memory_space<vmem>>) semaphore(%arg14 : memref<!tpu.dma_semaphore, #tpu.memory_space<semaphore_mem>>)
    %scan3A = arith.constant 0 : i32
    %scan3A_52 = arith.constant 0 : i32
    %scan3A_53 = arith.constant 39 : i32
    %scan3A_54 = arith.addi %scan3A_52, %scan3A_53 : i32
    %scan3A_55 = arith.constant 1 : i32
    scf.for %scan3A_116 = %scan3A_52 to %scan3A_54 step %scan3A_55  : i32 {
      %mul3A_117 = arith.constant 4 : i32
      %mul3A_118 = arith.muli %scan3A_116, %mul3A_117 : i32
      %add3A = arith.constant 0 : i32
      %add3A_119 = arith.addi %mul3A_118, %add3A : i32
      %dma_wait3A_120 = arith.constant 0 : i32
      %dma_wait3A_121 = arith.constant 0 : i32
      %dma_wait3A_122 = arith.constant 0 : i32
      %dma_wait3A_123 = tpu.memref_slice %arg9[%dma_wait3A_120, %dma_wait3A_121, %dma_wait3A_122] : memref<4x125x64xf32, #tpu.memory_space<vmem>> -> memref<1x125x64xf32, #tpu.memory_space<vmem>>
      %dma_wait3A_124 = tpu.memref_squeeze %dma_wait3A_123 : memref<1x125x64xf32, #tpu.memory_space<vmem>> -> memref<125x64xf32, #tpu.memory_space<vmem>>
      %dma_wait3A_125 = arith.constant 0 : i32
      %dma_wait3A_126 = tpu.memref_slice %arg7[%add3A_119, %dma_wait3A_125] : memref<160x125xi32, #tpu.memory_space<vmem>> -> memref<1x125xi32, #tpu.memory_space<vmem>>
      %dma_wait3A_127 = tpu.memref_squeeze %dma_wait3A_126 : memref<1x125xi32, #tpu.memory_space<vmem>> -> memref<125xi32, #tpu.memory_space<vmem>>
      %dma_wait3A_128 = arith.constant 0 : i32
      %dma_wait3A_129 = arith.constant 0 : i32
      %dma_wait3A_130 = tpu.memref_slice %arg2[%dma_wait3A_128, %dma_wait3A_129] : memref<20000x64xf32, #tpu.memory_space<hbm>> -> memref<20000x64xf32, #tpu.memory_space<hbm>>
      tpu.wait_indirect_dma semaphore(%arg11 : memref<!tpu.dma_semaphore, #tpu.memory_space<semaphore_mem>>) src(%dma_wait3A_130 : memref<20000x64xf32, #tpu.memory_space<hbm>>) dst(%dma_wait3A_124 : memref<125x64xf32, #tpu.memory_space<vmem>>)
      %run_scoped3A_131 = arith.constant 0 : i32
      "tpu.region"() ({
        %run_scoped3A_232 = tpu.sem_alloc : memref<!tpu.dma_semaphore, #tpu.memory_space<semaphore_mem>>
        %dma_start3A_233 = arith.constant 0 : i32
        %dma_start3A_234 = arith.constant 0 : i32
        %dma_start3A_235 = tpu.memref_slice %arg9[%run_scoped3A_131, %dma_start3A_233, %dma_start3A_234] : memref<4x125x64xf32, #tpu.memory_space<vmem>> -> memref<1x125x64xf32, #tpu.memory_space<vmem>>
        %dma_start3A_236 = tpu.memref_squeeze %dma_start3A_235 : memref<1x125x64xf32, #tpu.memory_space<vmem>> -> memref<125x64xf32, #tpu.memory_space<vmem>>
        %dma_start3A_237 = arith.constant 0 : i32
        %dma_start3A_238 = tpu.memref_slice %arg8[%add3A_119, %dma_start3A_237] : memref<160x125xi32, #tpu.memory_space<vmem>> -> memref<1x125xi32, #tpu.memory_space<vmem>>
        %dma_start3A_239 = tpu.memref_squeeze %dma_start3A_238 : memref<1x125xi32, #tpu.memory_space<vmem>> -> memref<125xi32, #tpu.memory_space<vmem>>
        %dma_start3A_240 = arith.constant 0 : i32
        %dma_start3A_241 = arith.constant 0 : i32
        %dma_start3A_242 = tpu.memref_slice %arg10[%dma_start3A_240, %dma_start3A_241] : memref<10240x64xf32, #tpu.memory_space<vmem_shared>> -> memref<10240x64xf32, #tpu.memory_space<vmem_shared>>
        tpu.enqueue_indirect_dma source(%dma_start3A_236 : memref<125x64xf32, #tpu.memory_space<vmem>>) target(%dma_start3A_242 : memref<10240x64xf32, #tpu.memory_space<vmem_shared>>) offsets(%dma_start3A_239 : memref<125xi32, #tpu.memory_space<vmem>>) semaphore(%run_scoped3A_232 : memref<!tpu.dma_semaphore, #tpu.memory_space<semaphore_mem>>) {add = true}
        %dma_wait3A_243 = arith.constant 0 : i32
        %dma_wait3A_244 = arith.constant 0 : i32
        %dma_wait3A_245 = tpu.memref_slice %arg9[%run_scoped3A_131, %dma_wait3A_243, %dma_wait3A_244] : memref<4x125x64xf32, #tpu.memory_space<vmem>> -> memref<1x125x64xf32, #tpu.memory_space<vmem>>
        %dma_wait3A_246 = tpu.memref_squeeze %dma_wait3A_245 : memref<1x125x64xf32, #tpu.memory_space<vmem>> -> memref<125x64xf32, #tpu.memory_space<vmem>>
        %dma_wait3A_247 = arith.constant 0 : i32
        %dma_wait3A_248 = tpu.memref_slice %arg8[%add3A_119, %dma_wait3A_247] : memref<160x125xi32, #tpu.memory_space<vmem>> -> memref<1x125xi32, #tpu.memory_space<vmem>>
        %dma_wait3A_249 = tpu.memref_squeeze %dma_wait3A_248 : memref<1x125xi32, #tpu.memory_space<vmem>> -> memref<125xi32, #tpu.memory_space<vmem>>
        %dma_wait3A_250 = arith.constant 0 : i32
        %dma_wait3A_251 = arith.constant 0 : i32
        %dma_wait3A_252 = tpu.memref_slice %arg10[%dma_wait3A_250, %dma_wait3A_251] : memref<10240x64xf32, #tpu.memory_space<vmem_shared>> -> memref<10240x64xf32, #tpu.memory_space<vmem_shared>>
        tpu.wait_indirect_dma semaphore(%run_scoped3A_232 : memref<!tpu.dma_semaphore, #tpu.memory_space<semaphore_mem>>) src(%dma_wait3A_246 : memref<125x64xf32, #tpu.memory_space<vmem>>) dst(%dma_wait3A_252 : memref<10240x64xf32, #tpu.memory_space<vmem_shared>>)
        tpu.yield
      }) : () -> ()
      %add3A_132 = arith.constant 4 : i32
      %add3A_133 = arith.addi %add3A_119, %add3A_132 : i32
      %dma_start3A_134 = arith.constant 0 : i32
      %dma_start3A_135 = arith.constant 0 : i32
      %dma_start3A_136 = arith.constant 0 : i32
      %dma_start3A_137 = tpu.memref_slice %arg9[%dma_start3A_134, %dma_start3A_135, %dma_start3A_136] : memref<4x125x64xf32, #tpu.memory_space<vmem>> -> memref<1x125x64xf32, #tpu.memory_space<vmem>>
      %dma_start3A_138 = tpu.memref_squeeze %dma_start3A_137 : memref<1x125x64xf32, #tpu.memory_space<vmem>> -> memref<125x64xf32, #tpu.memory_space<vmem>>
      %dma_start3A_139 = arith.constant 0 : i32
      %dma_start3A_140 = tpu.memref_slice %arg7[%add3A_133, %dma_start3A_139] : memref<160x125xi32, #tpu.memory_space<vmem>> -> memref<1x125xi32, #tpu.memory_space<vmem>>
      %dma_start3A_141 = tpu.memref_squeeze %dma_start3A_140 : memref<1x125xi32, #tpu.memory_space<vmem>> -> memref<125xi32, #tpu.memory_space<vmem>>
      %dma_start3A_142 = arith.constant 0 : i32
      %dma_start3A_143 = arith.constant 0 : i32
      %dma_start3A_144 = tpu.memref_slice %arg2[%dma_start3A_142, %dma_start3A_143] : memref<20000x64xf32, #tpu.memory_space<hbm>> -> memref<20000x64xf32, #tpu.memory_space<hbm>>
      tpu.enqueue_indirect_dma source(%dma_start3A_144 : memref<20000x64xf32, #tpu.memory_space<hbm>>) target(%dma_start3A_138 : memref<125x64xf32, #tpu.memory_space<vmem>>) offsets(%dma_start3A_141 : memref<125xi32, #tpu.memory_space<vmem>>) semaphore(%arg11 : memref<!tpu.dma_semaphore, #tpu.memory_space<semaphore_mem>>)
      %mul3A_145 = arith.constant 4 : i32
      %mul3A_146 = arith.muli %scan3A_116, %mul3A_145 : i32
      %add3A_147 = arith.constant 1 : i32
      %add3A_148 = arith.addi %mul3A_146, %add3A_147 : i32
      %dma_wait3A_149 = arith.constant 1 : i32
      %dma_wait3A_150 = arith.constant 0 : i32
      %dma_wait3A_151 = arith.constant 0 : i32
      %dma_wait3A_152 = tpu.memref_slice %arg9[%dma_wait3A_149, %dma_wait3A_150, %dma_wait3A_151] : memref<4x125x64xf32, #tpu.memory_space<vmem>> -> memref<1x125x64xf32, #tpu.memory_space<vmem>>
      %dma_wait3A_153 = tpu.memref_squeeze %dma_wait3A_152 : memref<1x125x64xf32, #tpu.memory_space<vmem>> -> memref<125x64xf32, #tpu.memory_space<vmem>>
      %dma_wait3A_154 = arith.constant 0 : i32
      %dma_wait3A_155 = tpu.memref_slice %arg7[%add3A_148, %dma_wait3A_154] : memref<160x125xi32, #tpu.memory_space<vmem>> -> memref<1x125xi32, #tpu.memory_space<vmem>>
      %dma_wait3A_156 = tpu.memref_squeeze %dma_wait3A_155 : memref<1x125xi32, #tpu.memory_space<vmem>> -> memref<125xi32, #tpu.memory_space<vmem>>
      %dma_wait3A_157 = arith.constant 0 : i32
      %dma_wait3A_158 = arith.constant 0 : i32
      %dma_wait3A_159 = tpu.memref_slice %arg2[%dma_wait3A_157, %dma_wait3A_158] : memref<20000x64xf32, #tpu.memory_space<hbm>> -> memref<20000x64xf32, #tpu.memory_space<hbm>>
      tpu.wait_indirect_dma semaphore(%arg12 : memref<!tpu.dma_semaphore, #tpu.memory_space<semaphore_mem>>) src(%dma_wait3A_159 : memref<20000x64xf32, #tpu.memory_space<hbm>>) dst(%dma_wait3A_153 : memref<125x64xf32, #tpu.memory_space<vmem>>)
      %run_scoped3A_160 = arith.constant 1 : i32
      "tpu.region"() ({
        %run_scoped3A_232 = tpu.sem_alloc : memref<!tpu.dma_semaphore, #tpu.memory_space<semaphore_mem>>
        %dma_start3A_233 = arith.constant 0 : i32
        %dma_start3A_234 = arith.constant 0 : i32
        %dma_start3A_235 = tpu.memref_slice %arg9[%run_scoped3A_160, %dma_start3A_233, %dma_start3A_234] : memref<4x125x64xf32, #tpu.memory_space<vmem>> -> memref<1x125x64xf32, #tpu.memory_space<vmem>>
        %dma_start3A_236 = tpu.memref_squeeze %dma_start3A_235 : memref<1x125x64xf32, #tpu.memory_space<vmem>> -> memref<125x64xf32, #tpu.memory_space<vmem>>
        %dma_start3A_237 = arith.constant 0 : i32
        %dma_start3A_238 = tpu.memref_slice %arg8[%add3A_148, %dma_start3A_237] : memref<160x125xi32, #tpu.memory_space<vmem>> -> memref<1x125xi32, #tpu.memory_space<vmem>>
        %dma_start3A_239 = tpu.memref_squeeze %dma_start3A_238 : memref<1x125xi32, #tpu.memory_space<vmem>> -> memref<125xi32, #tpu.memory_space<vmem>>
        %dma_start3A_240 = arith.constant 0 : i32
        %dma_start3A_241 = arith.constant 0 : i32
        %dma_start3A_242 = tpu.memref_slice %arg10[%dma_start3A_240, %dma_start3A_241] : memref<10240x64xf32, #tpu.memory_space<vmem_shared>> -> memref<10240x64xf32, #tpu.memory_space<vmem_shared>>
        tpu.enqueue_indirect_dma source(%dma_start3A_236 : memref<125x64xf32, #tpu.memory_space<vmem>>) target(%dma_start3A_242 : memref<10240x64xf32, #tpu.memory_space<vmem_shared>>) offsets(%dma_start3A_239 : memref<125xi32, #tpu.memory_space<vmem>>) semaphore(%run_scoped3A_232 : memref<!tpu.dma_semaphore, #tpu.memory_space<semaphore_mem>>) {add = true}
        %dma_wait3A_243 = arith.constant 0 : i32
        %dma_wait3A_244 = arith.constant 0 : i32
        %dma_wait3A_245 = tpu.memref_slice %arg9[%run_scoped3A_160, %dma_wait3A_243, %dma_wait3A_244] : memref<4x125x64xf32, #tpu.memory_space<vmem>> -> memref<1x125x64xf32, #tpu.memory_space<vmem>>
        %dma_wait3A_246 = tpu.memref_squeeze %dma_wait3A_245 : memref<1x125x64xf32, #tpu.memory_space<vmem>> -> memref<125x64xf32, #tpu.memory_space<vmem>>
        %dma_wait3A_247 = arith.constant 0 : i32
        %dma_wait3A_248 = tpu.memref_slice %arg8[%add3A_148, %dma_wait3A_247] : memref<160x125xi32, #tpu.memory_space<vmem>> -> memref<1x125xi32, #tpu.memory_space<vmem>>
        %dma_wait3A_249 = tpu.memref_squeeze %dma_wait3A_248 : memref<1x125xi32, #tpu.memory_space<vmem>> -> memref<125xi32, #tpu.memory_space<vmem>>
        %dma_wait3A_250 = arith.constant 0 : i32
        %dma_wait3A_251 = arith.constant 0 : i32
        %dma_wait3A_252 = tpu.memref_slice %arg10[%dma_wait3A_250, %dma_wait3A_251] : memref<10240x64xf32, #tpu.memory_space<vmem_shared>> -> memref<10240x64xf32, #tpu.memory_space<vmem_shared>>
        tpu.wait_indirect_dma semaphore(%run_scoped3A_232 : memref<!tpu.dma_semaphore, #tpu.memory_space<semaphore_mem>>) src(%dma_wait3A_246 : memref<125x64xf32, #tpu.memory_space<vmem>>) dst(%dma_wait3A_252 : memref<10240x64xf32, #tpu.memory_space<vmem_shared>>)
        tpu.yield
      }) : () -> ()
      %add3A_161 = arith.constant 4 : i32
      %add3A_162 = arith.addi %add3A_148, %add3A_161 : i32
      %dma_start3A_163 = arith.constant 1 : i32
      %dma_start3A_164 = arith.constant 0 : i32
      %dma_start3A_165 = arith.constant 0 : i32
      %dma_start3A_166 = tpu.memref_slice %arg9[%dma_start3A_163, %dma_start3A_164, %dma_start3A_165] : memref<4x125x64xf32, #tpu.memory_space<vmem>> -> memref<1x125x64xf32, #tpu.memory_space<vmem>>
      %dma_start3A_167 = tpu.memref_squeeze %dma_start3A_166 : memref<1x125x64xf32, #tpu.memory_space<vmem>> -> memref<125x64xf32, #tpu.memory_space<vmem>>
      %dma_start3A_168 = arith.constant 0 : i32
      %dma_start3A_169 = tpu.memref_slice %arg7[%add3A_162, %dma_start3A_168] : memref<160x125xi32, #tpu.memory_space<vmem>> -> memref<1x125xi32, #tpu.memory_space<vmem>>
      %dma_start3A_170 = tpu.memref_squeeze %dma_start3A_169 : memref<1x125xi32, #tpu.memory_space<vmem>> -> memref<125xi32, #tpu.memory_space<vmem>>
      %dma_start3A_171 = arith.constant 0 : i32
      %dma_start3A_172 = arith.constant 0 : i32
      %dma_start3A_173 = tpu.memref_slice %arg2[%dma_start3A_171, %dma_start3A_172] : memref<20000x64xf32, #tpu.memory_space<hbm>> -> memref<20000x64xf32, #tpu.memory_space<hbm>>
      tpu.enqueue_indirect_dma source(%dma_start3A_173 : memref<20000x64xf32, #tpu.memory_space<hbm>>) target(%dma_start3A_167 : memref<125x64xf32, #tpu.memory_space<vmem>>) offsets(%dma_start3A_170 : memref<125xi32, #tpu.memory_space<vmem>>) semaphore(%arg12 : memref<!tpu.dma_semaphore, #tpu.memory_space<semaphore_mem>>)
      %mul3A_174 = arith.constant 4 : i32
      %mul3A_175 = arith.muli %scan3A_116, %mul3A_174 : i32
      %add3A_176 = arith.constant 2 : i32
      %add3A_177 = arith.addi %mul3A_175, %add3A_176 : i32
      %dma_wait3A_178 = arith.constant 2 : i32
      %dma_wait3A_179 = arith.constant 0 : i32
      %dma_wait3A_180 = arith.constant 0 : i32
      %dma_wait3A_181 = tpu.memref_slice %arg9[%dma_wait3A_178, %dma_wait3A_179, %dma_wait3A_180] : memref<4x125x64xf32, #tpu.memory_space<vmem>> -> memref<1x125x64xf32, #tpu.memory_space<vmem>>
      %dma_wait3A_182 = tpu.memref_squeeze %dma_wait3A_181 : memref<1x125x64xf32, #tpu.memory_space<vmem>> -> memref<125x64xf32, #tpu.memory_space<vmem>>
      %dma_wait3A_183 = arith.constant 0 : i32
      %dma_wait3A_184 = tpu.memref_slice %arg7[%add3A_177, %dma_wait3A_183] : memref<160x125xi32, #tpu.memory_space<vmem>> -> memref<1x125xi32, #tpu.memory_space<vmem>>
      %dma_wait3A_185 = tpu.memref_squeeze %dma_wait3A_184 : memref<1x125xi32, #tpu.memory_space<vmem>> -> memref<125xi32, #tpu.memory_space<vmem>>
      %dma_wait3A_186 = arith.constant 0 : i32
      %dma_wait3A_187 = arith.constant 0 : i32
      %dma_wait3A_188 = tpu.memref_slice %arg2[%dma_wait3A_186, %dma_wait3A_187] : memref<20000x64xf32, #tpu.memory_space<hbm>> -> memref<20000x64xf32, #tpu.memory_space<hbm>>
      tpu.wait_indirect_dma semaphore(%arg13 : memref<!tpu.dma_semaphore, #tpu.memory_space<semaphore_mem>>) src(%dma_wait3A_188 : memref<20000x64xf32, #tpu.memory_space<hbm>>) dst(%dma_wait3A_182 : memref<125x64xf32, #tpu.memory_space<vmem>>)
      %run_scoped3A_189 = arith.constant 2 : i32
      "tpu.region"() ({
        %run_scoped3A_232 = tpu.sem_alloc : memref<!tpu.dma_semaphore, #tpu.memory_space<semaphore_mem>>
        %dma_start3A_233 = arith.constant 0 : i32
        %dma_start3A_234 = arith.constant 0 : i32
        %dma_start3A_235 = tpu.memref_slice %arg9[%run_scoped3A_189, %dma_start3A_233, %dma_start3A_234] : memref<4x125x64xf32, #tpu.memory_space<vmem>> -> memref<1x125x64xf32, #tpu.memory_space<vmem>>
        %dma_start3A_236 = tpu.memref_squeeze %dma_start3A_235 : memref<1x125x64xf32, #tpu.memory_space<vmem>> -> memref<125x64xf32, #tpu.memory_space<vmem>>
        %dma_start3A_237 = arith.constant 0 : i32
        %dma_start3A_238 = tpu.memref_slice %arg8[%add3A_177, %dma_start3A_237] : memref<160x125xi32, #tpu.memory_space<vmem>> -> memref<1x125xi32, #tpu.memory_space<vmem>>
        %dma_start3A_239 = tpu.memref_squeeze %dma_start3A_238 : memref<1x125xi32, #tpu.memory_space<vmem>> -> memref<125xi32, #tpu.memory_space<vmem>>
        %dma_start3A_240 = arith.constant 0 : i32
        %dma_start3A_241 = arith.constant 0 : i32
        %dma_start3A_242 = tpu.memref_slice %arg10[%dma_start3A_240, %dma_start3A_241] : memref<10240x64xf32, #tpu.memory_space<vmem_shared>> -> memref<10240x64xf32, #tpu.memory_space<vmem_shared>>
        tpu.enqueue_indirect_dma source(%dma_start3A_236 : memref<125x64xf32, #tpu.memory_space<vmem>>) target(%dma_start3A_242 : memref<10240x64xf32, #tpu.memory_space<vmem_shared>>) offsets(%dma_start3A_239 : memref<125xi32, #tpu.memory_space<vmem>>) semaphore(%run_scoped3A_232 : memref<!tpu.dma_semaphore, #tpu.memory_space<semaphore_mem>>) {add = true}
        %dma_wait3A_243 = arith.constant 0 : i32
        %dma_wait3A_244 = arith.constant 0 : i32
        %dma_wait3A_245 = tpu.memref_slice %arg9[%run_scoped3A_189, %dma_wait3A_243, %dma_wait3A_244] : memref<4x125x64xf32, #tpu.memory_space<vmem>> -> memref<1x125x64xf32, #tpu.memory_space<vmem>>
        %dma_wait3A_246 = tpu.memref_squeeze %dma_wait3A_245 : memref<1x125x64xf32, #tpu.memory_space<vmem>> -> memref<125x64xf32, #tpu.memory_space<vmem>>
        %dma_wait3A_247 = arith.constant 0 : i32
        %dma_wait3A_248 = tpu.memref_slice %arg8[%add3A_177, %dma_wait3A_247] : memref<160x125xi32, #tpu.memory_space<vmem>> -> memref<1x125xi32, #tpu.memory_space<vmem>>
        %dma_wait3A_249 = tpu.memref_squeeze %dma_wait3A_248 : memref<1x125xi32, #tpu.memory_space<vmem>> -> memref<125xi32, #tpu.memory_space<vmem>>
        %dma_wait3A_250 = arith.constant 0 : i32
        %dma_wait3A_251 = arith.constant 0 : i32
        %dma_wait3A_252 = tpu.memref_slice %arg10[%dma_wait3A_250, %dma_wait3A_251] : memref<10240x64xf32, #tpu.memory_space<vmem_shared>> -> memref<10240x64xf32, #tpu.memory_space<vmem_shared>>
        tpu.wait_indirect_dma semaphore(%run_scoped3A_232 : memref<!tpu.dma_semaphore, #tpu.memory_space<semaphore_mem>>) src(%dma_wait3A_246 : memref<125x64xf32, #tpu.memory_space<vmem>>) dst(%dma_wait3A_252 : memref<10240x64xf32, #tpu.memory_space<vmem_shared>>)
        tpu.yield
      }) : () -> ()
      %add3A_190 = arith.constant 4 : i32
      %add3A_191 = arith.addi %add3A_177, %add3A_190 : i32
      %dma_start3A_192 = arith.constant 2 : i32
      %dma_start3A_193 = arith.constant 0 : i32
      %dma_start3A_194 = arith.constant 0 : i32
      %dma_start3A_195 = tpu.memref_slice %arg9[%dma_start3A_192, %dma_start3A_193, %dma_start3A_194] : memref<4x125x64xf32, #tpu.memory_space<vmem>> -> memref<1x125x64xf32, #tpu.memory_space<vmem>>
      %dma_start3A_196 = tpu.memref_squeeze %dma_start3A_195 : memref<1x125x64xf32, #tpu.memory_space<vmem>> -> memref<125x64xf32, #tpu.memory_space<vmem>>
      %dma_start3A_197 = arith.constant 0 : i32
      %dma_start3A_198 = tpu.memref_slice %arg7[%add3A_191, %dma_start3A_197] : memref<160x125xi32, #tpu.memory_space<vmem>> -> memref<1x125xi32, #tpu.memory_space<vmem>>
      %dma_start3A_199 = tpu.memref_squeeze %dma_start3A_198 : memref<1x125xi32, #tpu.memory_space<vmem>> -> memref<125xi32, #tpu.memory_space<vmem>>
      %dma_start3A_200 = arith.constant 0 : i32
      %dma_start3A_201 = arith.constant 0 : i32
      %dma_start3A_202 = tpu.memref_slice %arg2[%dma_start3A_200, %dma_start3A_201] : memref<20000x64xf32, #tpu.memory_space<hbm>> -> memref<20000x64xf32, #tpu.memory_space<hbm>>
      tpu.enqueue_indirect_dma source(%dma_start3A_202 : memref<20000x64xf32, #tpu.memory_space<hbm>>) target(%dma_start3A_196 : memref<125x64xf32, #tpu.memory_space<vmem>>) offsets(%dma_start3A_199 : memref<125xi32, #tpu.memory_space<vmem>>) semaphore(%arg13 : memref<!tpu.dma_semaphore, #tpu.memory_space<semaphore_mem>>)
      %mul3A_203 = arith.constant 4 : i32
      %mul3A_204 = arith.muli %scan3A_116, %mul3A_203 : i32
      %add3A_205 = arith.constant 3 : i32
      %add3A_206 = arith.addi %mul3A_204, %add3A_205 : i32
      %dma_wait3A_207 = arith.constant 3 : i32
      %dma_wait3A_208 = arith.constant 0 : i32
      %dma_wait3A_209 = arith.constant 0 : i32
      %dma_wait3A_210 = tpu.memref_slice %arg9[%dma_wait3A_207, %dma_wait3A_208, %dma_wait3A_209] : memref<4x125x64xf32, #tpu.memory_space<vmem>> -> memref<1x125x64xf32, #tpu.memory_space<vmem>>
      %dma_wait3A_211 = tpu.memref_squeeze %dma_wait3A_210 : memref<1x125x64xf32, #tpu.memory_space<vmem>> -> memref<125x64xf32, #tpu.memory_space<vmem>>
      %dma_wait3A_212 = arith.constant 0 : i32
      %dma_wait3A_213 = tpu.memref_slice %arg7[%add3A_206, %dma_wait3A_212] : memref<160x125xi32, #tpu.memory_space<vmem>> -> memref<1x125xi32, #tpu.memory_space<vmem>>
      %dma_wait3A_214 = tpu.memref_squeeze %dma_wait3A_213 : memref<1x125xi32, #tpu.memory_space<vmem>> -> memref<125xi32, #tpu.memory_space<vmem>>
      %dma_wait3A_215 = arith.constant 0 : i32
      %dma_wait3A_216 = arith.constant 0 : i32
      %dma_wait3A_217 = tpu.memref_slice %arg2[%dma_wait3A_215, %dma_wait3A_216] : memref<20000x64xf32, #tpu.memory_space<hbm>> -> memref<20000x64xf32, #tpu.memory_space<hbm>>
      tpu.wait_indirect_dma semaphore(%arg14 : memref<!tpu.dma_semaphore, #tpu.memory_space<semaphore_mem>>) src(%dma_wait3A_217 : memref<20000x64xf32, #tpu.memory_space<hbm>>) dst(%dma_wait3A_211 : memref<125x64xf32, #tpu.memory_space<vmem>>)
      %run_scoped3A_218 = arith.constant 3 : i32
      "tpu.region"() ({
        %run_scoped3A_232 = tpu.sem_alloc : memref<!tpu.dma_semaphore, #tpu.memory_space<semaphore_mem>>
        %dma_start3A_233 = arith.constant 0 : i32
        %dma_start3A_234 = arith.constant 0 : i32
        %dma_start3A_235 = tpu.memref_slice %arg9[%run_scoped3A_218, %dma_start3A_233, %dma_start3A_234] : memref<4x125x64xf32, #tpu.memory_space<vmem>> -> memref<1x125x64xf32, #tpu.memory_space<vmem>>
        %dma_start3A_236 = tpu.memref_squeeze %dma_start3A_235 : memref<1x125x64xf32, #tpu.memory_space<vmem>> -> memref<125x64xf32, #tpu.memory_space<vmem>>
        %dma_start3A_237 = arith.constant 0 : i32
        %dma_start3A_238 = tpu.memref_slice %arg8[%add3A_206, %dma_start3A_237] : memref<160x125xi32, #tpu.memory_space<vmem>> -> memref<1x125xi32, #tpu.memory_space<vmem>>
        %dma_start3A_239 = tpu.memref_squeeze %dma_start3A_238 : memref<1x125xi32, #tpu.memory_space<vmem>> -> memref<125xi32, #tpu.memory_space<vmem>>
        %dma_start3A_240 = arith.constant 0 : i32
        %dma_start3A_241 = arith.constant 0 : i32
        %dma_start3A_242 = tpu.memref_slice %arg10[%dma_start3A_240, %dma_start3A_241] : memref<10240x64xf32, #tpu.memory_space<vmem_shared>> -> memref<10240x64xf32, #tpu.memory_space<vmem_shared>>
        tpu.enqueue_indirect_dma source(%dma_start3A_236 : memref<125x64xf32, #tpu.memory_space<vmem>>) target(%dma_start3A_242 : memref<10240x64xf32, #tpu.memory_space<vmem_shared>>) offsets(%dma_start3A_239 : memref<125xi32, #tpu.memory_space<vmem>>) semaphore(%run_scoped3A_232 : memref<!tpu.dma_semaphore, #tpu.memory_space<semaphore_mem>>) {add = true}
        %dma_wait3A_243 = arith.constant 0 : i32
        %dma_wait3A_244 = arith.constant 0 : i32
        %dma_wait3A_245 = tpu.memref_slice %arg9[%run_scoped3A_218, %dma_wait3A_243, %dma_wait3A_244] : memref<4x125x64xf32, #tpu.memory_space<vmem>> -> memref<1x125x64xf32, #tpu.memory_space<vmem>>
        %dma_wait3A_246 = tpu.memref_squeeze %dma_wait3A_245 : memref<1x125x64xf32, #tpu.memory_space<vmem>> -> memref<125x64xf32, #tpu.memory_space<vmem>>
        %dma_wait3A_247 = arith.constant 0 : i32
        %dma_wait3A_248 = tpu.memref_slice %arg8[%add3A_206, %dma_wait3A_247] : memref<160x125xi32, #tpu.memory_space<vmem>> -> memref<1x125xi32, #tpu.memory_space<vmem>>
        %dma_wait3A_249 = tpu.memref_squeeze %dma_wait3A_248 : memref<1x125xi32, #tpu.memory_space<vmem>> -> memref<125xi32, #tpu.memory_space<vmem>>
        %dma_wait3A_250 = arith.constant 0 : i32
        %dma_wait3A_251 = arith.constant 0 : i32
        %dma_wait3A_252 = tpu.memref_slice %arg10[%dma_wait3A_250, %dma_wait3A_251] : memref<10240x64xf32, #tpu.memory_space<vmem_shared>> -> memref<10240x64xf32, #tpu.memory_space<vmem_shared>>
        tpu.wait_indirect_dma semaphore(%run_scoped3A_232 : memref<!tpu.dma_semaphore, #tpu.memory_space<semaphore_mem>>) src(%dma_wait3A_246 : memref<125x64xf32, #tpu.memory_space<vmem>>) dst(%dma_wait3A_252 : memref<10240x64xf32, #tpu.memory_space<vmem_shared>>)
        tpu.yield
      }) : () -> ()
      %add3A_219 = arith.constant 4 : i32
      %add3A_220 = arith.addi %add3A_206, %add3A_219 : i32
      %dma_start3A_221 = arith.constant 3 : i32
      %dma_start3A_222 = arith.constant 0 : i32
      %dma_start3A_223 = arith.constant 0 : i32
      %dma_start3A_224 = tpu.memref_slice %arg9[%dma_start3A_221, %dma_start3A_222, %dma_start3A_223] : memref<4x125x64xf32, #tpu.memory_space<vmem>> -> memref<1x125x64xf32, #tpu.memory_space<vmem>>
      %dma_start3A_225 = tpu.memref_squeeze %dma_start3A_224 : memref<1x125x64xf32, #tpu.memory_space<vmem>> -> memref<125x64xf32, #tpu.memory_space<vmem>>
      %dma_start3A_226 = arith.constant 0 : i32
      %dma_start3A_227 = tpu.memref_slice %arg7[%add3A_220, %dma_start3A_226] : memref<160x125xi32, #tpu.memory_space<vmem>> -> memref<1x125xi32, #tpu.memory_space<vmem>>
      %dma_start3A_228 = tpu.memref_squeeze %dma_start3A_227 : memref<1x125xi32, #tpu.memory_space<vmem>> -> memref<125xi32, #tpu.memory_space<vmem>>
      %dma_start3A_229 = arith.constant 0 : i32
      %dma_start3A_230 = arith.constant 0 : i32
      %dma_start3A_231 = tpu.memref_slice %arg2[%dma_start3A_229, %dma_start3A_230] : memref<20000x64xf32, #tpu.memory_space<hbm>> -> memref<20000x64xf32, #tpu.memory_space<hbm>>
      tpu.enqueue_indirect_dma source(%dma_start3A_231 : memref<20000x64xf32, #tpu.memory_space<hbm>>) target(%dma_start3A_225 : memref<125x64xf32, #tpu.memory_space<vmem>>) offsets(%dma_start3A_228 : memref<125xi32, #tpu.memory_space<vmem>>) semaphore(%arg14 : memref<!tpu.dma_semaphore, #tpu.memory_space<semaphore_mem>>)
    }
    %scan3A_56 = arith.constant 39 : i32
    %dma_wait3A = arith.constant 156 : i32
    %dma_wait3A_57 = arith.constant 0 : i32
    %dma_wait3A_58 = arith.constant 0 : i32
    %dma_wait3A_59 = arith.constant 0 : i32
    %dma_wait3A_60 = tpu.memref_slice %arg9[%dma_wait3A_57, %dma_wait3A_58, %dma_wait3A_59] : memref<4x125x64xf32, #tpu.memory_space<vmem>> -> memref<1x125x64xf32, #tpu.memory_space<vmem>>
    %dma_wait3A_61 = tpu.memref_squeeze %dma_wait3A_60 : memref<1x125x64xf32, #tpu.memory_space<vmem>> -> memref<125x64xf32, #tpu.memory_space<vmem>>
    %dma_wait3A_62 = arith.constant 0 : i32
    %dma_wait3A_63 = tpu.memref_slice %arg7[%dma_wait3A, %dma_wait3A_62] : memref<160x125xi32, #tpu.memory_space<vmem>> -> memref<1x125xi32, #tpu.memory_space<vmem>>
    %dma_wait3A_64 = tpu.memref_squeeze %dma_wait3A_63 : memref<1x125xi32, #tpu.memory_space<vmem>> -> memref<125xi32, #tpu.memory_space<vmem>>
    %dma_wait3A_65 = arith.constant 0 : i32
    %dma_wait3A_66 = arith.constant 0 : i32
    %dma_wait3A_67 = tpu.memref_slice %arg2[%dma_wait3A_65, %dma_wait3A_66] : memref<20000x64xf32, #tpu.memory_space<hbm>> -> memref<20000x64xf32, #tpu.memory_space<hbm>>
    tpu.wait_indirect_dma semaphore(%arg11 : memref<!tpu.dma_semaphore, #tpu.memory_space<semaphore_mem>>) src(%dma_wait3A_67 : memref<20000x64xf32, #tpu.memory_space<hbm>>) dst(%dma_wait3A_61 : memref<125x64xf32, #tpu.memory_space<vmem>>)
    %run_scoped3A = arith.constant 0 : i32
    %run_scoped3A_68 = arith.constant 156 : i32
    "tpu.region"() ({
      %run_scoped3A_116 = tpu.sem_alloc : memref<!tpu.dma_semaphore, #tpu.memory_space<semaphore_mem>>
      %dma_start3A_117 = arith.constant 0 : i32
      %dma_start3A_118 = arith.constant 0 : i32
      %dma_start3A_119 = tpu.memref_slice %arg9[%run_scoped3A, %dma_start3A_117, %dma_start3A_118] : memref<4x125x64xf32, #tpu.memory_space<vmem>> -> memref<1x125x64xf32, #tpu.memory_space<vmem>>
      %dma_start3A_120 = tpu.memref_squeeze %dma_start3A_119 : memref<1x125x64xf32, #tpu.memory_space<vmem>> -> memref<125x64xf32, #tpu.memory_space<vmem>>
      %dma_start3A_121 = arith.constant 0 : i32
      %dma_start3A_122 = tpu.memref_slice %arg8[%run_scoped3A_68, %dma_start3A_121] : memref<160x125xi32, #tpu.memory_space<vmem>> -> memref<1x125xi32, #tpu.memory_space<vmem>>
      %dma_start3A_123 = tpu.memref_squeeze %dma_start3A_122 : memref<1x125xi32, #tpu.memory_space<vmem>> -> memref<125xi32, #tpu.memory_space<vmem>>
      %dma_start3A_124 = arith.constant 0 : i32
      %dma_start3A_125 = arith.constant 0 : i32
      %dma_start3A_126 = tpu.memref_slice %arg10[%dma_start3A_124, %dma_start3A_125] : memref<10240x64xf32, #tpu.memory_space<vmem_shared>> -> memref<10240x64xf32, #tpu.memory_space<vmem_shared>>
      tpu.enqueue_indirect_dma source(%dma_start3A_120 : memref<125x64xf32, #tpu.memory_space<vmem>>) target(%dma_start3A_126 : memref<10240x64xf32, #tpu.memory_space<vmem_shared>>) offsets(%dma_start3A_123 : memref<125xi32, #tpu.memory_space<vmem>>) semaphore(%run_scoped3A_116 : memref<!tpu.dma_semaphore, #tpu.memory_space<semaphore_mem>>) {add = true}
      %dma_wait3A_127 = arith.constant 0 : i32
      %dma_wait3A_128 = arith.constant 0 : i32
      %dma_wait3A_129 = tpu.memref_slice %arg9[%run_scoped3A, %dma_wait3A_127, %dma_wait3A_128] : memref<4x125x64xf32, #tpu.memory_space<vmem>> -> memref<1x125x64xf32, #tpu.memory_space<vmem>>
      %dma_wait3A_130 = tpu.memref_squeeze %dma_wait3A_129 : memref<1x125x64xf32, #tpu.memory_space<vmem>> -> memref<125x64xf32, #tpu.memory_space<vmem>>
      %dma_wait3A_131 = arith.constant 0 : i32
      %dma_wait3A_132 = tpu.memref_slice %arg8[%run_scoped3A_68, %dma_wait3A_131] : memref<160x125xi32, #tpu.memory_space<vmem>> -> memref<1x125xi32, #tpu.memory_space<vmem>>
      %dma_wait3A_133 = tpu.memref_squeeze %dma_wait3A_132 : memref<1x125xi32, #tpu.memory_space<vmem>> -> memref<125xi32, #tpu.memory_space<vmem>>
      %dma_wait3A_134 = arith.constant 0 : i32
      %dma_wait3A_135 = arith.constant 0 : i32
      %dma_wait3A_136 = tpu.memref_slice %arg10[%dma_wait3A_134, %dma_wait3A_135] : memref<10240x64xf32, #tpu.memory_space<vmem_shared>> -> memref<10240x64xf32, #tpu.memory_space<vmem_shared>>
      tpu.wait_indirect_dma semaphore(%run_scoped3A_116 : memref<!tpu.dma_semaphore, #tpu.memory_space<semaphore_mem>>) src(%dma_wait3A_130 : memref<125x64xf32, #tpu.memory_space<vmem>>) dst(%dma_wait3A_136 : memref<10240x64xf32, #tpu.memory_space<vmem_shared>>)
      tpu.yield
    }) : () -> ()
    %dma_wait3A_69 = arith.constant 157 : i32
    %dma_wait3A_70 = arith.constant 1 : i32
    %dma_wait3A_71 = arith.constant 0 : i32
    %dma_wait3A_72 = arith.constant 0 : i32
    %dma_wait3A_73 = tpu.memref_slice %arg9[%dma_wait3A_70, %dma_wait3A_71, %dma_wait3A_72] : memref<4x125x64xf32, #tpu.memory_space<vmem>> -> memref<1x125x64xf32, #tpu.memory_space<vmem>>
    %dma_wait3A_74 = tpu.memref_squeeze %dma_wait3A_73 : memref<1x125x64xf32, #tpu.memory_space<vmem>> -> memref<125x64xf32, #tpu.memory_space<vmem>>
    %dma_wait3A_75 = arith.constant 0 : i32
    %dma_wait3A_76 = tpu.memref_slice %arg7[%dma_wait3A_69, %dma_wait3A_75] : memref<160x125xi32, #tpu.memory_space<vmem>> -> memref<1x125xi32, #tpu.memory_space<vmem>>
    %dma_wait3A_77 = tpu.memref_squeeze %dma_wait3A_76 : memref<1x125xi32, #tpu.memory_space<vmem>> -> memref<125xi32, #tpu.memory_space<vmem>>
    %dma_wait3A_78 = arith.constant 0 : i32
    %dma_wait3A_79 = arith.constant 0 : i32
    %dma_wait3A_80 = tpu.memref_slice %arg2[%dma_wait3A_78, %dma_wait3A_79] : memref<20000x64xf32, #tpu.memory_space<hbm>> -> memref<20000x64xf32, #tpu.memory_space<hbm>>
    tpu.wait_indirect_dma semaphore(%arg12 : memref<!tpu.dma_semaphore, #tpu.memory_space<semaphore_mem>>) src(%dma_wait3A_80 : memref<20000x64xf32, #tpu.memory_space<hbm>>) dst(%dma_wait3A_74 : memref<125x64xf32, #tpu.memory_space<vmem>>)
    %run_scoped3A_81 = arith.constant 1 : i32
    %run_scoped3A_82 = arith.constant 157 : i32
    "tpu.region"() ({
      %run_scoped3A_116 = tpu.sem_alloc : memref<!tpu.dma_semaphore, #tpu.memory_space<semaphore_mem>>
      %dma_start3A_117 = arith.constant 0 : i32
      %dma_start3A_118 = arith.constant 0 : i32
      %dma_start3A_119 = tpu.memref_slice %arg9[%run_scoped3A_81, %dma_start3A_117, %dma_start3A_118] : memref<4x125x64xf32, #tpu.memory_space<vmem>> -> memref<1x125x64xf32, #tpu.memory_space<vmem>>
      %dma_start3A_120 = tpu.memref_squeeze %dma_start3A_119 : memref<1x125x64xf32, #tpu.memory_space<vmem>> -> memref<125x64xf32, #tpu.memory_space<vmem>>
      %dma_start3A_121 = arith.constant 0 : i32
      %dma_start3A_122 = tpu.memref_slice %arg8[%run_scoped3A_82, %dma_start3A_121] : memref<160x125xi32, #tpu.memory_space<vmem>> -> memref<1x125xi32, #tpu.memory_space<vmem>>
      %dma_start3A_123 = tpu.memref_squeeze %dma_start3A_122 : memref<1x125xi32, #tpu.memory_space<vmem>> -> memref<125xi32, #tpu.memory_space<vmem>>
      %dma_start3A_124 = arith.constant 0 : i32
      %dma_start3A_125 = arith.constant 0 : i32
      %dma_start3A_126 = tpu.memref_slice %arg10[%dma_start3A_124, %dma_start3A_125] : memref<10240x64xf32, #tpu.memory_space<vmem_shared>> -> memref<10240x64xf32, #tpu.memory_space<vmem_shared>>
      tpu.enqueue_indirect_dma source(%dma_start3A_120 : memref<125x64xf32, #tpu.memory_space<vmem>>) target(%dma_start3A_126 : memref<10240x64xf32, #tpu.memory_space<vmem_shared>>) offsets(%dma_start3A_123 : memref<125xi32, #tpu.memory_space<vmem>>) semaphore(%run_scoped3A_116 : memref<!tpu.dma_semaphore, #tpu.memory_space<semaphore_mem>>) {add = true}
      %dma_wait3A_127 = arith.constant 0 : i32
      %dma_wait3A_128 = arith.constant 0 : i32
      %dma_wait3A_129 = tpu.memref_slice %arg9[%run_scoped3A_81, %dma_wait3A_127, %dma_wait3A_128] : memref<4x125x64xf32, #tpu.memory_space<vmem>> -> memref<1x125x64xf32, #tpu.memory_space<vmem>>
      %dma_wait3A_130 = tpu.memref_squeeze %dma_wait3A_129 : memref<1x125x64xf32, #tpu.memory_space<vmem>> -> memref<125x64xf32, #tpu.memory_space<vmem>>
      %dma_wait3A_131 = arith.constant 0 : i32
      %dma_wait3A_132 = tpu.memref_slice %arg8[%run_scoped3A_82, %dma_wait3A_131] : memref<160x125xi32, #tpu.memory_space<vmem>> -> memref<1x125xi32, #tpu.memory_space<vmem>>
      %dma_wait3A_133 = tpu.memref_squeeze %dma_wait3A_132 : memref<1x125xi32, #tpu.memory_space<vmem>> -> memref<125xi32, #tpu.memory_space<vmem>>
      %dma_wait3A_134 = arith.constant 0 : i32
      %dma_wait3A_135 = arith.constant 0 : i32
      %dma_wait3A_136 = tpu.memref_slice %arg10[%dma_wait3A_134, %dma_wait3A_135] : memref<10240x64xf32, #tpu.memory_space<vmem_shared>> -> memref<10240x64xf32, #tpu.memory_space<vmem_shared>>
      tpu.wait_indirect_dma semaphore(%run_scoped3A_116 : memref<!tpu.dma_semaphore, #tpu.memory_space<semaphore_mem>>) src(%dma_wait3A_130 : memref<125x64xf32, #tpu.memory_space<vmem>>) dst(%dma_wait3A_136 : memref<10240x64xf32, #tpu.memory_space<vmem_shared>>)
      tpu.yield
    }) : () -> ()
    %dma_wait3A_83 = arith.constant 158 : i32
    %dma_wait3A_84 = arith.constant 2 : i32
    %dma_wait3A_85 = arith.constant 0 : i32
    %dma_wait3A_86 = arith.constant 0 : i32
    %dma_wait3A_87 = tpu.memref_slice %arg9[%dma_wait3A_84, %dma_wait3A_85, %dma_wait3A_86] : memref<4x125x64xf32, #tpu.memory_space<vmem>> -> memref<1x125x64xf32, #tpu.memory_space<vmem>>
    %dma_wait3A_88 = tpu.memref_squeeze %dma_wait3A_87 : memref<1x125x64xf32, #tpu.memory_space<vmem>> -> memref<125x64xf32, #tpu.memory_space<vmem>>
    %dma_wait3A_89 = arith.constant 0 : i32
    %dma_wait3A_90 = tpu.memref_slice %arg7[%dma_wait3A_83, %dma_wait3A_89] : memref<160x125xi32, #tpu.memory_space<vmem>> -> memref<1x125xi32, #tpu.memory_space<vmem>>
    %dma_wait3A_91 = tpu.memref_squeeze %dma_wait3A_90 : memref<1x125xi32, #tpu.memory_space<vmem>> -> memref<125xi32, #tpu.memory_space<vmem>>
    %dma_wait3A_92 = arith.constant 0 : i32
    %dma_wait3A_93 = arith.constant 0 : i32
    %dma_wait3A_94 = tpu.memref_slice %arg2[%dma_wait3A_92, %dma_wait3A_93] : memref<20000x64xf32, #tpu.memory_space<hbm>> -> memref<20000x64xf32, #tpu.memory_space<hbm>>
    tpu.wait_indirect_dma semaphore(%arg13 : memref<!tpu.dma_semaphore, #tpu.memory_space<semaphore_mem>>) src(%dma_wait3A_94 : memref<20000x64xf32, #tpu.memory_space<hbm>>) dst(%dma_wait3A_88 : memref<125x64xf32, #tpu.memory_space<vmem>>)
    %run_scoped3A_95 = arith.constant 2 : i32
    %run_scoped3A_96 = arith.constant 158 : i32
    "tpu.region"() ({
      %run_scoped3A_116 = tpu.sem_alloc : memref<!tpu.dma_semaphore, #tpu.memory_space<semaphore_mem>>
      %dma_start3A_117 = arith.constant 0 : i32
      %dma_start3A_118 = arith.constant 0 : i32
      %dma_start3A_119 = tpu.memref_slice %arg9[%run_scoped3A_95, %dma_start3A_117, %dma_start3A_118] : memref<4x125x64xf32, #tpu.memory_space<vmem>> -> memref<1x125x64xf32, #tpu.memory_space<vmem>>
      %dma_start3A_120 = tpu.memref_squeeze %dma_start3A_119 : memref<1x125x64xf32, #tpu.memory_space<vmem>> -> memref<125x64xf32, #tpu.memory_space<vmem>>
      %dma_start3A_121 = arith.constant 0 : i32
      %dma_start3A_122 = tpu.memref_slice %arg8[%run_scoped3A_96, %dma_start3A_121] : memref<160x125xi32, #tpu.memory_space<vmem>> -> memref<1x125xi32, #tpu.memory_space<vmem>>
      %dma_start3A_123 = tpu.memref_squeeze %dma_start3A_122 : memref<1x125xi32, #tpu.memory_space<vmem>> -> memref<125xi32, #tpu.memory_space<vmem>>
      %dma_start3A_124 = arith.constant 0 : i32
      %dma_start3A_125 = arith.constant 0 : i32
      %dma_start3A_126 = tpu.memref_slice %arg10[%dma_start3A_124, %dma_start3A_125] : memref<10240x64xf32, #tpu.memory_space<vmem_shared>> -> memref<10240x64xf32, #tpu.memory_space<vmem_shared>>
      tpu.enqueue_indirect_dma source(%dma_start3A_120 : memref<125x64xf32, #tpu.memory_space<vmem>>) target(%dma_start3A_126 : memref<10240x64xf32, #tpu.memory_space<vmem_shared>>) offsets(%dma_start3A_123 : memref<125xi32, #tpu.memory_space<vmem>>) semaphore(%run_scoped3A_116 : memref<!tpu.dma_semaphore, #tpu.memory_space<semaphore_mem>>) {add = true}
      %dma_wait3A_127 = arith.constant 0 : i32
      %dma_wait3A_128 = arith.constant 0 : i32
      %dma_wait3A_129 = tpu.memref_slice %arg9[%run_scoped3A_95, %dma_wait3A_127, %dma_wait3A_128] : memref<4x125x64xf32, #tpu.memory_space<vmem>> -> memref<1x125x64xf32, #tpu.memory_space<vmem>>
      %dma_wait3A_130 = tpu.memref_squeeze %dma_wait3A_129 : memref<1x125x64xf32, #tpu.memory_space<vmem>> -> memref<125x64xf32, #tpu.memory_space<vmem>>
      %dma_wait3A_131 = arith.constant 0 : i32
      %dma_wait3A_132 = tpu.memref_slice %arg8[%run_scoped3A_96, %dma_wait3A_131] : memref<160x125xi32, #tpu.memory_space<vmem>> -> memref<1x125xi32, #tpu.memory_space<vmem>>
      %dma_wait3A_133 = tpu.memref_squeeze %dma_wait3A_132 : memref<1x125xi32, #tpu.memory_space<vmem>> -> memref<125xi32, #tpu.memory_space<vmem>>
      %dma_wait3A_134 = arith.constant 0 : i32
      %dma_wait3A_135 = arith.constant 0 : i32
      %dma_wait3A_136 = tpu.memref_slice %arg10[%dma_wait3A_134, %dma_wait3A_135] : memref<10240x64xf32, #tpu.memory_space<vmem_shared>> -> memref<10240x64xf32, #tpu.memory_space<vmem_shared>>
      tpu.wait_indirect_dma semaphore(%run_scoped3A_116 : memref<!tpu.dma_semaphore, #tpu.memory_space<semaphore_mem>>) src(%dma_wait3A_130 : memref<125x64xf32, #tpu.memory_space<vmem>>) dst(%dma_wait3A_136 : memref<10240x64xf32, #tpu.memory_space<vmem_shared>>)
      tpu.yield
    }) : () -> ()
    %dma_wait3A_97 = arith.constant 159 : i32
    %dma_wait3A_98 = arith.constant 3 : i32
    %dma_wait3A_99 = arith.constant 0 : i32
    %dma_wait3A_100 = arith.constant 0 : i32
    %dma_wait3A_101 = tpu.memref_slice %arg9[%dma_wait3A_98, %dma_wait3A_99, %dma_wait3A_100] : memref<4x125x64xf32, #tpu.memory_space<vmem>> -> memref<1x125x64xf32, #tpu.memory_space<vmem>>
    %dma_wait3A_102 = tpu.memref_squeeze %dma_wait3A_101 : memref<1x125x64xf32, #tpu.memory_space<vmem>> -> memref<125x64xf32, #tpu.memory_space<vmem>>
    %dma_wait3A_103 = arith.constant 0 : i32
    %dma_wait3A_104 = tpu.memref_slice %arg7[%dma_wait3A_97, %dma_wait3A_103] : memref<160x125xi32, #tpu.memory_space<vmem>> -> memref<1x125xi32, #tpu.memory_space<vmem>>
    %dma_wait3A_105 = tpu.memref_squeeze %dma_wait3A_104 : memref<1x125xi32, #tpu.memory_space<vmem>> -> memref<125xi32, #tpu.memory_space<vmem>>
    %dma_wait3A_106 = arith.constant 0 : i32
    %dma_wait3A_107 = arith.constant 0 : i32
    %dma_wait3A_108 = tpu.memref_slice %arg2[%dma_wait3A_106, %dma_wait3A_107] : memref<20000x64xf32, #tpu.memory_space<hbm>> -> memref<20000x64xf32, #tpu.memory_space<hbm>>
    tpu.wait_indirect_dma semaphore(%arg14 : memref<!tpu.dma_semaphore, #tpu.memory_space<semaphore_mem>>) src(%dma_wait3A_108 : memref<20000x64xf32, #tpu.memory_space<hbm>>) dst(%dma_wait3A_102 : memref<125x64xf32, #tpu.memory_space<vmem>>)
    %run_scoped3A_109 = arith.constant 3 : i32
    %run_scoped3A_110 = arith.constant 159 : i32
    "tpu.region"() ({
      %run_scoped3A_116 = tpu.sem_alloc : memref<!tpu.dma_semaphore, #tpu.memory_space<semaphore_mem>>
      %dma_start3A_117 = arith.constant 0 : i32
      %dma_start3A_118 = arith.constant 0 : i32
      %dma_start3A_119 = tpu.memref_slice %arg9[%run_scoped3A_109, %dma_start3A_117, %dma_start3A_118] : memref<4x125x64xf32, #tpu.memory_space<vmem>> -> memref<1x125x64xf32, #tpu.memory_space<vmem>>
      %dma_start3A_120 = tpu.memref_squeeze %dma_start3A_119 : memref<1x125x64xf32, #tpu.memory_space<vmem>> -> memref<125x64xf32, #tpu.memory_space<vmem>>
      %dma_start3A_121 = arith.constant 0 : i32
      %dma_start3A_122 = tpu.memref_slice %arg8[%run_scoped3A_110, %dma_start3A_121] : memref<160x125xi32, #tpu.memory_space<vmem>> -> memref<1x125xi32, #tpu.memory_space<vmem>>
      %dma_start3A_123 = tpu.memref_squeeze %dma_start3A_122 : memref<1x125xi32, #tpu.memory_space<vmem>> -> memref<125xi32, #tpu.memory_space<vmem>>
      %dma_start3A_124 = arith.constant 0 : i32
      %dma_start3A_125 = arith.constant 0 : i32
      %dma_start3A_126 = tpu.memref_slice %arg10[%dma_start3A_124, %dma_start3A_125] : memref<10240x64xf32, #tpu.memory_space<vmem_shared>> -> memref<10240x64xf32, #tpu.memory_space<vmem_shared>>
      tpu.enqueue_indirect_dma source(%dma_start3A_120 : memref<125x64xf32, #tpu.memory_space<vmem>>) target(%dma_start3A_126 : memref<10240x64xf32, #tpu.memory_space<vmem_shared>>) offsets(%dma_start3A_123 : memref<125xi32, #tpu.memory_space<vmem>>) semaphore(%run_scoped3A_116 : memref<!tpu.dma_semaphore, #tpu.memory_space<semaphore_mem>>) {add = true}
      %dma_wait3A_127 = arith.constant 0 : i32
      %dma_wait3A_128 = arith.constant 0 : i32
      %dma_wait3A_129 = tpu.memref_slice %arg9[%run_scoped3A_109, %dma_wait3A_127, %dma_wait3A_128] : memref<4x125x64xf32, #tpu.memory_space<vmem>> -> memref<1x125x64xf32, #tpu.memory_space<vmem>>
      %dma_wait3A_130 = tpu.memref_squeeze %dma_wait3A_129 : memref<1x125x64xf32, #tpu.memory_space<vmem>> -> memref<125x64xf32, #tpu.memory_space<vmem>>
      %dma_wait3A_131 = arith.constant 0 : i32
      %dma_wait3A_132 = tpu.memref_slice %arg8[%run_scoped3A_110, %dma_wait3A_131] : memref<160x125xi32, #tpu.memory_space<vmem>> -> memref<1x125xi32, #tpu.memory_space<vmem>>
      %dma_wait3A_133 = tpu.memref_squeeze %dma_wait3A_132 : memref<1x125xi32, #tpu.memory_space<vmem>> -> memref<125xi32, #tpu.memory_space<vmem>>
      %dma_wait3A_134 = arith.constant 0 : i32
      %dma_wait3A_135 = arith.constant 0 : i32
      %dma_wait3A_136 = tpu.memref_slice %arg10[%dma_wait3A_134, %dma_wait3A_135] : memref<10240x64xf32, #tpu.memory_space<vmem_shared>> -> memref<10240x64xf32, #tpu.memory_space<vmem_shared>>
      tpu.wait_indirect_dma semaphore(%run_scoped3A_116 : memref<!tpu.dma_semaphore, #tpu.memory_space<semaphore_mem>>) src(%dma_wait3A_130 : memref<125x64xf32, #tpu.memory_space<vmem>>) dst(%dma_wait3A_136 : memref<10240x64xf32, #tpu.memory_space<vmem_shared>>)
      tpu.yield
    }) : () -> ()
    %barrier3A_111 = arith.constant 0 : index
    tpu.barrier barrier_id(%barrier3A_111)
    %mul3A_112 = arith.constant 640 : i32
    %mul3A_113 = arith.muli %arg1, %mul3A_112 : i32
    %mul3A_114 = arith.constant 640 : i32
    %mul3A_115 = arith.muli %arg1, %mul3A_114 : i32
    "tpu.region"() ({
      %run_scoped3A_116 = tpu.sem_alloc : memref<!tpu.dma_semaphore, #tpu.memory_space<semaphore_mem>>
      %dma_start3A_117 = arith.constant 0 : i32
      %dma_start3A_118 = tpu.memref_slice %arg6[%arg0, %mul3A_115, %dma_start3A_117] : memref<2x10240x64xf32, #tpu.memory_space<hbm>> -> memref<1x640x64xf32, #tpu.memory_space<hbm>>
      %dma_start3A_119 = tpu.memref_squeeze %dma_start3A_118 : memref<1x640x64xf32, #tpu.memory_space<hbm>> -> memref<640x64xf32, #tpu.memory_space<hbm>>
      %dma_start3A_120 = arith.constant 0 : i32
      %dma_start3A_121 = tpu.memref_slice %arg10[%mul3A_113, %dma_start3A_120] : memref<10240x64xf32, #tpu.memory_space<vmem_shared>> -> memref<640x64xf32, #tpu.memory_space<vmem_shared>>
      tpu.enqueue_dma source(%dma_start3A_121 : memref<640x64xf32, #tpu.memory_space<vmem_shared>>) target(%dma_start3A_119 : memref<640x64xf32, #tpu.memory_space<hbm>>) target_semaphore(%run_scoped3A_116 : memref<!tpu.dma_semaphore, #tpu.memory_space<semaphore_mem>>)
      %dma_wait3A_122 = arith.constant 0 : i32
      %dma_wait3A_123 = tpu.memref_slice %arg6[%arg0, %mul3A_115, %dma_wait3A_122] : memref<2x10240x64xf32, #tpu.memory_space<hbm>> -> memref<1x640x64xf32, #tpu.memory_space<hbm>>
      %dma_wait3A_124 = tpu.memref_squeeze %dma_wait3A_123 : memref<1x640x64xf32, #tpu.memory_space<hbm>> -> memref<640x64xf32, #tpu.memory_space<hbm>>
      %dma_wait3A_125 = arith.constant 0 : i32
      %dma_wait3A_126 = tpu.memref_slice %arg10[%mul3A_113, %dma_wait3A_125] : memref<10240x64xf32, #tpu.memory_space<vmem_shared>> -> memref<640x64xf32, #tpu.memory_space<vmem_shared>>
      tpu.wait_dma2 semaphore(%run_scoped3A_116 : memref<!tpu.dma_semaphore, #tpu.memory_space<semaphore_mem>>) src(%dma_wait3A_126 : memref<640x64xf32, #tpu.memory_space<vmem_shared>>) dst(%dma_wait3A_124 : memref<640x64xf32, #tpu.memory_space<hbm>>)
      tpu.yield
    }) : () -> ()
    return
  }
}

module attributes {stable_mosaic.version = 14 : i64} {
  func.func @_prep_body(%arg0: i32, %arg1: memref<2x1000x16xf32, #tpu.memory_space<vmem>>, %arg2: memref<1000x128xf32, #tpu.memory_space<vmem>>, %arg3: memref<1000x1xf32, #tpu.memory_space<vmem>>, %arg4: memref<2x1000x64xf32, #tpu.memory_space<vmem>>) attributes {dimension_semantics = [#tpu.dimension_semantics<arbitrary>], iteration_bounds = array<i64: 10>, scalar_prefetch = 0 : i64, scratch_operands = 0 : i64, tpu.core_type = #tpu.core_type<tc>, window_params = [{transform_indices = @transform_0, window_bounds = array<i64: 2, 1000, 16>}, {transform_indices = @transform_1, window_bounds = array<i64: 1000, 128>}, {transform_indices = @transform_2, window_bounds = array<i64: 1000, 1>}, {transform_indices = @transform_3, window_bounds = array<i64: 2, 1000, 64>}]} {
    %get3A = arith.constant 0 : index
    %get3A_0 = arith.constant 0 : index
    %get3A_1 = arith.constant 0 : index
    %get3A_2 = vector.load %arg1[%get3A, %get3A_0, %get3A_1] : memref<2x1000x16xf32, #tpu.memory_space<vmem>>, vector<2x1000x16xf32>
    %slice3A = vector.extract_strided_slice %get3A_2 {offsets = [0, 0, 0], sizes = [1, 1000, 1], strides = [1, 1, 1]} : vector<2x1000x16xf32> to vector<1x1000x1xf32>
    %squeeze3A = vector.shape_cast %slice3A : vector<1x1000x1xf32> to vector<1000x1xf32>
    %slice3A_3 = vector.extract_strided_slice %get3A_2 {offsets = [1, 0, 0], sizes = [1, 1000, 1], strides = [1, 1, 1]} : vector<2x1000x16xf32> to vector<1x1000x1xf32>
    %squeeze3A_4 = vector.shape_cast %slice3A_3 : vector<1x1000x1xf32> to vector<1000x1xf32>
    %add3A = arith.addf %squeeze3A, %squeeze3A_4 : vector<1000x1xf32>
    %add3A_5 = arith.constant 1.000000e+00 : f32
    %add3A_6 = vector.broadcast %add3A_5 : f32 to vector<1000x1xf32>
    %add3A_7 = arith.addf %add3A, %add3A_6 : vector<1000x1xf32>
    %rsqrt3A = math.rsqrt %add3A_7 : vector<1000x1xf32>
    %swap3A = arith.constant 0 : index
    %swap3A_8 = arith.constant 0 : index
    %swap3A_9 = vector.load %arg3[%swap3A, %swap3A_8] : memref<1000x1xf32, #tpu.memory_space<vmem>>, vector<1000x1xf32>
    tpu.vector_store %arg3[%swap3A, %swap3A_8], %rsqrt3A {strides = array<i32>} : memref<1000x1xf32, #tpu.memory_space<vmem>>, vector<1000x1xf32>,
    %get3A_10 = arith.constant 0 : index
    %get3A_11 = arith.constant 0 : index
    %get3A_12 = vector.load %arg2[%get3A_10, %get3A_11] : memref<1000x128xf32, #tpu.memory_space<vmem>>, vector<1000x128xf32>
    %mul3A = vector.broadcast %rsqrt3A : vector<1000x1xf32> to vector<1000x128xf32>
    %mul3A_13 = arith.mulf %get3A_12, %mul3A : vector<1000x128xf32>
    %slice3A_14 = vector.extract_strided_slice %mul3A_13 {offsets = [0, 0], sizes = [1000, 64], strides = [1, 1]} : vector<1000x128xf32> to vector<1000x64xf32>
    %swap3A_15 = arith.constant 0 : index
    %swap3A_16 = arith.constant 0 : index
    %swap3A_17 = arith.constant 0 : index
    %swap3A_18 = vector.load %arg4[%swap3A_15, %swap3A_16, %swap3A_17] : memref<2x1000x64xf32, #tpu.memory_space<vmem>>, vector<1x1000x64xf32>
    %swap3A_19 = vector.shape_cast %swap3A_18 : vector<1x1000x64xf32> to vector<1000x64xf32>
    %swap3A_20 = vector.shape_cast %slice3A_14 : vector<1000x64xf32> to vector<1x1000x64xf32>
    tpu.vector_store %arg4[%swap3A_15, %swap3A_16, %swap3A_17], %swap3A_20 {strides = array<i32>} : memref<2x1000x64xf32, #tpu.memory_space<vmem>>, vector<1x1000x64xf32>,
    %slice3A_21 = vector.extract_strided_slice %mul3A_13 {offsets = [0, 64], sizes = [1000, 64], strides = [1, 1]} : vector<1000x128xf32> to vector<1000x64xf32>
    %swap3A_22 = arith.constant 1 : index
    %swap3A_23 = arith.constant 0 : index
    %swap3A_24 = arith.constant 0 : index
    %swap3A_25 = vector.load %arg4[%swap3A_22, %swap3A_23, %swap3A_24] : memref<2x1000x64xf32, #tpu.memory_space<vmem>>, vector<1x1000x64xf32>
    %swap3A_26 = vector.shape_cast %swap3A_25 : vector<1x1000x64xf32> to vector<1000x64xf32>
    %swap3A_27 = vector.shape_cast %slice3A_21 : vector<1000x64xf32> to vector<1x1000x64xf32>
    tpu.vector_store %arg4[%swap3A_22, %swap3A_23, %swap3A_24], %swap3A_27 {strides = array<i32>} : memref<2x1000x64xf32, #tpu.memory_space<vmem>>, vector<1x1000x64xf32>,
    return
  }
  func.func @transform_0(%arg0: i32) -> (i32, i32, i32) {
    %c0_i32 = arith.constant 0 : i32
    %c0_i32_0 = arith.constant 0 : i32
    %c0_i32_1 = arith.constant 0 : i32
    return %c0_i32, %arg0, %c0_i32_0 : i32, i32, i32
  }
  func.func @transform_1(%arg0: i32) -> (i32, i32) {
    %c0_i32 = arith.constant 0 : i32
    %c0_i32_0 = arith.constant 0 : i32
    return %arg0, %c0_i32 : i32, i32
  }
  func.func @transform_2(%arg0: i32) -> (i32, i32) {
    %c0_i32 = arith.constant 0 : i32
    %c0_i32_0 = arith.constant 0 : i32
    return %arg0, %c0_i32 : i32, i32
  }
  func.func @transform_3(%arg0: i32) -> (i32, i32, i32) {
    %c0_i32 = arith.constant 0 : i32
    %c0_i32_0 = arith.constant 0 : i32
    %c0_i32_1 = arith.constant 0 : i32
    return %c0_i32, %arg0, %c0_i32_0 : i32, i32, i32
  }
}

module attributes {stable_mosaic.version = 14 : i64} {
  func.func @body(%arg0: i32, %arg1: memref<2x1000x64xf32, #tpu.memory_space<vmem>>, %arg2: memref<2x1000x64xf32, #tpu.memory_space<vmem>>, %arg3: memref<1000x1xf32, #tpu.memory_space<vmem>>, %arg4: memref<128x256xf32, #tpu.memory_space<vmem>>, %arg5: memref<1x256xf32, #tpu.memory_space<vmem>>, %arg6: memref<4x1000x64xf32, #tpu.memory_space<vmem>>) attributes {dimension_semantics = [#tpu.dimension_semantics<arbitrary>], iteration_bounds = array<i64: 10>, scalar_prefetch = 0 : i64, scratch_operands = 0 : i64, tpu.core_type = #tpu.core_type<tc>, window_params = [{transform_indices = @transform_0, window_bounds = array<i64: 2, 1000, 64>}, {transform_indices = @transform_1, window_bounds = array<i64: 2, 1000, 64>}, {transform_indices = @transform_2, window_bounds = array<i64: 1000, 1>}, {pipeline_mode = #tpu.pipeline_mode<synchronous>, transform_indices = @transform_3, window_bounds = array<i64: 128, 256>}, {pipeline_mode = #tpu.pipeline_mode<synchronous>, transform_indices = @transform_4, window_bounds = array<i64: 1, 256>}, {transform_indices = @transform_5, window_bounds = array<i64: 4, 1000, 64>}]} {
    %get3A = arith.constant 0 : index
    %get3A_0 = arith.constant 0 : index
    %get3A_1 = arith.constant 0 : index
    %get3A_2 = vector.load %arg1[%get3A, %get3A_0, %get3A_1] : memref<2x1000x64xf32, #tpu.memory_space<vmem>>, vector<1x1000x64xf32>
    %get3A_3 = vector.shape_cast %get3A_2 : vector<1x1000x64xf32> to vector<1000x64xf32>
    %get3A_4 = arith.constant 0 : index
    %get3A_5 = arith.constant 0 : index
    %get3A_6 = arith.constant 0 : index
    %get3A_7 = vector.load %arg2[%get3A_4, %get3A_5, %get3A_6] : memref<2x1000x64xf32, #tpu.memory_space<vmem>>, vector<1x1000x64xf32>
    %get3A_8 = vector.shape_cast %get3A_7 : vector<1x1000x64xf32> to vector<1000x64xf32>
    %add3A = arith.addf %get3A_3, %get3A_8 : vector<1000x64xf32>
    %get3A_9 = arith.constant 1 : index
    %get3A_10 = arith.constant 0 : index
    %get3A_11 = arith.constant 0 : index
    %get3A_12 = vector.load %arg1[%get3A_9, %get3A_10, %get3A_11] : memref<2x1000x64xf32, #tpu.memory_space<vmem>>, vector<1x1000x64xf32>
    %get3A_13 = vector.shape_cast %get3A_12 : vector<1x1000x64xf32> to vector<1000x64xf32>
    %get3A_14 = arith.constant 1 : index
    %get3A_15 = arith.constant 0 : index
    %get3A_16 = arith.constant 0 : index
    %get3A_17 = vector.load %arg2[%get3A_14, %get3A_15, %get3A_16] : memref<2x1000x64xf32, #tpu.memory_space<vmem>>, vector<1x1000x64xf32>
    %get3A_18 = vector.shape_cast %get3A_17 : vector<1x1000x64xf32> to vector<1000x64xf32>
    %add3A_19 = arith.addf %get3A_13, %get3A_18 : vector<1000x64xf32>
    %concatenate3A = tpu.concatenate %add3A, %add3A_19 in 1 : vector<1000x64xf32>, vector<1000x64xf32> -> vector<1000x128xf32>
    %get3A_20 = arith.constant 0 : index
    %get3A_21 = arith.constant 0 : index
    %get3A_22 = vector.load %arg3[%get3A_20, %get3A_21] : memref<1000x1xf32, #tpu.memory_space<vmem>>, vector<1000x1xf32>
    %mul3A = vector.broadcast %get3A_22 : vector<1000x1xf32> to vector<1000x128xf32>
    %mul3A_23 = arith.mulf %concatenate3A, %mul3A : vector<1000x128xf32>
    %get3A_24 = arith.constant 0 : index
    %get3A_25 = arith.constant 0 : index
    %get3A_26 = vector.load %arg4[%get3A_24, %get3A_25] : memref<128x256xf32, #tpu.memory_space<vmem>>, vector<128x256xf32>
    %dot_general3A = arith.constant dense<0.000000e+00> : vector<1000x256xf32>
    %dot_general3A_27 = tpu.matmul %mul3A_23, %get3A_26, %dot_general3A {dimension_numbers = #tpu.dot_dimension_numbers<[1], [0], [0], [1], [0, 0, 1, 1], [], []>, transpose_lhs_hint = false} : vector<1000x128xf32>, vector<128x256xf32>, vector<1000x256xf32> -> vector<1000x256xf32>
    %get3A_28 = arith.constant 0 : index
    %get3A_29 = arith.constant 0 : index
    %get3A_30 = vector.load %arg5[%get3A_28, %get3A_29] : memref<1x256xf32, #tpu.memory_space<vmem>>, vector<1x256xf32>
    %add3A_31 = vector.broadcast %get3A_30 : vector<1x256xf32> to vector<1000x256xf32>
    %add3A_32 = arith.addf %dot_general3A_27, %add3A_31 : vector<1000x256xf32>
    %max3A = arith.constant 0.000000e+00 : f32
    %max3A_33 = vector.broadcast %max3A : f32 to vector<1000x256xf32>
    %max3A_34 = arith.maximumf %add3A_32, %max3A_33 : vector<1000x256xf32>
    %mul3A_35 = vector.broadcast %get3A_22 : vector<1000x1xf32> to vector<1000x256xf32>
    %mul3A_36 = arith.mulf %max3A_34, %mul3A_35 : vector<1000x256xf32>
    %slice3A = vector.extract_strided_slice %mul3A_36 {offsets = [0, 0], sizes = [1000, 64], strides = [1, 1]} : vector<1000x256xf32> to vector<1000x64xf32>
    %swap3A = arith.constant 0 : index
    %swap3A_37 = arith.constant 0 : index
    %swap3A_38 = arith.constant 0 : index
    %swap3A_39 = vector.load %arg6[%swap3A, %swap3A_37, %swap3A_38] : memref<4x1000x64xf32, #tpu.memory_space<vmem>>, vector<1x1000x64xf32>
    %swap3A_40 = vector.shape_cast %swap3A_39 : vector<1x1000x64xf32> to vector<1000x64xf32>
    %swap3A_41 = vector.shape_cast %slice3A : vector<1000x64xf32> to vector<1x1000x64xf32>
    tpu.vector_store %arg6[%swap3A, %swap3A_37, %swap3A_38], %swap3A_41 {strides = array<i32>} : memref<4x1000x64xf32, #tpu.memory_space<vmem>>, vector<1x1000x64xf32>,
    %slice3A_42 = vector.extract_strided_slice %mul3A_36 {offsets = [0, 64], sizes = [1000, 64], strides = [1, 1]} : vector<1000x256xf32> to vector<1000x64xf32>
    %swap3A_43 = arith.constant 1 : index
    %swap3A_44 = arith.constant 0 : index
    %swap3A_45 = arith.constant 0 : index
    %swap3A_46 = vector.load %arg6[%swap3A_43, %swap3A_44, %swap3A_45] : memref<4x1000x64xf32, #tpu.memory_space<vmem>>, vector<1x1000x64xf32>
    %swap3A_47 = vector.shape_cast %swap3A_46 : vector<1x1000x64xf32> to vector<1000x64xf32>
    %swap3A_48 = vector.shape_cast %slice3A_42 : vector<1000x64xf32> to vector<1x1000x64xf32>
    tpu.vector_store %arg6[%swap3A_43, %swap3A_44, %swap3A_45], %swap3A_48 {strides = array<i32>} : memref<4x1000x64xf32, #tpu.memory_space<vmem>>, vector<1x1000x64xf32>,
    %slice3A_49 = vector.extract_strided_slice %mul3A_36 {offsets = [0, 128], sizes = [1000, 64], strides = [1, 1]} : vector<1000x256xf32> to vector<1000x64xf32>
    %swap3A_50 = arith.constant 2 : index
    %swap3A_51 = arith.constant 0 : index
    %swap3A_52 = arith.constant 0 : index
    %swap3A_53 = vector.load %arg6[%swap3A_50, %swap3A_51, %swap3A_52] : memref<4x1000x64xf32, #tpu.memory_space<vmem>>, vector<1x1000x64xf32>
    %swap3A_54 = vector.shape_cast %swap3A_53 : vector<1x1000x64xf32> to vector<1000x64xf32>
    %swap3A_55 = vector.shape_cast %slice3A_49 : vector<1000x64xf32> to vector<1x1000x64xf32>
    tpu.vector_store %arg6[%swap3A_50, %swap3A_51, %swap3A_52], %swap3A_55 {strides = array<i32>} : memref<4x1000x64xf32, #tpu.memory_space<vmem>>, vector<1x1000x64xf32>,
    %slice3A_56 = vector.extract_strided_slice %mul3A_36 {offsets = [0, 192], sizes = [1000, 64], strides = [1, 1]} : vector<1000x256xf32> to vector<1000x64xf32>
    %swap3A_57 = arith.constant 3 : index
    %swap3A_58 = arith.constant 0 : index
    %swap3A_59 = arith.constant 0 : index
    %swap3A_60 = vector.load %arg6[%swap3A_57, %swap3A_58, %swap3A_59] : memref<4x1000x64xf32, #tpu.memory_space<vmem>>, vector<1x1000x64xf32>
    %swap3A_61 = vector.shape_cast %swap3A_60 : vector<1x1000x64xf32> to vector<1000x64xf32>
    %swap3A_62 = vector.shape_cast %slice3A_56 : vector<1000x64xf32> to vector<1x1000x64xf32>
    tpu.vector_store %arg6[%swap3A_57, %swap3A_58, %swap3A_59], %swap3A_62 {strides = array<i32>} : memref<4x1000x64xf32, #tpu.memory_space<vmem>>, vector<1x1000x64xf32>,
    return
  }
  func.func @transform_0(%arg0: i32) -> (i32, i32, i32) {
    %c0_i32 = arith.constant 0 : i32
    %c0_i32_0 = arith.constant 0 : i32
    %c0_i32_1 = arith.constant 0 : i32
    return %c0_i32, %arg0, %c0_i32_0 : i32, i32, i32
  }
  func.func @transform_1(%arg0: i32) -> (i32, i32, i32) {
    %c0_i32 = arith.constant 0 : i32
    %c0_i32_0 = arith.constant 0 : i32
    %c0_i32_1 = arith.constant 0 : i32
    return %c0_i32, %arg0, %c0_i32_0 : i32, i32, i32
  }
  func.func @transform_2(%arg0: i32) -> (i32, i32) {
    %c0_i32 = arith.constant 0 : i32
    %c0_i32_0 = arith.constant 0 : i32
    return %arg0, %c0_i32 : i32, i32
  }
  func.func @transform_3(%arg0: i32) -> (i32, i32) {
    %c0_i32 = arith.constant 0 : i32
    %c0_i32_0 = arith.constant 0 : i32
    %c0_i32_1 = arith.constant 0 : i32
    return %c0_i32, %c0_i32_0 : i32, i32
  }
  func.func @transform_4(%arg0: i32) -> (i32, i32) {
    %c0_i32 = arith.constant 0 : i32
    %c0_i32_0 = arith.constant 0 : i32
    %c0_i32_1 = arith.constant 0 : i32
    return %c0_i32, %c0_i32_0 : i32, i32
  }
  func.func @transform_5(%arg0: i32) -> (i32, i32, i32) {
    %c0_i32 = arith.constant 0 : i32
    %c0_i32_0 = arith.constant 0 : i32
    %c0_i32_1 = arith.constant 0 : i32
    return %c0_i32, %arg0, %c0_i32_0 : i32, i32, i32
  }
}

module attributes {stable_mosaic.version = 14 : i64} {
  func.func @body(%arg0: i32, %arg1: memref<2x1000x64xf32, #tpu.memory_space<vmem>>, %arg2: memref<2x1000x64xf32, #tpu.memory_space<vmem>>, %arg3: memref<4x1000x64xf32, #tpu.memory_space<vmem>>, %arg4: memref<1000x1xf32, #tpu.memory_space<vmem>>, %arg5: memref<256x256xf32, #tpu.memory_space<vmem>>, %arg6: memref<1x256xf32, #tpu.memory_space<vmem>>, %arg7: memref<4x1000x64xf32, #tpu.memory_space<vmem>>) attributes {dimension_semantics = [#tpu.dimension_semantics<arbitrary>], iteration_bounds = array<i64: 10>, scalar_prefetch = 0 : i64, scratch_operands = 0 : i64, tpu.core_type = #tpu.core_type<tc>, window_params = [{transform_indices = @transform_0, window_bounds = array<i64: 2, 1000, 64>}, {transform_indices = @transform_1, window_bounds = array<i64: 2, 1000, 64>}, {transform_indices = @transform_2, window_bounds = array<i64: 4, 1000, 64>}, {transform_indices = @transform_3, window_bounds = array<i64: 1000, 1>}, {pipeline_mode = #tpu.pipeline_mode<synchronous>, transform_indices = @transform_4, window_bounds = array<i64: 256, 256>}, {pipeline_mode = #tpu.pipeline_mode<synchronous>, transform_indices = @transform_5, window_bounds = array<i64: 1, 256>}, {transform_indices = @transform_6, window_bounds = array<i64: 4, 1000, 64>}]} {
    %get3A = arith.constant 0 : index
    %get3A_0 = arith.constant 0 : index
    %get3A_1 = arith.constant 0 : index
    %get3A_2 = vector.load %arg1[%get3A, %get3A_0, %get3A_1] : memref<2x1000x64xf32, #tpu.memory_space<vmem>>, vector<1x1000x64xf32>
    %get3A_3 = vector.shape_cast %get3A_2 : vector<1x1000x64xf32> to vector<1000x64xf32>
    %get3A_4 = arith.constant 0 : index
    %get3A_5 = arith.constant 0 : index
    %get3A_6 = arith.constant 0 : index
    %get3A_7 = vector.load %arg3[%get3A_4, %get3A_5, %get3A_6] : memref<4x1000x64xf32, #tpu.memory_space<vmem>>, vector<1x1000x64xf32>
    %get3A_8 = vector.shape_cast %get3A_7 : vector<1x1000x64xf32> to vector<1000x64xf32>
    %add3A = arith.addf %get3A_3, %get3A_8 : vector<1000x64xf32>
    %get3A_9 = arith.constant 1 : index
    %get3A_10 = arith.constant 0 : index
    %get3A_11 = arith.constant 0 : index
    %get3A_12 = vector.load %arg1[%get3A_9, %get3A_10, %get3A_11] : memref<2x1000x64xf32, #tpu.memory_space<vmem>>, vector<1x1000x64xf32>
    %get3A_13 = vector.shape_cast %get3A_12 : vector<1x1000x64xf32> to vector<1000x64xf32>
    %get3A_14 = arith.constant 1 : index
    %get3A_15 = arith.constant 0 : index
    %get3A_16 = arith.constant 0 : index
    %get3A_17 = vector.load %arg3[%get3A_14, %get3A_15, %get3A_16] : memref<4x1000x64xf32, #tpu.memory_space<vmem>>, vector<1x1000x64xf32>
    %get3A_18 = vector.shape_cast %get3A_17 : vector<1x1000x64xf32> to vector<1000x64xf32>
    %add3A_19 = arith.addf %get3A_13, %get3A_18 : vector<1000x64xf32>
    %get3A_20 = arith.constant 0 : index
    %get3A_21 = arith.constant 0 : index
    %get3A_22 = arith.constant 0 : index
    %get3A_23 = vector.load %arg2[%get3A_20, %get3A_21, %get3A_22] : memref<2x1000x64xf32, #tpu.memory_space<vmem>>, vector<1x1000x64xf32>
    %get3A_24 = vector.shape_cast %get3A_23 : vector<1x1000x64xf32> to vector<1000x64xf32>
    %get3A_25 = arith.constant 2 : index
    %get3A_26 = arith.constant 0 : index
    %get3A_27 = arith.constant 0 : index
    %get3A_28 = vector.load %arg3[%get3A_25, %get3A_26, %get3A_27] : memref<4x1000x64xf32, #tpu.memory_space<vmem>>, vector<1x1000x64xf32>
    %get3A_29 = vector.shape_cast %get3A_28 : vector<1x1000x64xf32> to vector<1000x64xf32>
    %add3A_30 = arith.addf %get3A_24, %get3A_29 : vector<1000x64xf32>
    %get3A_31 = arith.constant 1 : index
    %get3A_32 = arith.constant 0 : index
    %get3A_33 = arith.constant 0 : index
    %get3A_34 = vector.load %arg2[%get3A_31, %get3A_32, %get3A_33] : memref<2x1000x64xf32, #tpu.memory_space<vmem>>, vector<1x1000x64xf32>
    %get3A_35 = vector.shape_cast %get3A_34 : vector<1x1000x64xf32> to vector<1000x64xf32>
    %get3A_36 = arith.constant 3 : index
    %get3A_37 = arith.constant 0 : index
    %get3A_38 = arith.constant 0 : index
    %get3A_39 = vector.load %arg3[%get3A_36, %get3A_37, %get3A_38] : memref<4x1000x64xf32, #tpu.memory_space<vmem>>, vector<1x1000x64xf32>
    %get3A_40 = vector.shape_cast %get3A_39 : vector<1x1000x64xf32> to vector<1000x64xf32>
    %add3A_41 = arith.addf %get3A_35, %get3A_40 : vector<1000x64xf32>
    %concatenate3A = tpu.concatenate %add3A, %add3A_19, %add3A_30, %add3A_41 in 1 : vector<1000x64xf32>, vector<1000x64xf32>, vector<1000x64xf32>, vector<1000x64xf32> -> vector<1000x256xf32>
    %get3A_42 = arith.constant 0 : index
    %get3A_43 = arith.constant 0 : index
    %get3A_44 = vector.load %arg4[%get3A_42, %get3A_43] : memref<1000x1xf32, #tpu.memory_space<vmem>>, vector<1000x1xf32>
    %mul3A = vector.broadcast %get3A_44 : vector<1000x1xf32> to vector<1000x256xf32>
    %mul3A_45 = arith.mulf %concatenate3A, %mul3A : vector<1000x256xf32>
    %get3A_46 = arith.constant 0 : index
    %get3A_47 = arith.constant 0 : index
    %get3A_48 = vector.load %arg5[%get3A_46, %get3A_47] : memref<256x256xf32, #tpu.memory_space<vmem>>, vector<256x256xf32>
    %dot_general3A = arith.constant dense<0.000000e+00> : vector<1000x256xf32>
    %dot_general3A_49 = tpu.matmul %mul3A_45, %get3A_48, %dot_general3A {dimension_numbers = #tpu.dot_dimension_numbers<[1], [0], [0], [1], [0, 0, 1, 1], [], []>, transpose_lhs_hint = false} : vector<1000x256xf32>, vector<256x256xf32>, vector<1000x256xf32> -> vector<1000x256xf32>
    %get3A_50 = arith.constant 0 : index
    %get3A_51 = arith.constant 0 : index
    %get3A_52 = vector.load %arg6[%get3A_50, %get3A_51] : memref<1x256xf32, #tpu.memory_space<vmem>>, vector<1x256xf32>
    %add3A_53 = vector.broadcast %get3A_52 : vector<1x256xf32> to vector<1000x256xf32>
    %add3A_54 = arith.addf %dot_general3A_49, %add3A_53 : vector<1000x256xf32>
    %max3A = arith.constant 0.000000e+00 : f32
    %max3A_55 = vector.broadcast %max3A : f32 to vector<1000x256xf32>
    %max3A_56 = arith.maximumf %add3A_54, %max3A_55 : vector<1000x256xf32>
    %mul3A_57 = vector.broadcast %get3A_44 : vector<1000x1xf32> to vector<1000x256xf32>
    %mul3A_58 = arith.mulf %max3A_56, %mul3A_57 : vector<1000x256xf32>
    %slice3A = vector.extract_strided_slice %mul3A_58 {offsets = [0, 0], sizes = [1000, 64], strides = [1, 1]} : vector<1000x256xf32> to vector<1000x64xf32>
    %swap3A = arith.constant 0 : index
    %swap3A_59 = arith.constant 0 : index
    %swap3A_60 = arith.constant 0 : index
    %swap3A_61 = vector.load %arg7[%swap3A, %swap3A_59, %swap3A_60] : memref<4x1000x64xf32, #tpu.memory_space<vmem>>, vector<1x1000x64xf32>
    %swap3A_62 = vector.shape_cast %swap3A_61 : vector<1x1000x64xf32> to vector<1000x64xf32>
    %swap3A_63 = vector.shape_cast %slice3A : vector<1000x64xf32> to vector<1x1000x64xf32>
    tpu.vector_store %arg7[%swap3A, %swap3A_59, %swap3A_60], %swap3A_63 {strides = array<i32>} : memref<4x1000x64xf32, #tpu.memory_space<vmem>>, vector<1x1000x64xf32>,
    %slice3A_64 = vector.extract_strided_slice %mul3A_58 {offsets = [0, 64], sizes = [1000, 64], strides = [1, 1]} : vector<1000x256xf32> to vector<1000x64xf32>
    %swap3A_65 = arith.constant 1 : index
    %swap3A_66 = arith.constant 0 : index
    %swap3A_67 = arith.constant 0 : index
    %swap3A_68 = vector.load %arg7[%swap3A_65, %swap3A_66, %swap3A_67] : memref<4x1000x64xf32, #tpu.memory_space<vmem>>, vector<1x1000x64xf32>
    %swap3A_69 = vector.shape_cast %swap3A_68 : vector<1x1000x64xf32> to vector<1000x64xf32>
    %swap3A_70 = vector.shape_cast %slice3A_64 : vector<1000x64xf32> to vector<1x1000x64xf32>
    tpu.vector_store %arg7[%swap3A_65, %swap3A_66, %swap3A_67], %swap3A_70 {strides = array<i32>} : memref<4x1000x64xf32, #tpu.memory_space<vmem>>, vector<1x1000x64xf32>,
    %slice3A_71 = vector.extract_strided_slice %mul3A_58 {offsets = [0, 128], sizes = [1000, 64], strides = [1, 1]} : vector<1000x256xf32> to vector<1000x64xf32>
    %swap3A_72 = arith.constant 2 : index
    %swap3A_73 = arith.constant 0 : index
    %swap3A_74 = arith.constant 0 : index
    %swap3A_75 = vector.load %arg7[%swap3A_72, %swap3A_73, %swap3A_74] : memref<4x1000x64xf32, #tpu.memory_space<vmem>>, vector<1x1000x64xf32>
    %swap3A_76 = vector.shape_cast %swap3A_75 : vector<1x1000x64xf32> to vector<1000x64xf32>
    %swap3A_77 = vector.shape_cast %slice3A_71 : vector<1000x64xf32> to vector<1x1000x64xf32>
    tpu.vector_store %arg7[%swap3A_72, %swap3A_73, %swap3A_74], %swap3A_77 {strides = array<i32>} : memref<4x1000x64xf32, #tpu.memory_space<vmem>>, vector<1x1000x64xf32>,
    %slice3A_78 = vector.extract_strided_slice %mul3A_58 {offsets = [0, 192], sizes = [1000, 64], strides = [1, 1]} : vector<1000x256xf32> to vector<1000x64xf32>
    %swap3A_79 = arith.constant 3 : index
    %swap3A_80 = arith.constant 0 : index
    %swap3A_81 = arith.constant 0 : index
    %swap3A_82 = vector.load %arg7[%swap3A_79, %swap3A_80, %swap3A_81] : memref<4x1000x64xf32, #tpu.memory_space<vmem>>, vector<1x1000x64xf32>
    %swap3A_83 = vector.shape_cast %swap3A_82 : vector<1x1000x64xf32> to vector<1000x64xf32>
    %swap3A_84 = vector.shape_cast %slice3A_78 : vector<1000x64xf32> to vector<1x1000x64xf32>
    tpu.vector_store %arg7[%swap3A_79, %swap3A_80, %swap3A_81], %swap3A_84 {strides = array<i32>} : memref<4x1000x64xf32, #tpu.memory_space<vmem>>, vector<1x1000x64xf32>,
    return
  }
  func.func @transform_0(%arg0: i32) -> (i32, i32, i32) {
    %c0_i32 = arith.constant 0 : i32
    %c0_i32_0 = arith.constant 0 : i32
    %c0_i32_1 = arith.constant 0 : i32
    return %c0_i32, %arg0, %c0_i32_0 : i32, i32, i32
  }
  func.func @transform_1(%arg0: i32) -> (i32, i32, i32) {
    %c0_i32 = arith.constant 0 : i32
    %c0_i32_0 = arith.constant 0 : i32
    %c0_i32_1 = arith.constant 0 : i32
    return %c0_i32, %arg0, %c0_i32_0 : i32, i32, i32
  }
  func.func @transform_2(%arg0: i32) -> (i32, i32, i32) {
    %c0_i32 = arith.constant 0 : i32
    %c0_i32_0 = arith.constant 0 : i32
    %c0_i32_1 = arith.constant 0 : i32
    return %c0_i32, %arg0, %c0_i32_0 : i32, i32, i32
  }
  func.func @transform_3(%arg0: i32) -> (i32, i32) {
    %c0_i32 = arith.constant 0 : i32
    %c0_i32_0 = arith.constant 0 : i32
    return %arg0, %c0_i32 : i32, i32
  }
  func.func @transform_4(%arg0: i32) -> (i32, i32) {
    %c0_i32 = arith.constant 0 : i32
    %c0_i32_0 = arith.constant 0 : i32
    %c0_i32_1 = arith.constant 0 : i32
    return %c0_i32, %c0_i32_0 : i32, i32
  }
  func.func @transform_5(%arg0: i32) -> (i32, i32) {
    %c0_i32 = arith.constant 0 : i32
    %c0_i32_0 = arith.constant 0 : i32
    %c0_i32_1 = arith.constant 0 : i32
    return %c0_i32, %c0_i32_0 : i32, i32
  }
  func.func @transform_6(%arg0: i32) -> (i32, i32, i32) {
    %c0_i32 = arith.constant 0 : i32
    %c0_i32_0 = arith.constant 0 : i32
    %c0_i32_1 = arith.constant 0 : i32
    return %c0_i32, %arg0, %c0_i32_0 : i32, i32, i32
  }
}

module attributes {stable_mosaic.version = 14 : i64} {
  func.func @_final_body(%arg0: i32, %arg1: memref<2x1000x64xf32, #tpu.memory_space<vmem>>, %arg2: memref<2x1000x64xf32, #tpu.memory_space<vmem>>, %arg3: memref<4x1000x64xf32, #tpu.memory_space<vmem>>, %arg4: memref<1000x1xf32, #tpu.memory_space<vmem>>, %arg5: memref<256x256xf32, #tpu.memory_space<vmem>>, %arg6: memref<1x256xf32, #tpu.memory_space<vmem>>, %arg7: memref<1x1x1000xi32, #tpu.memory_space<vmem>>, %arg8: memref<256x64xf32, #tpu.memory_space<vmem>>, %arg9: memref<1x64xf32, #tpu.memory_space<vmem>>, %arg10: memref<64x1xf32, #tpu.memory_space<vmem>>, %arg11: memref<1x1xf32, #tpu.memory_space<vmem>>, %arg12: memref<64x1xf32, #tpu.memory_space<vmem>>, %arg13: memref<64x256xf32, #tpu.memory_space<vmem>>) attributes {dimension_semantics = [#tpu.dimension_semantics<arbitrary>], iteration_bounds = array<i64: 10>, scalar_prefetch = 0 : i64, scratch_operands = 1 : i64, tpu.core_type = #tpu.core_type<tc>, window_params = [{transform_indices = @transform_0, window_bounds = array<i64: 2, 1000, 64>}, {transform_indices = @transform_1, window_bounds = array<i64: 2, 1000, 64>}, {transform_indices = @transform_2, window_bounds = array<i64: 4, 1000, 64>}, {transform_indices = @transform_3, window_bounds = array<i64: 1000, 1>}, {pipeline_mode = #tpu.pipeline_mode<synchronous>, transform_indices = @transform_4, window_bounds = array<i64: 256, 256>}, {pipeline_mode = #tpu.pipeline_mode<synchronous>, transform_indices = @transform_5, window_bounds = array<i64: 1, 256>}, {transform_indices = @transform_6, window_bounds = array<i64: 1, 1, 1000>}, {pipeline_mode = #tpu.pipeline_mode<synchronous>, transform_indices = @transform_7, window_bounds = array<i64: 256, 64>}, {pipeline_mode = #tpu.pipeline_mode<synchronous>, transform_indices = @transform_8, window_bounds = array<i64: 1, 64>}, {pipeline_mode = #tpu.pipeline_mode<synchronous>, transform_indices = @transform_9, window_bounds = array<i64: 64, 1>}, {pipeline_mode = #tpu.pipeline_mode<synchronous>, transform_indices = @transform_10, window_bounds = array<i64: 1, 1>}, {pipeline_mode = #tpu.pipeline_mode<synchronous>, transform_indices = @transform_11, window_bounds = array<i64: 64, 1>}]} {
    %eq3A = arith.constant 0 : i32
    %eq3A_0 = arith.cmpi eq, %arg0, %eq3A : i32
    %convert_element_type3A = arith.extui %eq3A_0 : i1 to i32
    %cond3A = arith.constant 0 : i32
    %cond3A_1 = arith.cmpi ne, %convert_element_type3A, %cond3A : i32
    scf.if %cond3A_1 {
      %broadcast_in_dim3A = arith.constant 0.000000e+00 : f32
      %broadcast_in_dim3A_79 = vector.broadcast %broadcast_in_dim3A : f32 to vector<64x256xf32>
      %swap3A_80 = arith.constant 0 : index
      %swap3A_81 = arith.constant 0 : index
      %swap3A_82 = vector.load %arg13[%swap3A_80, %swap3A_81] : memref<64x256xf32, #tpu.memory_space<vmem>>, vector<64x256xf32>
      tpu.vector_store %arg13[%swap3A_80, %swap3A_81], %broadcast_in_dim3A_79 {strides = array<i32>} : memref<64x256xf32, #tpu.memory_space<vmem>>, vector<64x256xf32>,
    } else {
    }
    %get3A = arith.constant 0 : index
    %get3A_2 = arith.constant 0 : index
    %get3A_3 = arith.constant 0 : index
    %get3A_4 = vector.load %arg1[%get3A, %get3A_2, %get3A_3] : memref<2x1000x64xf32, #tpu.memory_space<vmem>>, vector<1x1000x64xf32>
    %get3A_5 = vector.shape_cast %get3A_4 : vector<1x1000x64xf32> to vector<1000x64xf32>
    %get3A_6 = arith.constant 0 : index
    %get3A_7 = arith.constant 0 : index
    %get3A_8 = arith.constant 0 : index
    %get3A_9 = vector.load %arg3[%get3A_6, %get3A_7, %get3A_8] : memref<4x1000x64xf32, #tpu.memory_space<vmem>>, vector<1x1000x64xf32>
    %get3A_10 = vector.shape_cast %get3A_9 : vector<1x1000x64xf32> to vector<1000x64xf32>
    %add3A = arith.addf %get3A_5, %get3A_10 : vector<1000x64xf32>
    %get3A_11 = arith.constant 1 : index
    %get3A_12 = arith.constant 0 : index
    %get3A_13 = arith.constant 0 : index
    %get3A_14 = vector.load %arg1[%get3A_11, %get3A_12, %get3A_13] : memref<2x1000x64xf32, #tpu.memory_space<vmem>>, vector<1x1000x64xf32>
    %get3A_15 = vector.shape_cast %get3A_14 : vector<1x1000x64xf32> to vector<1000x64xf32>
    %get3A_16 = arith.constant 1 : index
    %get3A_17 = arith.constant 0 : index
    %get3A_18 = arith.constant 0 : index
    %get3A_19 = vector.load %arg3[%get3A_16, %get3A_17, %get3A_18] : memref<4x1000x64xf32, #tpu.memory_space<vmem>>, vector<1x1000x64xf32>
    %get3A_20 = vector.shape_cast %get3A_19 : vector<1x1000x64xf32> to vector<1000x64xf32>
    %add3A_21 = arith.addf %get3A_15, %get3A_20 : vector<1000x64xf32>
    %get3A_22 = arith.constant 0 : index
    %get3A_23 = arith.constant 0 : index
    %get3A_24 = arith.constant 0 : index
    %get3A_25 = vector.load %arg2[%get3A_22, %get3A_23, %get3A_24] : memref<2x1000x64xf32, #tpu.memory_space<vmem>>, vector<1x1000x64xf32>
    %get3A_26 = vector.shape_cast %get3A_25 : vector<1x1000x64xf32> to vector<1000x64xf32>
    %get3A_27 = arith.constant 2 : index
    %get3A_28 = arith.constant 0 : index
    %get3A_29 = arith.constant 0 : index
    %get3A_30 = vector.load %arg3[%get3A_27, %get3A_28, %get3A_29] : memref<4x1000x64xf32, #tpu.memory_space<vmem>>, vector<1x1000x64xf32>
    %get3A_31 = vector.shape_cast %get3A_30 : vector<1x1000x64xf32> to vector<1000x64xf32>
    %add3A_32 = arith.addf %get3A_26, %get3A_31 : vector<1000x64xf32>
    %get3A_33 = arith.constant 1 : index
    %get3A_34 = arith.constant 0 : index
    %get3A_35 = arith.constant 0 : index
    %get3A_36 = vector.load %arg2[%get3A_33, %get3A_34, %get3A_35] : memref<2x1000x64xf32, #tpu.memory_space<vmem>>, vector<1x1000x64xf32>
    %get3A_37 = vector.shape_cast %get3A_36 : vector<1x1000x64xf32> to vector<1000x64xf32>
    %get3A_38 = arith.constant 3 : index
    %get3A_39 = arith.constant 0 : index
    %get3A_40 = arith.constant 0 : index
    %get3A_41 = vector.load %arg3[%get3A_38, %get3A_39, %get3A_40] : memref<4x1000x64xf32, #tpu.memory_space<vmem>>, vector<1x1000x64xf32>
    %get3A_42 = vector.shape_cast %get3A_41 : vector<1x1000x64xf32> to vector<1000x64xf32>
    %add3A_43 = arith.addf %get3A_37, %get3A_42 : vector<1000x64xf32>
    %concatenate3A = tpu.concatenate %add3A, %add3A_21, %add3A_32, %add3A_43 in 1 : vector<1000x64xf32>, vector<1000x64xf32>, vector<1000x64xf32>, vector<1000x64xf32> -> vector<1000x256xf32>
    %get3A_44 = arith.constant 0 : index
    %get3A_45 = arith.constant 0 : index
    %get3A_46 = vector.load %arg4[%get3A_44, %get3A_45] : memref<1000x1xf32, #tpu.memory_space<vmem>>, vector<1000x1xf32>
    %mul3A = vector.broadcast %get3A_46 : vector<1000x1xf32> to vector<1000x256xf32>
    %mul3A_47 = arith.mulf %concatenate3A, %mul3A : vector<1000x256xf32>
    %get3A_48 = arith.constant 0 : index
    %get3A_49 = arith.constant 0 : index
    %get3A_50 = vector.load %arg5[%get3A_48, %get3A_49] : memref<256x256xf32, #tpu.memory_space<vmem>>, vector<256x256xf32>
    %dot_general3A = arith.constant dense<0.000000e+00> : vector<1000x256xf32>
    %dot_general3A_51 = tpu.matmul %mul3A_47, %get3A_50, %dot_general3A {dimension_numbers = #tpu.dot_dimension_numbers<[1], [0], [0], [1], [0, 0, 1, 1], [], []>, transpose_lhs_hint = false} : vector<1000x256xf32>, vector<256x256xf32>, vector<1000x256xf32> -> vector<1000x256xf32>
    %get3A_52 = arith.constant 0 : index
    %get3A_53 = arith.constant 0 : index
    %get3A_54 = vector.load %arg6[%get3A_52, %get3A_53] : memref<1x256xf32, #tpu.memory_space<vmem>>, vector<1x256xf32>
    %add3A_55 = vector.broadcast %get3A_54 : vector<1x256xf32> to vector<1000x256xf32>
    %add3A_56 = arith.addf %dot_general3A_51, %add3A_55 : vector<1000x256xf32>
    %iota3A = tpu.iota {dimensions = array<i32: 0>} : vector<64x1000xi32>
    %get3A_57 = arith.constant 0 : index
    %get3A_58 = arith.constant 0 : index
    %get3A_59 = arith.constant 0 : index
    %get3A_60 = vector.load %arg7[%get3A_57, %get3A_58, %get3A_59] : memref<1x1x1000xi32, #tpu.memory_space<vmem>>, vector<1x1x1000xi32>
    %get3A_61 = vector.shape_cast %get3A_60 : vector<1x1x1000xi32> to vector<1x1000xi32>
    %eq3A_62 = vector.broadcast %get3A_61 : vector<1x1000xi32> to vector<64x1000xi32>
    %eq3A_63 = arith.cmpi eq, %iota3A, %eq3A_62 : vector<64x1000xi32>
    %convert_element_type3A_64 = arith.extui %eq3A_63 : vector<64x1000xi1> to vector<64x1000xi32>
    %convert_element_type3A_65 = arith.sitofp %convert_element_type3A_64 : vector<64x1000xi32> to vector<64x1000xf32>
    %get3A_66 = arith.constant 0 : index
    %get3A_67 = arith.constant 0 : index
    %get3A_68 = vector.load %arg13[%get3A_66, %get3A_67] : memref<64x256xf32, #tpu.memory_space<vmem>>, vector<64x256xf32>
    %dot_general3A_69 = arith.constant dense<0.000000e+00> : vector<64x256xf32>
    %dot_general3A_70 = tpu.matmul %convert_element_type3A_65, %add3A_56, %dot_general3A_69 {dimension_numbers = #tpu.dot_dimension_numbers<[1], [0], [0], [1], [0, 0, 1, 1], [], []>, transpose_lhs_hint = false} : vector<64x1000xf32>, vector<1000x256xf32>, vector<64x256xf32> -> vector<64x256xf32>
    %add3A_71 = arith.addf %get3A_68, %dot_general3A_70 : vector<64x256xf32>
    %swap3A = arith.constant 0 : index
    %swap3A_72 = arith.constant 0 : index
    %swap3A_73 = vector.load %arg13[%swap3A, %swap3A_72] : memref<64x256xf32, #tpu.memory_space<vmem>>, vector<64x256xf32>
    tpu.vector_store %arg13[%swap3A, %swap3A_72], %add3A_71 {strides = array<i32>} : memref<64x256xf32, #tpu.memory_space<vmem>>, vector<64x256xf32>,
    %eq3A_74 = arith.constant 9 : i32
    %eq3A_75 = arith.cmpi eq, %arg0, %eq3A_74 : i32
    %convert_element_type3A_76 = arith.extui %eq3A_75 : i1 to i32
    %cond3A_77 = arith.constant 0 : i32
    %cond3A_78 = arith.cmpi ne, %convert_element_type3A_76, %cond3A_77 : i32
    scf.if %cond3A_78 {
      %get3A_79 = arith.constant 0 : index
      %get3A_80 = arith.constant 0 : index
      %get3A_81 = vector.load %arg13[%get3A_79, %get3A_80] : memref<64x256xf32, #tpu.memory_space<vmem>>, vector<64x256xf32>
      %get3A_82 = arith.constant 0 : index
      %get3A_83 = arith.constant 0 : index
      %get3A_84 = vector.load %arg8[%get3A_82, %get3A_83] : memref<256x64xf32, #tpu.memory_space<vmem>>, vector<256x64xf32>
      %dot_general3A_85 = arith.constant dense<0.000000e+00> : vector<64x64xf32>
      %dot_general3A_86 = tpu.matmul %get3A_81, %get3A_84, %dot_general3A_85 {dimension_numbers = #tpu.dot_dimension_numbers<[1], [0], [0], [1], [0, 0, 1, 1], [], []>, transpose_lhs_hint = false} : vector<64x256xf32>, vector<256x64xf32>, vector<64x64xf32> -> vector<64x64xf32>
      %get3A_87 = arith.constant 0 : index
      %get3A_88 = arith.constant 0 : index
      %get3A_89 = vector.load %arg9[%get3A_87, %get3A_88] : memref<1x64xf32, #tpu.memory_space<vmem>>, vector<1x64xf32>
      %add3A_90 = vector.broadcast %get3A_89 : vector<1x64xf32> to vector<64x64xf32>
      %add3A_91 = arith.addf %dot_general3A_86, %add3A_90 : vector<64x64xf32>
      %max3A = arith.constant 0.000000e+00 : f32
      %max3A_92 = vector.broadcast %max3A : f32 to vector<64x64xf32>
      %max3A_93 = arith.maximumf %add3A_91, %max3A_92 : vector<64x64xf32>
      %get3A_94 = arith.constant 0 : index
      %get3A_95 = arith.constant 0 : index
      %get3A_96 = vector.load %arg10[%get3A_94, %get3A_95] : memref<64x1xf32, #tpu.memory_space<vmem>>, vector<64x1xf32>
      %dot_general3A_97 = arith.constant dense<0.000000e+00> : vector<64x1xf32>
      %dot_general3A_98 = tpu.matmul %max3A_93, %get3A_96, %dot_general3A_97 {dimension_numbers = #tpu.dot_dimension_numbers<[1], [0], [0], [1], [0, 0, 1, 1], [], []>, transpose_lhs_hint = false} : vector<64x64xf32>, vector<64x1xf32>, vector<64x1xf32> -> vector<64x1xf32>
      %get3A_99 = arith.constant 0 : index
      %get3A_100 = arith.constant 0 : index
      %get3A_101 = vector.load %arg11[%get3A_99, %get3A_100] : memref<1x1xf32, #tpu.memory_space<vmem>>, vector<1x1xf32>
      %add3A_102 = vector.broadcast %get3A_101 : vector<1x1xf32> to vector<64x1xf32>
      %add3A_103 = arith.addf %dot_general3A_98, %add3A_102 : vector<64x1xf32>
      %swap3A_104 = arith.constant 0 : index
      %swap3A_105 = arith.constant 0 : index
      %swap3A_106 = vector.load %arg12[%swap3A_104, %swap3A_105] : memref<64x1xf32, #tpu.memory_space<vmem>>, vector<64x1xf32>
      tpu.vector_store %arg12[%swap3A_104, %swap3A_105], %add3A_103 {strides = array<i32>} : memref<64x1xf32, #tpu.memory_space<vmem>>, vector<64x1xf32>,
    } else {
    }
    return
  }
  func.func @transform_0(%arg0: i32) -> (i32, i32, i32) {
    %c0_i32 = arith.constant 0 : i32
    %c0_i32_0 = arith.constant 0 : i32
    %c0_i32_1 = arith.constant 0 : i32
    return %c0_i32, %arg0, %c0_i32_0 : i32, i32, i32
  }
  func.func @transform_1(%arg0: i32) -> (i32, i32, i32) {
    %c0_i32 = arith.constant 0 : i32
    %c0_i32_0 = arith.constant 0 : i32
    %c0_i32_1 = arith.constant 0 : i32
    return %c0_i32, %arg0, %c0_i32_0 : i32, i32, i32
  }
  func.func @transform_2(%arg0: i32) -> (i32, i32, i32) {
    %c0_i32 = arith.constant 0 : i32
    %c0_i32_0 = arith.constant 0 : i32
    %c0_i32_1 = arith.constant 0 : i32
    return %c0_i32, %arg0, %c0_i32_0 : i32, i32, i32
  }
  func.func @transform_3(%arg0: i32) -> (i32, i32) {
    %c0_i32 = arith.constant 0 : i32
    %c0_i32_0 = arith.constant 0 : i32
    return %arg0, %c0_i32 : i32, i32
  }
  func.func @transform_4(%arg0: i32) -> (i32, i32) {
    %c0_i32 = arith.constant 0 : i32
    %c0_i32_0 = arith.constant 0 : i32
    %c0_i32_1 = arith.constant 0 : i32
    return %c0_i32, %c0_i32_0 : i32, i32
  }
  func.func @transform_5(%arg0: i32) -> (i32, i32) {
    %c0_i32 = arith.constant 0 : i32
    %c0_i32_0 = arith.constant 0 : i32
    %c0_i32_1 = arith.constant 0 : i32
    return %c0_i32, %c0_i32_0 : i32, i32
  }
  func.func @transform_6(%arg0: i32) -> (i32, i32, i32) {
    %c0_i32 = arith.constant 0 : i32
    %c0_i32_0 = arith.constant 0 : i32
    %c0_i32_1 = arith.constant 0 : i32
    return %arg0, %c0_i32, %c0_i32_0 : i32, i32, i32
  }
  func.func @transform_7(%arg0: i32) -> (i32, i32) {
    %c0_i32 = arith.constant 0 : i32
    %c0_i32_0 = arith.constant 0 : i32
    %c0_i32_1 = arith.constant 0 : i32
    return %c0_i32, %c0_i32_0 : i32, i32
  }
  func.func @transform_8(%arg0: i32) -> (i32, i32) {
    %c0_i32 = arith.constant 0 : i32
    %c0_i32_0 = arith.constant 0 : i32
    %c0_i32_1 = arith.constant 0 : i32
    return %c0_i32, %c0_i32_0 : i32, i32
  }
  func.func @transform_9(%arg0: i32) -> (i32, i32) {
    %c0_i32 = arith.constant 0 : i32
    %c0_i32_0 = arith.constant 0 : i32
    %c0_i32_1 = arith.constant 0 : i32
    return %c0_i32, %c0_i32_0 : i32, i32
  }
  func.func @transform_10(%arg0: i32) -> (i32, i32) {
    %c0_i32 = arith.constant 0 : i32
    %c0_i32_0 = arith.constant 0 : i32
    %c0_i32_1 = arith.constant 0 : i32
    return %c0_i32, %c0_i32_0 : i32, i32
  }
  func.func @transform_11(%arg0: i32) -> (i32, i32) {
    %c0_i32 = arith.constant 0 : i32
    %c0_i32_0 = arith.constant 0 : i32
    %c0_i32_1 = arith.constant 0 : i32
    return %c0_i32, %c0_i32_0 : i32, i32
  }
}

</mosaic_0001>

<sc_bundles>
// kernel: kernel.12.cloned.1.call-start
scs
__scs_entry_jumppad:
0x0: {  	(pc) =	sbr.rel $0x88, $3  }
0x1: {  	(tag) =	ssettag $0x0;
	lr =	simm.s32 $0x1  }
0x2: {  	[smem:$0x3F94] =	sst lr;
	_ =	strace $0xD0000000  }
0x3: {  	_ = 	snop  }
0x4: {  	_ = 	snop  }
0x5: {  	_ = 	snop  }
0x6: {  	_ = 	snop  }
0x7: {  	_ = 	snop  }
__scs_overlays_trampoline_lowered:
0x8: {  	[smem:$0x3FA3] =	sst s0  }
0x9: {  	[smem:$0x3FA4] =	sst s1  }
0xa: {  	[smem:$0x3FA5] =	sst s2  }
0xb: {  	[smem:$0x3FA6] =	sst s3  }
0xc: {  	[smem:$0x3FA7] =	sst s4  }
0xd: {  	[smem:$0x3FA8] =	sst s5  }
0xe: {  	[smem:$0x3FA9] =	sst s6  }
0xf: {  	[smem:$0x3FAA] =	sst s7  }
0x10: {  	[smem:$0x3FAB] =	sst s8  }
0x11: {  	[smem:$0x3FAC] =	sst s9;
	s0 =	simm.s32 @!p0 $0x0  }
0x12: {  	s1 =	sld [smem:$0x3F92];
	s0 =	simm.s32 @p0 $0x1  }
0x13: {  	[smem:$0x3FAD] =	sst s0;
	s0 =	simm.s32 @!p1 $0x0  }
0x14: {  	s2 =	sld [smem:$0x3F91];
	s0 =	simm.s32 @p1 $0x1  }
0x15: {  	[smem:$0x3FAE] =	sst s0;
	s0 =	simm.s32 @!p2 $0x0  }
0x16: {  	s3 =	sld [smem:$0x3FDB];
	s0 =	simm.s32 @p2 $0x1  }
0x17: {  	s4 =	simm.s32 $0x1BF5;
	[smem:$0x3FB0] =	sst s0  }
0x18: {  	s0 =	sld [smem:$0x3F93];
	_ =	swait.ge [sflag:s4], $0x0  }
0x19: {  	s7 =	sld [smem:$0x3F94]  }
0x1a: {  	s8 =	sadd.s32 $0xFFFFE003, lr  }
0x1b: {  	s9 =	sadd.s32 $0xFFFFFEF7, lr;
	s5 =	simm.s32 $0xFFFFFFFF;
	p2 =	slt.u32 s8, $0xFFFFF086  }
0x1c: {  	p1 =	slt.u32 s9, $0xF7A;
	s5 =	simm.s32 @!p2 $0x0  }
0x1d: {  	s5 =	simm.s32 @p1 $0x1;
	p0 =	seq.s32 s7, s2  }
0x1e: {  	s7 =	smul.u32 @!p0 $0xF7A, s2;
	p2 =	seq.s32 @!p0 s5, $0x0  }
0x1f: {  	s9 =	smul.u32 $0xF7A, s1;
	s8 =	simm.s32 @!p0 $0x1BF5;
	p2 =	por !p2, p0  }
0x20: {  	[sflag:s8] =	ssyncset.s32 @!p0 $0xFFFFF086;
	s6 =	sadd.s32 @!p0 s3, s7;
	s7 =	simm.s32 @!p0 $0x108  }
0x21: {  	s3 =	sadd.s32 s3, s9;
	s6 =	sadd.s32 @!p0 $0x88, s6;
	s7 =	simm.s32 @p2 $0x1082  }
0x22: {  	[simem:s7], [sflag:s8] =	dma.local @!p0 [hbm:s6], $0xF7A  }
0x23: {  	s9 =	sor.u32 $0xD0000000, s2;
	s6 =	simm.s32 $0x108;
	_ =	swait.ge @!p0 [sflag:s8], $0x0  }
0x24: {  	s3 =	sadd.s32 $0x88, s3;
	s6 =	simm.s32 @!p1 $0x1082;
	[sflag:s4] =	ssyncset.s32 $0xFFFFF086  }
0x25: {  	[simem:s6], [sflag:s4] =	dma.local [hbm:s3], $0xF7A  }
0x26: {  	[smem:$0x3F94] =	sst s1;
	(tag) =	ssettag s2;
	_ =	strace s9  }
0x27: {  	s1 =	sld [smem:$0x3FA4]  }
0x28: {  	s2 =	sld [smem:$0x3FA5]  }
0x29: {  	s4 =	sld [smem:$0x3FA7]  }
0x2a: {  	p0 =	seq.s32 s5, $0x0;
	s5 =	sld [smem:$0x3FA8]  }
0x2b: {  	s6 =	sld [smem:$0x3FA9]  }
0x2c: {  	s7 =	sld [smem:$0x3FAA]  }
0x2d: {  	s3 =	simm.s32 $0x108;
	s8 =	sld [smem:$0x3FAB]  }
0x2e: {  	s3 =	simm.s32 @!p0 $0x1082;
	s9 =	sld [smem:$0x3FAC]  }
0x2f: {  	lr =	sadd.s32 s0, s3;
	s0 =	sld [smem:$0x3FA3]  }
0x30: {  	s3 =	sld [smem:$0x3FA6]  }
0x31: {  	[smem:$0x3FAF] =	sst s10  }
0x32: {  	s10 =	sld [smem:$0x3FAD];
	_ =	sdelay $0x3  }
0x33: {  	p0 =	seq.s32 s10, $0x1;
	s10 =	sld [smem:$0x3FAF];
	_ =	sdelay $0x3  }
0x34: {  	[smem:$0x3FAF] =	sst s10  }
0x35: {  	s10 =	sld [smem:$0x3FAE];
	_ =	sdelay $0x3  }
0x36: {  	p1 =	seq.s32 s10, $0x1;
	s10 =	sld [smem:$0x3FAF];
	_ =	sdelay $0x3  }
0x37: {  	[smem:$0x3FAF] =	sst s10  }
0x38: {  	s10 =	sld [smem:$0x3FB0]  }
0x39: {  	_ = 	snop;
	(pc) =	sbr.ind lr, $3  }
0x3a: {  	_ = 	snop  }
0x3b: {  	_ = 	snop  }
0x3c: {  	p2 =	seq.s32 s10, $0x1;
	s10 =	sld [smem:$0x3FAF]  }
0x3d: {  	_ =	shalt  }
0x3e: {  	_ =	shalt  }
0x3f: {  	_ =	shalt  }
0x40: {  	_ =	shalt  }
0x41: {  	_ =	shalt  }
0x42: {  	_ =	shalt  }
0x43: {  	_ =	shalt  }
0x44: {  	_ =	shalt  }
0x45: {  	_ =	shalt  }
0x46: {  	_ =	shalt  }
0x47: {  	_ =	shalt  }
0x48: {  	_ =	shalt  }
0x49: {  	_ =	shalt  }
0x4a: {  	_ =	shalt  }
0x4b: {  	_ =	shalt  }
0x4c: {  	_ =	shalt  }
0x4d: {  	_ =	shalt  }
0x4e: {  	_ =	shalt  }
0x4f: {  	_ =	shalt  }
0x50: {  	_ =	shalt  }
0x51: {  	_ =	shalt  }
0x52: {  	_ =	shalt  }
0x53: {  	_ =	shalt  }
0x54: {  	_ =	shalt  }
0x55: {  	_ =	shalt  }
0x56: {  	_ =	shalt  }
0x57: {  	_ =	shalt  }
0x58: {  	_ =	shalt  }
0x59: {  	_ =	shalt  }
0x5a: {  	_ =	shalt  }
0x5b: {  	_ =	shalt  }
0x5c: {  	_ =	shalt  }
0x5d: {  	_ =	shalt  }
0x5e: {  	_ =	shalt  }
0x5f: {  	_ =	shalt  }
0x60: {  	_ =	shalt  }
0x61: {  	_ =	shalt  }
0x62: {  	_ =	shalt  }
0x63: {  	_ =	shalt  }
0x64: {  	_ =	shalt  }
0x65: {  	_ =	shalt  }
0x66: {  	_ =	shalt  }
0x67: {  	_ =	shalt  }
0x68: {  	_ =	shalt  }
0x69: {  	_ =	shalt  }
0x6a: {  	_ =	shalt  }
0x6b: {  	_ =	shalt  }
0x6c: {  	_ =	shalt  }
0x6d: {  	_ =	shalt  }
0x6e: {  	_ =	shalt  }
0x6f: {  	_ =	shalt  }
0x70: {  	_ =	shalt  }
0x71: {  	_ =	shalt  }
0x72: {  	_ =	shalt  }
0x73: {  	_ =	shalt  }
0x74: {  	_ =	shalt  }
0x75: {  	_ =	shalt  }
0x76: {  	_ =	shalt  }
0x77: {  	_ =	shalt  }
0x78: {  	_ =	shalt  }
0x79: {  	_ =	shalt  }
0x7a: {  	_ =	shalt  }
0x7b: {  	_ =	shalt  }
0x7c: {  	_ =	shalt  }
0x7d: {  	_ =	shalt  }
0x7e: {  	_ =	shalt  }
0x7f: {  	_ =	shalt  }
0x80: {  	_ =	shalt  }
0x81: {  	_ =	shalt  }
0x82: {  	_ =	shalt  }
0x83: {  	_ =	shalt  }
0x84: {  	_ =	shalt  }
0x85: {  	_ =	shalt  }
0x86: {  	_ =	shalt  }
0x87: {  	_ =	shalt  }
.Lfunc_end0:
.L_simem_size_0:
called_computation_lowered:
.L_overlay_start_0:
0x88: {  	s2 =	sld [smem:$0x3FD9]  }
0x89: {  	s3 =	sld [smem:$0x3FFE];
	_ =	sdelay $0x1  }
0x8a: {  	s1 =	srdreg.scid  }
0x8b: {  	s0 =	sand.u32 $0x1, s1  }
0x8c: {  	s16 =	sshll.u32 s0, $0xA;
	s2 =	sadd.s32 s3, s2  }
0x8d: {  	s2 =	sadd.s32 s2, s16  }
0x8e: {  	[smem:$0x3FBB] =	sst s2  }
0x8f: {  	_ = 	snop  }
0x90: {  	(tm) =	ssettm $0x1  }
0x91: {  	s17 =	sld [smem:$0x3FFB];
	_ =	sdelay $0x3  }
0x92: {  	_ =	strace s17  }
0x93: {  	s2 =	sld [smem:$0x3FFC];
	_ =	sdelay $0x3  }
0x94: {  	_ =	strace s2  }
0x95: {  	s2 =	sld [smem:$0x3FFD];
	_ =	sdelay $0x3  }
0x96: {  	_ =	strace s2  }
0x97: {  	_ =	strace $0x8FFFFFFF  }
0x98: {  	s18 =	sld [smem:$0x3FDB];
	_ =	sdelay $0x1  }
0x99: {  	s19 =	simm.s32 $_scs_section_size  }
0x9a: {  	s4 =	simm.s32 $_size__tile_overlayer_lowered;
	s5 =	simm.s32 $_tile_overlayer_lowered  }
0x9b: {  	s22 =	simm.s32 $0x1BFF;
	s21 =	sshll.u32 s5, $0x1;
	s2 =	sadd.s32 s19, s18  }
0x9c: {  	s6 =	simm.s32 $0x0;
	s20 =	sshll.u32 s4, $0x1;
	s4 =	sadd.s32 s21, s2  }
0x9d: {  	[timem:s6], [sflag:s22] =	dma.local [hbm:s4], s20  }
0x9e: {  	_ =	swait.ge [sflag:s22], s20  }
0x9f: {  	s3 =	ssub.s32 $0x0, s20;
	[sflag:s22] =	ssyncset.done $0x0  }
0xa0: {  	[sflag:s22] =	ssyncadd.s32 s3;
	_ =	sdelay $0x1  }
0xa1: {  	s23 =	simm.s32 $0x1B8B  }
0xa2: {  	_ =	swait.ge [sflag:s23], $0x1  }
0xa3: {  	[sflag:s23] =	ssyncset.done $0x0  }
0xa4: {  	s25 =	simm.s32 $0x1B8E;
	s24 =	sld [smem:$0x3FFE];
	[sflag:s23] =	ssyncadd.s32 $0xFFFFFFFF  }
0xa5: {  	s26 =	simm.s32 $execute0_lowered;
	[smem:$0x3FD2] =	sst s25  }
0xa6: {  	s4 =	sshll.u32 s26, $0x1;
	_ =	strace $0x80000046;
	[dreg:$0x1] =	wrdreg $0xFFFFFFFF  }
0xa7: {  	s28 =	simm.s32 $_size_execute0_lowered;
	s2 =	sadd.s32 s2, s4;
	[dreg:$0x0] =	wrdreg $0x0  }
0xa8: {  	s4 =	sshll.u32 s28, $0x1;
	[dreg:$0x2] =	wrdreg s2  }
0xa9: {  	[dreg:$0x3] =	wrdreg s4  }
0xaa: {  	[dreg:$0x4] =	wrdreg $0xC0  }
0xab: {  	_ =	task [dreg:s6], $0x5FFFF  }
0xac: {  	[dreg:$0x1] =	wrdreg $0xFFFFFFFF  }
0xad: {  	[dreg:$0x0] =	wrdreg $0x60  }
0xae: {  	[dreg:$0x2] =	wrdreg s24  }
0xaf: {  	[dreg:$0x3] =	wrdreg $0x2FD00  }
0xb0: {  	[dreg:$0x4] =	wrdreg $0x9  }
0xb1: {  	_ =	task.clear_ibuf [dreg:s6], $0x5FFFF;
	_ =	strace $0x90000046  }
0xb2: {  	s29 =	simm.s32 $0x9;
	_ =	strace $0x80000048  }
0xb3: {  	_ =	swait.ge [sflag:s29], $0x1  }
0xb4: {  	[sflag:s29] =	ssyncadd.s32 $0xFFFFFFFF  }
0xb5: {  	_ =	strace $0x90000048  }
0xb6: {  	_ =	sfence  }
0xb7: {  	s30 =	sld [smem:$0x0];
	_ =	sdelay $0x2  }
0xb8: {  	s31 =	sshll.u32 s1, $0xD;
	s1 =	sshrl.u32 s1, $0x2  }
0xb9: {  	s3 =	sand.u32 $0x4000, s31;
	s1 =	sadd.s32 s1, s30  }
0xba: {  	s0 =	sor.u32 s3, s0;
	s1 =	sshll.u32 s1, $0x11  }
0xbb: {  	s0 =	sor.u32 s1, s0  }
0xbc: {  	s0 =	sadd.s32 $0x8F2B, s0  }
0xbd: {  	[sflag:s0] =	ssyncadd.remote.s32 $0x1  }
0xbe: {  	_ =	sfence.sel $0xFFFF  }
0xbf: {  	[dreg:$0x0] =	wrdreg $0xFFFFFFFF;
	(pc) =	sbr.abs _section_cstart, $3  }
0xc0: {  	[dreg:$0x1] =	wrdreg $0xFFFFFFFF  }
0xc1: {  	_ =	task.clear_ibuf [dreg:s6], $0x2FFFF;
	_ =	strace $0x9FFFFFFF  }
0xc2: {  	(tm) =	ssettm $0x7FFFFFFF  }
0xc3: {  	_ =	shalt  }
tec
execute0_lowered:
.L_overlay_start_1:
0x0: {  	(tag) =	ssettag $0x1  }
0x1: {  	s0 =	srdreg.scid;
	s7 =	rddreg [dreg:$0x0]  }
0x2: {  	s2 =	rddreg [dreg:$0x1];
	s3 =	simm.s32 $0x0;
	s14 =	simm.s32 $0x1  }
0x3: {  	s15 =	simm.s32 $0x0;
	s6 =	sand.u32 $0x1, s0;
	s0 =	stileid.u32  }
0x4: {  	[smem:$0x7FF] =	sst s3;
	s1 =	sshll.u32 s6, $0x4;
	s8 =	smul.u32 $0x2800, s0  }
0x5: {  	s5 =	smul.u32 $0x28000, s6;
	s6 =	ssub.s32 $0x2, s6;
	s1 =	sor.u32 s0, s1  }
0x6: {  	s11 =	sshll.u32 s0, $0x6;
	s31 =	sshrl.u32 s6, $0x1;
	s4 =	smul.u32 $0x500, s1  }
0x7: {  	s1 =	rddreg [dreg:$0x2];
	_ =	strace $0x80000047;
	s10 =	sadd.s32 s8, s5  }
0x8: {  	s5 =	sadd.s32 $0xCC00, s7;
	s12 =	ssub.s32 s6, s31;
	s13 =	sadd.s32 s8, s2  }
0x9: {  	s6 =	sor.u32 $0x1C02, s11;
	s11 =	simm.s32 $0x2;
	s10 =	sshrl.u32 s10, $0x3  }
0xa: {  	s9 =	sadd.s32 s4, s7;
	s4 =	sadd.s32 $0xD200, s7;
	s10 =	sadd.s32 s10, s7  }
0xb: {  	s7 =	sadd.s32 $0x2C00, s9;
	s8 =	sadd.s32 $0xD400, s10;
	s9 =	smax.u32 s12, $0x1  }
0xc: {  	s10 =	sshrl.u32 s13, $0x3;
	s12 =	simm.s32 $0x2800;
	s13 =	simm.s32 $0x7D  }
.LBB2_1:
0xd: {  	[spmem:s10], [sflag:s6] =	dma.local [hbm:s5], $0x500  }
0xe: {  	_ =	swait.ge [sflag:s11], $0x500  }
0xf: {  	[sflag:s11] =	ssyncset.done $0x0  }
0x10: {  	[sflag:s11] =	ssyncadd.s32 $0xFFFFFB00  }
0x11: {  	[tilespmem:s12], [sflag:$0x2] =	stream.linear.gather [hbm4b:s4+s3], $0x7D0, $0x38;
	[tilespmem:$0x57D0] =	vst v63  }
0x12: {  	_ =	swait.ge [sflag:s11], $0x7D0  }
0x13: {  	[sflag:s11] =	ssyncset.done $0x0  }
0x14: {  	[sflag:s11] =	ssyncadd.s32 $0xFFFFF830  }
0x15: {  	[tilespmem:s3], [sflag:$0x2] =	stream.linear.gather [hbm4b:s7+s3], $0x2800, $0x38;
	[tilespmem:$0x57D0] =	vst v63  }
0x16: {  	_ =	swait.ge [sflag:s11], $0x2800  }
0x17: {  	[sflag:s11] =	ssyncset.done $0x0  }
0x18: {  	[sflag:s11] =	ssyncadd.s32 $0xFFFFD800  }
0x19: {  	s16 =	simm.s32 $0x0;
	[bflag:$0x0] =	sbarrier.arrive $0xFFFF  }
.LBB2_2:
0x1a: {  	p0 =	sne.s32 s16, $0x9E00  }
.Ltmp0:
0x1b: {  	_ = 	snop;
	(pc) =	sbr.rel @p0 .LBB2_2-.Ltmp0, $3  }
0x1c: {  	_ =	sdelay $0x1  }
0x1d: {  	s17 =	sshra.s32 s16, $0x2;
	s16 =	sadd.s32 $0x200, s16  }
0x1e: {  	[spmem:s2] =	stream.indirect.scatter.add.f32 [tilespmem:s12], [sflag:$0x1], $0x10, s17, s13, $0xb8;
	[tilespmem:$0x57D0] =	vst v63  }
0x1f: {  	_ =	swait.ge [sflag:s14], $0x7D0  }
0x20: {  	s16 =	simm.s32 $0x4F;
	[sflag:s14] =	ssyncset.done $0x0  }
.LBB2_4:
0x21: {  	p0 =	sne.s32 s16, $0x1;
	s16 =	sadd.s32 $0xFFFFFFFF, s16;
	[sflag:s14] =	ssyncadd.s32 $0xFFFFF830  }
.Ltmp1:
0x22: {  	(pc) =	sbr.rel @p0 .LBB2_4-.Ltmp1, $3  }
0x23: {  	_ =	sdelay $0x1  }
0x24: {  	_ =	swait.ge [sflag:s14], $0x7D0  }
0x25: {  	[sflag:s14] =	ssyncset.done $0x0  }
0x26: {  	s15 =	sadd.s32 $0x1, s15  }
0x27: {  	[sflag:s14] =	ssyncadd.s32 $0xFFFFF830;
	p0 =	sne.s32 s15, s9  }
.Ltmp2:
0x28: {  	[bflag:$0x0] =	sbarrier.arrive $0xFFFF;
	(pc) =	sbr.rel @p0 .LBB2_1-.Ltmp2, $4  }
0x29: {  	[hbm:s8], [sflag:s6] =	dma.local [spmem:s10], $0x500  }
0x2a: {  	_ =	swait.ge [sflag:s11], $0x500  }
0x2b: {  	[sflag:s11] =	ssyncset.done $0x0  }
0x2c: {  	[sflag:s11] =	ssyncadd.s32 $0xFFFFFB00  }
0x2d: {  	_ =	sfence.sel $0x180000  }
0x2e: {  	[bflag:$0x0] =	sbarrier.arrive $0xFFFF  }
0x2f: {  	p0 =	sne.s32 s0, $0x0;
	_ =	strace $0x90000047  }
0x30: {  	s0 =	sadd.s32 @!p0 $0x100000, s1;
	[bflag:$0x2] =	sbarrier.arrive $0xFFFF  }
0x31: {  	[sflag:s0] =	ssyncadd.tile.s32 @!p0 $0x1;
	_ =	shalt  }
.Lfunc_end2:
_tile_overlayer_lowered:
.L_overlay_start_2:
0x32: {  	(tag) =	ssettag $0x2  }
0x33: {  	s0 =	rddreg [dreg:$0x0];
	s2 =	stileid.u32  }
0x34: {  	s1 =	rddreg [dreg:$0x1];
	p0 =	sne.s32 s2, $0x0  }
0x35: {  	s3 =	rddreg [dreg:$0x2];
	[bflag:$0x3] =	sbarrier.arrive $0xFFFF;
	s2 =	simm.s32 @!p0 $0x1C02  }
0x36: {  	[timem:s3], [sflag:s2] =	dma.local @!p0 [hbm:s0], s1  }
0x37: {  	s0 =	simm.s32 @!p0 $0x2  }
0x38: {  	_ =	swait.ge @!p0 [sflag:s0], s1  }
0x39: {  	s1 =	ssub.s32 @!p0 $0x0, s1;
	[sflag:s0] =	ssyncset.done @!p0 $0x0  }
0x3a: {  	[sflag:s0] =	ssyncadd.s32 @!p0 s1  }
0x3b: {  	[bflag:$0x3] =	sbarrier.arrive $0xFFFF  }
0x3c: {  	_ =	shalt  }

// kernel: kernel.15.cloned.1.call-start
scs
__scs_entry_jumppad:
0x0: {  	(pc) =	sbr.rel $0x88, $3  }
0x1: {  	(tag) =	ssettag $0x0;
	lr =	simm.s32 $0x1  }
0x2: {  	[smem:$0x3F94] =	sst lr;
	_ =	strace $0xD0000000  }
0x3: {  	_ = 	snop  }
0x4: {  	_ = 	snop  }
0x5: {  	_ = 	snop  }
0x6: {  	_ = 	snop  }
0x7: {  	_ = 	snop  }
__scs_overlays_trampoline_lowered:
0x8: {  	[smem:$0x3FA3] =	sst s0  }
0x9: {  	[smem:$0x3FA4] =	sst s1  }
0xa: {  	[smem:$0x3FA5] =	sst s2  }
0xb: {  	[smem:$0x3FA6] =	sst s3  }
0xc: {  	[smem:$0x3FA7] =	sst s4  }
0xd: {  	[smem:$0x3FA8] =	sst s5  }
0xe: {  	[smem:$0x3FA9] =	sst s6  }
0xf: {  	[smem:$0x3FAA] =	sst s7  }
0x10: {  	[smem:$0x3FAB] =	sst s8  }
0x11: {  	[smem:$0x3FAC] =	sst s9;
	s0 =	simm.s32 @!p0 $0x0  }
0x12: {  	s1 =	sld [smem:$0x3F92];
	s0 =	simm.s32 @p0 $0x1  }
0x13: {  	[smem:$0x3FAD] =	sst s0;
	s0 =	simm.s32 @!p1 $0x0  }
0x14: {  	s2 =	sld [smem:$0x3F91];
	s0 =	simm.s32 @p1 $0x1  }
0x15: {  	[smem:$0x3FAE] =	sst s0;
	s0 =	simm.s32 @!p2 $0x0  }
0x16: {  	s3 =	sld [smem:$0x3FDB];
	s0 =	simm.s32 @p2 $0x1  }
0x17: {  	s4 =	simm.s32 $0x1BF5;
	[smem:$0x3FB0] =	sst s0  }
0x18: {  	s0 =	sld [smem:$0x3F93];
	_ =	swait.ge [sflag:s4], $0x0  }
0x19: {  	s7 =	sld [smem:$0x3F94]  }
0x1a: {  	s8 =	sadd.s32 $0xFFFFE003, lr  }
0x1b: {  	s9 =	sadd.s32 $0xFFFFFEF7, lr;
	s5 =	simm.s32 $0xFFFFFFFF;
	p2 =	slt.u32 s8, $0xFFFFF086  }
0x1c: {  	p1 =	slt.u32 s9, $0xF7A;
	s5 =	simm.s32 @!p2 $0x0  }
0x1d: {  	s5 =	simm.s32 @p1 $0x1;
	p0 =	seq.s32 s7, s2  }
0x1e: {  	s7 =	smul.u32 @!p0 $0xF7A, s2;
	p2 =	seq.s32 @!p0 s5, $0x0  }
0x1f: {  	s9 =	smul.u32 $0xF7A, s1;
	s8 =	simm.s32 @!p0 $0x1BF5;
	p2 =	por !p2, p0  }
0x20: {  	[sflag:s8] =	ssyncset.s32 @!p0 $0xFFFFF086;
	s6 =	sadd.s32 @!p0 s3, s7;
	s7 =	simm.s32 @!p0 $0x108  }
0x21: {  	s3 =	sadd.s32 s3, s9;
	s6 =	sadd.s32 @!p0 $0x88, s6;
	s7 =	simm.s32 @p2 $0x1082  }
0x22: {  	[simem:s7], [sflag:s8] =	dma.local @!p0 [hbm:s6], $0xF7A  }
0x23: {  	s9 =	sor.u32 $0xD0000000, s2;
	s6 =	simm.s32 $0x108;
	_ =	swait.ge @!p0 [sflag:s8], $0x0  }
0x24: {  	s3 =	sadd.s32 $0x88, s3;
	s6 =	simm.s32 @!p1 $0x1082;
	[sflag:s4] =	ssyncset.s32 $0xFFFFF086  }
0x25: {  	[simem:s6], [sflag:s4] =	dma.local [hbm:s3], $0xF7A  }
0x26: {  	[smem:$0x3F94] =	sst s1;
	(tag) =	ssettag s2;
	_ =	strace s9  }
0x27: {  	s1 =	sld [smem:$0x3FA4]  }
0x28: {  	s2 =	sld [smem:$0x3FA5]  }
0x29: {  	s4 =	sld [smem:$0x3FA7]  }
0x2a: {  	p0 =	seq.s32 s5, $0x0;
	s5 =	sld [smem:$0x3FA8]  }
0x2b: {  	s6 =	sld [smem:$0x3FA9]  }
0x2c: {  	s7 =	sld [smem:$0x3FAA]  }
0x2d: {  	s3 =	simm.s32 $0x108;
	s8 =	sld [smem:$0x3FAB]  }
0x2e: {  	s3 =	simm.s32 @!p0 $0x1082;
	s9 =	sld [smem:$0x3FAC]  }
0x2f: {  	lr =	sadd.s32 s0, s3;
	s0 =	sld [smem:$0x3FA3]  }
0x30: {  	s3 =	sld [smem:$0x3FA6]  }
0x31: {  	[smem:$0x3FAF] =	sst s10  }
0x32: {  	s10 =	sld [smem:$0x3FAD];
	_ =	sdelay $0x3  }
0x33: {  	p0 =	seq.s32 s10, $0x1;
	s10 =	sld [smem:$0x3FAF];
	_ =	sdelay $0x3  }
0x34: {  	[smem:$0x3FAF] =	sst s10  }
0x35: {  	s10 =	sld [smem:$0x3FAE];
	_ =	sdelay $0x3  }
0x36: {  	p1 =	seq.s32 s10, $0x1;
	s10 =	sld [smem:$0x3FAF];
	_ =	sdelay $0x3  }
0x37: {  	[smem:$0x3FAF] =	sst s10  }
0x38: {  	s10 =	sld [smem:$0x3FB0]  }
0x39: {  	_ = 	snop;
	(pc) =	sbr.ind lr, $3  }
0x3a: {  	_ = 	snop  }
0x3b: {  	_ = 	snop  }
0x3c: {  	p2 =	seq.s32 s10, $0x1;
	s10 =	sld [smem:$0x3FAF]  }
0x3d: {  	_ =	shalt  }
0x3e: {  	_ =	shalt  }
0x3f: {  	_ =	shalt  }
0x40: {  	_ =	shalt  }
0x41: {  	_ =	shalt  }
0x42: {  	_ =	shalt  }
0x43: {  	_ =	shalt  }
0x44: {  	_ =	shalt  }
0x45: {  	_ =	shalt  }
0x46: {  	_ =	shalt  }
0x47: {  	_ =	shalt  }
0x48: {  	_ =	shalt  }
0x49: {  	_ =	shalt  }
0x4a: {  	_ =	shalt  }
0x4b: {  	_ =	shalt  }
0x4c: {  	_ =	shalt  }
0x4d: {  	_ =	shalt  }
0x4e: {  	_ =	shalt  }
0x4f: {  	_ =	shalt  }
0x50: {  	_ =	shalt  }
0x51: {  	_ =	shalt  }
0x52: {  	_ =	shalt  }
0x53: {  	_ =	shalt  }
0x54: {  	_ =	shalt  }
0x55: {  	_ =	shalt  }
0x56: {  	_ =	shalt  }
0x57: {  	_ =	shalt  }
0x58: {  	_ =	shalt  }
0x59: {  	_ =	shalt  }
0x5a: {  	_ =	shalt  }
0x5b: {  	_ =	shalt  }
0x5c: {  	_ =	shalt  }
0x5d: {  	_ =	shalt  }
0x5e: {  	_ =	shalt  }
0x5f: {  	_ =	shalt  }
0x60: {  	_ =	shalt  }
0x61: {  	_ =	shalt  }
0x62: {  	_ =	shalt  }
0x63: {  	_ =	shalt  }
0x64: {  	_ =	shalt  }
0x65: {  	_ =	shalt  }
0x66: {  	_ =	shalt  }
0x67: {  	_ =	shalt  }
0x68: {  	_ =	shalt  }
0x69: {  	_ =	shalt  }
0x6a: {  	_ =	shalt  }
0x6b: {  	_ =	shalt  }
0x6c: {  	_ =	shalt  }
0x6d: {  	_ =	shalt  }
0x6e: {  	_ =	shalt  }
0x6f: {  	_ =	shalt  }
0x70: {  	_ =	shalt  }
0x71: {  	_ =	shalt  }
0x72: {  	_ =	shalt  }
0x73: {  	_ =	shalt  }
0x74: {  	_ =	shalt  }
0x75: {  	_ =	shalt  }
0x76: {  	_ =	shalt  }
0x77: {  	_ =	shalt  }
0x78: {  	_ =	shalt  }
0x79: {  	_ =	shalt  }
0x7a: {  	_ =	shalt  }
0x7b: {  	_ =	shalt  }
0x7c: {  	_ =	shalt  }
0x7d: {  	_ =	shalt  }
0x7e: {  	_ =	shalt  }
0x7f: {  	_ =	shalt  }
0x80: {  	_ =	shalt  }
0x81: {  	_ =	shalt  }
0x82: {  	_ =	shalt  }
0x83: {  	_ =	shalt  }
0x84: {  	_ =	shalt  }
0x85: {  	_ =	shalt  }
0x86: {  	_ =	shalt  }
0x87: {  	_ =	shalt  }
.Lfunc_end0:
.L_simem_size_0:
called_computation.1_lowered:
.L_overlay_start_0:
0x88: {  	s2 =	sld [smem:$0x3FD9]  }
0x89: {  	s3 =	sld [smem:$0x3FFE];
	_ =	sdelay $0x1  }
0x8a: {  	s1 =	srdreg.scid  }
0x8b: {  	s0 =	sand.u32 $0x1, s1  }
0x8c: {  	s16 =	sshll.u32 s0, $0xA;
	s2 =	sadd.s32 s3, s2  }
0x8d: {  	s2 =	sadd.s32 s2, s16  }
0x8e: {  	[smem:$0x3FBB] =	sst s2  }
0x8f: {  	_ = 	snop  }
0x90: {  	(tm) =	ssettm $0x1  }
0x91: {  	s17 =	sld [smem:$0x3FFB];
	_ =	sdelay $0x3  }
0x92: {  	_ =	strace s17  }
0x93: {  	s2 =	sld [smem:$0x3FFC];
	_ =	sdelay $0x3  }
0x94: {  	_ =	strace s2  }
0x95: {  	s2 =	sld [smem:$0x3FFD];
	_ =	sdelay $0x3  }
0x96: {  	_ =	strace s2  }
0x97: {  	_ =	strace $0x8FFFFFFF  }
0x98: {  	s18 =	sld [smem:$0x3FDB];
	_ =	sdelay $0x1  }
0x99: {  	s19 =	simm.s32 $_scs_section_size  }
0x9a: {  	s4 =	simm.s32 $_size__tile_overlayer_lowered;
	s5 =	simm.s32 $_tile_overlayer_lowered  }
0x9b: {  	s22 =	simm.s32 $0x1BFF;
	s21 =	sshll.u32 s5, $0x1;
	s2 =	sadd.s32 s19, s18  }
0x9c: {  	s6 =	simm.s32 $0x0;
	s20 =	sshll.u32 s4, $0x1;
	s4 =	sadd.s32 s21, s2  }
0x9d: {  	[timem:s6], [sflag:s22] =	dma.local [hbm:s4], s20  }
0x9e: {  	_ =	swait.ge [sflag:s22], s20  }
0x9f: {  	s3 =	ssub.s32 $0x0, s20;
	[sflag:s22] =	ssyncset.done $0x0  }
0xa0: {  	[sflag:s22] =	ssyncadd.s32 s3;
	_ =	sdelay $0x1  }
0xa1: {  	s23 =	simm.s32 $0x1B8B  }
0xa2: {  	_ =	swait.ge [sflag:s23], $0x1  }
0xa3: {  	[sflag:s23] =	ssyncset.done $0x0  }
0xa4: {  	s25 =	simm.s32 $0x1B8E;
	s24 =	sld [smem:$0x3FFE];
	[sflag:s23] =	ssyncadd.s32 $0xFFFFFFFF  }
0xa5: {  	s26 =	simm.s32 $execute0_lowered;
	[smem:$0x3FD2] =	sst s25  }
0xa6: {  	s4 =	sshll.u32 s26, $0x1;
	_ =	strace $0x80000049;
	[dreg:$0x1] =	wrdreg $0xFFFFFFFF  }
0xa7: {  	s28 =	simm.s32 $_size_execute0_lowered;
	s2 =	sadd.s32 s2, s4;
	[dreg:$0x0] =	wrdreg $0x0  }
0xa8: {  	s4 =	sshll.u32 s28, $0x1;
	[dreg:$0x2] =	wrdreg s2  }
0xa9: {  	[dreg:$0x3] =	wrdreg s4  }
0xaa: {  	[dreg:$0x4] =	wrdreg $0xC0  }
0xab: {  	_ =	task [dreg:s6], $0x5FFFF  }
0xac: {  	[dreg:$0x1] =	wrdreg $0xFFFFFFFF  }
0xad: {  	[dreg:$0x0] =	wrdreg $0x60  }
0xae: {  	[dreg:$0x2] =	wrdreg s24  }
0xaf: {  	[dreg:$0x3] =	wrdreg $0x11D000  }
0xb0: {  	[dreg:$0x4] =	wrdreg $0x9  }
0xb1: {  	_ =	task.clear_ibuf [dreg:s6], $0x5FFFF;
	_ =	strace $0x90000049  }
0xb2: {  	s29 =	simm.s32 $0x9;
	_ =	strace $0x8000004B  }
0xb3: {  	_ =	swait.ge [sflag:s29], $0x1  }
0xb4: {  	[sflag:s29] =	ssyncadd.s32 $0xFFFFFFFF  }
0xb5: {  	_ =	strace $0x9000004B  }
0xb6: {  	_ =	sfence  }
0xb7: {  	s30 =	sld [smem:$0x0];
	_ =	sdelay $0x2  }
0xb8: {  	s31 =	sshll.u32 s1, $0xD;
	s1 =	sshrl.u32 s1, $0x2  }
0xb9: {  	s3 =	sand.u32 $0x4000, s31;
	s1 =	sadd.s32 s1, s30  }
0xba: {  	s0 =	sor.u32 s3, s0;
	s1 =	sshll.u32 s1, $0x11  }
0xbb: {  	s0 =	sor.u32 s1, s0  }
0xbc: {  	s0 =	sadd.s32 $0x8F2B, s0  }
0xbd: {  	[sflag:s0] =	ssyncadd.remote.s32 $0x1  }
0xbe: {  	_ =	sfence.sel $0xFFFF  }
0xbf: {  	[dreg:$0x0] =	wrdreg $0xFFFFFFFF;
	(pc) =	sbr.abs _section_cstart, $3  }
0xc0: {  	[dreg:$0x1] =	wrdreg $0xFFFFFFFF  }
0xc1: {  	_ =	task.clear_ibuf [dreg:s6], $0x2FFFF;
	_ =	strace $0x9FFFFFFF  }
0xc2: {  	(tm) =	ssettm $0x7FFFFFFF  }
0xc3: {  	_ =	shalt  }
tec
execute0_lowered:
.L_overlay_start_1:
0x0: {  	(tag) =	ssettag $0x1  }
0x1: {  	s0 =	rddreg [dreg:$0x0]  }
0x2: {  	s1 =	srdreg.scid;
	s10 =	stileid.u32  }
0x3: {  	s2 =	rddreg [dreg:$0x1];
	s3 =	simm.s32 $0x0;
	s12 =	simm.s32 $0x5  }
0x4: {  	s14 =	simm.s32 $0x7D;
	s15 =	simm.s32 $0xA000;
	s16 =	simm.s32 $0x80  }
0x5: {  	s17 =	simm.s32 $0xBF40;
	s18 =	simm.s32 $0x100;
	s19 =	simm.s32 $0xDE80  }
0x6: {  	s20 =	simm.s32 $0x180;
	s21 =	simm.s32 $0xFDC0;
	s22 =	simm.s32 $0x1  }
0x7: {  	s23 =	simm.s32 $0x2;
	s24 =	simm.s32 $0x3;
	s25 =	simm.s32 $0x4  }
0x8: {  	s28 =	simm.s32 $0x9E80;
	s29 =	simm.s32 $0x9F00;
	s5 =	smul.u32 $0x5000, s10  }
0x9: {  	s30 =	simm.s32 $0x9F80;
	s1 =	sand.u32 $0x1, s1;
	s6 =	smul.u32 $0xA000, s10  }
0xa: {  	s31 =	simm.s32 $0x0;
	[smem:$0x7FF] =	sst s3;
	s4 =	smul.u32 $0x50000, s1  }
0xb: {  	s10 =	sshll.u32 s10, $0x6;
	s8 =	smul.u32 $0xA0000, s1;
	s1 =	ssub.s32 $0x2, s1  }
0xc: {  	_ =	strace $0x8000004A;
	s26 =	sshrl.u32 s1, $0x1;
	s11 =	sadd.s32 s6, s2  }
0xd: {  	s7 =	sadd.s32 s5, s4;
	s4 =	sadd.s32 $0x2B400, s0;
	s5 =	sshrl.u32 s5, $0x3  }
0xe: {  	s8 =	sadd.s32 s6, s8;
	s1 =	ssub.s32 s1, s26;
	s6 =	sor.u32 $0x1C05, s10  }
0xf: {  	s11 =	sshrl.u32 s11, $0x3;
	s26 =	simm.s32 $0x9E00;
	s7 =	sshrl.u32 s7, $0x3  }
0x10: {  	s9 =	sadd.s32 s5, s0;
	s5 =	sadd.s32 $0xCC00, s0;
	s8 =	sshrl.u32 s8, $0x3  }
0x11: {  	s10 =	smax.u32 s1, $0x1;
	s7 =	sadd.s32 s7, s0;
	s0 =	sadd.s32 s8, s0  }
0x12: {  	s8 =	sadd.s32 $0x2C00, s9;
	s7 =	sadd.s32 $0x17400, s7;
	s9 =	sadd.s32 $0x52600, s0  }
.LBB2_1:
0x13: {  	[spmem:s11], [sflag:s6] =	dma.local [hbm:s5], $0x1400  }
0x14: {  	_ =	swait.ge [sflag:s12], $0x1400  }
0x15: {  	[sflag:s12] =	ssyncset.done $0x0  }
0x16: {  	[sflag:s12] =	ssyncadd.s32 $0xFFFFEC00  }
0x17: {  	[tilespmem:s3], [sflag:$0x5] =	stream.linear.gather [hbm4b:s7+s3], $0x5000, $0x38;
	[tilespmem:$0x1BD00] =	vst v63  }
0x18: {  	_ =	swait.ge [sflag:s12], $0x5000  }
0x19: {  	[sflag:s12] =	ssyncset.done $0x0  }
0x1a: {  	s0 =	simm.s32 $0x5000;
	[sflag:s12] =	ssyncadd.s32 $0xFFFFB000  }
0x1b: {  	[tilespmem:s0], [sflag:$0x5] =	stream.linear.gather [hbm4b:s8+s3], $0x5000, $0x38;
	[tilespmem:$0x1BD00] =	vst v63  }
0x1c: {  	_ =	swait.ge [sflag:s12], $0x5000  }
0x1d: {  	[sflag:s12] =	ssyncset.done $0x0  }
0x1e: {  	[sflag:s12] =	ssyncadd.s32 $0xFFFFB000  }
0x1f: {  	[bflag:$0x0] =	sbarrier.arrive $0xFFFF  }
0x20: {  	[tilespmem:s15], [sflag:$0x1] =	stream.indirect.gather [hbm4b:s4+s14], $0x40, s3, s14, $0xb8;
	[tilespmem:$0x1BD00] =	vst v63  }
0x21: {  	_ = 	snop  }
0x22: {  	[tilespmem:s17], [sflag:$0x2] =	stream.indirect.gather [hbm4b:s4+s14], $0x40, s16, s14, $0xb8;
	[tilespmem:$0x1BD00] =	vst v63  }
0x23: {  	_ = 	snop  }
0x24: {  	[tilespmem:s19], [sflag:$0x3] =	stream.indirect.gather [hbm4b:s4+s14], $0x40, s18, s14, $0xb8;
	[tilespmem:$0x1BD00] =	vst v63  }
0x25: {  	_ = 	snop  }
0x26: {  	[tilespmem:s21], [sflag:$0x4] =	stream.indirect.gather [hbm4b:s4+s14], $0x40, s20, s14, $0xb8;
	[tilespmem:$0x1BD00] =	vst v63  }
0x27: {  	_ =	swait.ge [sflag:s22], $0x1F40  }
0x28: {  	[sflag:s22] =	ssyncset.done $0x0  }
0x29: {  	s13 =	simm.s32 $0x5000;
	[sflag:s22] =	ssyncadd.s32 $0xFFFFE0C0  }
0x2a: {  	[spmem:s2] =	stream.indirect.scatter.add.f32 [tilespmem:s15], [sflag:$0x5], $0x40, s13, s14, $0xb8;
	[tilespmem:$0x1BD00] =	vst v63  }
0x2b: {  	_ =	swait.ge [sflag:s12], $0x1F40  }
0x2c: {  	[sflag:s12] =	ssyncset.done $0x0  }
0x2d: {  	s1 =	simm.s32 $0x200;
	[sflag:s12] =	ssyncadd.s32 $0xFFFFE0C0  }
0x2e: {  	[tilespmem:s15], [sflag:$0x1] =	stream.indirect.gather [hbm4b:s4+s14], $0x40, s1, s14, $0xb8;
	[tilespmem:$0x1BD00] =	vst v63  }
0x2f: {  	_ =	swait.ge [sflag:s23], $0x1F40  }
0x30: {  	[sflag:s23] =	ssyncset.done $0x0  }
0x31: {  	s13 =	simm.s32 $0x5080;
	[sflag:s23] =	ssyncadd.s32 $0xFFFFE0C0  }
0x32: {  	[spmem:s2] =	stream.indirect.scatter.add.f32 [tilespmem:s17], [sflag:$0x5], $0x40, s13, s14, $0xb8;
	[tilespmem:$0x1BD00] =	vst v63  }
0x33: {  	_ =	swait.ge [sflag:s12], $0x1F40  }
0x34: {  	[sflag:s12] =	ssyncset.done $0x0  }
0x35: {  	s1 =	simm.s32 $0x280;
	[sflag:s12] =	ssyncadd.s32 $0xFFFFE0C0  }
0x36: {  	[tilespmem:s17], [sflag:$0x2] =	stream.indirect.gather [hbm4b:s4+s14], $0x40, s1, s14, $0xb8;
	[tilespmem:$0x1BD00] =	vst v63  }
0x37: {  	_ =	swait.ge [sflag:s24], $0x1F40  }
0x38: {  	[sflag:s24] =	ssyncset.done $0x0  }
0x39: {  	s13 =	simm.s32 $0x5100;
	[sflag:s24] =	ssyncadd.s32 $0xFFFFE0C0  }
0x3a: {  	[spmem:s2] =	stream.indirect.scatter.add.f32 [tilespmem:s19], [sflag:$0x5], $0x40, s13, s14, $0xb8;
	[tilespmem:$0x1BD00] =	vst v63  }
0x3b: {  	_ =	swait.ge [sflag:s12], $0x1F40  }
0x3c: {  	[sflag:s12] =	ssyncset.done $0x0  }
0x3d: {  	s1 =	simm.s32 $0x300;
	[sflag:s12] =	ssyncadd.s32 $0xFFFFE0C0  }
0x3e: {  	[tilespmem:s19], [sflag:$0x3] =	stream.indirect.gather [hbm4b:s4+s14], $0x40, s1, s14, $0xb8;
	[tilespmem:$0x1BD00] =	vst v63  }
0x3f: {  	_ =	swait.ge [sflag:s25], $0x1F40  }
0x40: {  	[sflag:s25] =	ssyncset.done $0x0  }
0x41: {  	s13 =	simm.s32 $0x5180;
	[sflag:s25] =	ssyncadd.s32 $0xFFFFE0C0  }
0x42: {  	[spmem:s2] =	stream.indirect.scatter.add.f32 [tilespmem:s21], [sflag:$0x5], $0x40, s13, s14, $0xb8;
	[tilespmem:$0x1BD00] =	vst v63  }
0x43: {  	_ =	swait.ge [sflag:s12], $0x1F40  }
0x44: {  	[sflag:s12] =	ssyncset.done $0x0  }
0x45: {  	s0 =	simm.s32 $0x380;
	s1 =	simm.s32 $0x800;
	[sflag:s12] =	ssyncadd.s32 $0xFFFFE0C0  }
.LBB2_2:
0x46: {  	[tilespmem:s21], [sflag:$0x4] =	stream.indirect.gather [hbm4b:s4+s14], $0x40, s0, s14, $0xb8;
	[tilespmem:$0x1BD00] =	vst v63  }
0x47: {  	s0 =	smov.u32 s1  }
0x48: {  	p0 =	sne.s32 s1, $0x13000;
	s1 =	sadd.s32 $0x800, s1;
	_ =	swait.ge [sflag:s22], $0x1F40  }
0x49: {  	s0 =	sshra.s32 s0, $0x2;
	[sflag:s22] =	ssyncset.done $0x0  }
0x4a: {  	s13 =	sadd.s32 $0x5000, s0;
	[sflag:s22] =	ssyncadd.s32 $0xFFFFE0C0  }
0x4b: {  	[spmem:s2] =	stream.indirect.scatter.add.f32 [tilespmem:s15], [sflag:$0x5], $0x40, s13, s14, $0xb8;
	[tilespmem:$0x1BD00] =	vst v63  }
0x4c: {  	_ =	swait.ge [sflag:s12], $0x1F40  }
0x4d: {  	[sflag:s12] =	ssyncset.done $0x0  }
0x4e: {  	s13 =	sadd.s32 $0x200, s0;
	[sflag:s12] =	ssyncadd.s32 $0xFFFFE0C0  }
0x4f: {  	[tilespmem:s15], [sflag:$0x1] =	stream.indirect.gather [hbm4b:s4+s14], $0x40, s13, s14, $0xb8;
	[tilespmem:$0x1BD00] =	vst v63  }
0x50: {  	_ =	swait.ge [sflag:s23], $0x1F40  }
0x51: {  	[sflag:s23] =	ssyncset.done $0x0  }
0x52: {  	s13 =	sadd.s32 $0x5080, s0;
	[sflag:s23] =	ssyncadd.s32 $0xFFFFE0C0  }
0x53: {  	[spmem:s2] =	stream.indirect.scatter.add.f32 [tilespmem:s17], [sflag:$0x5], $0x40, s13, s14, $0xb8;
	[tilespmem:$0x1BD00] =	vst v63  }
0x54: {  	_ =	swait.ge [sflag:s12], $0x1F40  }
0x55: {  	[sflag:s12] =	ssyncset.done $0x0  }
0x56: {  	s13 =	sadd.s32 $0x280, s0;
	[sflag:s12] =	ssyncadd.s32 $0xFFFFE0C0  }
0x57: {  	[tilespmem:s17], [sflag:$0x2] =	stream.indirect.gather [hbm4b:s4+s14], $0x40, s13, s14, $0xb8;
	[tilespmem:$0x1BD00] =	vst v63  }
0x58: {  	_ =	swait.ge [sflag:s24], $0x1F40  }
0x59: {  	[sflag:s24] =	ssyncset.done $0x0  }
0x5a: {  	s13 =	sadd.s32 $0x5100, s0;
	[sflag:s24] =	ssyncadd.s32 $0xFFFFE0C0  }
0x5b: {  	[spmem:s2] =	stream.indirect.scatter.add.f32 [tilespmem:s19], [sflag:$0x5], $0x40, s13, s14, $0xb8;
	[tilespmem:$0x1BD00] =	vst v63  }
0x5c: {  	_ =	swait.ge [sflag:s12], $0x1F40  }
0x5d: {  	[sflag:s12] =	ssyncset.done $0x0  }
0x5e: {  	s13 =	sadd.s32 $0x300, s0;
	[sflag:s12] =	ssyncadd.s32 $0xFFFFE0C0  }
0x5f: {  	[tilespmem:s19], [sflag:$0x3] =	stream.indirect.gather [hbm4b:s4+s14], $0x40, s13, s14, $0xb8;
	[tilespmem:$0x1BD00] =	vst v63  }
0x60: {  	_ =	swait.ge [sflag:s25], $0x1F40  }
0x61: {  	[sflag:s25] =	ssyncset.done $0x0  }
.Ltmp0:
0x62: {  	s13 =	sadd.s32 $0x5180, s0;
	[sflag:s25] =	ssyncadd.s32 $0xFFFFE0C0;
	(pc) =	sbr.rel @p0 .LBB2_2-.Ltmp0, $4  }
0x63: {  	[spmem:s2] =	stream.indirect.scatter.add.f32 [tilespmem:s21], [sflag:$0x5], $0x40, s13, s14, $0xb8;
	[tilespmem:$0x1BD00] =	vst v63  }
0x64: {  	_ =	swait.ge [sflag:s12], $0x1F40  }
0x65: {  	[sflag:s12] =	ssyncset.done $0x0  }
0x66: {  	s0 =	sadd.s32 $0x380, s0;
	[sflag:s12] =	ssyncadd.s32 $0xFFFFE0C0  }
0x67: {  	[tilespmem:s21], [sflag:$0x4] =	stream.indirect.gather [hbm4b:s4+s14], $0x40, s0, s14, $0xb8;
	[tilespmem:$0x1BD00] =	vst v63  }
0x68: {  	_ =	swait.ge [sflag:s22], $0x1F40  }
0x69: {  	[sflag:s22] =	ssyncset.done $0x0  }
0x6a: {  	[sflag:s22] =	ssyncadd.s32 $0xFFFFE0C0  }
0x6b: {  	[spmem:s2] =	stream.indirect.scatter.add.f32 [tilespmem:s15], [sflag:$0x5], $0x40, s26, s14, $0xb8;
	[tilespmem:$0x1BD00] =	vst v63  }
0x6c: {  	_ =	swait.ge [sflag:s12], $0x1F40  }
0x6d: {  	[sflag:s12] =	ssyncset.done $0x0  }
0x6e: {  	[sflag:s12] =	ssyncadd.s32 $0xFFFFE0C0  }
0x6f: {  	_ =	swait.ge [sflag:s23], $0x1F40  }
0x70: {  	[sflag:s23] =	ssyncset.done $0x0  }
0x71: {  	[sflag:s23] =	ssyncadd.s32 $0xFFFFE0C0  }
0x72: {  	[spmem:s2] =	stream.indirect.scatter.add.f32 [tilespmem:s17], [sflag:$0x5], $0x40, s28, s14, $0xb8;
	[tilespmem:$0x1BD00] =	vst v63  }
0x73: {  	_ =	swait.ge [sflag:s12], $0x1F40  }
0x74: {  	[sflag:s12] =	ssyncset.done $0x0  }
0x75: {  	[sflag:s12] =	ssyncadd.s32 $0xFFFFE0C0  }
0x76: {  	_ =	swait.ge [sflag:s24], $0x1F40  }
0x77: {  	[sflag:s24] =	ssyncset.done $0x0  }
0x78: {  	[sflag:s24] =	ssyncadd.s32 $0xFFFFE0C0  }
0x79: {  	[spmem:s2] =	stream.indirect.scatter.add.f32 [tilespmem:s19], [sflag:$0x5], $0x40, s29, s14, $0xb8;
	[tilespmem:$0x1BD00] =	vst v63  }
0x7a: {  	_ =	swait.ge [sflag:s12], $0x1F40  }
0x7b: {  	[sflag:s12] =	ssyncset.done $0x0  }
0x7c: {  	[sflag:s12] =	ssyncadd.s32 $0xFFFFE0C0  }
0x7d: {  	_ =	swait.ge [sflag:s25], $0x1F40  }
0x7e: {  	[sflag:s25] =	ssyncset.done $0x0  }
0x7f: {  	[sflag:s25] =	ssyncadd.s32 $0xFFFFE0C0  }
0x80: {  	[spmem:s2] =	stream.indirect.scatter.add.f32 [tilespmem:s21], [sflag:$0x5], $0x40, s30, s14, $0xb8;
	[tilespmem:$0x1BD00] =	vst v63  }
0x81: {  	_ =	swait.ge [sflag:s12], $0x1F40  }
0x82: {  	s31 =	sadd.s32 $0x1, s31;
	[sflag:s12] =	ssyncset.done $0x0  }
0x83: {  	p0 =	sne.s32 s31, s10;
	[sflag:s12] =	ssyncadd.s32 $0xFFFFE0C0  }
.Ltmp1:
0x84: {  	[bflag:$0x0] =	sbarrier.arrive $0xFFFF;
	(pc) =	sbr.rel @p0 .LBB2_1-.Ltmp1, $4  }
0x85: {  	[hbm:s9], [sflag:s6] =	dma.local [spmem:s11], $0x1400  }
0x86: {  	_ =	swait.ge [sflag:s12], $0x1400  }
0x87: {  	[sflag:s12] =	ssyncset.done $0x0  }
0x88: {  	[sflag:s12] =	ssyncadd.s32 $0xFFFFEC00  }
0x89: {  	_ =	sfence.sel $0x180000  }
0x8a: {  	[bflag:$0x0] =	sbarrier.arrive $0xFFFF  }
0x8b: {  	_ =	strace $0x9000004A  }
0x8c: {  	s0 =	stileid.u32;
	[bflag:$0x2] =	sbarrier.arrive $0xFFFF  }
0x8d: {  	p0 =	sne.s32 s0, $0x0;
	s0 =	rddreg [dreg:$0x2]  }
0x8e: {  	s0 =	sadd.s32 @!p0 $0x100000, s0  }
0x8f: {  	[sflag:s0] =	ssyncadd.tile.s32 @!p0 $0x1;
	_ =	shalt  }
.Lfunc_end2:
_tile_overlayer_lowered:
.L_overlay_start_2:
0x90: {  	(tag) =	ssettag $0x2  }
0x91: {  	s0 =	rddreg [dreg:$0x0];
	s2 =	stileid.u32  }
0x92: {  	s1 =	rddreg [dreg:$0x1];
	p0 =	sne.s32 s2, $0x0  }
0x93: {  	s3 =	rddreg [dreg:$0x2];
	[bflag:$0x3] =	sbarrier.arrive $0xFFFF;
	s2 =	simm.s32 @!p0 $0x1C05  }
0x94: {  	[timem:s3], [sflag:s2] =	dma.local @!p0 [hbm:s0], s1  }
0x95: {  	s0 =	simm.s32 @!p0 $0x5  }
0x96: {  	_ =	swait.ge @!p0 [sflag:s0], s1  }
0x97: {  	s1 =	ssub.s32 @!p0 $0x0, s1;
	[sflag:s0] =	ssyncset.done @!p0 $0x0  }
0x98: {  	[sflag:s0] =	ssyncadd.s32 @!p0 s1  }
0x99: {  	[bflag:$0x3] =	sbarrier.arrive $0xFFFF  }
0x9a: {  	_ =	shalt  }

// kernel: kernel.18.cloned.1.call-start
scs
__scs_entry_jumppad:
0x0: {  	(pc) =	sbr.rel $0x88, $3  }
0x1: {  	(tag) =	ssettag $0x0;
	lr =	simm.s32 $0x1  }
0x2: {  	[smem:$0x3F94] =	sst lr;
	_ =	strace $0xD0000000  }
0x3: {  	_ = 	snop  }
0x4: {  	_ = 	snop  }
0x5: {  	_ = 	snop  }
0x6: {  	_ = 	snop  }
0x7: {  	_ = 	snop  }
__scs_overlays_trampoline_lowered:
0x8: {  	[smem:$0x3FA3] =	sst s0  }
0x9: {  	[smem:$0x3FA4] =	sst s1  }
0xa: {  	[smem:$0x3FA5] =	sst s2  }
0xb: {  	[smem:$0x3FA6] =	sst s3  }
0xc: {  	[smem:$0x3FA7] =	sst s4  }
0xd: {  	[smem:$0x3FA8] =	sst s5  }
0xe: {  	[smem:$0x3FA9] =	sst s6  }
0xf: {  	[smem:$0x3FAA] =	sst s7  }
0x10: {  	[smem:$0x3FAB] =	sst s8  }
0x11: {  	[smem:$0x3FAC] =	sst s9;
	s0 =	simm.s32 @!p0 $0x0  }
0x12: {  	s1 =	sld [smem:$0x3F92];
	s0 =	simm.s32 @p0 $0x1  }
0x13: {  	[smem:$0x3FAD] =	sst s0;
	s0 =	simm.s32 @!p1 $0x0  }
0x14: {  	s2 =	sld [smem:$0x3F91];
	s0 =	simm.s32 @p1 $0x1  }
0x15: {  	[smem:$0x3FAE] =	sst s0;
	s0 =	simm.s32 @!p2 $0x0  }
0x16: {  	s3 =	sld [smem:$0x3FDB];
	s0 =	simm.s32 @p2 $0x1  }
0x17: {  	s4 =	simm.s32 $0x1BF5;
	[smem:$0x3FB0] =	sst s0  }
0x18: {  	s0 =	sld [smem:$0x3F93];
	_ =	swait.ge [sflag:s4], $0x0  }
0x19: {  	s7 =	sld [smem:$0x3F94]  }
0x1a: {  	s8 =	sadd.s32 $0xFFFFE003, lr  }
0x1b: {  	s9 =	sadd.s32 $0xFFFFFEF7, lr;
	s5 =	simm.s32 $0xFFFFFFFF;
	p2 =	slt.u32 s8, $0xFFFFF086  }
0x1c: {  	p1 =	slt.u32 s9, $0xF7A;
	s5 =	simm.s32 @!p2 $0x0  }
0x1d: {  	s5 =	simm.s32 @p1 $0x1;
	p0 =	seq.s32 s7, s2  }
0x1e: {  	s7 =	smul.u32 @!p0 $0xF7A, s2;
	p2 =	seq.s32 @!p0 s5, $0x0  }
0x1f: {  	s9 =	smul.u32 $0xF7A, s1;
	s8 =	simm.s32 @!p0 $0x1BF5;
	p2 =	por !p2, p0  }
0x20: {  	[sflag:s8] =	ssyncset.s32 @!p0 $0xFFFFF086;
	s6 =	sadd.s32 @!p0 s3, s7;
	s7 =	simm.s32 @!p0 $0x108  }
0x21: {  	s3 =	sadd.s32 s3, s9;
	s6 =	sadd.s32 @!p0 $0x88, s6;
	s7 =	simm.s32 @p2 $0x1082  }
0x22: {  	[simem:s7], [sflag:s8] =	dma.local @!p0 [hbm:s6], $0xF7A  }
0x23: {  	s9 =	sor.u32 $0xD0000000, s2;
	s6 =	simm.s32 $0x108;
	_ =	swait.ge @!p0 [sflag:s8], $0x0  }
0x24: {  	s3 =	sadd.s32 $0x88, s3;
	s6 =	simm.s32 @!p1 $0x1082;
	[sflag:s4] =	ssyncset.s32 $0xFFFFF086  }
0x25: {  	[simem:s6], [sflag:s4] =	dma.local [hbm:s3], $0xF7A  }
0x26: {  	[smem:$0x3F94] =	sst s1;
	(tag) =	ssettag s2;
	_ =	strace s9  }
0x27: {  	s1 =	sld [smem:$0x3FA4]  }
0x28: {  	s2 =	sld [smem:$0x3FA5]  }
0x29: {  	s4 =	sld [smem:$0x3FA7]  }
0x2a: {  	p0 =	seq.s32 s5, $0x0;
	s5 =	sld [smem:$0x3FA8]  }
0x2b: {  	s6 =	sld [smem:$0x3FA9]  }
0x2c: {  	s7 =	sld [smem:$0x3FAA]  }
0x2d: {  	s3 =	simm.s32 $0x108;
	s8 =	sld [smem:$0x3FAB]  }
0x2e: {  	s3 =	simm.s32 @!p0 $0x1082;
	s9 =	sld [smem:$0x3FAC]  }
0x2f: {  	lr =	sadd.s32 s0, s3;
	s0 =	sld [smem:$0x3FA3]  }
0x30: {  	s3 =	sld [smem:$0x3FA6]  }
0x31: {  	[smem:$0x3FAF] =	sst s10  }
0x32: {  	s10 =	sld [smem:$0x3FAD];
	_ =	sdelay $0x3  }
0x33: {  	p0 =	seq.s32 s10, $0x1;
	s10 =	sld [smem:$0x3FAF];
	_ =	sdelay $0x3  }
0x34: {  	[smem:$0x3FAF] =	sst s10  }
0x35: {  	s10 =	sld [smem:$0x3FAE];
	_ =	sdelay $0x3  }
0x36: {  	p1 =	seq.s32 s10, $0x1;
	s10 =	sld [smem:$0x3FAF];
	_ =	sdelay $0x3  }
0x37: {  	[smem:$0x3FAF] =	sst s10  }
0x38: {  	s10 =	sld [smem:$0x3FB0]  }
0x39: {  	_ = 	snop;
	(pc) =	sbr.ind lr, $3  }
0x3a: {  	_ = 	snop  }
0x3b: {  	_ = 	snop  }
0x3c: {  	p2 =	seq.s32 s10, $0x1;
	s10 =	sld [smem:$0x3FAF]  }
0x3d: {  	_ =	shalt  }
0x3e: {  	_ =	shalt  }
0x3f: {  	_ =	shalt  }
0x40: {  	_ =	shalt  }
0x41: {  	_ =	shalt  }
0x42: {  	_ =	shalt  }
0x43: {  	_ =	shalt  }
0x44: {  	_ =	shalt  }
0x45: {  	_ =	shalt  }
0x46: {  	_ =	shalt  }
0x47: {  	_ =	shalt  }
0x48: {  	_ =	shalt  }
0x49: {  	_ =	shalt  }
0x4a: {  	_ =	shalt  }
0x4b: {  	_ =	shalt  }
0x4c: {  	_ =	shalt  }
0x4d: {  	_ =	shalt  }
0x4e: {  	_ =	shalt  }
0x4f: {  	_ =	shalt  }
0x50: {  	_ =	shalt  }
0x51: {  	_ =	shalt  }
0x52: {  	_ =	shalt  }
0x53: {  	_ =	shalt  }
0x54: {  	_ =	shalt  }
0x55: {  	_ =	shalt  }
0x56: {  	_ =	shalt  }
0x57: {  	_ =	shalt  }
0x58: {  	_ =	shalt  }
0x59: {  	_ =	shalt  }
0x5a: {  	_ =	shalt  }
0x5b: {  	_ =	shalt  }
0x5c: {  	_ =	shalt  }
0x5d: {  	_ =	shalt  }
0x5e: {  	_ =	shalt  }
0x5f: {  	_ =	shalt  }
0x60: {  	_ =	shalt  }
0x61: {  	_ =	shalt  }
0x62: {  	_ =	shalt  }
0x63: {  	_ =	shalt  }
0x64: {  	_ =	shalt  }
0x65: {  	_ =	shalt  }
0x66: {  	_ =	shalt  }
0x67: {  	_ =	shalt  }
0x68: {  	_ =	shalt  }
0x69: {  	_ =	shalt  }
0x6a: {  	_ =	shalt  }
0x6b: {  	_ =	shalt  }
0x6c: {  	_ =	shalt  }
0x6d: {  	_ =	shalt  }
0x6e: {  	_ =	shalt  }
0x6f: {  	_ =	shalt  }
0x70: {  	_ =	shalt  }
0x71: {  	_ =	shalt  }
0x72: {  	_ =	shalt  }
0x73: {  	_ =	shalt  }
0x74: {  	_ =	shalt  }
0x75: {  	_ =	shalt  }
0x76: {  	_ =	shalt  }
0x77: {  	_ =	shalt  }
0x78: {  	_ =	shalt  }
0x79: {  	_ =	shalt  }
0x7a: {  	_ =	shalt  }
0x7b: {  	_ =	shalt  }
0x7c: {  	_ =	shalt  }
0x7d: {  	_ =	shalt  }
0x7e: {  	_ =	shalt  }
0x7f: {  	_ =	shalt  }
0x80: {  	_ =	shalt  }
0x81: {  	_ =	shalt  }
0x82: {  	_ =	shalt  }
0x83: {  	_ =	shalt  }
0x84: {  	_ =	shalt  }
0x85: {  	_ =	shalt  }
0x86: {  	_ =	shalt  }
0x87: {  	_ =	shalt  }
.Lfunc_end0:
.L_simem_size_0:
called_computation.2_lowered:
.L_overlay_start_0:
0x88: {  	s2 =	sld [smem:$0x3FD9]  }
0x89: {  	s3 =	sld [smem:$0x3FFE];
	_ =	sdelay $0x1  }
0x8a: {  	s1 =	srdreg.scid  }
0x8b: {  	s0 =	sand.u32 $0x1, s1  }
0x8c: {  	s17 =	sshll.u32 s0, $0xA;
	s2 =	sadd.s32 s3, s2  }
0x8d: {  	s2 =	sadd.s32 s2, s17  }
0x8e: {  	[smem:$0x3FBB] =	sst s2  }
0x8f: {  	_ = 	snop  }
0x90: {  	(tm) =	ssettm $0x1  }
0x91: {  	s18 =	sld [smem:$0x3FFB];
	_ =	sdelay $0x3  }
0x92: {  	_ =	strace s18  }
0x93: {  	s2 =	sld [smem:$0x3FFC];
	_ =	sdelay $0x3  }
0x94: {  	_ =	strace s2  }
0x95: {  	s2 =	sld [smem:$0x3FFD];
	_ =	sdelay $0x3  }
0x96: {  	_ =	strace s2  }
0x97: {  	_ =	strace $0x8FFFFFFF  }
0x98: {  	s19 =	sld [smem:$0x3FDB];
	_ =	sdelay $0x1  }
0x99: {  	s20 =	simm.s32 $_scs_section_size  }
0x9a: {  	s4 =	simm.s32 $_size__tile_overlayer_lowered;
	s5 =	simm.s32 $_tile_overlayer_lowered  }
0x9b: {  	s6 =	simm.s32 $0x1BFF;
	s21 =	sshll.u32 s5, $0x1;
	s3 =	sadd.s32 s20, s19  }
0x9c: {  	s22 =	simm.s32 $0x0;
	s4 =	sshll.u32 s4, $0x1;
	s5 =	sadd.s32 s21, s3  }
0x9d: {  	[timem:s22], [sflag:s6] =	dma.local [hbm:s5], s4  }
0x9e: {  	_ =	swait.ge [sflag:s6], s4  }
0x9f: {  	s4 =	ssub.s32 $0x0, s4;
	[sflag:s6] =	ssyncset.done $0x0  }
0xa0: {  	[sflag:s6] =	ssyncadd.s32 s4;
	_ =	sdelay $0x1  }
0xa1: {  	s23 =	simm.s32 $0x1B8B  }
0xa2: {  	_ =	swait.ge [sflag:s23], $0x1  }
0xa3: {  	[sflag:s23] =	ssyncset.done $0x0  }
0xa4: {  	[sflag:s23] =	ssyncadd.s32 $0xFFFFFFFF  }
0xa5: {  	s4 =	sld [smem:$0x0]  }
0xa6: {  	s5 =	sand.u32 $0xFFFFFFFE, s1  }
0xa7: {  	p0 =	sne.s32 s1, s5  }
0xa8: {  	s5 =	sshll.u32 @p0 s5, $0xE  }
0xa9: {  	s5 =	sadd.s32 @p0 $0x11B8D, s5;
	s6 =	sshll.u32 @p0 s4, $0x11  }
0xaa: {  	s5 =	sor.u32 @p0 s6, s5  }
0xab: {  	[sflag:s5] =	ssyncadd.remote.s32 @p0 $0x1;
	_ =	sdelay $0x1  }
0xac: {  	s5 =	simm.s32 @p0 $0x1B8D  }
0xad: {  	_ =	swait.eq @p0 [sflag:s5], $0x1  }
0xae: {  	[sflag:s5] =	ssyncadd.s32 @p0 $0xFFFFFFFF  }
0xaf: {  	s6 =	sshll.u32 @!p0 s1, $0xE  }
0xb0: {  	s6 =	sor.u32 @!p0 $0x4000, s6;
	s5 =	simm.s32 @!p0 $0x1B8D  }
0xb1: {  	s4 =	sshll.u32 @!p0 s4, $0x11;
	s6 =	sadd.s32 @!p0 $0x11B8D, s6;
	_ =	swait.eq @!p0 [sflag:s5], $0x1  }
0xb2: {  	s4 =	sor.u32 @!p0 s4, s6;
	[sflag:s5] =	ssyncadd.s32 @!p0 $0xFFFFFFFF  }
0xb3: {  	s25 =	simm.s32 $0x1B8E;
	s24 =	sld [smem:$0x3FFE];
	[sflag:s4] =	ssyncadd.remote.s32 @!p0 $0x1  }
0xb4: {  	s26 =	simm.s32 $execute0_lowered;
	[smem:$0x3FD2] =	sst s25  }
0xb5: {  	s5 =	sshll.u32 s26, $0x1;
	_ =	strace $0x8000004F;
	[dreg:$0x1] =	wrdreg $0xFFFFFFFF  }
0xb6: {  	s28 =	simm.s32 $_size_execute0_lowered;
	s3 =	sadd.s32 s3, s5;
	[dreg:$0x0] =	wrdreg $0x0  }
0xb7: {  	s5 =	sshll.u32 s28, $0x1;
	[dreg:$0x2] =	wrdreg s3  }
0xb8: {  	[dreg:$0x3] =	wrdreg s5  }
0xb9: {  	[dreg:$0x4] =	wrdreg $0xC0  }
0xba: {  	_ =	task [dreg:s22], $0x5FFFF  }
0xbb: {  	[dreg:$0x1] =	wrdreg $0xFFFFFFFF  }
0xbc: {  	[dreg:$0x0] =	wrdreg $0x60  }
0xbd: {  	[dreg:$0x2] =	wrdreg s24  }
0xbe: {  	[dreg:$0x3] =	wrdreg $0x11D000  }
0xbf: {  	[dreg:$0x4] =	wrdreg $0x9  }
0xc0: {  	_ =	task.clear_ibuf [dreg:s22], $0x5FFFF;
	_ =	strace $0x9000004F  }
0xc1: {  	s29 =	simm.s32 $0x9;
	_ =	strace $0x80000051  }
0xc2: {  	_ =	swait.ge [sflag:s29], $0x1  }
0xc3: {  	[sflag:s29] =	ssyncadd.s32 $0xFFFFFFFF  }
0xc4: {  	_ =	strace $0x90000051  }
0xc5: {  	_ =	sfence  }
0xc6: {  	s30 =	sld [smem:$0x0];
	_ =	sdelay $0x2  }
0xc7: {  	s31 =	sshll.u32 s1, $0xD;
	s1 =	sshrl.u32 s1, $0x2  }
0xc8: {  	s4 =	sand.u32 $0x4000, s31;
	s1 =	sadd.s32 s1, s30  }
0xc9: {  	s0 =	sor.u32 s4, s0;
	s1 =	sshll.u32 s1, $0x11  }
0xca: {  	s0 =	sor.u32 s1, s0  }
0xcb: {  	s0 =	sadd.s32 $0x8F2B, s0  }
0xcc: {  	[sflag:s0] =	ssyncadd.remote.s32 $0x1  }
0xcd: {  	_ =	sfence.sel $0xFFFF  }
0xce: {  	[dreg:$0x0] =	wrdreg $0xFFFFFFFF;
	(pc) =	sbr.abs _section_cstart, $3  }
0xcf: {  	[dreg:$0x1] =	wrdreg $0xFFFFFFFF  }
0xd0: {  	_ =	task.clear_ibuf [dreg:s22], $0x2FFFF;
	_ =	strace $0x9FFFFFFF  }
0xd1: {  	(tm) =	ssettm $0x7FFFFFFF  }
tec
execute0_lowered:
.L_overlay_start_1:
0x0: {  	(tag) =	ssettag $0x1  }
0x1: {  	s0 =	rddreg [dreg:$0x0]  }
0x2: {  	s1 =	srdreg.scid;
	s10 =	stileid.u32  }
0x3: {  	s2 =	rddreg [dreg:$0x1];
	s3 =	simm.s32 $0x0;
	s12 =	simm.s32 $0x5  }
0x4: {  	s14 =	simm.s32 $0x7D;
	s15 =	simm.s32 $0xA000;
	s16 =	simm.s32 $0x80  }
0x5: {  	s17 =	simm.s32 $0xBF40;
	s18 =	simm.s32 $0x100;
	s19 =	simm.s32 $0xDE80  }
0x6: {  	s20 =	simm.s32 $0x180;
	s21 =	simm.s32 $0xFDC0;
	s22 =	simm.s32 $0x1  }
0x7: {  	s23 =	simm.s32 $0x2;
	s24 =	simm.s32 $0x3;
	s25 =	simm.s32 $0x4  }
0x8: {  	s28 =	simm.s32 $0x9E80;
	s29 =	simm.s32 $0x9F00;
	s5 =	smul.u32 $0x5000, s10  }
0x9: {  	s30 =	simm.s32 $0x9F80;
	s1 =	sand.u32 $0x1, s1;
	s6 =	smul.u32 $0xA000, s10  }
0xa: {  	s31 =	simm.s32 $0x0;
	[smem:$0x7FF] =	sst s3;
	s4 =	smul.u32 $0x50000, s1  }
0xb: {  	s10 =	sshll.u32 s10, $0x6;
	s8 =	smul.u32 $0xA0000, s1;
	s1 =	ssub.s32 $0x2, s1  }
0xc: {  	_ =	strace $0x80000050;
	s26 =	sshrl.u32 s1, $0x1;
	s11 =	sadd.s32 s6, s2  }
0xd: {  	s7 =	sadd.s32 s5, s4;
	s4 =	sadd.s32 $0x7A600, s0;
	s5 =	sshrl.u32 s5, $0x3  }
0xe: {  	s8 =	sadd.s32 s6, s8;
	s1 =	ssub.s32 s1, s26;
	s6 =	sor.u32 $0x1C05, s10  }
0xf: {  	s11 =	sshrl.u32 s11, $0x3;
	s26 =	simm.s32 $0x9E00;
	s7 =	sshrl.u32 s7, $0x3  }
0x10: {  	s9 =	sadd.s32 s5, s0;
	s5 =	sadd.s32 $0xCC00, s0;
	s8 =	sshrl.u32 s8, $0x3  }
0x11: {  	s10 =	smax.u32 s1, $0x1;
	s7 =	sadd.s32 s7, s0;
	s0 =	sadd.s32 s8, s0  }
0x12: {  	s8 =	sadd.s32 $0x2C00, s9;
	s7 =	sadd.s32 $0x17400, s7;
	s9 =	sadd.s32 $0xA1800, s0  }
.LBB2_1:
0x13: {  	[spmem:s11], [sflag:s6] =	dma.local [hbm:s5], $0x1400  }
0x14: {  	_ =	swait.ge [sflag:s12], $0x1400  }
0x15: {  	[sflag:s12] =	ssyncset.done $0x0  }
0x16: {  	[sflag:s12] =	ssyncadd.s32 $0xFFFFEC00  }
0x17: {  	[tilespmem:s3], [sflag:$0x5] =	stream.linear.gather [hbm4b:s7+s3], $0x5000, $0x38;
	[tilespmem:$0x1BD00] =	vst v63  }
0x18: {  	_ =	swait.ge [sflag:s12], $0x5000  }
0x19: {  	[sflag:s12] =	ssyncset.done $0x0  }
0x1a: {  	s0 =	simm.s32 $0x5000;
	[sflag:s12] =	ssyncadd.s32 $0xFFFFB000  }
0x1b: {  	[tilespmem:s0], [sflag:$0x5] =	stream.linear.gather [hbm4b:s8+s3], $0x5000, $0x38;
	[tilespmem:$0x1BD00] =	vst v63  }
0x1c: {  	_ =	swait.ge [sflag:s12], $0x5000  }
0x1d: {  	[sflag:s12] =	ssyncset.done $0x0  }
0x1e: {  	[sflag:s12] =	ssyncadd.s32 $0xFFFFB000  }
0x1f: {  	[bflag:$0x0] =	sbarrier.arrive $0xFFFF  }
0x20: {  	[tilespmem:s15], [sflag:$0x1] =	stream.indirect.gather [hbm4b:s4+s14], $0x40, s3, s14, $0xb8;
	[tilespmem:$0x1BD00] =	vst v63  }
0x21: {  	_ = 	snop  }
0x22: {  	[tilespmem:s17], [sflag:$0x2] =	stream.indirect.gather [hbm4b:s4+s14], $0x40, s16, s14, $0xb8;
	[tilespmem:$0x1BD00] =	vst v63  }
0x23: {  	_ = 	snop  }
0x24: {  	[tilespmem:s19], [sflag:$0x3] =	stream.indirect.gather [hbm4b:s4+s14], $0x40, s18, s14, $0xb8;
	[tilespmem:$0x1BD00] =	vst v63  }
0x25: {  	_ = 	snop  }
0x26: {  	[tilespmem:s21], [sflag:$0x4] =	stream.indirect.gather [hbm4b:s4+s14], $0x40, s20, s14, $0xb8;
	[tilespmem:$0x1BD00] =	vst v63  }
0x27: {  	_ =	swait.ge [sflag:s22], $0x1F40  }
0x28: {  	[sflag:s22] =	ssyncset.done $0x0  }
0x29: {  	s13 =	simm.s32 $0x5000;
	[sflag:s22] =	ssyncadd.s32 $0xFFFFE0C0  }
0x2a: {  	[spmem:s2] =	stream.indirect.scatter.add.f32 [tilespmem:s15], [sflag:$0x5], $0x40, s13, s14, $0xb8;
	[tilespmem:$0x1BD00] =	vst v63  }
0x2b: {  	_ =	swait.ge [sflag:s12], $0x1F40  }
0x2c: {  	[sflag:s12] =	ssyncset.done $0x0  }
0x2d: {  	s1 =	simm.s32 $0x200;
	[sflag:s12] =	ssyncadd.s32 $0xFFFFE0C0  }
0x2e: {  	[tilespmem:s15], [sflag:$0x1] =	stream.indirect.gather [hbm4b:s4+s14], $0x40, s1, s14, $0xb8;
	[tilespmem:$0x1BD00] =	vst v63  }
0x2f: {  	_ =	swait.ge [sflag:s23], $0x1F40  }
0x30: {  	[sflag:s23] =	ssyncset.done $0x0  }
0x31: {  	s13 =	simm.s32 $0x5080;
	[sflag:s23] =	ssyncadd.s32 $0xFFFFE0C0  }
0x32: {  	[spmem:s2] =	stream.indirect.scatter.add.f32 [tilespmem:s17], [sflag:$0x5], $0x40, s13, s14, $0xb8;
	[tilespmem:$0x1BD00] =	vst v63  }
0x33: {  	_ =	swait.ge [sflag:s12], $0x1F40  }
0x34: {  	[sflag:s12] =	ssyncset.done $0x0  }
0x35: {  	s1 =	simm.s32 $0x280;
	[sflag:s12] =	ssyncadd.s32 $0xFFFFE0C0  }
0x36: {  	[tilespmem:s17], [sflag:$0x2] =	stream.indirect.gather [hbm4b:s4+s14], $0x40, s1, s14, $0xb8;
	[tilespmem:$0x1BD00] =	vst v63  }
0x37: {  	_ =	swait.ge [sflag:s24], $0x1F40  }
0x38: {  	[sflag:s24] =	ssyncset.done $0x0  }
0x39: {  	s13 =	simm.s32 $0x5100;
	[sflag:s24] =	ssyncadd.s32 $0xFFFFE0C0  }
0x3a: {  	[spmem:s2] =	stream.indirect.scatter.add.f32 [tilespmem:s19], [sflag:$0x5], $0x40, s13, s14, $0xb8;
	[tilespmem:$0x1BD00] =	vst v63  }
0x3b: {  	_ =	swait.ge [sflag:s12], $0x1F40  }
0x3c: {  	[sflag:s12] =	ssyncset.done $0x0  }
0x3d: {  	s1 =	simm.s32 $0x300;
	[sflag:s12] =	ssyncadd.s32 $0xFFFFE0C0  }
0x3e: {  	[tilespmem:s19], [sflag:$0x3] =	stream.indirect.gather [hbm4b:s4+s14], $0x40, s1, s14, $0xb8;
	[tilespmem:$0x1BD00] =	vst v63  }
0x3f: {  	_ =	swait.ge [sflag:s25], $0x1F40  }
0x40: {  	[sflag:s25] =	ssyncset.done $0x0  }
0x41: {  	s13 =	simm.s32 $0x5180;
	[sflag:s25] =	ssyncadd.s32 $0xFFFFE0C0  }
0x42: {  	[spmem:s2] =	stream.indirect.scatter.add.f32 [tilespmem:s21], [sflag:$0x5], $0x40, s13, s14, $0xb8;
	[tilespmem:$0x1BD00] =	vst v63  }
0x43: {  	_ =	swait.ge [sflag:s12], $0x1F40  }
0x44: {  	[sflag:s12] =	ssyncset.done $0x0  }
0x45: {  	s0 =	simm.s32 $0x380;
	s1 =	simm.s32 $0x800;
	[sflag:s12] =	ssyncadd.s32 $0xFFFFE0C0  }
.LBB2_2:
0x46: {  	[tilespmem:s21], [sflag:$0x4] =	stream.indirect.gather [hbm4b:s4+s14], $0x40, s0, s14, $0xb8;
	[tilespmem:$0x1BD00] =	vst v63  }
0x47: {  	s0 =	smov.u32 s1  }
0x48: {  	p0 =	sne.s32 s1, $0x13000;
	s1 =	sadd.s32 $0x800, s1;
	_ =	swait.ge [sflag:s22], $0x1F40  }
0x49: {  	s0 =	sshra.s32 s0, $0x2;
	[sflag:s22] =	ssyncset.done $0x0  }
0x4a: {  	s13 =	sadd.s32 $0x5000, s0;
	[sflag:s22] =	ssyncadd.s32 $0xFFFFE0C0  }
0x4b: {  	[spmem:s2] =	stream.indirect.scatter.add.f32 [tilespmem:s15], [sflag:$0x5], $0x40, s13, s14, $0xb8;
	[tilespmem:$0x1BD00] =	vst v63  }
0x4c: {  	_ =	swait.ge [sflag:s12], $0x1F40  }
0x4d: {  	[sflag:s12] =	ssyncset.done $0x0  }
0x4e: {  	s13 =	sadd.s32 $0x200, s0;
	[sflag:s12] =	ssyncadd.s32 $0xFFFFE0C0  }
0x4f: {  	[tilespmem:s15], [sflag:$0x1] =	stream.indirect.gather [hbm4b:s4+s14], $0x40, s13, s14, $0xb8;
	[tilespmem:$0x1BD00] =	vst v63  }
0x50: {  	_ =	swait.ge [sflag:s23], $0x1F40  }
0x51: {  	[sflag:s23] =	ssyncset.done $0x0  }
0x52: {  	s13 =	sadd.s32 $0x5080, s0;
	[sflag:s23] =	ssyncadd.s32 $0xFFFFE0C0  }
0x53: {  	[spmem:s2] =	stream.indirect.scatter.add.f32 [tilespmem:s17], [sflag:$0x5], $0x40, s13, s14, $0xb8;
	[tilespmem:$0x1BD00] =	vst v63  }
0x54: {  	_ =	swait.ge [sflag:s12], $0x1F40  }
0x55: {  	[sflag:s12] =	ssyncset.done $0x0  }
0x56: {  	s13 =	sadd.s32 $0x280, s0;
	[sflag:s12] =	ssyncadd.s32 $0xFFFFE0C0  }
0x57: {  	[tilespmem:s17], [sflag:$0x2] =	stream.indirect.gather [hbm4b:s4+s14], $0x40, s13, s14, $0xb8;
	[tilespmem:$0x1BD00] =	vst v63  }
0x58: {  	_ =	swait.ge [sflag:s24], $0x1F40  }
0x59: {  	[sflag:s24] =	ssyncset.done $0x0  }
0x5a: {  	s13 =	sadd.s32 $0x5100, s0;
	[sflag:s24] =	ssyncadd.s32 $0xFFFFE0C0  }
0x5b: {  	[spmem:s2] =	stream.indirect.scatter.add.f32 [tilespmem:s19], [sflag:$0x5], $0x40, s13, s14, $0xb8;
	[tilespmem:$0x1BD00] =	vst v63  }
0x5c: {  	_ =	swait.ge [sflag:s12], $0x1F40  }
0x5d: {  	[sflag:s12] =	ssyncset.done $0x0  }
0x5e: {  	s13 =	sadd.s32 $0x300, s0;
	[sflag:s12] =	ssyncadd.s32 $0xFFFFE0C0  }
0x5f: {  	[tilespmem:s19], [sflag:$0x3] =	stream.indirect.gather [hbm4b:s4+s14], $0x40, s13, s14, $0xb8;
	[tilespmem:$0x1BD00] =	vst v63  }
0x60: {  	_ =	swait.ge [sflag:s25], $0x1F40  }
0x61: {  	[sflag:s25] =	ssyncset.done $0x0  }
.Ltmp0:
0x62: {  	s13 =	sadd.s32 $0x5180, s0;
	[sflag:s25] =	ssyncadd.s32 $0xFFFFE0C0;
	(pc) =	sbr.rel @p0 .LBB2_2-.Ltmp0, $4  }
0x63: {  	[spmem:s2] =	stream.indirect.scatter.add.f32 [tilespmem:s21], [sflag:$0x5], $0x40, s13, s14, $0xb8;
	[tilespmem:$0x1BD00] =	vst v63  }
0x64: {  	_ =	swait.ge [sflag:s12], $0x1F40  }
0x65: {  	[sflag:s12] =	ssyncset.done $0x0  }
0x66: {  	s0 =	sadd.s32 $0x380, s0;
	[sflag:s12] =	ssyncadd.s32 $0xFFFFE0C0  }
0x67: {  	[tilespmem:s21], [sflag:$0x4] =	stream.indirect.gather [hbm4b:s4+s14], $0x40, s0, s14, $0xb8;
	[tilespmem:$0x1BD00] =	vst v63  }
0x68: {  	_ =	swait.ge [sflag:s22], $0x1F40  }
0x69: {  	[sflag:s22] =	ssyncset.done $0x0  }
0x6a: {  	[sflag:s22] =	ssyncadd.s32 $0xFFFFE0C0  }
0x6b: {  	[spmem:s2] =	stream.indirect.scatter.add.f32 [tilespmem:s15], [sflag:$0x5], $0x40, s26, s14, $0xb8;
	[tilespmem:$0x1BD00] =	vst v63  }
0x6c: {  	_ =	swait.ge [sflag:s12], $0x1F40  }
0x6d: {  	[sflag:s12] =	ssyncset.done $0x0  }
0x6e: {  	[sflag:s12] =	ssyncadd.s32 $0xFFFFE0C0  }
0x6f: {  	_ =	swait.ge [sflag:s23], $0x1F40  }
0x70: {  	[sflag:s23] =	ssyncset.done $0x0  }
0x71: {  	[sflag:s23] =	ssyncadd.s32 $0xFFFFE0C0  }
0x72: {  	[spmem:s2] =	stream.indirect.scatter.add.f32 [tilespmem:s17], [sflag:$0x5], $0x40, s28, s14, $0xb8;
	[tilespmem:$0x1BD00] =	vst v63  }
0x73: {  	_ =	swait.ge [sflag:s12], $0x1F40  }
0x74: {  	[sflag:s12] =	ssyncset.done $0x0  }
0x75: {  	[sflag:s12] =	ssyncadd.s32 $0xFFFFE0C0  }
0x76: {  	_ =	swait.ge [sflag:s24], $0x1F40  }
0x77: {  	[sflag:s24] =	ssyncset.done $0x0  }
0x78: {  	[sflag:s24] =	ssyncadd.s32 $0xFFFFE0C0  }
0x79: {  	[spmem:s2] =	stream.indirect.scatter.add.f32 [tilespmem:s19], [sflag:$0x5], $0x40, s29, s14, $0xb8;
	[tilespmem:$0x1BD00] =	vst v63  }
0x7a: {  	_ =	swait.ge [sflag:s12], $0x1F40  }
0x7b: {  	[sflag:s12] =	ssyncset.done $0x0  }
0x7c: {  	[sflag:s12] =	ssyncadd.s32 $0xFFFFE0C0  }
0x7d: {  	_ =	swait.ge [sflag:s25], $0x1F40  }
0x7e: {  	[sflag:s25] =	ssyncset.done $0x0  }
0x7f: {  	[sflag:s25] =	ssyncadd.s32 $0xFFFFE0C0  }
0x80: {  	[spmem:s2] =	stream.indirect.scatter.add.f32 [tilespmem:s21], [sflag:$0x5], $0x40, s30, s14, $0xb8;
	[tilespmem:$0x1BD00] =	vst v63  }
0x81: {  	_ =	swait.ge [sflag:s12], $0x1F40  }
0x82: {  	s31 =	sadd.s32 $0x1, s31;
	[sflag:s12] =	ssyncset.done $0x0  }
0x83: {  	p0 =	sne.s32 s31, s10;
	[sflag:s12] =	ssyncadd.s32 $0xFFFFE0C0  }
.Ltmp1:
0x84: {  	[bflag:$0x0] =	sbarrier.arrive $0xFFFF;
	(pc) =	sbr.rel @p0 .LBB2_1-.Ltmp1, $4  }
0x85: {  	[hbm:s9], [sflag:s6] =	dma.local [spmem:s11], $0x1400  }
0x86: {  	_ =	swait.ge [sflag:s12], $0x1400  }
0x87: {  	[sflag:s12] =	ssyncset.done $0x0  }
0x88: {  	[sflag:s12] =	ssyncadd.s32 $0xFFFFEC00  }
0x89: {  	_ =	sfence.sel $0x180000  }
0x8a: {  	[bflag:$0x0] =	sbarrier.arrive $0xFFFF  }
0x8b: {  	_ =	strace $0x90000050  }
0x8c: {  	s0 =	stileid.u32;
	[bflag:$0x2] =	sbarrier.arrive $0xFFFF  }
0x8d: {  	p0 =	sne.s32 s0, $0x0;
	s0 =	rddreg [dreg:$0x2]  }
0x8e: {  	s0 =	sadd.s32 @!p0 $0x100000, s0  }
0x8f: {  	[sflag:s0] =	ssyncadd.tile.s32 @!p0 $0x1;
	_ =	shalt  }
.Lfunc_end2:
_tile_overlayer_lowered:
.L_overlay_start_2:
0x90: {  	(tag) =	ssettag $0x2  }
0x91: {  	s0 =	rddreg [dreg:$0x0];
	s2 =	stileid.u32  }
0x92: {  	s1 =	rddreg [dreg:$0x1];
	p0 =	sne.s32 s2, $0x0  }
0x93: {  	s3 =	rddreg [dreg:$0x2];
	[bflag:$0x3] =	sbarrier.arrive $0xFFFF;
	s2 =	simm.s32 @!p0 $0x1C05  }
0x94: {  	[timem:s3], [sflag:s2] =	dma.local @!p0 [hbm:s0], s1  }
0x95: {  	s0 =	simm.s32 @!p0 $0x5  }
0x96: {  	_ =	swait.ge @!p0 [sflag:s0], s1  }
0x97: {  	s1 =	ssub.s32 @!p0 $0x0, s1;
	[sflag:s0] =	ssyncset.done @!p0 $0x0  }
0x98: {  	[sflag:s0] =	ssyncadd.s32 @!p0 s1  }
0x99: {  	[bflag:$0x3] =	sbarrier.arrive $0xFFFF  }
0x9a: {  	_ =	shalt  }

// kernel: kernel.21.cloned.1.call-start
scs
__scs_entry_jumppad:
0x0: {  	(pc) =	sbr.rel $0x88, $3  }
0x1: {  	(tag) =	ssettag $0x0;
	lr =	simm.s32 $0x1  }
0x2: {  	[smem:$0x3F94] =	sst lr;
	_ =	strace $0xD0000000  }
0x3: {  	_ = 	snop  }
0x4: {  	_ = 	snop  }
0x5: {  	_ = 	snop  }
0x6: {  	_ = 	snop  }
0x7: {  	_ = 	snop  }
__scs_overlays_trampoline_lowered:
0x8: {  	[smem:$0x3FA3] =	sst s0  }
0x9: {  	[smem:$0x3FA4] =	sst s1  }
0xa: {  	[smem:$0x3FA5] =	sst s2  }
0xb: {  	[smem:$0x3FA6] =	sst s3  }
0xc: {  	[smem:$0x3FA7] =	sst s4  }
0xd: {  	[smem:$0x3FA8] =	sst s5  }
0xe: {  	[smem:$0x3FA9] =	sst s6  }
0xf: {  	[smem:$0x3FAA] =	sst s7  }
0x10: {  	[smem:$0x3FAB] =	sst s8  }
0x11: {  	[smem:$0x3FAC] =	sst s9;
	s0 =	simm.s32 @!p0 $0x0  }
0x12: {  	s1 =	sld [smem:$0x3F92];
	s0 =	simm.s32 @p0 $0x1  }
0x13: {  	[smem:$0x3FAD] =	sst s0;
	s0 =	simm.s32 @!p1 $0x0  }
0x14: {  	s2 =	sld [smem:$0x3F91];
	s0 =	simm.s32 @p1 $0x1  }
0x15: {  	[smem:$0x3FAE] =	sst s0;
	s0 =	simm.s32 @!p2 $0x0  }
0x16: {  	s3 =	sld [smem:$0x3FDB];
	s0 =	simm.s32 @p2 $0x1  }
0x17: {  	s4 =	simm.s32 $0x1BF5;
	[smem:$0x3FB0] =	sst s0  }
0x18: {  	s0 =	sld [smem:$0x3F93];
	_ =	swait.ge [sflag:s4], $0x0  }
0x19: {  	s7 =	sld [smem:$0x3F94]  }
0x1a: {  	s8 =	sadd.s32 $0xFFFFE003, lr  }
0x1b: {  	s9 =	sadd.s32 $0xFFFFFEF7, lr;
	s5 =	simm.s32 $0xFFFFFFFF;
	p2 =	slt.u32 s8, $0xFFFFF086  }
0x1c: {  	p1 =	slt.u32 s9, $0xF7A;
	s5 =	simm.s32 @!p2 $0x0  }
0x1d: {  	s5 =	simm.s32 @p1 $0x1;
	p0 =	seq.s32 s7, s2  }
0x1e: {  	s7 =	smul.u32 @!p0 $0xF7A, s2;
	p2 =	seq.s32 @!p0 s5, $0x0  }
0x1f: {  	s9 =	smul.u32 $0xF7A, s1;
	s8 =	simm.s32 @!p0 $0x1BF5;
	p2 =	por !p2, p0  }
0x20: {  	[sflag:s8] =	ssyncset.s32 @!p0 $0xFFFFF086;
	s6 =	sadd.s32 @!p0 s3, s7;
	s7 =	simm.s32 @!p0 $0x108  }
0x21: {  	s3 =	sadd.s32 s3, s9;
	s6 =	sadd.s32 @!p0 $0x88, s6;
	s7 =	simm.s32 @p2 $0x1082  }
0x22: {  	[simem:s7], [sflag:s8] =	dma.local @!p0 [hbm:s6], $0xF7A  }
0x23: {  	s9 =	sor.u32 $0xD0000000, s2;
	s6 =	simm.s32 $0x108;
	_ =	swait.ge @!p0 [sflag:s8], $0x0  }
0x24: {  	s3 =	sadd.s32 $0x88, s3;
	s6 =	simm.s32 @!p1 $0x1082;
	[sflag:s4] =	ssyncset.s32 $0xFFFFF086  }
0x25: {  	[simem:s6], [sflag:s4] =	dma.local [hbm:s3], $0xF7A  }
0x26: {  	[smem:$0x3F94] =	sst s1;
	(tag) =	ssettag s2;
	_ =	strace s9  }
0x27: {  	s1 =	sld [smem:$0x3FA4]  }
0x28: {  	s2 =	sld [smem:$0x3FA5]  }
0x29: {  	s4 =	sld [smem:$0x3FA7]  }
0x2a: {  	p0 =	seq.s32 s5, $0x0;
	s5 =	sld [smem:$0x3FA8]  }
0x2b: {  	s6 =	sld [smem:$0x3FA9]  }
0x2c: {  	s7 =	sld [smem:$0x3FAA]  }
0x2d: {  	s3 =	simm.s32 $0x108;
	s8 =	sld [smem:$0x3FAB]  }
0x2e: {  	s3 =	simm.s32 @!p0 $0x1082;
	s9 =	sld [smem:$0x3FAC]  }
0x2f: {  	lr =	sadd.s32 s0, s3;
	s0 =	sld [smem:$0x3FA3]  }
0x30: {  	s3 =	sld [smem:$0x3FA6]  }
0x31: {  	[smem:$0x3FAF] =	sst s10  }
0x32: {  	s10 =	sld [smem:$0x3FAD];
	_ =	sdelay $0x3  }
0x33: {  	p0 =	seq.s32 s10, $0x1;
	s10 =	sld [smem:$0x3FAF];
	_ =	sdelay $0x3  }
0x34: {  	[smem:$0x3FAF] =	sst s10  }
0x35: {  	s10 =	sld [smem:$0x3FAE];
	_ =	sdelay $0x3  }
0x36: {  	p1 =	seq.s32 s10, $0x1;
	s10 =	sld [smem:$0x3FAF];
	_ =	sdelay $0x3  }
0x37: {  	[smem:$0x3FAF] =	sst s10  }
0x38: {  	s10 =	sld [smem:$0x3FB0]  }
0x39: {  	_ = 	snop;
	(pc) =	sbr.ind lr, $3  }
0x3a: {  	_ = 	snop  }
0x3b: {  	_ = 	snop  }
0x3c: {  	p2 =	seq.s32 s10, $0x1;
	s10 =	sld [smem:$0x3FAF]  }
0x3d: {  	_ =	shalt  }
0x3e: {  	_ =	shalt  }
0x3f: {  	_ =	shalt  }
0x40: {  	_ =	shalt  }
0x41: {  	_ =	shalt  }
0x42: {  	_ =	shalt  }
0x43: {  	_ =	shalt  }
0x44: {  	_ =	shalt  }
0x45: {  	_ =	shalt  }
0x46: {  	_ =	shalt  }
0x47: {  	_ =	shalt  }
0x48: {  	_ =	shalt  }
0x49: {  	_ =	shalt  }
0x4a: {  	_ =	shalt  }
0x4b: {  	_ =	shalt  }
0x4c: {  	_ =	shalt  }
0x4d: {  	_ =	shalt  }
0x4e: {  	_ =	shalt  }
0x4f: {  	_ =	shalt  }
0x50: {  	_ =	shalt  }
0x51: {  	_ =	shalt  }
0x52: {  	_ =	shalt  }
0x53: {  	_ =	shalt  }
0x54: {  	_ =	shalt  }
0x55: {  	_ =	shalt  }
0x56: {  	_ =	shalt  }
0x57: {  	_ =	shalt  }
0x58: {  	_ =	shalt  }
0x59: {  	_ =	shalt  }
0x5a: {  	_ =	shalt  }
0x5b: {  	_ =	shalt  }
0x5c: {  	_ =	shalt  }
0x5d: {  	_ =	shalt  }
0x5e: {  	_ =	shalt  }
0x5f: {  	_ =	shalt  }
0x60: {  	_ =	shalt  }
0x61: {  	_ =	shalt  }
0x62: {  	_ =	shalt  }
0x63: {  	_ =	shalt  }
0x64: {  	_ =	shalt  }
0x65: {  	_ =	shalt  }
0x66: {  	_ =	shalt  }
0x67: {  	_ =	shalt  }
0x68: {  	_ =	shalt  }
0x69: {  	_ =	shalt  }
0x6a: {  	_ =	shalt  }
0x6b: {  	_ =	shalt  }
0x6c: {  	_ =	shalt  }
0x6d: {  	_ =	shalt  }
0x6e: {  	_ =	shalt  }
0x6f: {  	_ =	shalt  }
0x70: {  	_ =	shalt  }
0x71: {  	_ =	shalt  }
0x72: {  	_ =	shalt  }
0x73: {  	_ =	shalt  }
0x74: {  	_ =	shalt  }
0x75: {  	_ =	shalt  }
0x76: {  	_ =	shalt  }
0x77: {  	_ =	shalt  }
0x78: {  	_ =	shalt  }
0x79: {  	_ =	shalt  }
0x7a: {  	_ =	shalt  }
0x7b: {  	_ =	shalt  }
0x7c: {  	_ =	shalt  }
0x7d: {  	_ =	shalt  }
0x7e: {  	_ =	shalt  }
0x7f: {  	_ =	shalt  }
0x80: {  	_ =	shalt  }
0x81: {  	_ =	shalt  }
0x82: {  	_ =	shalt  }
0x83: {  	_ =	shalt  }
0x84: {  	_ =	shalt  }
0x85: {  	_ =	shalt  }
0x86: {  	_ =	shalt  }
0x87: {  	_ =	shalt  }
.Lfunc_end0:
.L_simem_size_0:
called_computation.3_lowered:
.L_overlay_start_0:
0x88: {  	s2 =	sld [smem:$0x3FD9]  }
0x89: {  	s3 =	sld [smem:$0x3FFE];
	_ =	sdelay $0x1  }
0x8a: {  	s1 =	srdreg.scid  }
0x8b: {  	s0 =	sand.u32 $0x1, s1  }
0x8c: {  	s16 =	sshll.u32 s0, $0xA;
	s2 =	sadd.s32 s3, s2  }
0x8d: {  	s2 =	sadd.s32 s2, s16  }
0x8e: {  	[smem:$0x3FBB] =	sst s2  }
0x8f: {  	_ = 	snop  }
0x90: {  	(tm) =	ssettm $0x1  }
0x91: {  	s17 =	sld [smem:$0x3FFB];
	_ =	sdelay $0x3  }
0x92: {  	_ =	strace s17  }
0x93: {  	s2 =	sld [smem:$0x3FFC];
	_ =	sdelay $0x3  }
0x94: {  	_ =	strace s2  }
0x95: {  	s2 =	sld [smem:$0x3FFD];
	_ =	sdelay $0x3  }
0x96: {  	_ =	strace s2  }
0x97: {  	_ =	strace $0x8FFFFFFF  }
0x98: {  	s18 =	sld [smem:$0x3FDB];
	_ =	sdelay $0x1  }
0x99: {  	s19 =	simm.s32 $_scs_section_size  }
0x9a: {  	s4 =	simm.s32 $_size__tile_overlayer_lowered;
	s5 =	simm.s32 $_tile_overlayer_lowered  }
0x9b: {  	s22 =	simm.s32 $0x1BFF;
	s21 =	sshll.u32 s5, $0x1;
	s2 =	sadd.s32 s19, s18  }
0x9c: {  	s6 =	simm.s32 $0x0;
	s20 =	sshll.u32 s4, $0x1;
	s4 =	sadd.s32 s21, s2  }
0x9d: {  	[timem:s6], [sflag:s22] =	dma.local [hbm:s4], s20  }
0x9e: {  	_ =	swait.ge [sflag:s22], s20  }
0x9f: {  	s3 =	ssub.s32 $0x0, s20;
	[sflag:s22] =	ssyncset.done $0x0  }
0xa0: {  	[sflag:s22] =	ssyncadd.s32 s3;
	_ =	sdelay $0x1  }
0xa1: {  	s23 =	simm.s32 $0x1B8B  }
0xa2: {  	_ =	swait.ge [sflag:s23], $0x1  }
0xa3: {  	[sflag:s23] =	ssyncset.done $0x0  }
0xa4: {  	s25 =	simm.s32 $0x1B8E;
	s24 =	sld [smem:$0x3FFE];
	[sflag:s23] =	ssyncadd.s32 $0xFFFFFFFF  }
0xa5: {  	s26 =	simm.s32 $execute0_lowered;
	[smem:$0x3FD2] =	sst s25  }
0xa6: {  	s4 =	sshll.u32 s26, $0x1;
	_ =	strace $0x8000004C;
	[dreg:$0x1] =	wrdreg $0xFFFFFFFF  }
0xa7: {  	s28 =	simm.s32 $_size_execute0_lowered;
	s2 =	sadd.s32 s2, s4;
	[dreg:$0x0] =	wrdreg $0x0  }
0xa8: {  	s4 =	sshll.u32 s28, $0x1;
	[dreg:$0x2] =	wrdreg s2  }
0xa9: {  	[dreg:$0x3] =	wrdreg s4  }
0xaa: {  	[dreg:$0x4] =	wrdreg $0xC0  }
0xab: {  	_ =	task [dreg:s6], $0x5FFFF  }
0xac: {  	[dreg:$0x1] =	wrdreg $0xFFFFFFFF  }
0xad: {  	[dreg:$0x0] =	wrdreg $0x60  }
0xae: {  	[dreg:$0x2] =	wrdreg s24  }
0xaf: {  	[dreg:$0x3] =	wrdreg $0x11D000  }
0xb0: {  	[dreg:$0x4] =	wrdreg $0xA  }
0xb1: {  	_ =	task.clear_ibuf [dreg:s6], $0x5FFFF;
	_ =	strace $0x9000004C  }
0xb2: {  	s29 =	simm.s32 $0xA;
	_ =	strace $0x8000004E  }
0xb3: {  	_ =	swait.ge [sflag:s29], $0x1  }
0xb4: {  	[sflag:s29] =	ssyncadd.s32 $0xFFFFFFFF  }
0xb5: {  	_ =	strace $0x9000004E  }
0xb6: {  	_ =	sfence  }
0xb7: {  	s30 =	sld [smem:$0x0];
	_ =	sdelay $0x2  }
0xb8: {  	s31 =	sshll.u32 s1, $0xD;
	s1 =	sshrl.u32 s1, $0x2  }
0xb9: {  	s3 =	sand.u32 $0x4000, s31;
	s1 =	sadd.s32 s1, s30  }
0xba: {  	s0 =	sor.u32 s3, s0;
	s1 =	sshll.u32 s1, $0x11  }
0xbb: {  	s0 =	sor.u32 s1, s0  }
0xbc: {  	s0 =	sadd.s32 $0x8F2B, s0  }
0xbd: {  	[sflag:s0] =	ssyncadd.remote.s32 $0x1  }
0xbe: {  	_ =	sfence.sel $0xFFFF  }
0xbf: {  	[dreg:$0x0] =	wrdreg $0xFFFFFFFF;
	(pc) =	sbr.abs _section_cstart, $3  }
0xc0: {  	[dreg:$0x1] =	wrdreg $0xFFFFFFFF  }
0xc1: {  	_ =	task.clear_ibuf [dreg:s6], $0x2FFFF;
	_ =	strace $0x9FFFFFFF  }
0xc2: {  	(tm) =	ssettm $0x7FFFFFFF  }
0xc3: {  	_ =	shalt  }
tec
execute0_lowered:
.L_overlay_start_1:
0x0: {  	(tag) =	ssettag $0x1  }
0x1: {  	s0 =	rddreg [dreg:$0x0]  }
0x2: {  	s1 =	srdreg.scid;
	s10 =	stileid.u32  }
0x3: {  	s2 =	rddreg [dreg:$0x1];
	s3 =	simm.s32 $0x0;
	s12 =	simm.s32 $0x5  }
0x4: {  	s14 =	simm.s32 $0x7D;
	s15 =	simm.s32 $0xA000;
	s16 =	simm.s32 $0x80  }
0x5: {  	s17 =	simm.s32 $0xBF40;
	s18 =	simm.s32 $0x100;
	s19 =	simm.s32 $0xDE80  }
0x6: {  	s20 =	simm.s32 $0x180;
	s21 =	simm.s32 $0xFDC0;
	s22 =	simm.s32 $0x1  }
0x7: {  	s23 =	simm.s32 $0x2;
	s24 =	simm.s32 $0x3;
	s25 =	simm.s32 $0x4  }
0x8: {  	s28 =	simm.s32 $0x9E80;
	s29 =	simm.s32 $0x9F00;
	s5 =	smul.u32 $0x5000, s10  }
0x9: {  	s30 =	simm.s32 $0x9F80;
	s1 =	sand.u32 $0x1, s1;
	s6 =	smul.u32 $0xA000, s10  }
0xa: {  	s31 =	simm.s32 $0x0;
	[smem:$0x7FF] =	sst s3;
	s4 =	smul.u32 $0x50000, s1  }
0xb: {  	s10 =	sshll.u32 s10, $0x6;
	s8 =	smul.u32 $0xA0000, s1;
	s1 =	ssub.s32 $0x2, s1  }
0xc: {  	_ =	strace $0x8000004D;
	s26 =	sshrl.u32 s1, $0x1;
	s11 =	sadd.s32 s6, s2  }
0xd: {  	s7 =	sadd.s32 s5, s4;
	s4 =	sadd.s32 $0x2B400, s0;
	s5 =	sshrl.u32 s5, $0x3  }
0xe: {  	s8 =	sadd.s32 s6, s8;
	s1 =	ssub.s32 s1, s26;
	s6 =	sor.u32 $0x1C05, s10  }
0xf: {  	s11 =	sshrl.u32 s11, $0x3;
	s26 =	simm.s32 $0x9E00;
	s7 =	sshrl.u32 s7, $0x3  }
0x10: {  	s9 =	sadd.s32 s5, s0;
	s5 =	sadd.s32 $0xCC00, s0;
	s8 =	sshrl.u32 s8, $0x3  }
0x11: {  	s10 =	smax.u32 s1, $0x1;
	s7 =	sadd.s32 s7, s0;
	s0 =	sadd.s32 s8, s0  }
0x12: {  	s8 =	sadd.s32 $0x2C00, s9;
	s7 =	sadd.s32 $0x17400, s7;
	s9 =	sadd.s32 $0x52600, s0  }
.LBB2_1:
0x13: {  	[spmem:s11], [sflag:s6] =	dma.local [hbm:s5], $0x1400  }
0x14: {  	_ =	swait.ge [sflag:s12], $0x1400  }
0x15: {  	[sflag:s12] =	ssyncset.done $0x0  }
0x16: {  	[sflag:s12] =	ssyncadd.s32 $0xFFFFEC00  }
0x17: {  	[tilespmem:s3], [sflag:$0x5] =	stream.linear.gather [hbm4b:s7+s3], $0x5000, $0x38;
	[tilespmem:$0x1BD00] =	vst v63  }
0x18: {  	_ =	swait.ge [sflag:s12], $0x5000  }
0x19: {  	[sflag:s12] =	ssyncset.done $0x0  }
0x1a: {  	s0 =	simm.s32 $0x5000;
	[sflag:s12] =	ssyncadd.s32 $0xFFFFB000  }
0x1b: {  	[tilespmem:s0], [sflag:$0x5] =	stream.linear.gather [hbm4b:s8+s3], $0x5000, $0x38;
	[tilespmem:$0x1BD00] =	vst v63  }
0x1c: {  	_ =	swait.ge [sflag:s12], $0x5000  }
0x1d: {  	[sflag:s12] =	ssyncset.done $0x0  }
0x1e: {  	[sflag:s12] =	ssyncadd.s32 $0xFFFFB000  }
0x1f: {  	[bflag:$0x0] =	sbarrier.arrive $0xFFFF  }
0x20: {  	[tilespmem:s15], [sflag:$0x1] =	stream.indirect.gather [hbm4b:s4+s14], $0x40, s3, s14, $0xb8;
	[tilespmem:$0x1BD00] =	vst v63  }
0x21: {  	_ = 	snop  }
0x22: {  	[tilespmem:s17], [sflag:$0x2] =	stream.indirect.gather [hbm4b:s4+s14], $0x40, s16, s14, $0xb8;
	[tilespmem:$0x1BD00] =	vst v63  }
0x23: {  	_ = 	snop  }
0x24: {  	[tilespmem:s19], [sflag:$0x3] =	stream.indirect.gather [hbm4b:s4+s14], $0x40, s18, s14, $0xb8;
	[tilespmem:$0x1BD00] =	vst v63  }
0x25: {  	_ = 	snop  }
0x26: {  	[tilespmem:s21], [sflag:$0x4] =	stream.indirect.gather [hbm4b:s4+s14], $0x40, s20, s14, $0xb8;
	[tilespmem:$0x1BD00] =	vst v63  }
0x27: {  	_ =	swait.ge [sflag:s22], $0x1F40  }
0x28: {  	[sflag:s22] =	ssyncset.done $0x0  }
0x29: {  	s13 =	simm.s32 $0x5000;
	[sflag:s22] =	ssyncadd.s32 $0xFFFFE0C0  }
0x2a: {  	[spmem:s2] =	stream.indirect.scatter.add.f32 [tilespmem:s15], [sflag:$0x5], $0x40, s13, s14, $0xb8;
	[tilespmem:$0x1BD00] =	vst v63  }
0x2b: {  	_ =	swait.ge [sflag:s12], $0x1F40  }
0x2c: {  	[sflag:s12] =	ssyncset.done $0x0  }
0x2d: {  	s1 =	simm.s32 $0x200;
	[sflag:s12] =	ssyncadd.s32 $0xFFFFE0C0  }
0x2e: {  	[tilespmem:s15], [sflag:$0x1] =	stream.indirect.gather [hbm4b:s4+s14], $0x40, s1, s14, $0xb8;
	[tilespmem:$0x1BD00] =	vst v63  }
0x2f: {  	_ =	swait.ge [sflag:s23], $0x1F40  }
0x30: {  	[sflag:s23] =	ssyncset.done $0x0  }
0x31: {  	s13 =	simm.s32 $0x5080;
	[sflag:s23] =	ssyncadd.s32 $0xFFFFE0C0  }
0x32: {  	[spmem:s2] =	stream.indirect.scatter.add.f32 [tilespmem:s17], [sflag:$0x5], $0x40, s13, s14, $0xb8;
	[tilespmem:$0x1BD00] =	vst v63  }
0x33: {  	_ =	swait.ge [sflag:s12], $0x1F40  }
0x34: {  	[sflag:s12] =	ssyncset.done $0x0  }
0x35: {  	s1 =	simm.s32 $0x280;
	[sflag:s12] =	ssyncadd.s32 $0xFFFFE0C0  }
0x36: {  	[tilespmem:s17], [sflag:$0x2] =	stream.indirect.gather [hbm4b:s4+s14], $0x40, s1, s14, $0xb8;
	[tilespmem:$0x1BD00] =	vst v63  }
0x37: {  	_ =	swait.ge [sflag:s24], $0x1F40  }
0x38: {  	[sflag:s24] =	ssyncset.done $0x0  }
0x39: {  	s13 =	simm.s32 $0x5100;
	[sflag:s24] =	ssyncadd.s32 $0xFFFFE0C0  }
0x3a: {  	[spmem:s2] =	stream.indirect.scatter.add.f32 [tilespmem:s19], [sflag:$0x5], $0x40, s13, s14, $0xb8;
	[tilespmem:$0x1BD00] =	vst v63  }
0x3b: {  	_ =	swait.ge [sflag:s12], $0x1F40  }
0x3c: {  	[sflag:s12] =	ssyncset.done $0x0  }
0x3d: {  	s1 =	simm.s32 $0x300;
	[sflag:s12] =	ssyncadd.s32 $0xFFFFE0C0  }
0x3e: {  	[tilespmem:s19], [sflag:$0x3] =	stream.indirect.gather [hbm4b:s4+s14], $0x40, s1, s14, $0xb8;
	[tilespmem:$0x1BD00] =	vst v63  }
0x3f: {  	_ =	swait.ge [sflag:s25], $0x1F40  }
0x40: {  	[sflag:s25] =	ssyncset.done $0x0  }
0x41: {  	s13 =	simm.s32 $0x5180;
	[sflag:s25] =	ssyncadd.s32 $0xFFFFE0C0  }
0x42: {  	[spmem:s2] =	stream.indirect.scatter.add.f32 [tilespmem:s21], [sflag:$0x5], $0x40, s13, s14, $0xb8;
	[tilespmem:$0x1BD00] =	vst v63  }
0x43: {  	_ =	swait.ge [sflag:s12], $0x1F40  }
0x44: {  	[sflag:s12] =	ssyncset.done $0x0  }
0x45: {  	s0 =	simm.s32 $0x380;
	s1 =	simm.s32 $0x800;
	[sflag:s12] =	ssyncadd.s32 $0xFFFFE0C0  }
.LBB2_2:
0x46: {  	[tilespmem:s21], [sflag:$0x4] =	stream.indirect.gather [hbm4b:s4+s14], $0x40, s0, s14, $0xb8;
	[tilespmem:$0x1BD00] =	vst v63  }
0x47: {  	s0 =	smov.u32 s1  }
0x48: {  	p0 =	sne.s32 s1, $0x13000;
	s1 =	sadd.s32 $0x800, s1;
	_ =	swait.ge [sflag:s22], $0x1F40  }
0x49: {  	s0 =	sshra.s32 s0, $0x2;
	[sflag:s22] =	ssyncset.done $0x0  }
0x4a: {  	s13 =	sadd.s32 $0x5000, s0;
	[sflag:s22] =	ssyncadd.s32 $0xFFFFE0C0  }
0x4b: {  	[spmem:s2] =	stream.indirect.scatter.add.f32 [tilespmem:s15], [sflag:$0x5], $0x40, s13, s14, $0xb8;
	[tilespmem:$0x1BD00] =	vst v63  }
0x4c: {  	_ =	swait.ge [sflag:s12], $0x1F40  }
0x4d: {  	[sflag:s12] =	ssyncset.done $0x0  }
0x4e: {  	s13 =	sadd.s32 $0x200, s0;
	[sflag:s12] =	ssyncadd.s32 $0xFFFFE0C0  }
0x4f: {  	[tilespmem:s15], [sflag:$0x1] =	stream.indirect.gather [hbm4b:s4+s14], $0x40, s13, s14, $0xb8;
	[tilespmem:$0x1BD00] =	vst v63  }
0x50: {  	_ =	swait.ge [sflag:s23], $0x1F40  }
0x51: {  	[sflag:s23] =	ssyncset.done $0x0  }
0x52: {  	s13 =	sadd.s32 $0x5080, s0;
	[sflag:s23] =	ssyncadd.s32 $0xFFFFE0C0  }
0x53: {  	[spmem:s2] =	stream.indirect.scatter.add.f32 [tilespmem:s17], [sflag:$0x5], $0x40, s13, s14, $0xb8;
	[tilespmem:$0x1BD00] =	vst v63  }
0x54: {  	_ =	swait.ge [sflag:s12], $0x1F40  }
0x55: {  	[sflag:s12] =	ssyncset.done $0x0  }
0x56: {  	s13 =	sadd.s32 $0x280, s0;
	[sflag:s12] =	ssyncadd.s32 $0xFFFFE0C0  }
0x57: {  	[tilespmem:s17], [sflag:$0x2] =	stream.indirect.gather [hbm4b:s4+s14], $0x40, s13, s14, $0xb8;
	[tilespmem:$0x1BD00] =	vst v63  }
0x58: {  	_ =	swait.ge [sflag:s24], $0x1F40  }
0x59: {  	[sflag:s24] =	ssyncset.done $0x0  }
0x5a: {  	s13 =	sadd.s32 $0x5100, s0;
	[sflag:s24] =	ssyncadd.s32 $0xFFFFE0C0  }
0x5b: {  	[spmem:s2] =	stream.indirect.scatter.add.f32 [tilespmem:s19], [sflag:$0x5], $0x40, s13, s14, $0xb8;
	[tilespmem:$0x1BD00] =	vst v63  }
0x5c: {  	_ =	swait.ge [sflag:s12], $0x1F40  }
0x5d: {  	[sflag:s12] =	ssyncset.done $0x0  }
0x5e: {  	s13 =	sadd.s32 $0x300, s0;
	[sflag:s12] =	ssyncadd.s32 $0xFFFFE0C0  }
0x5f: {  	[tilespmem:s19], [sflag:$0x3] =	stream.indirect.gather [hbm4b:s4+s14], $0x40, s13, s14, $0xb8;
	[tilespmem:$0x1BD00] =	vst v63  }
0x60: {  	_ =	swait.ge [sflag:s25], $0x1F40  }
0x61: {  	[sflag:s25] =	ssyncset.done $0x0  }
.Ltmp0:
0x62: {  	s13 =	sadd.s32 $0x5180, s0;
	[sflag:s25] =	ssyncadd.s32 $0xFFFFE0C0;
	(pc) =	sbr.rel @p0 .LBB2_2-.Ltmp0, $4  }
0x63: {  	[spmem:s2] =	stream.indirect.scatter.add.f32 [tilespmem:s21], [sflag:$0x5], $0x40, s13, s14, $0xb8;
	[tilespmem:$0x1BD00] =	vst v63  }
0x64: {  	_ =	swait.ge [sflag:s12], $0x1F40  }
0x65: {  	[sflag:s12] =	ssyncset.done $0x0  }
0x66: {  	s0 =	sadd.s32 $0x380, s0;
	[sflag:s12] =	ssyncadd.s32 $0xFFFFE0C0  }
0x67: {  	[tilespmem:s21], [sflag:$0x4] =	stream.indirect.gather [hbm4b:s4+s14], $0x40, s0, s14, $0xb8;
	[tilespmem:$0x1BD00] =	vst v63  }
0x68: {  	_ =	swait.ge [sflag:s22], $0x1F40  }
0x69: {  	[sflag:s22] =	ssyncset.done $0x0  }
0x6a: {  	[sflag:s22] =	ssyncadd.s32 $0xFFFFE0C0  }
0x6b: {  	[spmem:s2] =	stream.indirect.scatter.add.f32 [tilespmem:s15], [sflag:$0x5], $0x40, s26, s14, $0xb8;
	[tilespmem:$0x1BD00] =	vst v63  }
0x6c: {  	_ =	swait.ge [sflag:s12], $0x1F40  }
0x6d: {  	[sflag:s12] =	ssyncset.done $0x0  }
0x6e: {  	[sflag:s12] =	ssyncadd.s32 $0xFFFFE0C0  }
0x6f: {  	_ =	swait.ge [sflag:s23], $0x1F40  }
0x70: {  	[sflag:s23] =	ssyncset.done $0x0  }
0x71: {  	[sflag:s23] =	ssyncadd.s32 $0xFFFFE0C0  }
0x72: {  	[spmem:s2] =	stream.indirect.scatter.add.f32 [tilespmem:s17], [sflag:$0x5], $0x40, s28, s14, $0xb8;
	[tilespmem:$0x1BD00] =	vst v63  }
0x73: {  	_ =	swait.ge [sflag:s12], $0x1F40  }
0x74: {  	[sflag:s12] =	ssyncset.done $0x0  }
0x75: {  	[sflag:s12] =	ssyncadd.s32 $0xFFFFE0C0  }
0x76: {  	_ =	swait.ge [sflag:s24], $0x1F40  }
0x77: {  	[sflag:s24] =	ssyncset.done $0x0  }
0x78: {  	[sflag:s24] =	ssyncadd.s32 $0xFFFFE0C0  }
0x79: {  	[spmem:s2] =	stream.indirect.scatter.add.f32 [tilespmem:s19], [sflag:$0x5], $0x40, s29, s14, $0xb8;
	[tilespmem:$0x1BD00] =	vst v63  }
0x7a: {  	_ =	swait.ge [sflag:s12], $0x1F40  }
0x7b: {  	[sflag:s12] =	ssyncset.done $0x0  }
0x7c: {  	[sflag:s12] =	ssyncadd.s32 $0xFFFFE0C0  }
0x7d: {  	_ =	swait.ge [sflag:s25], $0x1F40  }
0x7e: {  	[sflag:s25] =	ssyncset.done $0x0  }
0x7f: {  	[sflag:s25] =	ssyncadd.s32 $0xFFFFE0C0  }
0x80: {  	[spmem:s2] =	stream.indirect.scatter.add.f32 [tilespmem:s21], [sflag:$0x5], $0x40, s30, s14, $0xb8;
	[tilespmem:$0x1BD00] =	vst v63  }
0x81: {  	_ =	swait.ge [sflag:s12], $0x1F40  }
0x82: {  	s31 =	sadd.s32 $0x1, s31;
	[sflag:s12] =	ssyncset.done $0x0  }
0x83: {  	p0 =	sne.s32 s31, s10;
	[sflag:s12] =	ssyncadd.s32 $0xFFFFE0C0  }
.Ltmp1:
0x84: {  	[bflag:$0x0] =	sbarrier.arrive $0xFFFF;
	(pc) =	sbr.rel @p0 .LBB2_1-.Ltmp1, $4  }
0x85: {  	[hbm:s9], [sflag:s6] =	dma.local [spmem:s11], $0x1400  }
0x86: {  	_ =	swait.ge [sflag:s12], $0x1400  }
0x87: {  	[sflag:s12] =	ssyncset.done $0x0  }
0x88: {  	[sflag:s12] =	ssyncadd.s32 $0xFFFFEC00  }
0x89: {  	_ =	sfence.sel $0x180000  }
0x8a: {  	[bflag:$0x0] =	sbarrier.arrive $0xFFFF  }
0x8b: {  	_ =	strace $0x9000004D  }
0x8c: {  	s0 =	stileid.u32;
	[bflag:$0x2] =	sbarrier.arrive $0xFFFF  }
0x8d: {  	p0 =	sne.s32 s0, $0x0;
	s0 =	rddreg [dreg:$0x2]  }
0x8e: {  	s0 =	sadd.s32 @!p0 $0x100000, s0  }
0x8f: {  	[sflag:s0] =	ssyncadd.tile.s32 @!p0 $0x1;
	_ =	shalt  }
.Lfunc_end2:
_tile_overlayer_lowered:
.L_overlay_start_2:
0x90: {  	(tag) =	ssettag $0x2  }
0x91: {  	s0 =	rddreg [dreg:$0x0];
	s2 =	stileid.u32  }
0x92: {  	s1 =	rddreg [dreg:$0x1];
	p0 =	sne.s32 s2, $0x0  }
0x93: {  	s3 =	rddreg [dreg:$0x2];
	[bflag:$0x3] =	sbarrier.arrive $0xFFFF;
	s2 =	simm.s32 @!p0 $0x1C05  }
0x94: {  	[timem:s3], [sflag:s2] =	dma.local @!p0 [hbm:s0], s1  }
0x95: {  	s0 =	simm.s32 @!p0 $0x5  }
0x96: {  	_ =	swait.ge @!p0 [sflag:s0], s1  }
0x97: {  	s1 =	ssub.s32 @!p0 $0x0, s1;
	[sflag:s0] =	ssyncset.done @!p0 $0x0  }
0x98: {  	[sflag:s0] =	ssyncadd.s32 @!p0 s1  }
0x99: {  	[bflag:$0x3] =	sbarrier.arrive $0xFFFF  }
0x9a: {  	_ =	shalt  }

// kernel: kernel.24.cloned.1.call-start
scs
__scs_entry_jumppad:
0x0: {  	(pc) =	sbr.rel $0x88, $3  }
0x1: {  	(tag) =	ssettag $0x0;
	lr =	simm.s32 $0x1  }
0x2: {  	[smem:$0x3F94] =	sst lr;
	_ =	strace $0xD0000000  }
0x3: {  	_ = 	snop  }
0x4: {  	_ = 	snop  }
0x5: {  	_ = 	snop  }
0x6: {  	_ = 	snop  }
0x7: {  	_ = 	snop  }
__scs_overlays_trampoline_lowered:
0x8: {  	[smem:$0x3FA3] =	sst s0  }
0x9: {  	[smem:$0x3FA4] =	sst s1  }
0xa: {  	[smem:$0x3FA5] =	sst s2  }
0xb: {  	[smem:$0x3FA6] =	sst s3  }
0xc: {  	[smem:$0x3FA7] =	sst s4  }
0xd: {  	[smem:$0x3FA8] =	sst s5  }
0xe: {  	[smem:$0x3FA9] =	sst s6  }
0xf: {  	[smem:$0x3FAA] =	sst s7  }
0x10: {  	[smem:$0x3FAB] =	sst s8  }
0x11: {  	[smem:$0x3FAC] =	sst s9;
	s0 =	simm.s32 @!p0 $0x0  }
0x12: {  	s1 =	sld [smem:$0x3F92];
	s0 =	simm.s32 @p0 $0x1  }
0x13: {  	[smem:$0x3FAD] =	sst s0;
	s0 =	simm.s32 @!p1 $0x0  }
0x14: {  	s2 =	sld [smem:$0x3F91];
	s0 =	simm.s32 @p1 $0x1  }
0x15: {  	[smem:$0x3FAE] =	sst s0;
	s0 =	simm.s32 @!p2 $0x0  }
0x16: {  	s3 =	sld [smem:$0x3FDB];
	s0 =	simm.s32 @p2 $0x1  }
0x17: {  	s4 =	simm.s32 $0x1BF5;
	[smem:$0x3FB0] =	sst s0  }
0x18: {  	s0 =	sld [smem:$0x3F93];
	_ =	swait.ge [sflag:s4], $0x0  }
0x19: {  	s7 =	sld [smem:$0x3F94]  }
0x1a: {  	s8 =	sadd.s32 $0xFFFFE003, lr  }
0x1b: {  	s9 =	sadd.s32 $0xFFFFFEF7, lr;
	s5 =	simm.s32 $0xFFFFFFFF;
	p2 =	slt.u32 s8, $0xFFFFF086  }
0x1c: {  	p1 =	slt.u32 s9, $0xF7A;
	s5 =	simm.s32 @!p2 $0x0  }
0x1d: {  	s5 =	simm.s32 @p1 $0x1;
	p0 =	seq.s32 s7, s2  }
0x1e: {  	s7 =	smul.u32 @!p0 $0xF7A, s2;
	p2 =	seq.s32 @!p0 s5, $0x0  }
0x1f: {  	s9 =	smul.u32 $0xF7A, s1;
	s8 =	simm.s32 @!p0 $0x1BF5;
	p2 =	por !p2, p0  }
0x20: {  	[sflag:s8] =	ssyncset.s32 @!p0 $0xFFFFF086;
	s6 =	sadd.s32 @!p0 s3, s7;
	s7 =	simm.s32 @!p0 $0x108  }
0x21: {  	s3 =	sadd.s32 s3, s9;
	s6 =	sadd.s32 @!p0 $0x88, s6;
	s7 =	simm.s32 @p2 $0x1082  }
0x22: {  	[simem:s7], [sflag:s8] =	dma.local @!p0 [hbm:s6], $0xF7A  }
0x23: {  	s9 =	sor.u32 $0xD0000000, s2;
	s6 =	simm.s32 $0x108;
	_ =	swait.ge @!p0 [sflag:s8], $0x0  }
0x24: {  	s3 =	sadd.s32 $0x88, s3;
	s6 =	simm.s32 @!p1 $0x1082;
	[sflag:s4] =	ssyncset.s32 $0xFFFFF086  }
0x25: {  	[simem:s6], [sflag:s4] =	dma.local [hbm:s3], $0xF7A  }
0x26: {  	[smem:$0x3F94] =	sst s1;
	(tag) =	ssettag s2;
	_ =	strace s9  }
0x27: {  	s1 =	sld [smem:$0x3FA4]  }
0x28: {  	s2 =	sld [smem:$0x3FA5]  }
0x29: {  	s4 =	sld [smem:$0x3FA7]  }
0x2a: {  	p0 =	seq.s32 s5, $0x0;
	s5 =	sld [smem:$0x3FA8]  }
0x2b: {  	s6 =	sld [smem:$0x3FA9]  }
0x2c: {  	s7 =	sld [smem:$0x3FAA]  }
0x2d: {  	s3 =	simm.s32 $0x108;
	s8 =	sld [smem:$0x3FAB]  }
0x2e: {  	s3 =	simm.s32 @!p0 $0x1082;
	s9 =	sld [smem:$0x3FAC]  }
0x2f: {  	lr =	sadd.s32 s0, s3;
	s0 =	sld [smem:$0x3FA3]  }
0x30: {  	s3 =	sld [smem:$0x3FA6]  }
0x31: {  	[smem:$0x3FAF] =	sst s10  }
0x32: {  	s10 =	sld [smem:$0x3FAD];
	_ =	sdelay $0x3  }
0x33: {  	p0 =	seq.s32 s10, $0x1;
	s10 =	sld [smem:$0x3FAF];
	_ =	sdelay $0x3  }
0x34: {  	[smem:$0x3FAF] =	sst s10  }
0x35: {  	s10 =	sld [smem:$0x3FAE];
	_ =	sdelay $0x3  }
0x36: {  	p1 =	seq.s32 s10, $0x1;
	s10 =	sld [smem:$0x3FAF];
	_ =	sdelay $0x3  }
0x37: {  	[smem:$0x3FAF] =	sst s10  }
0x38: {  	s10 =	sld [smem:$0x3FB0]  }
0x39: {  	_ = 	snop;
	(pc) =	sbr.ind lr, $3  }
0x3a: {  	_ = 	snop  }
0x3b: {  	_ = 	snop  }
0x3c: {  	p2 =	seq.s32 s10, $0x1;
	s10 =	sld [smem:$0x3FAF]  }
0x3d: {  	_ =	shalt  }
0x3e: {  	_ =	shalt  }
0x3f: {  	_ =	shalt  }
0x40: {  	_ =	shalt  }
0x41: {  	_ =	shalt  }
0x42: {  	_ =	shalt  }
0x43: {  	_ =	shalt  }
0x44: {  	_ =	shalt  }
0x45: {  	_ =	shalt  }
0x46: {  	_ =	shalt  }
0x47: {  	_ =	shalt  }
0x48: {  	_ =	shalt  }
0x49: {  	_ =	shalt  }
0x4a: {  	_ =	shalt  }
0x4b: {  	_ =	shalt  }
0x4c: {  	_ =	shalt  }
0x4d: {  	_ =	shalt  }
0x4e: {  	_ =	shalt  }
0x4f: {  	_ =	shalt  }
0x50: {  	_ =	shalt  }
0x51: {  	_ =	shalt  }
0x52: {  	_ =	shalt  }
0x53: {  	_ =	shalt  }
0x54: {  	_ =	shalt  }
0x55: {  	_ =	shalt  }
0x56: {  	_ =	shalt  }
0x57: {  	_ =	shalt  }
0x58: {  	_ =	shalt  }
0x59: {  	_ =	shalt  }
0x5a: {  	_ =	shalt  }
0x5b: {  	_ =	shalt  }
0x5c: {  	_ =	shalt  }
0x5d: {  	_ =	shalt  }
0x5e: {  	_ =	shalt  }
0x5f: {  	_ =	shalt  }
0x60: {  	_ =	shalt  }
0x61: {  	_ =	shalt  }
0x62: {  	_ =	shalt  }
0x63: {  	_ =	shalt  }
0x64: {  	_ =	shalt  }
0x65: {  	_ =	shalt  }
0x66: {  	_ =	shalt  }
0x67: {  	_ =	shalt  }
0x68: {  	_ =	shalt  }
0x69: {  	_ =	shalt  }
0x6a: {  	_ =	shalt  }
0x6b: {  	_ =	shalt  }
0x6c: {  	_ =	shalt  }
0x6d: {  	_ =	shalt  }
0x6e: {  	_ =	shalt  }
0x6f: {  	_ =	shalt  }
0x70: {  	_ =	shalt  }
0x71: {  	_ =	shalt  }
0x72: {  	_ =	shalt  }
0x73: {  	_ =	shalt  }
0x74: {  	_ =	shalt  }
0x75: {  	_ =	shalt  }
0x76: {  	_ =	shalt  }
0x77: {  	_ =	shalt  }
0x78: {  	_ =	shalt  }
0x79: {  	_ =	shalt  }
0x7a: {  	_ =	shalt  }
0x7b: {  	_ =	shalt  }
0x7c: {  	_ =	shalt  }
0x7d: {  	_ =	shalt  }
0x7e: {  	_ =	shalt  }
0x7f: {  	_ =	shalt  }
0x80: {  	_ =	shalt  }
0x81: {  	_ =	shalt  }
0x82: {  	_ =	shalt  }
0x83: {  	_ =	shalt  }
0x84: {  	_ =	shalt  }
0x85: {  	_ =	shalt  }
0x86: {  	_ =	shalt  }
0x87: {  	_ =	shalt  }
.Lfunc_end0:
.L_simem_size_0:
called_computation.4_lowered:
.L_overlay_start_0:
0x88: {  	s2 =	sld [smem:$0x3FD9]  }
0x89: {  	s3 =	sld [smem:$0x3FFE];
	_ =	sdelay $0x1  }
0x8a: {  	s1 =	srdreg.scid  }
0x8b: {  	s0 =	sand.u32 $0x1, s1  }
0x8c: {  	s17 =	sshll.u32 s0, $0xA;
	s2 =	sadd.s32 s3, s2  }
0x8d: {  	s2 =	sadd.s32 s2, s17  }
0x8e: {  	[smem:$0x3FBB] =	sst s2  }
0x8f: {  	_ = 	snop  }
0x90: {  	(tm) =	ssettm $0x1  }
0x91: {  	s18 =	sld [smem:$0x3FFB];
	_ =	sdelay $0x3  }
0x92: {  	_ =	strace s18  }
0x93: {  	s2 =	sld [smem:$0x3FFC];
	_ =	sdelay $0x3  }
0x94: {  	_ =	strace s2  }
0x95: {  	s2 =	sld [smem:$0x3FFD];
	_ =	sdelay $0x3  }
0x96: {  	_ =	strace s2  }
0x97: {  	_ =	strace $0x8FFFFFFF  }
0x98: {  	s19 =	sld [smem:$0x3FDB];
	_ =	sdelay $0x1  }
0x99: {  	s20 =	simm.s32 $_scs_section_size  }
0x9a: {  	s4 =	simm.s32 $_size__tile_overlayer_lowered;
	s5 =	simm.s32 $_tile_overlayer_lowered  }
0x9b: {  	s6 =	simm.s32 $0x1BFF;
	s21 =	sshll.u32 s5, $0x1;
	s3 =	sadd.s32 s20, s19  }
0x9c: {  	s22 =	simm.s32 $0x0;
	s4 =	sshll.u32 s4, $0x1;
	s5 =	sadd.s32 s21, s3  }
0x9d: {  	[timem:s22], [sflag:s6] =	dma.local [hbm:s5], s4  }
0x9e: {  	_ =	swait.ge [sflag:s6], s4  }
0x9f: {  	s4 =	ssub.s32 $0x0, s4;
	[sflag:s6] =	ssyncset.done $0x0  }
0xa0: {  	[sflag:s6] =	ssyncadd.s32 s4;
	_ =	sdelay $0x1  }
0xa1: {  	s23 =	simm.s32 $0x1B8B  }
0xa2: {  	_ =	swait.ge [sflag:s23], $0x1  }
0xa3: {  	[sflag:s23] =	ssyncset.done $0x0  }
0xa4: {  	[sflag:s23] =	ssyncadd.s32 $0xFFFFFFFF  }
0xa5: {  	s4 =	sld [smem:$0x0]  }
0xa6: {  	s5 =	sand.u32 $0xFFFFFFFE, s1  }
0xa7: {  	p0 =	sne.s32 s1, s5  }
0xa8: {  	s5 =	sshll.u32 @p0 s5, $0xE  }
0xa9: {  	s5 =	sadd.s32 @p0 $0x11B8D, s5;
	s6 =	sshll.u32 @p0 s4, $0x11  }
0xaa: {  	s5 =	sor.u32 @p0 s6, s5  }
0xab: {  	[sflag:s5] =	ssyncadd.remote.s32 @p0 $0x1;
	_ =	sdelay $0x1  }
0xac: {  	s5 =	simm.s32 @p0 $0x1B8D  }
0xad: {  	_ =	swait.eq @p0 [sflag:s5], $0x1  }
0xae: {  	[sflag:s5] =	ssyncadd.s32 @p0 $0xFFFFFFFF  }
0xaf: {  	s6 =	sshll.u32 @!p0 s1, $0xE  }
0xb0: {  	s6 =	sor.u32 @!p0 $0x4000, s6;
	s5 =	simm.s32 @!p0 $0x1B8D  }
0xb1: {  	s4 =	sshll.u32 @!p0 s4, $0x11;
	s6 =	sadd.s32 @!p0 $0x11B8D, s6;
	_ =	swait.eq @!p0 [sflag:s5], $0x1  }
0xb2: {  	s4 =	sor.u32 @!p0 s4, s6;
	[sflag:s5] =	ssyncadd.s32 @!p0 $0xFFFFFFFF  }
0xb3: {  	s25 =	simm.s32 $0x1B8E;
	s24 =	sld [smem:$0x3FFE];
	[sflag:s4] =	ssyncadd.remote.s32 @!p0 $0x1  }
0xb4: {  	s26 =	simm.s32 $execute0_lowered;
	[smem:$0x3FD2] =	sst s25  }
0xb5: {  	s5 =	sshll.u32 s26, $0x1;
	_ =	strace $0x80000055;
	[dreg:$0x1] =	wrdreg $0xFFFFFFFF  }
0xb6: {  	s28 =	simm.s32 $_size_execute0_lowered;
	s3 =	sadd.s32 s3, s5;
	[dreg:$0x0] =	wrdreg $0x0  }
0xb7: {  	s5 =	sshll.u32 s28, $0x1;
	[dreg:$0x2] =	wrdreg s3  }
0xb8: {  	[dreg:$0x3] =	wrdreg s5  }
0xb9: {  	[dreg:$0x4] =	wrdreg $0xC0  }
0xba: {  	_ =	task [dreg:s22], $0x5FFFF  }
0xbb: {  	[dreg:$0x1] =	wrdreg $0xFFFFFFFF  }
0xbc: {  	[dreg:$0x0] =	wrdreg $0x60  }
0xbd: {  	[dreg:$0x2] =	wrdreg s24  }
0xbe: {  	[dreg:$0x3] =	wrdreg $0x11D000  }
0xbf: {  	[dreg:$0x4] =	wrdreg $0x9  }
0xc0: {  	_ =	task.clear_ibuf [dreg:s22], $0x5FFFF;
	_ =	strace $0x90000055  }
0xc1: {  	s29 =	simm.s32 $0x9;
	_ =	strace $0x80000057  }
0xc2: {  	_ =	swait.ge [sflag:s29], $0x1  }
0xc3: {  	[sflag:s29] =	ssyncadd.s32 $0xFFFFFFFF  }
0xc4: {  	_ =	strace $0x90000057  }
0xc5: {  	_ =	sfence  }
0xc6: {  	s30 =	sld [smem:$0x0];
	_ =	sdelay $0x2  }
0xc7: {  	s31 =	sshll.u32 s1, $0xD;
	s1 =	sshrl.u32 s1, $0x2  }
0xc8: {  	s4 =	sand.u32 $0x4000, s31;
	s1 =	sadd.s32 s1, s30  }
0xc9: {  	s0 =	sor.u32 s4, s0;
	s1 =	sshll.u32 s1, $0x11  }
0xca: {  	s0 =	sor.u32 s1, s0  }
0xcb: {  	s0 =	sadd.s32 $0x8F2B, s0  }
0xcc: {  	[sflag:s0] =	ssyncadd.remote.s32 $0x1  }
0xcd: {  	_ =	sfence.sel $0xFFFF  }
0xce: {  	[dreg:$0x0] =	wrdreg $0xFFFFFFFF;
	(pc) =	sbr.abs _section_cstart, $3  }
0xcf: {  	[dreg:$0x1] =	wrdreg $0xFFFFFFFF  }
0xd0: {  	_ =	task.clear_ibuf [dreg:s22], $0x2FFFF;
	_ =	strace $0x9FFFFFFF  }
0xd1: {  	(tm) =	ssettm $0x7FFFFFFF  }
tec
execute0_lowered:
.L_overlay_start_1:
0x0: {  	(tag) =	ssettag $0x1  }
0x1: {  	s0 =	rddreg [dreg:$0x0]  }
0x2: {  	s1 =	srdreg.scid;
	s10 =	stileid.u32  }
0x3: {  	s2 =	rddreg [dreg:$0x1];
	s3 =	simm.s32 $0x0;
	s12 =	simm.s32 $0x5  }
0x4: {  	s14 =	simm.s32 $0x7D;
	s15 =	simm.s32 $0xA000;
	s16 =	simm.s32 $0x80  }
0x5: {  	s17 =	simm.s32 $0xBF40;
	s18 =	simm.s32 $0x100;
	s19 =	simm.s32 $0xDE80  }
0x6: {  	s20 =	simm.s32 $0x180;
	s21 =	simm.s32 $0xFDC0;
	s22 =	simm.s32 $0x1  }
0x7: {  	s23 =	simm.s32 $0x2;
	s24 =	simm.s32 $0x3;
	s25 =	simm.s32 $0x4  }
0x8: {  	s28 =	simm.s32 $0x9E80;
	s29 =	simm.s32 $0x9F00;
	s5 =	smul.u32 $0x5000, s10  }
0x9: {  	s30 =	simm.s32 $0x9F80;
	s1 =	sand.u32 $0x1, s1;
	s6 =	smul.u32 $0xA000, s10  }
0xa: {  	s31 =	simm.s32 $0x0;
	[smem:$0x7FF] =	sst s3;
	s4 =	smul.u32 $0x50000, s1  }
0xb: {  	s10 =	sshll.u32 s10, $0x6;
	s8 =	smul.u32 $0xA0000, s1;
	s1 =	ssub.s32 $0x2, s1  }
0xc: {  	_ =	strace $0x80000056;
	s26 =	sshrl.u32 s1, $0x1;
	s11 =	sadd.s32 s6, s2  }
0xd: {  	s7 =	sadd.s32 s5, s4;
	s4 =	sadd.s32 $0x116A00, s0;
	s5 =	sshrl.u32 s5, $0x3  }
0xe: {  	s8 =	sadd.s32 s6, s8;
	s1 =	ssub.s32 s1, s26;
	s6 =	sor.u32 $0x1C05, s10  }
0xf: {  	s11 =	sshrl.u32 s11, $0x3;
	s26 =	simm.s32 $0x9E00;
	s7 =	sshrl.u32 s7, $0x3  }
0x10: {  	s9 =	sadd.s32 s5, s0;
	s5 =	sadd.s32 $0xCC00, s0;
	s8 =	sshrl.u32 s8, $0x3  }
0x11: {  	s10 =	smax.u32 s1, $0x1;
	s7 =	sadd.s32 s7, s0;
	s0 =	sadd.s32 s8, s0  }
0x12: {  	s8 =	sadd.s32 $0x2C00, s9;
	s7 =	sadd.s32 $0x17400, s7;
	s9 =	sadd.s32 $0x13DC00, s0  }
.LBB2_1:
0x13: {  	[spmem:s11], [sflag:s6] =	dma.local [hbm:s5], $0x1400  }
0x14: {  	_ =	swait.ge [sflag:s12], $0x1400  }
0x15: {  	[sflag:s12] =	ssyncset.done $0x0  }
0x16: {  	[sflag:s12] =	ssyncadd.s32 $0xFFFFEC00  }
0x17: {  	[tilespmem:s3], [sflag:$0x5] =	stream.linear.gather [hbm4b:s7+s3], $0x5000, $0x38;
	[tilespmem:$0x1BD00] =	vst v63  }
0x18: {  	_ =	swait.ge [sflag:s12], $0x5000  }
0x19: {  	[sflag:s12] =	ssyncset.done $0x0  }
0x1a: {  	s0 =	simm.s32 $0x5000;
	[sflag:s12] =	ssyncadd.s32 $0xFFFFB000  }
0x1b: {  	[tilespmem:s0], [sflag:$0x5] =	stream.linear.gather [hbm4b:s8+s3], $0x5000, $0x38;
	[tilespmem:$0x1BD00] =	vst v63  }
0x1c: {  	_ =	swait.ge [sflag:s12], $0x5000  }
0x1d: {  	[sflag:s12] =	ssyncset.done $0x0  }
0x1e: {  	[sflag:s12] =	ssyncadd.s32 $0xFFFFB000  }
0x1f: {  	[bflag:$0x0] =	sbarrier.arrive $0xFFFF  }
0x20: {  	[tilespmem:s15], [sflag:$0x1] =	stream.indirect.gather [hbm4b:s4+s14], $0x40, s3, s14, $0xb8;
	[tilespmem:$0x1BD00] =	vst v63  }
0x21: {  	_ = 	snop  }
0x22: {  	[tilespmem:s17], [sflag:$0x2] =	stream.indirect.gather [hbm4b:s4+s14], $0x40, s16, s14, $0xb8;
	[tilespmem:$0x1BD00] =	vst v63  }
0x23: {  	_ = 	snop  }
0x24: {  	[tilespmem:s19], [sflag:$0x3] =	stream.indirect.gather [hbm4b:s4+s14], $0x40, s18, s14, $0xb8;
	[tilespmem:$0x1BD00] =	vst v63  }
0x25: {  	_ = 	snop  }
0x26: {  	[tilespmem:s21], [sflag:$0x4] =	stream.indirect.gather [hbm4b:s4+s14], $0x40, s20, s14, $0xb8;
	[tilespmem:$0x1BD00] =	vst v63  }
0x27: {  	_ =	swait.ge [sflag:s22], $0x1F40  }
0x28: {  	[sflag:s22] =	ssyncset.done $0x0  }
0x29: {  	s13 =	simm.s32 $0x5000;
	[sflag:s22] =	ssyncadd.s32 $0xFFFFE0C0  }
0x2a: {  	[spmem:s2] =	stream.indirect.scatter.add.f32 [tilespmem:s15], [sflag:$0x5], $0x40, s13, s14, $0xb8;
	[tilespmem:$0x1BD00] =	vst v63  }
0x2b: {  	_ =	swait.ge [sflag:s12], $0x1F40  }
0x2c: {  	[sflag:s12] =	ssyncset.done $0x0  }
0x2d: {  	s1 =	simm.s32 $0x200;
	[sflag:s12] =	ssyncadd.s32 $0xFFFFE0C0  }
0x2e: {  	[tilespmem:s15], [sflag:$0x1] =	stream.indirect.gather [hbm4b:s4+s14], $0x40, s1, s14, $0xb8;
	[tilespmem:$0x1BD00] =	vst v63  }
0x2f: {  	_ =	swait.ge [sflag:s23], $0x1F40  }
0x30: {  	[sflag:s23] =	ssyncset.done $0x0  }
0x31: {  	s13 =	simm.s32 $0x5080;
	[sflag:s23] =	ssyncadd.s32 $0xFFFFE0C0  }
0x32: {  	[spmem:s2] =	stream.indirect.scatter.add.f32 [tilespmem:s17], [sflag:$0x5], $0x40, s13, s14, $0xb8;
	[tilespmem:$0x1BD00] =	vst v63  }
0x33: {  	_ =	swait.ge [sflag:s12], $0x1F40  }
0x34: {  	[sflag:s12] =	ssyncset.done $0x0  }
0x35: {  	s1 =	simm.s32 $0x280;
	[sflag:s12] =	ssyncadd.s32 $0xFFFFE0C0  }
0x36: {  	[tilespmem:s17], [sflag:$0x2] =	stream.indirect.gather [hbm4b:s4+s14], $0x40, s1, s14, $0xb8;
	[tilespmem:$0x1BD00] =	vst v63  }
0x37: {  	_ =	swait.ge [sflag:s24], $0x1F40  }
0x38: {  	[sflag:s24] =	ssyncset.done $0x0  }
0x39: {  	s13 =	simm.s32 $0x5100;
	[sflag:s24] =	ssyncadd.s32 $0xFFFFE0C0  }
0x3a: {  	[spmem:s2] =	stream.indirect.scatter.add.f32 [tilespmem:s19], [sflag:$0x5], $0x40, s13, s14, $0xb8;
	[tilespmem:$0x1BD00] =	vst v63  }
0x3b: {  	_ =	swait.ge [sflag:s12], $0x1F40  }
0x3c: {  	[sflag:s12] =	ssyncset.done $0x0  }
0x3d: {  	s1 =	simm.s32 $0x300;
	[sflag:s12] =	ssyncadd.s32 $0xFFFFE0C0  }
0x3e: {  	[tilespmem:s19], [sflag:$0x3] =	stream.indirect.gather [hbm4b:s4+s14], $0x40, s1, s14, $0xb8;
	[tilespmem:$0x1BD00] =	vst v63  }
0x3f: {  	_ =	swait.ge [sflag:s25], $0x1F40  }
0x40: {  	[sflag:s25] =	ssyncset.done $0x0  }
0x41: {  	s13 =	simm.s32 $0x5180;
	[sflag:s25] =	ssyncadd.s32 $0xFFFFE0C0  }
0x42: {  	[spmem:s2] =	stream.indirect.scatter.add.f32 [tilespmem:s21], [sflag:$0x5], $0x40, s13, s14, $0xb8;
	[tilespmem:$0x1BD00] =	vst v63  }
0x43: {  	_ =	swait.ge [sflag:s12], $0x1F40  }
0x44: {  	[sflag:s12] =	ssyncset.done $0x0  }
0x45: {  	s0 =	simm.s32 $0x380;
	s1 =	simm.s32 $0x800;
	[sflag:s12] =	ssyncadd.s32 $0xFFFFE0C0  }
.LBB2_2:
0x46: {  	[tilespmem:s21], [sflag:$0x4] =	stream.indirect.gather [hbm4b:s4+s14], $0x40, s0, s14, $0xb8;
	[tilespmem:$0x1BD00] =	vst v63  }
0x47: {  	s0 =	smov.u32 s1  }
0x48: {  	p0 =	sne.s32 s1, $0x13000;
	s1 =	sadd.s32 $0x800, s1;
	_ =	swait.ge [sflag:s22], $0x1F40  }
0x49: {  	s0 =	sshra.s32 s0, $0x2;
	[sflag:s22] =	ssyncset.done $0x0  }
0x4a: {  	s13 =	sadd.s32 $0x5000, s0;
	[sflag:s22] =	ssyncadd.s32 $0xFFFFE0C0  }
0x4b: {  	[spmem:s2] =	stream.indirect.scatter.add.f32 [tilespmem:s15], [sflag:$0x5], $0x40, s13, s14, $0xb8;
	[tilespmem:$0x1BD00] =	vst v63  }
0x4c: {  	_ =	swait.ge [sflag:s12], $0x1F40  }
0x4d: {  	[sflag:s12] =	ssyncset.done $0x0  }
0x4e: {  	s13 =	sadd.s32 $0x200, s0;
	[sflag:s12] =	ssyncadd.s32 $0xFFFFE0C0  }
0x4f: {  	[tilespmem:s15], [sflag:$0x1] =	stream.indirect.gather [hbm4b:s4+s14], $0x40, s13, s14, $0xb8;
	[tilespmem:$0x1BD00] =	vst v63  }
0x50: {  	_ =	swait.ge [sflag:s23], $0x1F40  }
0x51: {  	[sflag:s23] =	ssyncset.done $0x0  }
0x52: {  	s13 =	sadd.s32 $0x5080, s0;
	[sflag:s23] =	ssyncadd.s32 $0xFFFFE0C0  }
0x53: {  	[spmem:s2] =	stream.indirect.scatter.add.f32 [tilespmem:s17], [sflag:$0x5], $0x40, s13, s14, $0xb8;
	[tilespmem:$0x1BD00] =	vst v63  }
0x54: {  	_ =	swait.ge [sflag:s12], $0x1F40  }
0x55: {  	[sflag:s12] =	ssyncset.done $0x0  }
0x56: {  	s13 =	sadd.s32 $0x280, s0;
	[sflag:s12] =	ssyncadd.s32 $0xFFFFE0C0  }
0x57: {  	[tilespmem:s17], [sflag:$0x2] =	stream.indirect.gather [hbm4b:s4+s14], $0x40, s13, s14, $0xb8;
	[tilespmem:$0x1BD00] =	vst v63  }
0x58: {  	_ =	swait.ge [sflag:s24], $0x1F40  }
0x59: {  	[sflag:s24] =	ssyncset.done $0x0  }
0x5a: {  	s13 =	sadd.s32 $0x5100, s0;
	[sflag:s24] =	ssyncadd.s32 $0xFFFFE0C0  }
0x5b: {  	[spmem:s2] =	stream.indirect.scatter.add.f32 [tilespmem:s19], [sflag:$0x5], $0x40, s13, s14, $0xb8;
	[tilespmem:$0x1BD00] =	vst v63  }
0x5c: {  	_ =	swait.ge [sflag:s12], $0x1F40  }
0x5d: {  	[sflag:s12] =	ssyncset.done $0x0  }
0x5e: {  	s13 =	sadd.s32 $0x300, s0;
	[sflag:s12] =	ssyncadd.s32 $0xFFFFE0C0  }
0x5f: {  	[tilespmem:s19], [sflag:$0x3] =	stream.indirect.gather [hbm4b:s4+s14], $0x40, s13, s14, $0xb8;
	[tilespmem:$0x1BD00] =	vst v63  }
0x60: {  	_ =	swait.ge [sflag:s25], $0x1F40  }
0x61: {  	[sflag:s25] =	ssyncset.done $0x0  }
.Ltmp0:
0x62: {  	s13 =	sadd.s32 $0x5180, s0;
	[sflag:s25] =	ssyncadd.s32 $0xFFFFE0C0;
	(pc) =	sbr.rel @p0 .LBB2_2-.Ltmp0, $4  }
0x63: {  	[spmem:s2] =	stream.indirect.scatter.add.f32 [tilespmem:s21], [sflag:$0x5], $0x40, s13, s14, $0xb8;
	[tilespmem:$0x1BD00] =	vst v63  }
0x64: {  	_ =	swait.ge [sflag:s12], $0x1F40  }
0x65: {  	[sflag:s12] =	ssyncset.done $0x0  }
0x66: {  	s0 =	sadd.s32 $0x380, s0;
	[sflag:s12] =	ssyncadd.s32 $0xFFFFE0C0  }
0x67: {  	[tilespmem:s21], [sflag:$0x4] =	stream.indirect.gather [hbm4b:s4+s14], $0x40, s0, s14, $0xb8;
	[tilespmem:$0x1BD00] =	vst v63  }
0x68: {  	_ =	swait.ge [sflag:s22], $0x1F40  }
0x69: {  	[sflag:s22] =	ssyncset.done $0x0  }
0x6a: {  	[sflag:s22] =	ssyncadd.s32 $0xFFFFE0C0  }
0x6b: {  	[spmem:s2] =	stream.indirect.scatter.add.f32 [tilespmem:s15], [sflag:$0x5], $0x40, s26, s14, $0xb8;
	[tilespmem:$0x1BD00] =	vst v63  }
0x6c: {  	_ =	swait.ge [sflag:s12], $0x1F40  }
0x6d: {  	[sflag:s12] =	ssyncset.done $0x0  }
0x6e: {  	[sflag:s12] =	ssyncadd.s32 $0xFFFFE0C0  }
0x6f: {  	_ =	swait.ge [sflag:s23], $0x1F40  }
0x70: {  	[sflag:s23] =	ssyncset.done $0x0  }
0x71: {  	[sflag:s23] =	ssyncadd.s32 $0xFFFFE0C0  }
0x72: {  	[spmem:s2] =	stream.indirect.scatter.add.f32 [tilespmem:s17], [sflag:$0x5], $0x40, s28, s14, $0xb8;
	[tilespmem:$0x1BD00] =	vst v63  }
0x73: {  	_ =	swait.ge [sflag:s12], $0x1F40  }
0x74: {  	[sflag:s12] =	ssyncset.done $0x0  }
0x75: {  	[sflag:s12] =	ssyncadd.s32 $0xFFFFE0C0  }
0x76: {  	_ =	swait.ge [sflag:s24], $0x1F40  }
0x77: {  	[sflag:s24] =	ssyncset.done $0x0  }
0x78: {  	[sflag:s24] =	ssyncadd.s32 $0xFFFFE0C0  }
0x79: {  	[spmem:s2] =	stream.indirect.scatter.add.f32 [tilespmem:s19], [sflag:$0x5], $0x40, s29, s14, $0xb8;
	[tilespmem:$0x1BD00] =	vst v63  }
0x7a: {  	_ =	swait.ge [sflag:s12], $0x1F40  }
0x7b: {  	[sflag:s12] =	ssyncset.done $0x0  }
0x7c: {  	[sflag:s12] =	ssyncadd.s32 $0xFFFFE0C0  }
0x7d: {  	_ =	swait.ge [sflag:s25], $0x1F40  }
0x7e: {  	[sflag:s25] =	ssyncset.done $0x0  }
0x7f: {  	[sflag:s25] =	ssyncadd.s32 $0xFFFFE0C0  }
0x80: {  	[spmem:s2] =	stream.indirect.scatter.add.f32 [tilespmem:s21], [sflag:$0x5], $0x40, s30, s14, $0xb8;
	[tilespmem:$0x1BD00] =	vst v63  }
0x81: {  	_ =	swait.ge [sflag:s12], $0x1F40  }
0x82: {  	s31 =	sadd.s32 $0x1, s31;
	[sflag:s12] =	ssyncset.done $0x0  }
0x83: {  	p0 =	sne.s32 s31, s10;
	[sflag:s12] =	ssyncadd.s32 $0xFFFFE0C0  }
.Ltmp1:
0x84: {  	[bflag:$0x0] =	sbarrier.arrive $0xFFFF;
	(pc) =	sbr.rel @p0 .LBB2_1-.Ltmp1, $4  }
0x85: {  	[hbm:s9], [sflag:s6] =	dma.local [spmem:s11], $0x1400  }
0x86: {  	_ =	swait.ge [sflag:s12], $0x1400  }
0x87: {  	[sflag:s12] =	ssyncset.done $0x0  }
0x88: {  	[sflag:s12] =	ssyncadd.s32 $0xFFFFEC00  }
0x89: {  	_ =	sfence.sel $0x180000  }
0x8a: {  	[bflag:$0x0] =	sbarrier.arrive $0xFFFF  }
0x8b: {  	_ =	strace $0x90000056  }
0x8c: {  	s0 =	stileid.u32;
	[bflag:$0x2] =	sbarrier.arrive $0xFFFF  }
0x8d: {  	p0 =	sne.s32 s0, $0x0;
	s0 =	rddreg [dreg:$0x2]  }
0x8e: {  	s0 =	sadd.s32 @!p0 $0x100000, s0  }
0x8f: {  	[sflag:s0] =	ssyncadd.tile.s32 @!p0 $0x1;
	_ =	shalt  }
.Lfunc_end2:
_tile_overlayer_lowered:
.L_overlay_start_2:
0x90: {  	(tag) =	ssettag $0x2  }
0x91: {  	s0 =	rddreg [dreg:$0x0];
	s2 =	stileid.u32  }
0x92: {  	s1 =	rddreg [dreg:$0x1];
	p0 =	sne.s32 s2, $0x0  }
0x93: {  	s3 =	rddreg [dreg:$0x2];
	[bflag:$0x3] =	sbarrier.arrive $0xFFFF;
	s2 =	simm.s32 @!p0 $0x1C05  }
0x94: {  	[timem:s3], [sflag:s2] =	dma.local @!p0 [hbm:s0], s1  }
0x95: {  	s0 =	simm.s32 @!p0 $0x5  }
0x96: {  	_ =	swait.ge @!p0 [sflag:s0], s1  }
0x97: {  	s1 =	ssub.s32 @!p0 $0x0, s1;
	[sflag:s0] =	ssyncset.done @!p0 $0x0  }
0x98: {  	[sflag:s0] =	ssyncadd.s32 @!p0 s1  }
0x99: {  	[bflag:$0x3] =	sbarrier.arrive $0xFFFF  }
0x9a: {  	_ =	shalt  }

// kernel: kernel.27.cloned.1.call-start
scs
__scs_entry_jumppad:
0x0: {  	(pc) =	sbr.rel $0x88, $3  }
0x1: {  	(tag) =	ssettag $0x0;
	lr =	simm.s32 $0x1  }
0x2: {  	[smem:$0x3F94] =	sst lr;
	_ =	strace $0xD0000000  }
0x3: {  	_ = 	snop  }
0x4: {  	_ = 	snop  }
0x5: {  	_ = 	snop  }
0x6: {  	_ = 	snop  }
0x7: {  	_ = 	snop  }
__scs_overlays_trampoline_lowered:
0x8: {  	[smem:$0x3FA3] =	sst s0  }
0x9: {  	[smem:$0x3FA4] =	sst s1  }
0xa: {  	[smem:$0x3FA5] =	sst s2  }
0xb: {  	[smem:$0x3FA6] =	sst s3  }
0xc: {  	[smem:$0x3FA7] =	sst s4  }
0xd: {  	[smem:$0x3FA8] =	sst s5  }
0xe: {  	[smem:$0x3FA9] =	sst s6  }
0xf: {  	[smem:$0x3FAA] =	sst s7  }
0x10: {  	[smem:$0x3FAB] =	sst s8  }
0x11: {  	[smem:$0x3FAC] =	sst s9;
	s0 =	simm.s32 @!p0 $0x0  }
0x12: {  	s1 =	sld [smem:$0x3F92];
	s0 =	simm.s32 @p0 $0x1  }
0x13: {  	[smem:$0x3FAD] =	sst s0;
	s0 =	simm.s32 @!p1 $0x0  }
0x14: {  	s2 =	sld [smem:$0x3F91];
	s0 =	simm.s32 @p1 $0x1  }
0x15: {  	[smem:$0x3FAE] =	sst s0;
	s0 =	simm.s32 @!p2 $0x0  }
0x16: {  	s3 =	sld [smem:$0x3FDB];
	s0 =	simm.s32 @p2 $0x1  }
0x17: {  	s4 =	simm.s32 $0x1BF5;
	[smem:$0x3FB0] =	sst s0  }
0x18: {  	s0 =	sld [smem:$0x3F93];
	_ =	swait.ge [sflag:s4], $0x0  }
0x19: {  	s7 =	sld [smem:$0x3F94]  }
0x1a: {  	s8 =	sadd.s32 $0xFFFFE003, lr  }
0x1b: {  	s9 =	sadd.s32 $0xFFFFFEF7, lr;
	s5 =	simm.s32 $0xFFFFFFFF;
	p2 =	slt.u32 s8, $0xFFFFF086  }
0x1c: {  	p1 =	slt.u32 s9, $0xF7A;
	s5 =	simm.s32 @!p2 $0x0  }
0x1d: {  	s5 =	simm.s32 @p1 $0x1;
	p0 =	seq.s32 s7, s2  }
0x1e: {  	s7 =	smul.u32 @!p0 $0xF7A, s2;
	p2 =	seq.s32 @!p0 s5, $0x0  }
0x1f: {  	s9 =	smul.u32 $0xF7A, s1;
	s8 =	simm.s32 @!p0 $0x1BF5;
	p2 =	por !p2, p0  }
0x20: {  	[sflag:s8] =	ssyncset.s32 @!p0 $0xFFFFF086;
	s6 =	sadd.s32 @!p0 s3, s7;
	s7 =	simm.s32 @!p0 $0x108  }
0x21: {  	s3 =	sadd.s32 s3, s9;
	s6 =	sadd.s32 @!p0 $0x88, s6;
	s7 =	simm.s32 @p2 $0x1082  }
0x22: {  	[simem:s7], [sflag:s8] =	dma.local @!p0 [hbm:s6], $0xF7A  }
0x23: {  	s9 =	sor.u32 $0xD0000000, s2;
	s6 =	simm.s32 $0x108;
	_ =	swait.ge @!p0 [sflag:s8], $0x0  }
0x24: {  	s3 =	sadd.s32 $0x88, s3;
	s6 =	simm.s32 @!p1 $0x1082;
	[sflag:s4] =	ssyncset.s32 $0xFFFFF086  }
0x25: {  	[simem:s6], [sflag:s4] =	dma.local [hbm:s3], $0xF7A  }
0x26: {  	[smem:$0x3F94] =	sst s1;
	(tag) =	ssettag s2;
	_ =	strace s9  }
0x27: {  	s1 =	sld [smem:$0x3FA4]  }
0x28: {  	s2 =	sld [smem:$0x3FA5]  }
0x29: {  	s4 =	sld [smem:$0x3FA7]  }
0x2a: {  	p0 =	seq.s32 s5, $0x0;
	s5 =	sld [smem:$0x3FA8]  }
0x2b: {  	s6 =	sld [smem:$0x3FA9]  }
0x2c: {  	s7 =	sld [smem:$0x3FAA]  }
0x2d: {  	s3 =	simm.s32 $0x108;
	s8 =	sld [smem:$0x3FAB]  }
0x2e: {  	s3 =	simm.s32 @!p0 $0x1082;
	s9 =	sld [smem:$0x3FAC]  }
0x2f: {  	lr =	sadd.s32 s0, s3;
	s0 =	sld [smem:$0x3FA3]  }
0x30: {  	s3 =	sld [smem:$0x3FA6]  }
0x31: {  	[smem:$0x3FAF] =	sst s10  }
0x32: {  	s10 =	sld [smem:$0x3FAD];
	_ =	sdelay $0x3  }
0x33: {  	p0 =	seq.s32 s10, $0x1;
	s10 =	sld [smem:$0x3FAF];
	_ =	sdelay $0x3  }
0x34: {  	[smem:$0x3FAF] =	sst s10  }
0x35: {  	s10 =	sld [smem:$0x3FAE];
	_ =	sdelay $0x3  }
0x36: {  	p1 =	seq.s32 s10, $0x1;
	s10 =	sld [smem:$0x3FAF];
	_ =	sdelay $0x3  }
0x37: {  	[smem:$0x3FAF] =	sst s10  }
0x38: {  	s10 =	sld [smem:$0x3FB0]  }
0x39: {  	_ = 	snop;
	(pc) =	sbr.ind lr, $3  }
0x3a: {  	_ = 	snop  }
0x3b: {  	_ = 	snop  }
0x3c: {  	p2 =	seq.s32 s10, $0x1;
	s10 =	sld [smem:$0x3FAF]  }
0x3d: {  	_ =	shalt  }
0x3e: {  	_ =	shalt  }
0x3f: {  	_ =	shalt  }
0x40: {  	_ =	shalt  }
0x41: {  	_ =	shalt  }
0x42: {  	_ =	shalt  }
0x43: {  	_ =	shalt  }
0x44: {  	_ =	shalt  }
0x45: {  	_ =	shalt  }
0x46: {  	_ =	shalt  }
0x47: {  	_ =	shalt  }
0x48: {  	_ =	shalt  }
0x49: {  	_ =	shalt  }
0x4a: {  	_ =	shalt  }
0x4b: {  	_ =	shalt  }
0x4c: {  	_ =	shalt  }
0x4d: {  	_ =	shalt  }
0x4e: {  	_ =	shalt  }
0x4f: {  	_ =	shalt  }
0x50: {  	_ =	shalt  }
0x51: {  	_ =	shalt  }
0x52: {  	_ =	shalt  }
0x53: {  	_ =	shalt  }
0x54: {  	_ =	shalt  }
0x55: {  	_ =	shalt  }
0x56: {  	_ =	shalt  }
0x57: {  	_ =	shalt  }
0x58: {  	_ =	shalt  }
0x59: {  	_ =	shalt  }
0x5a: {  	_ =	shalt  }
0x5b: {  	_ =	shalt  }
0x5c: {  	_ =	shalt  }
0x5d: {  	_ =	shalt  }
0x5e: {  	_ =	shalt  }
0x5f: {  	_ =	shalt  }
0x60: {  	_ =	shalt  }
0x61: {  	_ =	shalt  }
0x62: {  	_ =	shalt  }
0x63: {  	_ =	shalt  }
0x64: {  	_ =	shalt  }
0x65: {  	_ =	shalt  }
0x66: {  	_ =	shalt  }
0x67: {  	_ =	shalt  }
0x68: {  	_ =	shalt  }
0x69: {  	_ =	shalt  }
0x6a: {  	_ =	shalt  }
0x6b: {  	_ =	shalt  }
0x6c: {  	_ =	shalt  }
0x6d: {  	_ =	shalt  }
0x6e: {  	_ =	shalt  }
0x6f: {  	_ =	shalt  }
0x70: {  	_ =	shalt  }
0x71: {  	_ =	shalt  }
0x72: {  	_ =	shalt  }
0x73: {  	_ =	shalt  }
0x74: {  	_ =	shalt  }
0x75: {  	_ =	shalt  }
0x76: {  	_ =	shalt  }
0x77: {  	_ =	shalt  }
0x78: {  	_ =	shalt  }
0x79: {  	_ =	shalt  }
0x7a: {  	_ =	shalt  }
0x7b: {  	_ =	shalt  }
0x7c: {  	_ =	shalt  }
0x7d: {  	_ =	shalt  }
0x7e: {  	_ =	shalt  }
0x7f: {  	_ =	shalt  }
0x80: {  	_ =	shalt  }
0x81: {  	_ =	shalt  }
0x82: {  	_ =	shalt  }
0x83: {  	_ =	shalt  }
0x84: {  	_ =	shalt  }
0x85: {  	_ =	shalt  }
0x86: {  	_ =	shalt  }
0x87: {  	_ =	shalt  }
.Lfunc_end0:
.L_simem_size_0:
called_computation.5_lowered:
.L_overlay_start_0:
0x88: {  	s2 =	sld [smem:$0x3FD9]  }
0x89: {  	s3 =	sld [smem:$0x3FFE];
	_ =	sdelay $0x1  }
0x8a: {  	s1 =	srdreg.scid  }
0x8b: {  	s0 =	sand.u32 $0x1, s1  }
0x8c: {  	s16 =	sshll.u32 s0, $0xA;
	s2 =	sadd.s32 s3, s2  }
0x8d: {  	s2 =	sadd.s32 s2, s16  }
0x8e: {  	[smem:$0x3FBB] =	sst s2  }
0x8f: {  	_ = 	snop  }
0x90: {  	(tm) =	ssettm $0x1  }
0x91: {  	s17 =	sld [smem:$0x3FFB];
	_ =	sdelay $0x3  }
0x92: {  	_ =	strace s17  }
0x93: {  	s2 =	sld [smem:$0x3FFC];
	_ =	sdelay $0x3  }
0x94: {  	_ =	strace s2  }
0x95: {  	s2 =	sld [smem:$0x3FFD];
	_ =	sdelay $0x3  }
0x96: {  	_ =	strace s2  }
0x97: {  	_ =	strace $0x8FFFFFFF  }
0x98: {  	s18 =	sld [smem:$0x3FDB];
	_ =	sdelay $0x1  }
0x99: {  	s19 =	simm.s32 $_scs_section_size  }
0x9a: {  	s4 =	simm.s32 $_size__tile_overlayer_lowered;
	s5 =	simm.s32 $_tile_overlayer_lowered  }
0x9b: {  	s22 =	simm.s32 $0x1BFF;
	s21 =	sshll.u32 s5, $0x1;
	s2 =	sadd.s32 s19, s18  }
0x9c: {  	s6 =	simm.s32 $0x0;
	s20 =	sshll.u32 s4, $0x1;
	s4 =	sadd.s32 s21, s2  }
0x9d: {  	[timem:s6], [sflag:s22] =	dma.local [hbm:s4], s20  }
0x9e: {  	_ =	swait.ge [sflag:s22], s20  }
0x9f: {  	s3 =	ssub.s32 $0x0, s20;
	[sflag:s22] =	ssyncset.done $0x0  }
0xa0: {  	[sflag:s22] =	ssyncadd.s32 s3;
	_ =	sdelay $0x1  }
0xa1: {  	s23 =	simm.s32 $0x1B8B  }
0xa2: {  	_ =	swait.ge [sflag:s23], $0x1  }
0xa3: {  	[sflag:s23] =	ssyncset.done $0x0  }
0xa4: {  	s25 =	simm.s32 $0x1B8E;
	s24 =	sld [smem:$0x3FFE];
	[sflag:s23] =	ssyncadd.s32 $0xFFFFFFFF  }
0xa5: {  	s26 =	simm.s32 $execute0_lowered;
	[smem:$0x3FD2] =	sst s25  }
0xa6: {  	s4 =	sshll.u32 s26, $0x1;
	_ =	strace $0x80000052;
	[dreg:$0x1] =	wrdreg $0xFFFFFFFF  }
0xa7: {  	s28 =	simm.s32 $_size_execute0_lowered;
	s2 =	sadd.s32 s2, s4;
	[dreg:$0x0] =	wrdreg $0x0  }
0xa8: {  	s4 =	sshll.u32 s28, $0x1;
	[dreg:$0x2] =	wrdreg s2  }
0xa9: {  	[dreg:$0x3] =	wrdreg s4  }
0xaa: {  	[dreg:$0x4] =	wrdreg $0xC0  }
0xab: {  	_ =	task [dreg:s6], $0x5FFFF  }
0xac: {  	[dreg:$0x1] =	wrdreg $0xFFFFFFFF  }
0xad: {  	[dreg:$0x0] =	wrdreg $0x60  }
0xae: {  	[dreg:$0x2] =	wrdreg s24  }
0xaf: {  	[dreg:$0x3] =	wrdreg $0x11D000  }
0xb0: {  	[dreg:$0x4] =	wrdreg $0xA  }
0xb1: {  	_ =	task.clear_ibuf [dreg:s6], $0x5FFFF;
	_ =	strace $0x90000052  }
0xb2: {  	s29 =	simm.s32 $0xA;
	_ =	strace $0x80000054  }
0xb3: {  	_ =	swait.ge [sflag:s29], $0x1  }
0xb4: {  	[sflag:s29] =	ssyncadd.s32 $0xFFFFFFFF  }
0xb5: {  	_ =	strace $0x90000054  }
0xb6: {  	_ =	sfence  }
0xb7: {  	s30 =	sld [smem:$0x0];
	_ =	sdelay $0x2  }
0xb8: {  	s31 =	sshll.u32 s1, $0xD;
	s1 =	sshrl.u32 s1, $0x2  }
0xb9: {  	s3 =	sand.u32 $0x4000, s31;
	s1 =	sadd.s32 s1, s30  }
0xba: {  	s0 =	sor.u32 s3, s0;
	s1 =	sshll.u32 s1, $0x11  }
0xbb: {  	s0 =	sor.u32 s1, s0  }
0xbc: {  	s0 =	sadd.s32 $0x8F2B, s0  }
0xbd: {  	[sflag:s0] =	ssyncadd.remote.s32 $0x1  }
0xbe: {  	_ =	sfence.sel $0xFFFF  }
0xbf: {  	[dreg:$0x0] =	wrdreg $0xFFFFFFFF;
	(pc) =	sbr.abs _section_cstart, $3  }
0xc0: {  	[dreg:$0x1] =	wrdreg $0xFFFFFFFF  }
0xc1: {  	_ =	task.clear_ibuf [dreg:s6], $0x2FFFF;
	_ =	strace $0x9FFFFFFF  }
0xc2: {  	(tm) =	ssettm $0x7FFFFFFF  }
0xc3: {  	_ =	shalt  }
tec
execute0_lowered:
.L_overlay_start_1:
0x0: {  	(tag) =	ssettag $0x1  }
0x1: {  	s0 =	rddreg [dreg:$0x0]  }
0x2: {  	s1 =	srdreg.scid;
	s10 =	stileid.u32  }
0x3: {  	s2 =	rddreg [dreg:$0x1];
	s3 =	simm.s32 $0x0;
	s12 =	simm.s32 $0x5  }
0x4: {  	s14 =	simm.s32 $0x7D;
	s15 =	simm.s32 $0xA000;
	s16 =	simm.s32 $0x80  }
0x5: {  	s17 =	simm.s32 $0xBF40;
	s18 =	simm.s32 $0x100;
	s19 =	simm.s32 $0xDE80  }
0x6: {  	s20 =	simm.s32 $0x180;
	s21 =	simm.s32 $0xFDC0;
	s22 =	simm.s32 $0x1  }
0x7: {  	s23 =	simm.s32 $0x2;
	s24 =	simm.s32 $0x3;
	s25 =	simm.s32 $0x4  }
0x8: {  	s28 =	simm.s32 $0x9E80;
	s29 =	simm.s32 $0x9F00;
	s5 =	smul.u32 $0x5000, s10  }
0x9: {  	s30 =	simm.s32 $0x9F80;
	s1 =	sand.u32 $0x1, s1;
	s6 =	smul.u32 $0xA000, s10  }
0xa: {  	s31 =	simm.s32 $0x0;
	[smem:$0x7FF] =	sst s3;
	s4 =	smul.u32 $0x50000, s1  }
0xb: {  	s10 =	sshll.u32 s10, $0x6;
	s8 =	smul.u32 $0xA0000, s1;
	s1 =	ssub.s32 $0x2, s1  }
0xc: {  	_ =	strace $0x80000053;
	s26 =	sshrl.u32 s1, $0x1;
	s11 =	sadd.s32 s6, s2  }
0xd: {  	s7 =	sadd.s32 s5, s4;
	s4 =	sadd.s32 $0xC7800, s0;
	s5 =	sshrl.u32 s5, $0x3  }
0xe: {  	s8 =	sadd.s32 s6, s8;
	s1 =	ssub.s32 s1, s26;
	s6 =	sor.u32 $0x1C05, s10  }
0xf: {  	s11 =	sshrl.u32 s11, $0x3;
	s26 =	simm.s32 $0x9E00;
	s7 =	sshrl.u32 s7, $0x3  }
0x10: {  	s9 =	sadd.s32 s5, s0;
	s5 =	sadd.s32 $0xCC00, s0;
	s8 =	sshrl.u32 s8, $0x3  }
0x11: {  	s10 =	smax.u32 s1, $0x1;
	s7 =	sadd.s32 s7, s0;
	s0 =	sadd.s32 s8, s0  }
0x12: {  	s8 =	sadd.s32 $0x2C00, s9;
	s7 =	sadd.s32 $0x17400, s7;
	s9 =	sadd.s32 $0xEEA00, s0  }
.LBB2_1:
0x13: {  	[spmem:s11], [sflag:s6] =	dma.local [hbm:s5], $0x1400  }
0x14: {  	_ =	swait.ge [sflag:s12], $0x1400  }
0x15: {  	[sflag:s12] =	ssyncset.done $0x0  }
0x16: {  	[sflag:s12] =	ssyncadd.s32 $0xFFFFEC00  }
0x17: {  	[tilespmem:s3], [sflag:$0x5] =	stream.linear.gather [hbm4b:s7+s3], $0x5000, $0x38;
	[tilespmem:$0x1BD00] =	vst v63  }
0x18: {  	_ =	swait.ge [sflag:s12], $0x5000  }
0x19: {  	[sflag:s12] =	ssyncset.done $0x0  }
0x1a: {  	s0 =	simm.s32 $0x5000;
	[sflag:s12] =	ssyncadd.s32 $0xFFFFB000  }
0x1b: {  	[tilespmem:s0], [sflag:$0x5] =	stream.linear.gather [hbm4b:s8+s3], $0x5000, $0x38;
	[tilespmem:$0x1BD00] =	vst v63  }
0x1c: {  	_ =	swait.ge [sflag:s12], $0x5000  }
0x1d: {  	[sflag:s12] =	ssyncset.done $0x0  }
0x1e: {  	[sflag:s12] =	ssyncadd.s32 $0xFFFFB000  }
0x1f: {  	[bflag:$0x0] =	sbarrier.arrive $0xFFFF  }
0x20: {  	[tilespmem:s15], [sflag:$0x1] =	stream.indirect.gather [hbm4b:s4+s14], $0x40, s3, s14, $0xb8;
	[tilespmem:$0x1BD00] =	vst v63  }
0x21: {  	_ = 	snop  }
0x22: {  	[tilespmem:s17], [sflag:$0x2] =	stream.indirect.gather [hbm4b:s4+s14], $0x40, s16, s14, $0xb8;
	[tilespmem:$0x1BD00] =	vst v63  }
0x23: {  	_ = 	snop  }
0x24: {  	[tilespmem:s19], [sflag:$0x3] =	stream.indirect.gather [hbm4b:s4+s14], $0x40, s18, s14, $0xb8;
	[tilespmem:$0x1BD00] =	vst v63  }
0x25: {  	_ = 	snop  }
0x26: {  	[tilespmem:s21], [sflag:$0x4] =	stream.indirect.gather [hbm4b:s4+s14], $0x40, s20, s14, $0xb8;
	[tilespmem:$0x1BD00] =	vst v63  }
0x27: {  	_ =	swait.ge [sflag:s22], $0x1F40  }
0x28: {  	[sflag:s22] =	ssyncset.done $0x0  }
0x29: {  	s13 =	simm.s32 $0x5000;
	[sflag:s22] =	ssyncadd.s32 $0xFFFFE0C0  }
0x2a: {  	[spmem:s2] =	stream.indirect.scatter.add.f32 [tilespmem:s15], [sflag:$0x5], $0x40, s13, s14, $0xb8;
	[tilespmem:$0x1BD00] =	vst v63  }
0x2b: {  	_ =	swait.ge [sflag:s12], $0x1F40  }
0x2c: {  	[sflag:s12] =	ssyncset.done $0x0  }
0x2d: {  	s1 =	simm.s32 $0x200;
	[sflag:s12] =	ssyncadd.s32 $0xFFFFE0C0  }
0x2e: {  	[tilespmem:s15], [sflag:$0x1] =	stream.indirect.gather [hbm4b:s4+s14], $0x40, s1, s14, $0xb8;
	[tilespmem:$0x1BD00] =	vst v63  }
0x2f: {  	_ =	swait.ge [sflag:s23], $0x1F40  }
0x30: {  	[sflag:s23] =	ssyncset.done $0x0  }
0x31: {  	s13 =	simm.s32 $0x5080;
	[sflag:s23] =	ssyncadd.s32 $0xFFFFE0C0  }
0x32: {  	[spmem:s2] =	stream.indirect.scatter.add.f32 [tilespmem:s17], [sflag:$0x5], $0x40, s13, s14, $0xb8;
	[tilespmem:$0x1BD00] =	vst v63  }
0x33: {  	_ =	swait.ge [sflag:s12], $0x1F40  }
0x34: {  	[sflag:s12] =	ssyncset.done $0x0  }
0x35: {  	s1 =	simm.s32 $0x280;
	[sflag:s12] =	ssyncadd.s32 $0xFFFFE0C0  }
0x36: {  	[tilespmem:s17], [sflag:$0x2] =	stream.indirect.gather [hbm4b:s4+s14], $0x40, s1, s14, $0xb8;
	[tilespmem:$0x1BD00] =	vst v63  }
0x37: {  	_ =	swait.ge [sflag:s24], $0x1F40  }
0x38: {  	[sflag:s24] =	ssyncset.done $0x0  }
0x39: {  	s13 =	simm.s32 $0x5100;
	[sflag:s24] =	ssyncadd.s32 $0xFFFFE0C0  }
0x3a: {  	[spmem:s2] =	stream.indirect.scatter.add.f32 [tilespmem:s19], [sflag:$0x5], $0x40, s13, s14, $0xb8;
	[tilespmem:$0x1BD00] =	vst v63  }
0x3b: {  	_ =	swait.ge [sflag:s12], $0x1F40  }
0x3c: {  	[sflag:s12] =	ssyncset.done $0x0  }
0x3d: {  	s1 =	simm.s32 $0x300;
	[sflag:s12] =	ssyncadd.s32 $0xFFFFE0C0  }
0x3e: {  	[tilespmem:s19], [sflag:$0x3] =	stream.indirect.gather [hbm4b:s4+s14], $0x40, s1, s14, $0xb8;
	[tilespmem:$0x1BD00] =	vst v63  }
0x3f: {  	_ =	swait.ge [sflag:s25], $0x1F40  }
0x40: {  	[sflag:s25] =	ssyncset.done $0x0  }
0x41: {  	s13 =	simm.s32 $0x5180;
	[sflag:s25] =	ssyncadd.s32 $0xFFFFE0C0  }
0x42: {  	[spmem:s2] =	stream.indirect.scatter.add.f32 [tilespmem:s21], [sflag:$0x5], $0x40, s13, s14, $0xb8;
	[tilespmem:$0x1BD00] =	vst v63  }
0x43: {  	_ =	swait.ge [sflag:s12], $0x1F40  }
0x44: {  	[sflag:s12] =	ssyncset.done $0x0  }
0x45: {  	s0 =	simm.s32 $0x380;
	s1 =	simm.s32 $0x800;
	[sflag:s12] =	ssyncadd.s32 $0xFFFFE0C0  }
.LBB2_2:
0x46: {  	[tilespmem:s21], [sflag:$0x4] =	stream.indirect.gather [hbm4b:s4+s14], $0x40, s0, s14, $0xb8;
	[tilespmem:$0x1BD00] =	vst v63  }
0x47: {  	s0 =	smov.u32 s1  }
0x48: {  	p0 =	sne.s32 s1, $0x13000;
	s1 =	sadd.s32 $0x800, s1;
	_ =	swait.ge [sflag:s22], $0x1F40  }
0x49: {  	s0 =	sshra.s32 s0, $0x2;
	[sflag:s22] =	ssyncset.done $0x0  }
0x4a: {  	s13 =	sadd.s32 $0x5000, s0;
	[sflag:s22] =	ssyncadd.s32 $0xFFFFE0C0  }
0x4b: {  	[spmem:s2] =	stream.indirect.scatter.add.f32 [tilespmem:s15], [sflag:$0x5], $0x40, s13, s14, $0xb8;
	[tilespmem:$0x1BD00] =	vst v63  }
0x4c: {  	_ =	swait.ge [sflag:s12], $0x1F40  }
0x4d: {  	[sflag:s12] =	ssyncset.done $0x0  }
0x4e: {  	s13 =	sadd.s32 $0x200, s0;
	[sflag:s12] =	ssyncadd.s32 $0xFFFFE0C0  }
0x4f: {  	[tilespmem:s15], [sflag:$0x1] =	stream.indirect.gather [hbm4b:s4+s14], $0x40, s13, s14, $0xb8;
	[tilespmem:$0x1BD00] =	vst v63  }
0x50: {  	_ =	swait.ge [sflag:s23], $0x1F40  }
0x51: {  	[sflag:s23] =	ssyncset.done $0x0  }
0x52: {  	s13 =	sadd.s32 $0x5080, s0;
	[sflag:s23] =	ssyncadd.s32 $0xFFFFE0C0  }
0x53: {  	[spmem:s2] =	stream.indirect.scatter.add.f32 [tilespmem:s17], [sflag:$0x5], $0x40, s13, s14, $0xb8;
	[tilespmem:$0x1BD00] =	vst v63  }
0x54: {  	_ =	swait.ge [sflag:s12], $0x1F40  }
0x55: {  	[sflag:s12] =	ssyncset.done $0x0  }
0x56: {  	s13 =	sadd.s32 $0x280, s0;
	[sflag:s12] =	ssyncadd.s32 $0xFFFFE0C0  }
0x57: {  	[tilespmem:s17], [sflag:$0x2] =	stream.indirect.gather [hbm4b:s4+s14], $0x40, s13, s14, $0xb8;
	[tilespmem:$0x1BD00] =	vst v63  }
0x58: {  	_ =	swait.ge [sflag:s24], $0x1F40  }
0x59: {  	[sflag:s24] =	ssyncset.done $0x0  }
0x5a: {  	s13 =	sadd.s32 $0x5100, s0;
	[sflag:s24] =	ssyncadd.s32 $0xFFFFE0C0  }
0x5b: {  	[spmem:s2] =	stream.indirect.scatter.add.f32 [tilespmem:s19], [sflag:$0x5], $0x40, s13, s14, $0xb8;
	[tilespmem:$0x1BD00] =	vst v63  }
0x5c: {  	_ =	swait.ge [sflag:s12], $0x1F40  }
0x5d: {  	[sflag:s12] =	ssyncset.done $0x0  }
0x5e: {  	s13 =	sadd.s32 $0x300, s0;
	[sflag:s12] =	ssyncadd.s32 $0xFFFFE0C0  }
0x5f: {  	[tilespmem:s19], [sflag:$0x3] =	stream.indirect.gather [hbm4b:s4+s14], $0x40, s13, s14, $0xb8;
	[tilespmem:$0x1BD00] =	vst v63  }
0x60: {  	_ =	swait.ge [sflag:s25], $0x1F40  }
0x61: {  	[sflag:s25] =	ssyncset.done $0x0  }
.Ltmp0:
0x62: {  	s13 =	sadd.s32 $0x5180, s0;
	[sflag:s25] =	ssyncadd.s32 $0xFFFFE0C0;
	(pc) =	sbr.rel @p0 .LBB2_2-.Ltmp0, $4  }
0x63: {  	[spmem:s2] =	stream.indirect.scatter.add.f32 [tilespmem:s21], [sflag:$0x5], $0x40, s13, s14, $0xb8;
	[tilespmem:$0x1BD00] =	vst v63  }
0x64: {  	_ =	swait.ge [sflag:s12], $0x1F40  }
0x65: {  	[sflag:s12] =	ssyncset.done $0x0  }
0x66: {  	s0 =	sadd.s32 $0x380, s0;
	[sflag:s12] =	ssyncadd.s32 $0xFFFFE0C0  }
0x67: {  	[tilespmem:s21], [sflag:$0x4] =	stream.indirect.gather [hbm4b:s4+s14], $0x40, s0, s14, $0xb8;
	[tilespmem:$0x1BD00] =	vst v63  }
0x68: {  	_ =	swait.ge [sflag:s22], $0x1F40  }
0x69: {  	[sflag:s22] =	ssyncset.done $0x0  }
0x6a: {  	[sflag:s22] =	ssyncadd.s32 $0xFFFFE0C0  }
0x6b: {  	[spmem:s2] =	stream.indirect.scatter.add.f32 [tilespmem:s15], [sflag:$0x5], $0x40, s26, s14, $0xb8;
	[tilespmem:$0x1BD00] =	vst v63  }
0x6c: {  	_ =	swait.ge [sflag:s12], $0x1F40  }
0x6d: {  	[sflag:s12] =	ssyncset.done $0x0  }
0x6e: {  	[sflag:s12] =	ssyncadd.s32 $0xFFFFE0C0  }
0x6f: {  	_ =	swait.ge [sflag:s23], $0x1F40  }
0x70: {  	[sflag:s23] =	ssyncset.done $0x0  }
0x71: {  	[sflag:s23] =	ssyncadd.s32 $0xFFFFE0C0  }
0x72: {  	[spmem:s2] =	stream.indirect.scatter.add.f32 [tilespmem:s17], [sflag:$0x5], $0x40, s28, s14, $0xb8;
	[tilespmem:$0x1BD00] =	vst v63  }
0x73: {  	_ =	swait.ge [sflag:s12], $0x1F40  }
0x74: {  	[sflag:s12] =	ssyncset.done $0x0  }
0x75: {  	[sflag:s12] =	ssyncadd.s32 $0xFFFFE0C0  }
0x76: {  	_ =	swait.ge [sflag:s24], $0x1F40  }
0x77: {  	[sflag:s24] =	ssyncset.done $0x0  }
0x78: {  	[sflag:s24] =	ssyncadd.s32 $0xFFFFE0C0  }
0x79: {  	[spmem:s2] =	stream.indirect.scatter.add.f32 [tilespmem:s19], [sflag:$0x5], $0x40, s29, s14, $0xb8;
	[tilespmem:$0x1BD00] =	vst v63  }
0x7a: {  	_ =	swait.ge [sflag:s12], $0x1F40  }
0x7b: {  	[sflag:s12] =	ssyncset.done $0x0  }
0x7c: {  	[sflag:s12] =	ssyncadd.s32 $0xFFFFE0C0  }
0x7d: {  	_ =	swait.ge [sflag:s25], $0x1F40  }
0x7e: {  	[sflag:s25] =	ssyncset.done $0x0  }
0x7f: {  	[sflag:s25] =	ssyncadd.s32 $0xFFFFE0C0  }
0x80: {  	[spmem:s2] =	stream.indirect.scatter.add.f32 [tilespmem:s21], [sflag:$0x5], $0x40, s30, s14, $0xb8;
	[tilespmem:$0x1BD00] =	vst v63  }
0x81: {  	_ =	swait.ge [sflag:s12], $0x1F40  }
0x82: {  	s31 =	sadd.s32 $0x1, s31;
	[sflag:s12] =	ssyncset.done $0x0  }
0x83: {  	p0 =	sne.s32 s31, s10;
	[sflag:s12] =	ssyncadd.s32 $0xFFFFE0C0  }
.Ltmp1:
0x84: {  	[bflag:$0x0] =	sbarrier.arrive $0xFFFF;
	(pc) =	sbr.rel @p0 .LBB2_1-.Ltmp1, $4  }
0x85: {  	[hbm:s9], [sflag:s6] =	dma.local [spmem:s11], $0x1400  }
0x86: {  	_ =	swait.ge [sflag:s12], $0x1400  }
0x87: {  	[sflag:s12] =	ssyncset.done $0x0  }
0x88: {  	[sflag:s12] =	ssyncadd.s32 $0xFFFFEC00  }
0x89: {  	_ =	sfence.sel $0x180000  }
0x8a: {  	[bflag:$0x0] =	sbarrier.arrive $0xFFFF  }
0x8b: {  	_ =	strace $0x90000053  }
0x8c: {  	s0 =	stileid.u32;
	[bflag:$0x2] =	sbarrier.arrive $0xFFFF  }
0x8d: {  	p0 =	sne.s32 s0, $0x0;
	s0 =	rddreg [dreg:$0x2]  }
0x8e: {  	s0 =	sadd.s32 @!p0 $0x100000, s0  }
0x8f: {  	[sflag:s0] =	ssyncadd.tile.s32 @!p0 $0x1;
	_ =	shalt  }
.Lfunc_end2:
_tile_overlayer_lowered:
.L_overlay_start_2:
0x90: {  	(tag) =	ssettag $0x2  }
0x91: {  	s0 =	rddreg [dreg:$0x0];
	s2 =	stileid.u32  }
0x92: {  	s1 =	rddreg [dreg:$0x1];
	p0 =	sne.s32 s2, $0x0  }
0x93: {  	s3 =	rddreg [dreg:$0x2];
	[bflag:$0x3] =	sbarrier.arrive $0xFFFF;
	s2 =	simm.s32 @!p0 $0x1C05  }
0x94: {  	[timem:s3], [sflag:s2] =	dma.local @!p0 [hbm:s0], s1  }
0x95: {  	s0 =	simm.s32 @!p0 $0x5  }
0x96: {  	_ =	swait.ge @!p0 [sflag:s0], s1  }
0x97: {  	s1 =	ssub.s32 @!p0 $0x0, s1;
	[sflag:s0] =	ssyncset.done @!p0 $0x0  }
0x98: {  	[sflag:s0] =	ssyncadd.s32 @!p0 s1  }
0x99: {  	[bflag:$0x3] =	sbarrier.arrive $0xFFFF  }
0x9a: {  	_ =	shalt  }

</sc_bundles>
